<compile_context>
chip_gen: v7x
topology: tpu7x:2x2x1
jax: 0.10.2.dev20260603
libtpu: 0.0.44.dev20260713+nightly
codegen_flags: <defaults>
</compile_context>

<pallas_src>
import functools

import jax
import jax.numpy as jnp
from jax import lax
from jax.experimental import pallas as pl
from jax.experimental.pallas import tpu as pltpu
from jax.experimental.pallas import tpu_sc as plsc

BATCH = 16384
NC = 2
NS = 16
L = 16
NW = NC * NS
BPW = BATCH // NW

NBIG = 999424
NTAIL = 1000000 - 999424
TAIL_START = NBIG

D_IRT = 1.702
VALUE_RANGE = 8.0
A_RANGE = 4.0


def _sigmoid(x):
    return 1.0 / (1.0 + jnp.exp(-x))


def _body(theta_hbm, a_hbm, b_hbm, c_hbm, tails_hbm,
          user_hbm, item_hbm, out_hbm,
          uidx_v, iidx_v, ubig_v, ibig_v,
          th_v, a_v, b_v, c_v,
          tails_v,
          out_v, sem):
    wid = lax.axis_index("s") * NC + lax.axis_index("c")
    base = wid * BPW
    pltpu.sync_copy(user_hbm.at[pl.ds(base, BPW)], uidx_v)
    pltpu.sync_copy(item_hbm.at[pl.ds(base, BPW)], iidx_v)
    for i in range(BPW // L):
        sl = pl.ds(i * L, L)
        ubig_v[sl] = jnp.minimum(uidx_v[sl], NBIG - 1)
        ibig_v[sl] = jnp.minimum(iidx_v[sl], NBIG - 1)
    cp1 = pltpu.async_copy(theta_hbm.at[ubig_v], th_v, sem)
    cp2 = pltpu.async_copy(a_hbm.at[ibig_v], a_v, sem)
    cp3 = pltpu.async_copy(b_hbm.at[ibig_v], b_v, sem)
    cp4 = pltpu.async_copy(c_hbm.at[ibig_v], c_v, sem)
    pltpu.sync_copy(tails_hbm, tails_v)
    cp1.wait()
    cp2.wait()
    cp3.wait()
    cp4.wait()
    for i in range(BPW // L):
        sl = pl.ds(i * L, L)
        u = uidx_v[sl]
        it = iidx_v[sl]
        u_tail = jnp.maximum(u - TAIL_START, 0)
        i_tail = jnp.maximum(it - TAIL_START, 0)
        theta = jnp.where(u < NBIG, th_v[sl], plsc.load_gather(tails_v, [u_tail]))
        aa = jnp.where(it < NBIG, a_v[sl], plsc.load_gather(tails_v, [i_tail + NTAIL]))
        bb = jnp.where(it < NBIG, b_v[sl], plsc.load_gather(tails_v, [i_tail + 2 * NTAIL]))
        cc = jnp.where(it < NBIG, c_v[sl], plsc.load_gather(tails_v, [i_tail + 3 * NTAIL]))
        theta = VALUE_RANGE * (_sigmoid(theta) - 0.5)
        aa = A_RANGE * _sigmoid(aa)
        bb = VALUE_RANGE * (_sigmoid(bb) - 0.5)
        cc = _sigmoid(cc)
        out_v[sl] = cc + (1.0 - cc) * _sigmoid(D_IRT * aa * (theta - bb))
    pltpu.sync_copy(out_v, out_hbm.at[pl.ds(base, BPW)])


@jax.jit
def _run(theta_big, a_big, b_big, c_big, tails, user, item):
    mesh = plsc.VectorSubcoreMesh(core_axis_name="c", subcore_axis_name="s")
    k = functools.partial(
        pl.kernel,
        mesh=mesh,
        out_type=jax.ShapeDtypeStruct((BATCH,), jnp.float32),
        scratch_types=[
            pltpu.VMEM((BPW,), jnp.int32),
            pltpu.VMEM((BPW,), jnp.int32),
            pltpu.VMEM((BPW,), jnp.int32),
            pltpu.VMEM((BPW,), jnp.int32),
            pltpu.VMEM((BPW,), jnp.float32),
            pltpu.VMEM((BPW,), jnp.float32),
            pltpu.VMEM((BPW,), jnp.float32),
            pltpu.VMEM((BPW,), jnp.float32),
            pltpu.VMEM((4 * NTAIL,), jnp.float32),
            pltpu.VMEM((BPW,), jnp.float32),
            pltpu.SemaphoreType.DMA,
        ],
        compiler_params=pltpu.CompilerParams(needs_layout_passes=False),
    )(_body)
    return k(theta_big, a_big, b_big, c_big, tails, user, item)


def kernel(theta_tab, a_tab, b_tab, c_tab, user, item):
    return _run(
        theta_tab[:NBIG].reshape(-1),
        a_tab[:NBIG].reshape(-1),
        b_tab[:NBIG].reshape(-1),
        c_tab[:NBIG].reshape(-1),
        jnp.concatenate([
            theta_tab[TAIL_START:].reshape(-1),
            a_tab[TAIL_START:].reshape(-1),
            b_tab[TAIL_START:].reshape(-1),
            c_tab[TAIL_START:].reshape(-1),
        ]),
        user,
        item,
    )

# --- scband reference (transcript-rebuilt; emitter-appended) ---
"""Pipeline reference for scband-irtnet-9242769622079 (READ-ONLY COPY).

The authoritative reference and input builder live on the scoring server;
editing this copy changes nothing except your own understanding.
"""

import jax, jax.numpy as jnp
import numpy as np

USER_NUM = 1000000
ITEM_NUM = 1000000
BATCH = 16384
VALUE_RANGE = 8.0
A_RANGE = 4.0
D = 1.702


def setup_inputs(seed: int = 0) -> dict:
    key = jax.random.key(seed)
    k1, k2, k3, k4, k5, k6 = jax.random.split(key, 6)
    user = jax.random.randint(k1, (BATCH,), 0, USER_NUM, dtype=jnp.int64 if jax.config.jax_enable_x64 else jnp.int32).astype(jnp.int32)
    item = jax.random.randint(k2, (BATCH,), 0, ITEM_NUM, dtype=jnp.int32)
    theta_tab = jax.random.normal(k3, (USER_NUM, 1), dtype=jnp.float32)
    a_tab = jax.random.normal(k4, (ITEM_NUM, 1), dtype=jnp.float32)
    b_tab = jax.random.normal(k5, (ITEM_NUM, 1), dtype=jnp.float32)
    c_tab = jax.random.normal(k6, (ITEM_NUM, 1), dtype=jnp.float32)
    return {"theta_tab": theta_tab, "a_tab": a_tab, "b_tab": b_tab, "c_tab": c_tab, "user": user, "item": item}


def reference(theta_tab, a_tab, b_tab, c_tab, user, item):
    # embedding lookups (gather)
    theta = jnp.squeeze(jnp.take(theta_tab, user, axis=0), axis=-1)
    a = jnp.squeeze(jnp.take(a_tab, item, axis=0), axis=-1)
    b = jnp.squeeze(jnp.take(b_tab, item, axis=0), axis=-1)
    c = jnp.squeeze(jnp.take(c_tab, item, axis=0), axis=-1)
    c = jax.nn.sigmoid(c)
    # value_range transform
    theta = VALUE_RANGE * (jax.nn.sigmoid(theta) - 0.5)
    b = VALUE_RANGE * (jax.nn.sigmoid(b) - 0.5)
    # a_range transform
    a = A_RANGE * jax.nn.sigmoid(a)
    # 3PL item response function: c + (1 - c) / (1 + exp(-D * a * (theta - b)))
    return c + (1.0 - c) / (1.0 + jnp.exp(-D * a * (theta - b)))

if __name__ == "__main__":
    import jax
    _d = setup_inputs()
    print(jax.jit(kernel)(*tuple(_d.values())))

</pallas_src>

<mosaic_0001>
#map = affine_map<(d0, d1) -> (0)>
module attributes {stable_mosaic.version = 14 : i64} {
  func.func @_body(%arg0: i32, %arg1: i32, %arg2: memref<999424xf32, #tpu.memory_space<hbm>>, %arg3: memref<999424xf32, #tpu.memory_space<hbm>>, %arg4: memref<999424xf32, #tpu.memory_space<hbm>>, %arg5: memref<999424xf32, #tpu.memory_space<hbm>>, %arg6: memref<2304xf32, #tpu.memory_space<hbm>>, %arg7: memref<16384xi32, #tpu.memory_space<hbm>>, %arg8: memref<16384xi32, #tpu.memory_space<hbm>>, %arg9: memref<16384xf32, #tpu.memory_space<hbm>>, %arg10: memref<512xi32, #tpu.memory_space<vmem>>, %arg11: memref<512xi32, #tpu.memory_space<vmem>>, %arg12: memref<512xi32, #tpu.memory_space<vmem>>, %arg13: memref<512xi32, #tpu.memory_space<vmem>>, %arg14: memref<512xf32, #tpu.memory_space<vmem>>, %arg15: memref<512xf32, #tpu.memory_space<vmem>>, %arg16: memref<512xf32, #tpu.memory_space<vmem>>, %arg17: memref<512xf32, #tpu.memory_space<vmem>>, %arg18: memref<2304xf32, #tpu.memory_space<vmem>>, %arg19: memref<512xf32, #tpu.memory_space<vmem>>, %arg20: memref<!tpu.dma_semaphore, #tpu.memory_space<semaphore_mem>>) attributes {dimension_semantics = [#tpu.dimension_semantics<core_parallel>, #tpu.dimension_semantics<subcore_parallel>], iteration_bounds = array<i64: 2, 16>, scalar_prefetch = 0 : i64, scratch_operands = 11 : i64, tpu.core_type = #tpu.core_type<sc_vector_subcore>, window_params = [{transform_indices = #map}, {transform_indices = #map}, {transform_indices = #map}, {transform_indices = #map}, {transform_indices = #map}, {transform_indices = #map}, {transform_indices = #map}, {transform_indices = #map}]} {
    %mul3A = arith.constant 2 : i32
    %mul3A_0 = arith.muli %arg1, %mul3A : i32
    %add3A = arith.addi %mul3A_0, %arg0 : i32
    %mul3A_1 = arith.constant 512 : i32
    %mul3A_2 = arith.muli %add3A, %mul3A_1 : i32
    "tpu.region"() ({
      %run_scoped3A = tpu.sem_alloc : memref<!tpu.dma_semaphore, #tpu.memory_space<semaphore_mem>>
      %dma_start3A_4614 = tpu.memref_slice %arg7[%mul3A_2] : memref<16384xi32, #tpu.memory_space<hbm>> -> memref<512xi32, #tpu.memory_space<hbm>>
      %dma_start3A_4615 = tpu.memref_slice %arg7[%mul3A_2] : memref<16384xi32, #tpu.memory_space<hbm>> -> memref<512xi32, #tpu.memory_space<hbm>>
      tpu.enqueue_dma source(%dma_start3A_4615 : memref<512xi32, #tpu.memory_space<hbm>>) target(%arg10 : memref<512xi32, #tpu.memory_space<vmem>>) target_semaphore(%run_scoped3A : memref<!tpu.dma_semaphore, #tpu.memory_space<semaphore_mem>>)
      %dma_wait3A_4616 = tpu.memref_slice %arg7[%mul3A_2] : memref<16384xi32, #tpu.memory_space<hbm>> -> memref<512xi32, #tpu.memory_space<hbm>>
      %dma_wait3A_4617 = tpu.memref_slice %arg7[%mul3A_2] : memref<16384xi32, #tpu.memory_space<hbm>> -> memref<512xi32, #tpu.memory_space<hbm>>
      tpu.wait_dma2 semaphore(%run_scoped3A : memref<!tpu.dma_semaphore, #tpu.memory_space<semaphore_mem>>) src(%dma_wait3A_4617 : memref<512xi32, #tpu.memory_space<hbm>>) dst(%arg10 : memref<512xi32, #tpu.memory_space<vmem>>)
      tpu.yield
    }) : () -> ()
    "tpu.region"() ({
      %run_scoped3A = tpu.sem_alloc : memref<!tpu.dma_semaphore, #tpu.memory_space<semaphore_mem>>
      %dma_start3A_4614 = tpu.memref_slice %arg8[%mul3A_2] : memref<16384xi32, #tpu.memory_space<hbm>> -> memref<512xi32, #tpu.memory_space<hbm>>
      %dma_start3A_4615 = tpu.memref_slice %arg8[%mul3A_2] : memref<16384xi32, #tpu.memory_space<hbm>> -> memref<512xi32, #tpu.memory_space<hbm>>
      tpu.enqueue_dma source(%dma_start3A_4615 : memref<512xi32, #tpu.memory_space<hbm>>) target(%arg11 : memref<512xi32, #tpu.memory_space<vmem>>) target_semaphore(%run_scoped3A : memref<!tpu.dma_semaphore, #tpu.memory_space<semaphore_mem>>)
      %dma_wait3A_4616 = tpu.memref_slice %arg8[%mul3A_2] : memref<16384xi32, #tpu.memory_space<hbm>> -> memref<512xi32, #tpu.memory_space<hbm>>
      %dma_wait3A_4617 = tpu.memref_slice %arg8[%mul3A_2] : memref<16384xi32, #tpu.memory_space<hbm>> -> memref<512xi32, #tpu.memory_space<hbm>>
      tpu.wait_dma2 semaphore(%run_scoped3A : memref<!tpu.dma_semaphore, #tpu.memory_space<semaphore_mem>>) src(%dma_wait3A_4617 : memref<512xi32, #tpu.memory_space<hbm>>) dst(%arg11 : memref<512xi32, #tpu.memory_space<vmem>>)
      tpu.yield
    }) : () -> ()
    %get3A = arith.constant 0 : index
    %get3A_3 = tpu.vector_load %arg10[%get3A] {strides = array<i32>} : memref<512xi32, #tpu.memory_space<vmem>>, vector<16xi32>,
    %min3A = arith.constant 999423 : i32
    %min3A_4 = vector.broadcast %min3A : i32 to vector<16xi32>
    %min3A_5 = arith.minsi %get3A_3, %min3A_4 : vector<16xi32>
    %swap3A = arith.constant 0 : index
    %swap3A_6 = tpu.vector_load %arg12[%swap3A] {strides = array<i32>} : memref<512xi32, #tpu.memory_space<vmem>>, vector<16xi32>,
    tpu.vector_store %arg12[%swap3A], %min3A_5 {strides = array<i32>} : memref<512xi32, #tpu.memory_space<vmem>>, vector<16xi32>,
    %get3A_7 = arith.constant 0 : index
    %get3A_8 = tpu.vector_load %arg11[%get3A_7] {strides = array<i32>} : memref<512xi32, #tpu.memory_space<vmem>>, vector<16xi32>,
    %min3A_9 = arith.constant 999423 : i32
    %min3A_10 = vector.broadcast %min3A_9 : i32 to vector<16xi32>
    %min3A_11 = arith.minsi %get3A_8, %min3A_10 : vector<16xi32>
    %swap3A_12 = arith.constant 0 : index
    %swap3A_13 = tpu.vector_load %arg13[%swap3A_12] {strides = array<i32>} : memref<512xi32, #tpu.memory_space<vmem>>, vector<16xi32>,
    tpu.vector_store %arg13[%swap3A_12], %min3A_11 {strides = array<i32>} : memref<512xi32, #tpu.memory_space<vmem>>, vector<16xi32>,
    %get3A_14 = arith.constant 16 : index
    %get3A_15 = tpu.vector_load %arg10[%get3A_14] {strides = array<i32>} : memref<512xi32, #tpu.memory_space<vmem>>, vector<16xi32>,
    %min3A_16 = arith.constant 999423 : i32
    %min3A_17 = vector.broadcast %min3A_16 : i32 to vector<16xi32>
    %min3A_18 = arith.minsi %get3A_15, %min3A_17 : vector<16xi32>
    %swap3A_19 = arith.constant 16 : index
    %swap3A_20 = tpu.vector_load %arg12[%swap3A_19] {strides = array<i32>} : memref<512xi32, #tpu.memory_space<vmem>>, vector<16xi32>,
    tpu.vector_store %arg12[%swap3A_19], %min3A_18 {strides = array<i32>} : memref<512xi32, #tpu.memory_space<vmem>>, vector<16xi32>,
    %get3A_21 = arith.constant 16 : index
    %get3A_22 = tpu.vector_load %arg11[%get3A_21] {strides = array<i32>} : memref<512xi32, #tpu.memory_space<vmem>>, vector<16xi32>,
    %min3A_23 = arith.constant 999423 : i32
    %min3A_24 = vector.broadcast %min3A_23 : i32 to vector<16xi32>
    %min3A_25 = arith.minsi %get3A_22, %min3A_24 : vector<16xi32>
    %swap3A_26 = arith.constant 16 : index
    %swap3A_27 = tpu.vector_load %arg13[%swap3A_26] {strides = array<i32>} : memref<512xi32, #tpu.memory_space<vmem>>, vector<16xi32>,
    tpu.vector_store %arg13[%swap3A_26], %min3A_25 {strides = array<i32>} : memref<512xi32, #tpu.memory_space<vmem>>, vector<16xi32>,
    %get3A_28 = arith.constant 32 : index
    %get3A_29 = tpu.vector_load %arg10[%get3A_28] {strides = array<i32>} : memref<512xi32, #tpu.memory_space<vmem>>, vector<16xi32>,
    %min3A_30 = arith.constant 999423 : i32
    %min3A_31 = vector.broadcast %min3A_30 : i32 to vector<16xi32>
    %min3A_32 = arith.minsi %get3A_29, %min3A_31 : vector<16xi32>
    %swap3A_33 = arith.constant 32 : index
    %swap3A_34 = tpu.vector_load %arg12[%swap3A_33] {strides = array<i32>} : memref<512xi32, #tpu.memory_space<vmem>>, vector<16xi32>,
    tpu.vector_store %arg12[%swap3A_33], %min3A_32 {strides = array<i32>} : memref<512xi32, #tpu.memory_space<vmem>>, vector<16xi32>,
    %get3A_35 = arith.constant 32 : index
    %get3A_36 = tpu.vector_load %arg11[%get3A_35] {strides = array<i32>} : memref<512xi32, #tpu.memory_space<vmem>>, vector<16xi32>,
    %min3A_37 = arith.constant 999423 : i32
    %min3A_38 = vector.broadcast %min3A_37 : i32 to vector<16xi32>
    %min3A_39 = arith.minsi %get3A_36, %min3A_38 : vector<16xi32>
    %swap3A_40 = arith.constant 32 : index
    %swap3A_41 = tpu.vector_load %arg13[%swap3A_40] {strides = array<i32>} : memref<512xi32, #tpu.memory_space<vmem>>, vector<16xi32>,
    tpu.vector_store %arg13[%swap3A_40], %min3A_39 {strides = array<i32>} : memref<512xi32, #tpu.memory_space<vmem>>, vector<16xi32>,
    %get3A_42 = arith.constant 48 : index
    %get3A_43 = tpu.vector_load %arg10[%get3A_42] {strides = array<i32>} : memref<512xi32, #tpu.memory_space<vmem>>, vector<16xi32>,
    %min3A_44 = arith.constant 999423 : i32
    %min3A_45 = vector.broadcast %min3A_44 : i32 to vector<16xi32>
    %min3A_46 = arith.minsi %get3A_43, %min3A_45 : vector<16xi32>
    %swap3A_47 = arith.constant 48 : index
    %swap3A_48 = tpu.vector_load %arg12[%swap3A_47] {strides = array<i32>} : memref<512xi32, #tpu.memory_space<vmem>>, vector<16xi32>,
    tpu.vector_store %arg12[%swap3A_47], %min3A_46 {strides = array<i32>} : memref<512xi32, #tpu.memory_space<vmem>>, vector<16xi32>,
    %get3A_49 = arith.constant 48 : index
    %get3A_50 = tpu.vector_load %arg11[%get3A_49] {strides = array<i32>} : memref<512xi32, #tpu.memory_space<vmem>>, vector<16xi32>,
    %min3A_51 = arith.constant 999423 : i32
    %min3A_52 = vector.broadcast %min3A_51 : i32 to vector<16xi32>
    %min3A_53 = arith.minsi %get3A_50, %min3A_52 : vector<16xi32>
    %swap3A_54 = arith.constant 48 : index
    %swap3A_55 = tpu.vector_load %arg13[%swap3A_54] {strides = array<i32>} : memref<512xi32, #tpu.memory_space<vmem>>, vector<16xi32>,
    tpu.vector_store %arg13[%swap3A_54], %min3A_53 {strides = array<i32>} : memref<512xi32, #tpu.memory_space<vmem>>, vector<16xi32>,
    %get3A_56 = arith.constant 64 : index
    %get3A_57 = tpu.vector_load %arg10[%get3A_56] {strides = array<i32>} : memref<512xi32, #tpu.memory_space<vmem>>, vector<16xi32>,
    %min3A_58 = arith.constant 999423 : i32
    %min3A_59 = vector.broadcast %min3A_58 : i32 to vector<16xi32>
    %min3A_60 = arith.minsi %get3A_57, %min3A_59 : vector<16xi32>
    %swap3A_61 = arith.constant 64 : index
    %swap3A_62 = tpu.vector_load %arg12[%swap3A_61] {strides = array<i32>} : memref<512xi32, #tpu.memory_space<vmem>>, vector<16xi32>,
    tpu.vector_store %arg12[%swap3A_61], %min3A_60 {strides = array<i32>} : memref<512xi32, #tpu.memory_space<vmem>>, vector<16xi32>,
    %get3A_63 = arith.constant 64 : index
    %get3A_64 = tpu.vector_load %arg11[%get3A_63] {strides = array<i32>} : memref<512xi32, #tpu.memory_space<vmem>>, vector<16xi32>,
    %min3A_65 = arith.constant 999423 : i32
    %min3A_66 = vector.broadcast %min3A_65 : i32 to vector<16xi32>
    %min3A_67 = arith.minsi %get3A_64, %min3A_66 : vector<16xi32>
    %swap3A_68 = arith.constant 64 : index
    %swap3A_69 = tpu.vector_load %arg13[%swap3A_68] {strides = array<i32>} : memref<512xi32, #tpu.memory_space<vmem>>, vector<16xi32>,
    tpu.vector_store %arg13[%swap3A_68], %min3A_67 {strides = array<i32>} : memref<512xi32, #tpu.memory_space<vmem>>, vector<16xi32>,
    %get3A_70 = arith.constant 80 : index
    %get3A_71 = tpu.vector_load %arg10[%get3A_70] {strides = array<i32>} : memref<512xi32, #tpu.memory_space<vmem>>, vector<16xi32>,
    %min3A_72 = arith.constant 999423 : i32
    %min3A_73 = vector.broadcast %min3A_72 : i32 to vector<16xi32>
    %min3A_74 = arith.minsi %get3A_71, %min3A_73 : vector<16xi32>
    %swap3A_75 = arith.constant 80 : index
    %swap3A_76 = tpu.vector_load %arg12[%swap3A_75] {strides = array<i32>} : memref<512xi32, #tpu.memory_space<vmem>>, vector<16xi32>,
    tpu.vector_store %arg12[%swap3A_75], %min3A_74 {strides = array<i32>} : memref<512xi32, #tpu.memory_space<vmem>>, vector<16xi32>,
    %get3A_77 = arith.constant 80 : index
    %get3A_78 = tpu.vector_load %arg11[%get3A_77] {strides = array<i32>} : memref<512xi32, #tpu.memory_space<vmem>>, vector<16xi32>,
    %min3A_79 = arith.constant 999423 : i32
    %min3A_80 = vector.broadcast %min3A_79 : i32 to vector<16xi32>
    %min3A_81 = arith.minsi %get3A_78, %min3A_80 : vector<16xi32>
    %swap3A_82 = arith.constant 80 : index
    %swap3A_83 = tpu.vector_load %arg13[%swap3A_82] {strides = array<i32>} : memref<512xi32, #tpu.memory_space<vmem>>, vector<16xi32>,
    tpu.vector_store %arg13[%swap3A_82], %min3A_81 {strides = array<i32>} : memref<512xi32, #tpu.memory_space<vmem>>, vector<16xi32>,
    %get3A_84 = arith.constant 96 : index
    %get3A_85 = tpu.vector_load %arg10[%get3A_84] {strides = array<i32>} : memref<512xi32, #tpu.memory_space<vmem>>, vector<16xi32>,
    %min3A_86 = arith.constant 999423 : i32
    %min3A_87 = vector.broadcast %min3A_86 : i32 to vector<16xi32>
    %min3A_88 = arith.minsi %get3A_85, %min3A_87 : vector<16xi32>
    %swap3A_89 = arith.constant 96 : index
    %swap3A_90 = tpu.vector_load %arg12[%swap3A_89] {strides = array<i32>} : memref<512xi32, #tpu.memory_space<vmem>>, vector<16xi32>,
    tpu.vector_store %arg12[%swap3A_89], %min3A_88 {strides = array<i32>} : memref<512xi32, #tpu.memory_space<vmem>>, vector<16xi32>,
    %get3A_91 = arith.constant 96 : index
    %get3A_92 = tpu.vector_load %arg11[%get3A_91] {strides = array<i32>} : memref<512xi32, #tpu.memory_space<vmem>>, vector<16xi32>,
    %min3A_93 = arith.constant 999423 : i32
    %min3A_94 = vector.broadcast %min3A_93 : i32 to vector<16xi32>
    %min3A_95 = arith.minsi %get3A_92, %min3A_94 : vector<16xi32>
    %swap3A_96 = arith.constant 96 : index
    %swap3A_97 = tpu.vector_load %arg13[%swap3A_96] {strides = array<i32>} : memref<512xi32, #tpu.memory_space<vmem>>, vector<16xi32>,
    tpu.vector_store %arg13[%swap3A_96], %min3A_95 {strides = array<i32>} : memref<512xi32, #tpu.memory_space<vmem>>, vector<16xi32>,
    %get3A_98 = arith.constant 112 : index
    %get3A_99 = tpu.vector_load %arg10[%get3A_98] {strides = array<i32>} : memref<512xi32, #tpu.memory_space<vmem>>, vector<16xi32>,
    %min3A_100 = arith.constant 999423 : i32
    %min3A_101 = vector.broadcast %min3A_100 : i32 to vector<16xi32>
    %min3A_102 = arith.minsi %get3A_99, %min3A_101 : vector<16xi32>
    %swap3A_103 = arith.constant 112 : index
    %swap3A_104 = tpu.vector_load %arg12[%swap3A_103] {strides = array<i32>} : memref<512xi32, #tpu.memory_space<vmem>>, vector<16xi32>,
    tpu.vector_store %arg12[%swap3A_103], %min3A_102 {strides = array<i32>} : memref<512xi32, #tpu.memory_space<vmem>>, vector<16xi32>,
    %get3A_105 = arith.constant 112 : index
    %get3A_106 = tpu.vector_load %arg11[%get3A_105] {strides = array<i32>} : memref<512xi32, #tpu.memory_space<vmem>>, vector<16xi32>,
    %min3A_107 = arith.constant 999423 : i32
    %min3A_108 = vector.broadcast %min3A_107 : i32 to vector<16xi32>
    %min3A_109 = arith.minsi %get3A_106, %min3A_108 : vector<16xi32>
    %swap3A_110 = arith.constant 112 : index
    %swap3A_111 = tpu.vector_load %arg13[%swap3A_110] {strides = array<i32>} : memref<512xi32, #tpu.memory_space<vmem>>, vector<16xi32>,
    tpu.vector_store %arg13[%swap3A_110], %min3A_109 {strides = array<i32>} : memref<512xi32, #tpu.memory_space<vmem>>, vector<16xi32>,
    %get3A_112 = arith.constant 128 : index
    %get3A_113 = tpu.vector_load %arg10[%get3A_112] {strides = array<i32>} : memref<512xi32, #tpu.memory_space<vmem>>, vector<16xi32>,
    %min3A_114 = arith.constant 999423 : i32
    %min3A_115 = vector.broadcast %min3A_114 : i32 to vector<16xi32>
    %min3A_116 = arith.minsi %get3A_113, %min3A_115 : vector<16xi32>
    %swap3A_117 = arith.constant 128 : index
    %swap3A_118 = tpu.vector_load %arg12[%swap3A_117] {strides = array<i32>} : memref<512xi32, #tpu.memory_space<vmem>>, vector<16xi32>,
    tpu.vector_store %arg12[%swap3A_117], %min3A_116 {strides = array<i32>} : memref<512xi32, #tpu.memory_space<vmem>>, vector<16xi32>,
    %get3A_119 = arith.constant 128 : index
    %get3A_120 = tpu.vector_load %arg11[%get3A_119] {strides = array<i32>} : memref<512xi32, #tpu.memory_space<vmem>>, vector<16xi32>,
    %min3A_121 = arith.constant 999423 : i32
    %min3A_122 = vector.broadcast %min3A_121 : i32 to vector<16xi32>
    %min3A_123 = arith.minsi %get3A_120, %min3A_122 : vector<16xi32>
    %swap3A_124 = arith.constant 128 : index
    %swap3A_125 = tpu.vector_load %arg13[%swap3A_124] {strides = array<i32>} : memref<512xi32, #tpu.memory_space<vmem>>, vector<16xi32>,
    tpu.vector_store %arg13[%swap3A_124], %min3A_123 {strides = array<i32>} : memref<512xi32, #tpu.memory_space<vmem>>, vector<16xi32>,
    %get3A_126 = arith.constant 144 : index
    %get3A_127 = tpu.vector_load %arg10[%get3A_126] {strides = array<i32>} : memref<512xi32, #tpu.memory_space<vmem>>, vector<16xi32>,
    %min3A_128 = arith.constant 999423 : i32
    %min3A_129 = vector.broadcast %min3A_128 : i32 to vector<16xi32>
    %min3A_130 = arith.minsi %get3A_127, %min3A_129 : vector<16xi32>
    %swap3A_131 = arith.constant 144 : index
    %swap3A_132 = tpu.vector_load %arg12[%swap3A_131] {strides = array<i32>} : memref<512xi32, #tpu.memory_space<vmem>>, vector<16xi32>,
    tpu.vector_store %arg12[%swap3A_131], %min3A_130 {strides = array<i32>} : memref<512xi32, #tpu.memory_space<vmem>>, vector<16xi32>,
    %get3A_133 = arith.constant 144 : index
    %get3A_134 = tpu.vector_load %arg11[%get3A_133] {strides = array<i32>} : memref<512xi32, #tpu.memory_space<vmem>>, vector<16xi32>,
    %min3A_135 = arith.constant 999423 : i32
    %min3A_136 = vector.broadcast %min3A_135 : i32 to vector<16xi32>
    %min3A_137 = arith.minsi %get3A_134, %min3A_136 : vector<16xi32>
    %swap3A_138 = arith.constant 144 : index
    %swap3A_139 = tpu.vector_load %arg13[%swap3A_138] {strides = array<i32>} : memref<512xi32, #tpu.memory_space<vmem>>, vector<16xi32>,
    tpu.vector_store %arg13[%swap3A_138], %min3A_137 {strides = array<i32>} : memref<512xi32, #tpu.memory_space<vmem>>, vector<16xi32>,
    %get3A_140 = arith.constant 160 : index
    %get3A_141 = tpu.vector_load %arg10[%get3A_140] {strides = array<i32>} : memref<512xi32, #tpu.memory_space<vmem>>, vector<16xi32>,
    %min3A_142 = arith.constant 999423 : i32
    %min3A_143 = vector.broadcast %min3A_142 : i32 to vector<16xi32>
    %min3A_144 = arith.minsi %get3A_141, %min3A_143 : vector<16xi32>
    %swap3A_145 = arith.constant 160 : index
    %swap3A_146 = tpu.vector_load %arg12[%swap3A_145] {strides = array<i32>} : memref<512xi32, #tpu.memory_space<vmem>>, vector<16xi32>,
    tpu.vector_store %arg12[%swap3A_145], %min3A_144 {strides = array<i32>} : memref<512xi32, #tpu.memory_space<vmem>>, vector<16xi32>,
    %get3A_147 = arith.constant 160 : index
    %get3A_148 = tpu.vector_load %arg11[%get3A_147] {strides = array<i32>} : memref<512xi32, #tpu.memory_space<vmem>>, vector<16xi32>,
    %min3A_149 = arith.constant 999423 : i32
    %min3A_150 = vector.broadcast %min3A_149 : i32 to vector<16xi32>
    %min3A_151 = arith.minsi %get3A_148, %min3A_150 : vector<16xi32>
    %swap3A_152 = arith.constant 160 : index
    %swap3A_153 = tpu.vector_load %arg13[%swap3A_152] {strides = array<i32>} : memref<512xi32, #tpu.memory_space<vmem>>, vector<16xi32>,
    tpu.vector_store %arg13[%swap3A_152], %min3A_151 {strides = array<i32>} : memref<512xi32, #tpu.memory_space<vmem>>, vector<16xi32>,
    %get3A_154 = arith.constant 176 : index
    %get3A_155 = tpu.vector_load %arg10[%get3A_154] {strides = array<i32>} : memref<512xi32, #tpu.memory_space<vmem>>, vector<16xi32>,
    %min3A_156 = arith.constant 999423 : i32
    %min3A_157 = vector.broadcast %min3A_156 : i32 to vector<16xi32>
    %min3A_158 = arith.minsi %get3A_155, %min3A_157 : vector<16xi32>
    %swap3A_159 = arith.constant 176 : index
    %swap3A_160 = tpu.vector_load %arg12[%swap3A_159] {strides = array<i32>} : memref<512xi32, #tpu.memory_space<vmem>>, vector<16xi32>,
    tpu.vector_store %arg12[%swap3A_159], %min3A_158 {strides = array<i32>} : memref<512xi32, #tpu.memory_space<vmem>>, vector<16xi32>,
    %get3A_161 = arith.constant 176 : index
    %get3A_162 = tpu.vector_load %arg11[%get3A_161] {strides = array<i32>} : memref<512xi32, #tpu.memory_space<vmem>>, vector<16xi32>,
    %min3A_163 = arith.constant 999423 : i32
    %min3A_164 = vector.broadcast %min3A_163 : i32 to vector<16xi32>
    %min3A_165 = arith.minsi %get3A_162, %min3A_164 : vector<16xi32>
    %swap3A_166 = arith.constant 176 : index
    %swap3A_167 = tpu.vector_load %arg13[%swap3A_166] {strides = array<i32>} : memref<512xi32, #tpu.memory_space<vmem>>, vector<16xi32>,
    tpu.vector_store %arg13[%swap3A_166], %min3A_165 {strides = array<i32>} : memref<512xi32, #tpu.memory_space<vmem>>, vector<16xi32>,
    %get3A_168 = arith.constant 192 : index
    %get3A_169 = tpu.vector_load %arg10[%get3A_168] {strides = array<i32>} : memref<512xi32, #tpu.memory_space<vmem>>, vector<16xi32>,
    %min3A_170 = arith.constant 999423 : i32
    %min3A_171 = vector.broadcast %min3A_170 : i32 to vector<16xi32>
    %min3A_172 = arith.minsi %get3A_169, %min3A_171 : vector<16xi32>
    %swap3A_173 = arith.constant 192 : index
    %swap3A_174 = tpu.vector_load %arg12[%swap3A_173] {strides = array<i32>} : memref<512xi32, #tpu.memory_space<vmem>>, vector<16xi32>,
    tpu.vector_store %arg12[%swap3A_173], %min3A_172 {strides = array<i32>} : memref<512xi32, #tpu.memory_space<vmem>>, vector<16xi32>,
    %get3A_175 = arith.constant 192 : index
    %get3A_176 = tpu.vector_load %arg11[%get3A_175] {strides = array<i32>} : memref<512xi32, #tpu.memory_space<vmem>>, vector<16xi32>,
    %min3A_177 = arith.constant 999423 : i32
    %min3A_178 = vector.broadcast %min3A_177 : i32 to vector<16xi32>
    %min3A_179 = arith.minsi %get3A_176, %min3A_178 : vector<16xi32>
    %swap3A_180 = arith.constant 192 : index
    %swap3A_181 = tpu.vector_load %arg13[%swap3A_180] {strides = array<i32>} : memref<512xi32, #tpu.memory_space<vmem>>, vector<16xi32>,
    tpu.vector_store %arg13[%swap3A_180], %min3A_179 {strides = array<i32>} : memref<512xi32, #tpu.memory_space<vmem>>, vector<16xi32>,
    %get3A_182 = arith.constant 208 : index
    %get3A_183 = tpu.vector_load %arg10[%get3A_182] {strides = array<i32>} : memref<512xi32, #tpu.memory_space<vmem>>, vector<16xi32>,
    %min3A_184 = arith.constant 999423 : i32
    %min3A_185 = vector.broadcast %min3A_184 : i32 to vector<16xi32>
    %min3A_186 = arith.minsi %get3A_183, %min3A_185 : vector<16xi32>
    %swap3A_187 = arith.constant 208 : index
    %swap3A_188 = tpu.vector_load %arg12[%swap3A_187] {strides = array<i32>} : memref<512xi32, #tpu.memory_space<vmem>>, vector<16xi32>,
    tpu.vector_store %arg12[%swap3A_187], %min3A_186 {strides = array<i32>} : memref<512xi32, #tpu.memory_space<vmem>>, vector<16xi32>,
    %get3A_189 = arith.constant 208 : index
    %get3A_190 = tpu.vector_load %arg11[%get3A_189] {strides = array<i32>} : memref<512xi32, #tpu.memory_space<vmem>>, vector<16xi32>,
    %min3A_191 = arith.constant 999423 : i32
    %min3A_192 = vector.broadcast %min3A_191 : i32 to vector<16xi32>
    %min3A_193 = arith.minsi %get3A_190, %min3A_192 : vector<16xi32>
    %swap3A_194 = arith.constant 208 : index
    %swap3A_195 = tpu.vector_load %arg13[%swap3A_194] {strides = array<i32>} : memref<512xi32, #tpu.memory_space<vmem>>, vector<16xi32>,
    tpu.vector_store %arg13[%swap3A_194], %min3A_193 {strides = array<i32>} : memref<512xi32, #tpu.memory_space<vmem>>, vector<16xi32>,
    %get3A_196 = arith.constant 224 : index
    %get3A_197 = tpu.vector_load %arg10[%get3A_196] {strides = array<i32>} : memref<512xi32, #tpu.memory_space<vmem>>, vector<16xi32>,
    %min3A_198 = arith.constant 999423 : i32
    %min3A_199 = vector.broadcast %min3A_198 : i32 to vector<16xi32>
    %min3A_200 = arith.minsi %get3A_197, %min3A_199 : vector<16xi32>
    %swap3A_201 = arith.constant 224 : index
    %swap3A_202 = tpu.vector_load %arg12[%swap3A_201] {strides = array<i32>} : memref<512xi32, #tpu.memory_space<vmem>>, vector<16xi32>,
    tpu.vector_store %arg12[%swap3A_201], %min3A_200 {strides = array<i32>} : memref<512xi32, #tpu.memory_space<vmem>>, vector<16xi32>,
    %get3A_203 = arith.constant 224 : index
    %get3A_204 = tpu.vector_load %arg11[%get3A_203] {strides = array<i32>} : memref<512xi32, #tpu.memory_space<vmem>>, vector<16xi32>,
    %min3A_205 = arith.constant 999423 : i32
    %min3A_206 = vector.broadcast %min3A_205 : i32 to vector<16xi32>
    %min3A_207 = arith.minsi %get3A_204, %min3A_206 : vector<16xi32>
    %swap3A_208 = arith.constant 224 : index
    %swap3A_209 = tpu.vector_load %arg13[%swap3A_208] {strides = array<i32>} : memref<512xi32, #tpu.memory_space<vmem>>, vector<16xi32>,
    tpu.vector_store %arg13[%swap3A_208], %min3A_207 {strides = array<i32>} : memref<512xi32, #tpu.memory_space<vmem>>, vector<16xi32>,
    %get3A_210 = arith.constant 240 : index
    %get3A_211 = tpu.vector_load %arg10[%get3A_210] {strides = array<i32>} : memref<512xi32, #tpu.memory_space<vmem>>, vector<16xi32>,
    %min3A_212 = arith.constant 999423 : i32
    %min3A_213 = vector.broadcast %min3A_212 : i32 to vector<16xi32>
    %min3A_214 = arith.minsi %get3A_211, %min3A_213 : vector<16xi32>
    %swap3A_215 = arith.constant 240 : index
    %swap3A_216 = tpu.vector_load %arg12[%swap3A_215] {strides = array<i32>} : memref<512xi32, #tpu.memory_space<vmem>>, vector<16xi32>,
    tpu.vector_store %arg12[%swap3A_215], %min3A_214 {strides = array<i32>} : memref<512xi32, #tpu.memory_space<vmem>>, vector<16xi32>,
    %get3A_217 = arith.constant 240 : index
    %get3A_218 = tpu.vector_load %arg11[%get3A_217] {strides = array<i32>} : memref<512xi32, #tpu.memory_space<vmem>>, vector<16xi32>,
    %min3A_219 = arith.constant 999423 : i32
    %min3A_220 = vector.broadcast %min3A_219 : i32 to vector<16xi32>
    %min3A_221 = arith.minsi %get3A_218, %min3A_220 : vector<16xi32>
    %swap3A_222 = arith.constant 240 : index
    %swap3A_223 = tpu.vector_load %arg13[%swap3A_222] {strides = array<i32>} : memref<512xi32, #tpu.memory_space<vmem>>, vector<16xi32>,
    tpu.vector_store %arg13[%swap3A_222], %min3A_221 {strides = array<i32>} : memref<512xi32, #tpu.memory_space<vmem>>, vector<16xi32>,
    %get3A_224 = arith.constant 256 : index
    %get3A_225 = tpu.vector_load %arg10[%get3A_224] {strides = array<i32>} : memref<512xi32, #tpu.memory_space<vmem>>, vector<16xi32>,
    %min3A_226 = arith.constant 999423 : i32
    %min3A_227 = vector.broadcast %min3A_226 : i32 to vector<16xi32>
    %min3A_228 = arith.minsi %get3A_225, %min3A_227 : vector<16xi32>
    %swap3A_229 = arith.constant 256 : index
    %swap3A_230 = tpu.vector_load %arg12[%swap3A_229] {strides = array<i32>} : memref<512xi32, #tpu.memory_space<vmem>>, vector<16xi32>,
    tpu.vector_store %arg12[%swap3A_229], %min3A_228 {strides = array<i32>} : memref<512xi32, #tpu.memory_space<vmem>>, vector<16xi32>,
    %get3A_231 = arith.constant 256 : index
    %get3A_232 = tpu.vector_load %arg11[%get3A_231] {strides = array<i32>} : memref<512xi32, #tpu.memory_space<vmem>>, vector<16xi32>,
    %min3A_233 = arith.constant 999423 : i32
    %min3A_234 = vector.broadcast %min3A_233 : i32 to vector<16xi32>
    %min3A_235 = arith.minsi %get3A_232, %min3A_234 : vector<16xi32>
    %swap3A_236 = arith.constant 256 : index
    %swap3A_237 = tpu.vector_load %arg13[%swap3A_236] {strides = array<i32>} : memref<512xi32, #tpu.memory_space<vmem>>, vector<16xi32>,
    tpu.vector_store %arg13[%swap3A_236], %min3A_235 {strides = array<i32>} : memref<512xi32, #tpu.memory_space<vmem>>, vector<16xi32>,
    %get3A_238 = arith.constant 272 : index
    %get3A_239 = tpu.vector_load %arg10[%get3A_238] {strides = array<i32>} : memref<512xi32, #tpu.memory_space<vmem>>, vector<16xi32>,
    %min3A_240 = arith.constant 999423 : i32
    %min3A_241 = vector.broadcast %min3A_240 : i32 to vector<16xi32>
    %min3A_242 = arith.minsi %get3A_239, %min3A_241 : vector<16xi32>
    %swap3A_243 = arith.constant 272 : index
    %swap3A_244 = tpu.vector_load %arg12[%swap3A_243] {strides = array<i32>} : memref<512xi32, #tpu.memory_space<vmem>>, vector<16xi32>,
    tpu.vector_store %arg12[%swap3A_243], %min3A_242 {strides = array<i32>} : memref<512xi32, #tpu.memory_space<vmem>>, vector<16xi32>,
    %get3A_245 = arith.constant 272 : index
    %get3A_246 = tpu.vector_load %arg11[%get3A_245] {strides = array<i32>} : memref<512xi32, #tpu.memory_space<vmem>>, vector<16xi32>,
    %min3A_247 = arith.constant 999423 : i32
    %min3A_248 = vector.broadcast %min3A_247 : i32 to vector<16xi32>
    %min3A_249 = arith.minsi %get3A_246, %min3A_248 : vector<16xi32>
    %swap3A_250 = arith.constant 272 : index
    %swap3A_251 = tpu.vector_load %arg13[%swap3A_250] {strides = array<i32>} : memref<512xi32, #tpu.memory_space<vmem>>, vector<16xi32>,
    tpu.vector_store %arg13[%swap3A_250], %min3A_249 {strides = array<i32>} : memref<512xi32, #tpu.memory_space<vmem>>, vector<16xi32>,
    %get3A_252 = arith.constant 288 : index
    %get3A_253 = tpu.vector_load %arg10[%get3A_252] {strides = array<i32>} : memref<512xi32, #tpu.memory_space<vmem>>, vector<16xi32>,
    %min3A_254 = arith.constant 999423 : i32
    %min3A_255 = vector.broadcast %min3A_254 : i32 to vector<16xi32>
    %min3A_256 = arith.minsi %get3A_253, %min3A_255 : vector<16xi32>
    %swap3A_257 = arith.constant 288 : index
    %swap3A_258 = tpu.vector_load %arg12[%swap3A_257] {strides = array<i32>} : memref<512xi32, #tpu.memory_space<vmem>>, vector<16xi32>,
    tpu.vector_store %arg12[%swap3A_257], %min3A_256 {strides = array<i32>} : memref<512xi32, #tpu.memory_space<vmem>>, vector<16xi32>,
    %get3A_259 = arith.constant 288 : index
    %get3A_260 = tpu.vector_load %arg11[%get3A_259] {strides = array<i32>} : memref<512xi32, #tpu.memory_space<vmem>>, vector<16xi32>,
    %min3A_261 = arith.constant 999423 : i32
    %min3A_262 = vector.broadcast %min3A_261 : i32 to vector<16xi32>
    %min3A_263 = arith.minsi %get3A_260, %min3A_262 : vector<16xi32>
    %swap3A_264 = arith.constant 288 : index
    %swap3A_265 = tpu.vector_load %arg13[%swap3A_264] {strides = array<i32>} : memref<512xi32, #tpu.memory_space<vmem>>, vector<16xi32>,
    tpu.vector_store %arg13[%swap3A_264], %min3A_263 {strides = array<i32>} : memref<512xi32, #tpu.memory_space<vmem>>, vector<16xi32>,
    %get3A_266 = arith.constant 304 : index
    %get3A_267 = tpu.vector_load %arg10[%get3A_266] {strides = array<i32>} : memref<512xi32, #tpu.memory_space<vmem>>, vector<16xi32>,
    %min3A_268 = arith.constant 999423 : i32
    %min3A_269 = vector.broadcast %min3A_268 : i32 to vector<16xi32>
    %min3A_270 = arith.minsi %get3A_267, %min3A_269 : vector<16xi32>
    %swap3A_271 = arith.constant 304 : index
    %swap3A_272 = tpu.vector_load %arg12[%swap3A_271] {strides = array<i32>} : memref<512xi32, #tpu.memory_space<vmem>>, vector<16xi32>,
    tpu.vector_store %arg12[%swap3A_271], %min3A_270 {strides = array<i32>} : memref<512xi32, #tpu.memory_space<vmem>>, vector<16xi32>,
    %get3A_273 = arith.constant 304 : index
    %get3A_274 = tpu.vector_load %arg11[%get3A_273] {strides = array<i32>} : memref<512xi32, #tpu.memory_space<vmem>>, vector<16xi32>,
    %min3A_275 = arith.constant 999423 : i32
    %min3A_276 = vector.broadcast %min3A_275 : i32 to vector<16xi32>
    %min3A_277 = arith.minsi %get3A_274, %min3A_276 : vector<16xi32>
    %swap3A_278 = arith.constant 304 : index
    %swap3A_279 = tpu.vector_load %arg13[%swap3A_278] {strides = array<i32>} : memref<512xi32, #tpu.memory_space<vmem>>, vector<16xi32>,
    tpu.vector_store %arg13[%swap3A_278], %min3A_277 {strides = array<i32>} : memref<512xi32, #tpu.memory_space<vmem>>, vector<16xi32>,
    %get3A_280 = arith.constant 320 : index
    %get3A_281 = tpu.vector_load %arg10[%get3A_280] {strides = array<i32>} : memref<512xi32, #tpu.memory_space<vmem>>, vector<16xi32>,
    %min3A_282 = arith.constant 999423 : i32
    %min3A_283 = vector.broadcast %min3A_282 : i32 to vector<16xi32>
    %min3A_284 = arith.minsi %get3A_281, %min3A_283 : vector<16xi32>
    %swap3A_285 = arith.constant 320 : index
    %swap3A_286 = tpu.vector_load %arg12[%swap3A_285] {strides = array<i32>} : memref<512xi32, #tpu.memory_space<vmem>>, vector<16xi32>,
    tpu.vector_store %arg12[%swap3A_285], %min3A_284 {strides = array<i32>} : memref<512xi32, #tpu.memory_space<vmem>>, vector<16xi32>,
    %get3A_287 = arith.constant 320 : index
    %get3A_288 = tpu.vector_load %arg11[%get3A_287] {strides = array<i32>} : memref<512xi32, #tpu.memory_space<vmem>>, vector<16xi32>,
    %min3A_289 = arith.constant 999423 : i32
    %min3A_290 = vector.broadcast %min3A_289 : i32 to vector<16xi32>
    %min3A_291 = arith.minsi %get3A_288, %min3A_290 : vector<16xi32>
    %swap3A_292 = arith.constant 320 : index
    %swap3A_293 = tpu.vector_load %arg13[%swap3A_292] {strides = array<i32>} : memref<512xi32, #tpu.memory_space<vmem>>, vector<16xi32>,
    tpu.vector_store %arg13[%swap3A_292], %min3A_291 {strides = array<i32>} : memref<512xi32, #tpu.memory_space<vmem>>, vector<16xi32>,
    %get3A_294 = arith.constant 336 : index
    %get3A_295 = tpu.vector_load %arg10[%get3A_294] {strides = array<i32>} : memref<512xi32, #tpu.memory_space<vmem>>, vector<16xi32>,
    %min3A_296 = arith.constant 999423 : i32
    %min3A_297 = vector.broadcast %min3A_296 : i32 to vector<16xi32>
    %min3A_298 = arith.minsi %get3A_295, %min3A_297 : vector<16xi32>
    %swap3A_299 = arith.constant 336 : index
    %swap3A_300 = tpu.vector_load %arg12[%swap3A_299] {strides = array<i32>} : memref<512xi32, #tpu.memory_space<vmem>>, vector<16xi32>,
    tpu.vector_store %arg12[%swap3A_299], %min3A_298 {strides = array<i32>} : memref<512xi32, #tpu.memory_space<vmem>>, vector<16xi32>,
    %get3A_301 = arith.constant 336 : index
    %get3A_302 = tpu.vector_load %arg11[%get3A_301] {strides = array<i32>} : memref<512xi32, #tpu.memory_space<vmem>>, vector<16xi32>,
    %min3A_303 = arith.constant 999423 : i32
    %min3A_304 = vector.broadcast %min3A_303 : i32 to vector<16xi32>
    %min3A_305 = arith.minsi %get3A_302, %min3A_304 : vector<16xi32>
    %swap3A_306 = arith.constant 336 : index
    %swap3A_307 = tpu.vector_load %arg13[%swap3A_306] {strides = array<i32>} : memref<512xi32, #tpu.memory_space<vmem>>, vector<16xi32>,
    tpu.vector_store %arg13[%swap3A_306], %min3A_305 {strides = array<i32>} : memref<512xi32, #tpu.memory_space<vmem>>, vector<16xi32>,
    %get3A_308 = arith.constant 352 : index
    %get3A_309 = tpu.vector_load %arg10[%get3A_308] {strides = array<i32>} : memref<512xi32, #tpu.memory_space<vmem>>, vector<16xi32>,
    %min3A_310 = arith.constant 999423 : i32
    %min3A_311 = vector.broadcast %min3A_310 : i32 to vector<16xi32>
    %min3A_312 = arith.minsi %get3A_309, %min3A_311 : vector<16xi32>
    %swap3A_313 = arith.constant 352 : index
    %swap3A_314 = tpu.vector_load %arg12[%swap3A_313] {strides = array<i32>} : memref<512xi32, #tpu.memory_space<vmem>>, vector<16xi32>,
    tpu.vector_store %arg12[%swap3A_313], %min3A_312 {strides = array<i32>} : memref<512xi32, #tpu.memory_space<vmem>>, vector<16xi32>,
    %get3A_315 = arith.constant 352 : index
    %get3A_316 = tpu.vector_load %arg11[%get3A_315] {strides = array<i32>} : memref<512xi32, #tpu.memory_space<vmem>>, vector<16xi32>,
    %min3A_317 = arith.constant 999423 : i32
    %min3A_318 = vector.broadcast %min3A_317 : i32 to vector<16xi32>
    %min3A_319 = arith.minsi %get3A_316, %min3A_318 : vector<16xi32>
    %swap3A_320 = arith.constant 352 : index
    %swap3A_321 = tpu.vector_load %arg13[%swap3A_320] {strides = array<i32>} : memref<512xi32, #tpu.memory_space<vmem>>, vector<16xi32>,
    tpu.vector_store %arg13[%swap3A_320], %min3A_319 {strides = array<i32>} : memref<512xi32, #tpu.memory_space<vmem>>, vector<16xi32>,
    %get3A_322 = arith.constant 368 : index
    %get3A_323 = tpu.vector_load %arg10[%get3A_322] {strides = array<i32>} : memref<512xi32, #tpu.memory_space<vmem>>, vector<16xi32>,
    %min3A_324 = arith.constant 999423 : i32
    %min3A_325 = vector.broadcast %min3A_324 : i32 to vector<16xi32>
    %min3A_326 = arith.minsi %get3A_323, %min3A_325 : vector<16xi32>
    %swap3A_327 = arith.constant 368 : index
    %swap3A_328 = tpu.vector_load %arg12[%swap3A_327] {strides = array<i32>} : memref<512xi32, #tpu.memory_space<vmem>>, vector<16xi32>,
    tpu.vector_store %arg12[%swap3A_327], %min3A_326 {strides = array<i32>} : memref<512xi32, #tpu.memory_space<vmem>>, vector<16xi32>,
    %get3A_329 = arith.constant 368 : index
    %get3A_330 = tpu.vector_load %arg11[%get3A_329] {strides = array<i32>} : memref<512xi32, #tpu.memory_space<vmem>>, vector<16xi32>,
    %min3A_331 = arith.constant 999423 : i32
    %min3A_332 = vector.broadcast %min3A_331 : i32 to vector<16xi32>
    %min3A_333 = arith.minsi %get3A_330, %min3A_332 : vector<16xi32>
    %swap3A_334 = arith.constant 368 : index
    %swap3A_335 = tpu.vector_load %arg13[%swap3A_334] {strides = array<i32>} : memref<512xi32, #tpu.memory_space<vmem>>, vector<16xi32>,
    tpu.vector_store %arg13[%swap3A_334], %min3A_333 {strides = array<i32>} : memref<512xi32, #tpu.memory_space<vmem>>, vector<16xi32>,
    %get3A_336 = arith.constant 384 : index
    %get3A_337 = tpu.vector_load %arg10[%get3A_336] {strides = array<i32>} : memref<512xi32, #tpu.memory_space<vmem>>, vector<16xi32>,
    %min3A_338 = arith.constant 999423 : i32
    %min3A_339 = vector.broadcast %min3A_338 : i32 to vector<16xi32>
    %min3A_340 = arith.minsi %get3A_337, %min3A_339 : vector<16xi32>
    %swap3A_341 = arith.constant 384 : index
    %swap3A_342 = tpu.vector_load %arg12[%swap3A_341] {strides = array<i32>} : memref<512xi32, #tpu.memory_space<vmem>>, vector<16xi32>,
    tpu.vector_store %arg12[%swap3A_341], %min3A_340 {strides = array<i32>} : memref<512xi32, #tpu.memory_space<vmem>>, vector<16xi32>,
    %get3A_343 = arith.constant 384 : index
    %get3A_344 = tpu.vector_load %arg11[%get3A_343] {strides = array<i32>} : memref<512xi32, #tpu.memory_space<vmem>>, vector<16xi32>,
    %min3A_345 = arith.constant 999423 : i32
    %min3A_346 = vector.broadcast %min3A_345 : i32 to vector<16xi32>
    %min3A_347 = arith.minsi %get3A_344, %min3A_346 : vector<16xi32>
    %swap3A_348 = arith.constant 384 : index
    %swap3A_349 = tpu.vector_load %arg13[%swap3A_348] {strides = array<i32>} : memref<512xi32, #tpu.memory_space<vmem>>, vector<16xi32>,
    tpu.vector_store %arg13[%swap3A_348], %min3A_347 {strides = array<i32>} : memref<512xi32, #tpu.memory_space<vmem>>, vector<16xi32>,
    %get3A_350 = arith.constant 400 : index
    %get3A_351 = tpu.vector_load %arg10[%get3A_350] {strides = array<i32>} : memref<512xi32, #tpu.memory_space<vmem>>, vector<16xi32>,
    %min3A_352 = arith.constant 999423 : i32
    %min3A_353 = vector.broadcast %min3A_352 : i32 to vector<16xi32>
    %min3A_354 = arith.minsi %get3A_351, %min3A_353 : vector<16xi32>
    %swap3A_355 = arith.constant 400 : index
    %swap3A_356 = tpu.vector_load %arg12[%swap3A_355] {strides = array<i32>} : memref<512xi32, #tpu.memory_space<vmem>>, vector<16xi32>,
    tpu.vector_store %arg12[%swap3A_355], %min3A_354 {strides = array<i32>} : memref<512xi32, #tpu.memory_space<vmem>>, vector<16xi32>,
    %get3A_357 = arith.constant 400 : index
    %get3A_358 = tpu.vector_load %arg11[%get3A_357] {strides = array<i32>} : memref<512xi32, #tpu.memory_space<vmem>>, vector<16xi32>,
    %min3A_359 = arith.constant 999423 : i32
    %min3A_360 = vector.broadcast %min3A_359 : i32 to vector<16xi32>
    %min3A_361 = arith.minsi %get3A_358, %min3A_360 : vector<16xi32>
    %swap3A_362 = arith.constant 400 : index
    %swap3A_363 = tpu.vector_load %arg13[%swap3A_362] {strides = array<i32>} : memref<512xi32, #tpu.memory_space<vmem>>, vector<16xi32>,
    tpu.vector_store %arg13[%swap3A_362], %min3A_361 {strides = array<i32>} : memref<512xi32, #tpu.memory_space<vmem>>, vector<16xi32>,
    %get3A_364 = arith.constant 416 : index
    %get3A_365 = tpu.vector_load %arg10[%get3A_364] {strides = array<i32>} : memref<512xi32, #tpu.memory_space<vmem>>, vector<16xi32>,
    %min3A_366 = arith.constant 999423 : i32
    %min3A_367 = vector.broadcast %min3A_366 : i32 to vector<16xi32>
    %min3A_368 = arith.minsi %get3A_365, %min3A_367 : vector<16xi32>
    %swap3A_369 = arith.constant 416 : index
    %swap3A_370 = tpu.vector_load %arg12[%swap3A_369] {strides = array<i32>} : memref<512xi32, #tpu.memory_space<vmem>>, vector<16xi32>,
    tpu.vector_store %arg12[%swap3A_369], %min3A_368 {strides = array<i32>} : memref<512xi32, #tpu.memory_space<vmem>>, vector<16xi32>,
    %get3A_371 = arith.constant 416 : index
    %get3A_372 = tpu.vector_load %arg11[%get3A_371] {strides = array<i32>} : memref<512xi32, #tpu.memory_space<vmem>>, vector<16xi32>,
    %min3A_373 = arith.constant 999423 : i32
    %min3A_374 = vector.broadcast %min3A_373 : i32 to vector<16xi32>
    %min3A_375 = arith.minsi %get3A_372, %min3A_374 : vector<16xi32>
    %swap3A_376 = arith.constant 416 : index
    %swap3A_377 = tpu.vector_load %arg13[%swap3A_376] {strides = array<i32>} : memref<512xi32, #tpu.memory_space<vmem>>, vector<16xi32>,
    tpu.vector_store %arg13[%swap3A_376], %min3A_375 {strides = array<i32>} : memref<512xi32, #tpu.memory_space<vmem>>, vector<16xi32>,
    %get3A_378 = arith.constant 432 : index
    %get3A_379 = tpu.vector_load %arg10[%get3A_378] {strides = array<i32>} : memref<512xi32, #tpu.memory_space<vmem>>, vector<16xi32>,
    %min3A_380 = arith.constant 999423 : i32
    %min3A_381 = vector.broadcast %min3A_380 : i32 to vector<16xi32>
    %min3A_382 = arith.minsi %get3A_379, %min3A_381 : vector<16xi32>
    %swap3A_383 = arith.constant 432 : index
    %swap3A_384 = tpu.vector_load %arg12[%swap3A_383] {strides = array<i32>} : memref<512xi32, #tpu.memory_space<vmem>>, vector<16xi32>,
    tpu.vector_store %arg12[%swap3A_383], %min3A_382 {strides = array<i32>} : memref<512xi32, #tpu.memory_space<vmem>>, vector<16xi32>,
    %get3A_385 = arith.constant 432 : index
    %get3A_386 = tpu.vector_load %arg11[%get3A_385] {strides = array<i32>} : memref<512xi32, #tpu.memory_space<vmem>>, vector<16xi32>,
    %min3A_387 = arith.constant 999423 : i32
    %min3A_388 = vector.broadcast %min3A_387 : i32 to vector<16xi32>
    %min3A_389 = arith.minsi %get3A_386, %min3A_388 : vector<16xi32>
    %swap3A_390 = arith.constant 432 : index
    %swap3A_391 = tpu.vector_load %arg13[%swap3A_390] {strides = array<i32>} : memref<512xi32, #tpu.memory_space<vmem>>, vector<16xi32>,
    tpu.vector_store %arg13[%swap3A_390], %min3A_389 {strides = array<i32>} : memref<512xi32, #tpu.memory_space<vmem>>, vector<16xi32>,
    %get3A_392 = arith.constant 448 : index
    %get3A_393 = tpu.vector_load %arg10[%get3A_392] {strides = array<i32>} : memref<512xi32, #tpu.memory_space<vmem>>, vector<16xi32>,
    %min3A_394 = arith.constant 999423 : i32
    %min3A_395 = vector.broadcast %min3A_394 : i32 to vector<16xi32>
    %min3A_396 = arith.minsi %get3A_393, %min3A_395 : vector<16xi32>
    %swap3A_397 = arith.constant 448 : index
    %swap3A_398 = tpu.vector_load %arg12[%swap3A_397] {strides = array<i32>} : memref<512xi32, #tpu.memory_space<vmem>>, vector<16xi32>,
    tpu.vector_store %arg12[%swap3A_397], %min3A_396 {strides = array<i32>} : memref<512xi32, #tpu.memory_space<vmem>>, vector<16xi32>,
    %get3A_399 = arith.constant 448 : index
    %get3A_400 = tpu.vector_load %arg11[%get3A_399] {strides = array<i32>} : memref<512xi32, #tpu.memory_space<vmem>>, vector<16xi32>,
    %min3A_401 = arith.constant 999423 : i32
    %min3A_402 = vector.broadcast %min3A_401 : i32 to vector<16xi32>
    %min3A_403 = arith.minsi %get3A_400, %min3A_402 : vector<16xi32>
    %swap3A_404 = arith.constant 448 : index
    %swap3A_405 = tpu.vector_load %arg13[%swap3A_404] {strides = array<i32>} : memref<512xi32, #tpu.memory_space<vmem>>, vector<16xi32>,
    tpu.vector_store %arg13[%swap3A_404], %min3A_403 {strides = array<i32>} : memref<512xi32, #tpu.memory_space<vmem>>, vector<16xi32>,
    %get3A_406 = arith.constant 464 : index
    %get3A_407 = tpu.vector_load %arg10[%get3A_406] {strides = array<i32>} : memref<512xi32, #tpu.memory_space<vmem>>, vector<16xi32>,
    %min3A_408 = arith.constant 999423 : i32
    %min3A_409 = vector.broadcast %min3A_408 : i32 to vector<16xi32>
    %min3A_410 = arith.minsi %get3A_407, %min3A_409 : vector<16xi32>
    %swap3A_411 = arith.constant 464 : index
    %swap3A_412 = tpu.vector_load %arg12[%swap3A_411] {strides = array<i32>} : memref<512xi32, #tpu.memory_space<vmem>>, vector<16xi32>,
    tpu.vector_store %arg12[%swap3A_411], %min3A_410 {strides = array<i32>} : memref<512xi32, #tpu.memory_space<vmem>>, vector<16xi32>,
    %get3A_413 = arith.constant 464 : index
    %get3A_414 = tpu.vector_load %arg11[%get3A_413] {strides = array<i32>} : memref<512xi32, #tpu.memory_space<vmem>>, vector<16xi32>,
    %min3A_415 = arith.constant 999423 : i32
    %min3A_416 = vector.broadcast %min3A_415 : i32 to vector<16xi32>
    %min3A_417 = arith.minsi %get3A_414, %min3A_416 : vector<16xi32>
    %swap3A_418 = arith.constant 464 : index
    %swap3A_419 = tpu.vector_load %arg13[%swap3A_418] {strides = array<i32>} : memref<512xi32, #tpu.memory_space<vmem>>, vector<16xi32>,
    tpu.vector_store %arg13[%swap3A_418], %min3A_417 {strides = array<i32>} : memref<512xi32, #tpu.memory_space<vmem>>, vector<16xi32>,
    %get3A_420 = arith.constant 480 : index
    %get3A_421 = tpu.vector_load %arg10[%get3A_420] {strides = array<i32>} : memref<512xi32, #tpu.memory_space<vmem>>, vector<16xi32>,
    %min3A_422 = arith.constant 999423 : i32
    %min3A_423 = vector.broadcast %min3A_422 : i32 to vector<16xi32>
    %min3A_424 = arith.minsi %get3A_421, %min3A_423 : vector<16xi32>
    %swap3A_425 = arith.constant 480 : index
    %swap3A_426 = tpu.vector_load %arg12[%swap3A_425] {strides = array<i32>} : memref<512xi32, #tpu.memory_space<vmem>>, vector<16xi32>,
    tpu.vector_store %arg12[%swap3A_425], %min3A_424 {strides = array<i32>} : memref<512xi32, #tpu.memory_space<vmem>>, vector<16xi32>,
    %get3A_427 = arith.constant 480 : index
    %get3A_428 = tpu.vector_load %arg11[%get3A_427] {strides = array<i32>} : memref<512xi32, #tpu.memory_space<vmem>>, vector<16xi32>,
    %min3A_429 = arith.constant 999423 : i32
    %min3A_430 = vector.broadcast %min3A_429 : i32 to vector<16xi32>
    %min3A_431 = arith.minsi %get3A_428, %min3A_430 : vector<16xi32>
    %swap3A_432 = arith.constant 480 : index
    %swap3A_433 = tpu.vector_load %arg13[%swap3A_432] {strides = array<i32>} : memref<512xi32, #tpu.memory_space<vmem>>, vector<16xi32>,
    tpu.vector_store %arg13[%swap3A_432], %min3A_431 {strides = array<i32>} : memref<512xi32, #tpu.memory_space<vmem>>, vector<16xi32>,
    %get3A_434 = arith.constant 496 : index
    %get3A_435 = tpu.vector_load %arg10[%get3A_434] {strides = array<i32>} : memref<512xi32, #tpu.memory_space<vmem>>, vector<16xi32>,
    %min3A_436 = arith.constant 999423 : i32
    %min3A_437 = vector.broadcast %min3A_436 : i32 to vector<16xi32>
    %min3A_438 = arith.minsi %get3A_435, %min3A_437 : vector<16xi32>
    %swap3A_439 = arith.constant 496 : index
    %swap3A_440 = tpu.vector_load %arg12[%swap3A_439] {strides = array<i32>} : memref<512xi32, #tpu.memory_space<vmem>>, vector<16xi32>,
    tpu.vector_store %arg12[%swap3A_439], %min3A_438 {strides = array<i32>} : memref<512xi32, #tpu.memory_space<vmem>>, vector<16xi32>,
    %get3A_441 = arith.constant 496 : index
    %get3A_442 = tpu.vector_load %arg11[%get3A_441] {strides = array<i32>} : memref<512xi32, #tpu.memory_space<vmem>>, vector<16xi32>,
    %min3A_443 = arith.constant 999423 : i32
    %min3A_444 = vector.broadcast %min3A_443 : i32 to vector<16xi32>
    %min3A_445 = arith.minsi %get3A_442, %min3A_444 : vector<16xi32>
    %swap3A_446 = arith.constant 496 : index
    %swap3A_447 = tpu.vector_load %arg13[%swap3A_446] {strides = array<i32>} : memref<512xi32, #tpu.memory_space<vmem>>, vector<16xi32>,
    tpu.vector_store %arg13[%swap3A_446], %min3A_445 {strides = array<i32>} : memref<512xi32, #tpu.memory_space<vmem>>, vector<16xi32>,
    %dma_start3A = arith.constant 0 : i32
    %dma_start3A_448 = tpu.memref_slice %arg2[%dma_start3A] : memref<999424xf32, #tpu.memory_space<hbm>> -> memref<999424xf32, #tpu.memory_space<hbm>>
    tpu.enqueue_indirect_dma source(%dma_start3A_448 : memref<999424xf32, #tpu.memory_space<hbm>>) target(%arg14 : memref<512xf32, #tpu.memory_space<vmem>>) offsets(%arg12 : memref<512xi32, #tpu.memory_space<vmem>>) semaphore(%arg20 : memref<!tpu.dma_semaphore, #tpu.memory_space<semaphore_mem>>)
    %dma_start3A_449 = arith.constant 0 : i32
    %dma_start3A_450 = tpu.memref_slice %arg3[%dma_start3A_449] : memref<999424xf32, #tpu.memory_space<hbm>> -> memref<999424xf32, #tpu.memory_space<hbm>>
    tpu.enqueue_indirect_dma source(%dma_start3A_450 : memref<999424xf32, #tpu.memory_space<hbm>>) target(%arg15 : memref<512xf32, #tpu.memory_space<vmem>>) offsets(%arg13 : memref<512xi32, #tpu.memory_space<vmem>>) semaphore(%arg20 : memref<!tpu.dma_semaphore, #tpu.memory_space<semaphore_mem>>)
    %dma_start3A_451 = arith.constant 0 : i32
    %dma_start3A_452 = tpu.memref_slice %arg4[%dma_start3A_451] : memref<999424xf32, #tpu.memory_space<hbm>> -> memref<999424xf32, #tpu.memory_space<hbm>>
    tpu.enqueue_indirect_dma source(%dma_start3A_452 : memref<999424xf32, #tpu.memory_space<hbm>>) target(%arg16 : memref<512xf32, #tpu.memory_space<vmem>>) offsets(%arg13 : memref<512xi32, #tpu.memory_space<vmem>>) semaphore(%arg20 : memref<!tpu.dma_semaphore, #tpu.memory_space<semaphore_mem>>)
    %dma_start3A_453 = arith.constant 0 : i32
    %dma_start3A_454 = tpu.memref_slice %arg5[%dma_start3A_453] : memref<999424xf32, #tpu.memory_space<hbm>> -> memref<999424xf32, #tpu.memory_space<hbm>>
    tpu.enqueue_indirect_dma source(%dma_start3A_454 : memref<999424xf32, #tpu.memory_space<hbm>>) target(%arg17 : memref<512xf32, #tpu.memory_space<vmem>>) offsets(%arg13 : memref<512xi32, #tpu.memory_space<vmem>>) semaphore(%arg20 : memref<!tpu.dma_semaphore, #tpu.memory_space<semaphore_mem>>)
    "tpu.region"() ({
      %run_scoped3A = tpu.sem_alloc : memref<!tpu.dma_semaphore, #tpu.memory_space<semaphore_mem>>
      tpu.enqueue_dma source(%arg6 : memref<2304xf32, #tpu.memory_space<hbm>>) target(%arg18 : memref<2304xf32, #tpu.memory_space<vmem>>) target_semaphore(%run_scoped3A : memref<!tpu.dma_semaphore, #tpu.memory_space<semaphore_mem>>)
      tpu.wait_dma2 semaphore(%run_scoped3A : memref<!tpu.dma_semaphore, #tpu.memory_space<semaphore_mem>>) src(%arg6 : memref<2304xf32, #tpu.memory_space<hbm>>) dst(%arg18 : memref<2304xf32, #tpu.memory_space<vmem>>)
      tpu.yield
    }) : () -> ()
    %dma_wait3A = arith.constant 0 : i32
    %dma_wait3A_455 = tpu.memref_slice %arg2[%dma_wait3A] : memref<999424xf32, #tpu.memory_space<hbm>> -> memref<999424xf32, #tpu.memory_space<hbm>>
    tpu.wait_indirect_dma semaphore(%arg20 : memref<!tpu.dma_semaphore, #tpu.memory_space<semaphore_mem>>) src(%dma_wait3A_455 : memref<999424xf32, #tpu.memory_space<hbm>>) dst(%arg14 : memref<512xf32, #tpu.memory_space<vmem>>)
    %dma_wait3A_456 = arith.constant 0 : i32
    %dma_wait3A_457 = tpu.memref_slice %arg3[%dma_wait3A_456] : memref<999424xf32, #tpu.memory_space<hbm>> -> memref<999424xf32, #tpu.memory_space<hbm>>
    tpu.wait_indirect_dma semaphore(%arg20 : memref<!tpu.dma_semaphore, #tpu.memory_space<semaphore_mem>>) src(%dma_wait3A_457 : memref<999424xf32, #tpu.memory_space<hbm>>) dst(%arg15 : memref<512xf32, #tpu.memory_space<vmem>>)
    %dma_wait3A_458 = arith.constant 0 : i32
    %dma_wait3A_459 = tpu.memref_slice %arg4[%dma_wait3A_458] : memref<999424xf32, #tpu.memory_space<hbm>> -> memref<999424xf32, #tpu.memory_space<hbm>>
    tpu.wait_indirect_dma semaphore(%arg20 : memref<!tpu.dma_semaphore, #tpu.memory_space<semaphore_mem>>) src(%dma_wait3A_459 : memref<999424xf32, #tpu.memory_space<hbm>>) dst(%arg16 : memref<512xf32, #tpu.memory_space<vmem>>)
    %dma_wait3A_460 = arith.constant 0 : i32
    %dma_wait3A_461 = tpu.memref_slice %arg5[%dma_wait3A_460] : memref<999424xf32, #tpu.memory_space<hbm>> -> memref<999424xf32, #tpu.memory_space<hbm>>
    tpu.wait_indirect_dma semaphore(%arg20 : memref<!tpu.dma_semaphore, #tpu.memory_space<semaphore_mem>>) src(%dma_wait3A_461 : memref<999424xf32, #tpu.memory_space<hbm>>) dst(%arg17 : memref<512xf32, #tpu.memory_space<vmem>>)
    %get3A_462 = arith.constant 0 : index
    %get3A_463 = tpu.vector_load %arg10[%get3A_462] {strides = array<i32>} : memref<512xi32, #tpu.memory_space<vmem>>, vector<16xi32>,
    %get3A_464 = arith.constant 0 : index
    %get3A_465 = tpu.vector_load %arg11[%get3A_464] {strides = array<i32>} : memref<512xi32, #tpu.memory_space<vmem>>, vector<16xi32>,
    %sub3A = arith.constant 999424 : i32
    %sub3A_466 = vector.broadcast %sub3A : i32 to vector<16xi32>
    %sub3A_467 = arith.subi %get3A_463, %sub3A_466 : vector<16xi32>
    %max3A = arith.constant 0 : i32
    %max3A_468 = vector.broadcast %max3A : i32 to vector<16xi32>
    %max3A_469 = arith.maxsi %sub3A_467, %max3A_468 : vector<16xi32>
    %sub3A_470 = arith.constant 999424 : i32
    %sub3A_471 = vector.broadcast %sub3A_470 : i32 to vector<16xi32>
    %sub3A_472 = arith.subi %get3A_465, %sub3A_471 : vector<16xi32>
    %max3A_473 = arith.constant 0 : i32
    %max3A_474 = vector.broadcast %max3A_473 : i32 to vector<16xi32>
    %max3A_475 = arith.maxsi %sub3A_472, %max3A_474 : vector<16xi32>
    %lt3A = arith.constant 999424 : i32
    %lt3A_476 = vector.broadcast %lt3A : i32 to vector<16xi32>
    %lt3A_477 = arith.cmpi slt, %get3A_463, %lt3A_476 : vector<16xi32>
    %get3A_478 = arith.constant 0 : index
    %get3A_479 = tpu.vector_load %arg14[%get3A_478] {strides = array<i32>} : memref<512xf32, #tpu.memory_space<vmem>>, vector<16xf32>,
    %gather3A = tpu.vector_load_idx %arg18[%max3A_469] : memref<2304xf32, #tpu.memory_space<vmem>>[vector<16xi32>], vector<16xf32>,
    %select_n3A = arith.select %lt3A_477, %get3A_479, %gather3A : vector<16xi1>, vector<16xf32>
    %lt3A_480 = arith.constant 999424 : i32
    %lt3A_481 = vector.broadcast %lt3A_480 : i32 to vector<16xi32>
    %lt3A_482 = arith.cmpi slt, %get3A_465, %lt3A_481 : vector<16xi32>
    %get3A_483 = arith.constant 0 : index
    %get3A_484 = tpu.vector_load %arg15[%get3A_483] {strides = array<i32>} : memref<512xf32, #tpu.memory_space<vmem>>, vector<16xf32>,
    %add3A_485 = arith.constant 576 : i32
    %add3A_486 = vector.broadcast %add3A_485 : i32 to vector<16xi32>
    %add3A_487 = arith.addi %max3A_475, %add3A_486 : vector<16xi32>
    %gather3A_488 = tpu.vector_load_idx %arg18[%add3A_487] : memref<2304xf32, #tpu.memory_space<vmem>>[vector<16xi32>], vector<16xf32>,
    %select_n3A_489 = arith.select %lt3A_482, %get3A_484, %gather3A_488 : vector<16xi1>, vector<16xf32>
    %lt3A_490 = arith.constant 999424 : i32
    %lt3A_491 = vector.broadcast %lt3A_490 : i32 to vector<16xi32>
    %lt3A_492 = arith.cmpi slt, %get3A_465, %lt3A_491 : vector<16xi32>
    %get3A_493 = arith.constant 0 : index
    %get3A_494 = tpu.vector_load %arg16[%get3A_493] {strides = array<i32>} : memref<512xf32, #tpu.memory_space<vmem>>, vector<16xf32>,
    %add3A_495 = arith.constant 1152 : i32
    %add3A_496 = vector.broadcast %add3A_495 : i32 to vector<16xi32>
    %add3A_497 = arith.addi %max3A_475, %add3A_496 : vector<16xi32>
    %gather3A_498 = tpu.vector_load_idx %arg18[%add3A_497] : memref<2304xf32, #tpu.memory_space<vmem>>[vector<16xi32>], vector<16xf32>,
    %select_n3A_499 = arith.select %lt3A_492, %get3A_494, %gather3A_498 : vector<16xi1>, vector<16xf32>
    %lt3A_500 = arith.constant 999424 : i32
    %lt3A_501 = vector.broadcast %lt3A_500 : i32 to vector<16xi32>
    %lt3A_502 = arith.cmpi slt, %get3A_465, %lt3A_501 : vector<16xi32>
    %get3A_503 = arith.constant 0 : index
    %get3A_504 = tpu.vector_load %arg17[%get3A_503] {strides = array<i32>} : memref<512xf32, #tpu.memory_space<vmem>>, vector<16xf32>,
    %add3A_505 = arith.constant 1728 : i32
    %add3A_506 = vector.broadcast %add3A_505 : i32 to vector<16xi32>
    %add3A_507 = arith.addi %max3A_475, %add3A_506 : vector<16xi32>
    %gather3A_508 = tpu.vector_load_idx %arg18[%add3A_507] : memref<2304xf32, #tpu.memory_space<vmem>>[vector<16xi32>], vector<16xf32>,
    %select_n3A_509 = arith.select %lt3A_502, %get3A_504, %gather3A_508 : vector<16xi1>, vector<16xf32>
    %neg3A = arith.constant 0.000000e+00 : f32
    %neg3A_510 = vector.broadcast %neg3A : f32 to vector<16xf32>
    %neg3A_511 = arith.subf %neg3A_510, %select_n3A : vector<16xf32>
    %exp3A = math.exp %neg3A_511 : vector<16xf32>
    %add3A_512 = arith.constant 1.000000e+00 : f32
    %add3A_513 = vector.broadcast %add3A_512 : f32 to vector<16xf32>
    %add3A_514 = arith.addf %add3A_513, %exp3A : vector<16xf32>
    %div3A = arith.constant 1.000000e+00 : f32
    %div3A_515 = vector.broadcast %div3A : f32 to vector<16xf32>
    %div3A_516 = arith.divf %div3A_515, %add3A_514 : vector<16xf32>
    %sub3A_517 = arith.constant 5.000000e-01 : f32
    %sub3A_518 = vector.broadcast %sub3A_517 : f32 to vector<16xf32>
    %sub3A_519 = arith.subf %div3A_516, %sub3A_518 : vector<16xf32>
    %mul3A_520 = arith.constant 8.000000e+00 : f32
    %mul3A_521 = vector.broadcast %mul3A_520 : f32 to vector<16xf32>
    %mul3A_522 = arith.mulf %mul3A_521, %sub3A_519 : vector<16xf32>
    %neg3A_523 = arith.constant 0.000000e+00 : f32
    %neg3A_524 = vector.broadcast %neg3A_523 : f32 to vector<16xf32>
    %neg3A_525 = arith.subf %neg3A_524, %select_n3A_489 : vector<16xf32>
    %exp3A_526 = math.exp %neg3A_525 : vector<16xf32>
    %add3A_527 = arith.constant 1.000000e+00 : f32
    %add3A_528 = vector.broadcast %add3A_527 : f32 to vector<16xf32>
    %add3A_529 = arith.addf %add3A_528, %exp3A_526 : vector<16xf32>
    %div3A_530 = arith.constant 1.000000e+00 : f32
    %div3A_531 = vector.broadcast %div3A_530 : f32 to vector<16xf32>
    %div3A_532 = arith.divf %div3A_531, %add3A_529 : vector<16xf32>
    %mul3A_533 = arith.constant 4.000000e+00 : f32
    %mul3A_534 = vector.broadcast %mul3A_533 : f32 to vector<16xf32>
    %mul3A_535 = arith.mulf %mul3A_534, %div3A_532 : vector<16xf32>
    %neg3A_536 = arith.constant 0.000000e+00 : f32
    %neg3A_537 = vector.broadcast %neg3A_536 : f32 to vector<16xf32>
    %neg3A_538 = arith.subf %neg3A_537, %select_n3A_499 : vector<16xf32>
    %exp3A_539 = math.exp %neg3A_538 : vector<16xf32>
    %add3A_540 = arith.constant 1.000000e+00 : f32
    %add3A_541 = vector.broadcast %add3A_540 : f32 to vector<16xf32>
    %add3A_542 = arith.addf %add3A_541, %exp3A_539 : vector<16xf32>
    %div3A_543 = arith.constant 1.000000e+00 : f32
    %div3A_544 = vector.broadcast %div3A_543 : f32 to vector<16xf32>
    %div3A_545 = arith.divf %div3A_544, %add3A_542 : vector<16xf32>
    %sub3A_546 = arith.constant 5.000000e-01 : f32
    %sub3A_547 = vector.broadcast %sub3A_546 : f32 to vector<16xf32>
    %sub3A_548 = arith.subf %div3A_545, %sub3A_547 : vector<16xf32>
    %mul3A_549 = arith.constant 8.000000e+00 : f32
    %mul3A_550 = vector.broadcast %mul3A_549 : f32 to vector<16xf32>
    %mul3A_551 = arith.mulf %mul3A_550, %sub3A_548 : vector<16xf32>
    %neg3A_552 = arith.constant 0.000000e+00 : f32
    %neg3A_553 = vector.broadcast %neg3A_552 : f32 to vector<16xf32>
    %neg3A_554 = arith.subf %neg3A_553, %select_n3A_509 : vector<16xf32>
    %exp3A_555 = math.exp %neg3A_554 : vector<16xf32>
    %add3A_556 = arith.constant 1.000000e+00 : f32
    %add3A_557 = vector.broadcast %add3A_556 : f32 to vector<16xf32>
    %add3A_558 = arith.addf %add3A_557, %exp3A_555 : vector<16xf32>
    %div3A_559 = arith.constant 1.000000e+00 : f32
    %div3A_560 = vector.broadcast %div3A_559 : f32 to vector<16xf32>
    %div3A_561 = arith.divf %div3A_560, %add3A_558 : vector<16xf32>
    %sub3A_562 = arith.constant 1.000000e+00 : f32
    %sub3A_563 = vector.broadcast %sub3A_562 : f32 to vector<16xf32>
    %sub3A_564 = arith.subf %sub3A_563, %div3A_561 : vector<16xf32>
    %mul3A_565 = arith.constant 1.702000e+00 : f32
    %mul3A_566 = vector.broadcast %mul3A_565 : f32 to vector<16xf32>
    %mul3A_567 = arith.mulf %mul3A_566, %mul3A_535 : vector<16xf32>
    %sub3A_568 = arith.subf %mul3A_522, %mul3A_551 : vector<16xf32>
    %mul3A_569 = arith.mulf %mul3A_567, %sub3A_568 : vector<16xf32>
    %neg3A_570 = arith.constant 0.000000e+00 : f32
    %neg3A_571 = vector.broadcast %neg3A_570 : f32 to vector<16xf32>
    %neg3A_572 = arith.subf %neg3A_571, %mul3A_569 : vector<16xf32>
    %exp3A_573 = math.exp %neg3A_572 : vector<16xf32>
    %add3A_574 = arith.constant 1.000000e+00 : f32
    %add3A_575 = vector.broadcast %add3A_574 : f32 to vector<16xf32>
    %add3A_576 = arith.addf %add3A_575, %exp3A_573 : vector<16xf32>
    %div3A_577 = arith.constant 1.000000e+00 : f32
    %div3A_578 = vector.broadcast %div3A_577 : f32 to vector<16xf32>
    %div3A_579 = arith.divf %div3A_578, %add3A_576 : vector<16xf32>
    %mul3A_580 = arith.mulf %sub3A_564, %div3A_579 : vector<16xf32>
    %add3A_581 = arith.addf %div3A_561, %mul3A_580 : vector<16xf32>
    %swap3A_582 = arith.constant 0 : index
    %swap3A_583 = tpu.vector_load %arg19[%swap3A_582] {strides = array<i32>} : memref<512xf32, #tpu.memory_space<vmem>>, vector<16xf32>,
    tpu.vector_store %arg19[%swap3A_582], %add3A_581 {strides = array<i32>} : memref<512xf32, #tpu.memory_space<vmem>>, vector<16xf32>,
    %get3A_584 = arith.constant 16 : index
    %get3A_585 = tpu.vector_load %arg10[%get3A_584] {strides = array<i32>} : memref<512xi32, #tpu.memory_space<vmem>>, vector<16xi32>,
    %get3A_586 = arith.constant 16 : index
    %get3A_587 = tpu.vector_load %arg11[%get3A_586] {strides = array<i32>} : memref<512xi32, #tpu.memory_space<vmem>>, vector<16xi32>,
    %sub3A_588 = arith.constant 999424 : i32
    %sub3A_589 = vector.broadcast %sub3A_588 : i32 to vector<16xi32>
    %sub3A_590 = arith.subi %get3A_585, %sub3A_589 : vector<16xi32>
    %max3A_591 = arith.constant 0 : i32
    %max3A_592 = vector.broadcast %max3A_591 : i32 to vector<16xi32>
    %max3A_593 = arith.maxsi %sub3A_590, %max3A_592 : vector<16xi32>
    %sub3A_594 = arith.constant 999424 : i32
    %sub3A_595 = vector.broadcast %sub3A_594 : i32 to vector<16xi32>
    %sub3A_596 = arith.subi %get3A_587, %sub3A_595 : vector<16xi32>
    %max3A_597 = arith.constant 0 : i32
    %max3A_598 = vector.broadcast %max3A_597 : i32 to vector<16xi32>
    %max3A_599 = arith.maxsi %sub3A_596, %max3A_598 : vector<16xi32>
    %lt3A_600 = arith.constant 999424 : i32
    %lt3A_601 = vector.broadcast %lt3A_600 : i32 to vector<16xi32>
    %lt3A_602 = arith.cmpi slt, %get3A_585, %lt3A_601 : vector<16xi32>
    %get3A_603 = arith.constant 16 : index
    %get3A_604 = tpu.vector_load %arg14[%get3A_603] {strides = array<i32>} : memref<512xf32, #tpu.memory_space<vmem>>, vector<16xf32>,
    %gather3A_605 = tpu.vector_load_idx %arg18[%max3A_593] : memref<2304xf32, #tpu.memory_space<vmem>>[vector<16xi32>], vector<16xf32>,
    %select_n3A_606 = arith.select %lt3A_602, %get3A_604, %gather3A_605 : vector<16xi1>, vector<16xf32>
    %lt3A_607 = arith.constant 999424 : i32
    %lt3A_608 = vector.broadcast %lt3A_607 : i32 to vector<16xi32>
    %lt3A_609 = arith.cmpi slt, %get3A_587, %lt3A_608 : vector<16xi32>
    %get3A_610 = arith.constant 16 : index
    %get3A_611 = tpu.vector_load %arg15[%get3A_610] {strides = array<i32>} : memref<512xf32, #tpu.memory_space<vmem>>, vector<16xf32>,
    %add3A_612 = arith.constant 576 : i32
    %add3A_613 = vector.broadcast %add3A_612 : i32 to vector<16xi32>
    %add3A_614 = arith.addi %max3A_599, %add3A_613 : vector<16xi32>
    %gather3A_615 = tpu.vector_load_idx %arg18[%add3A_614] : memref<2304xf32, #tpu.memory_space<vmem>>[vector<16xi32>], vector<16xf32>,
    %select_n3A_616 = arith.select %lt3A_609, %get3A_611, %gather3A_615 : vector<16xi1>, vector<16xf32>
    %lt3A_617 = arith.constant 999424 : i32
    %lt3A_618 = vector.broadcast %lt3A_617 : i32 to vector<16xi32>
    %lt3A_619 = arith.cmpi slt, %get3A_587, %lt3A_618 : vector<16xi32>
    %get3A_620 = arith.constant 16 : index
    %get3A_621 = tpu.vector_load %arg16[%get3A_620] {strides = array<i32>} : memref<512xf32, #tpu.memory_space<vmem>>, vector<16xf32>,
    %add3A_622 = arith.constant 1152 : i32
    %add3A_623 = vector.broadcast %add3A_622 : i32 to vector<16xi32>
    %add3A_624 = arith.addi %max3A_599, %add3A_623 : vector<16xi32>
    %gather3A_625 = tpu.vector_load_idx %arg18[%add3A_624] : memref<2304xf32, #tpu.memory_space<vmem>>[vector<16xi32>], vector<16xf32>,
    %select_n3A_626 = arith.select %lt3A_619, %get3A_621, %gather3A_625 : vector<16xi1>, vector<16xf32>
    %lt3A_627 = arith.constant 999424 : i32
    %lt3A_628 = vector.broadcast %lt3A_627 : i32 to vector<16xi32>
    %lt3A_629 = arith.cmpi slt, %get3A_587, %lt3A_628 : vector<16xi32>
    %get3A_630 = arith.constant 16 : index
    %get3A_631 = tpu.vector_load %arg17[%get3A_630] {strides = array<i32>} : memref<512xf32, #tpu.memory_space<vmem>>, vector<16xf32>,
    %add3A_632 = arith.constant 1728 : i32
    %add3A_633 = vector.broadcast %add3A_632 : i32 to vector<16xi32>
    %add3A_634 = arith.addi %max3A_599, %add3A_633 : vector<16xi32>
    %gather3A_635 = tpu.vector_load_idx %arg18[%add3A_634] : memref<2304xf32, #tpu.memory_space<vmem>>[vector<16xi32>], vector<16xf32>,
    %select_n3A_636 = arith.select %lt3A_629, %get3A_631, %gather3A_635 : vector<16xi1>, vector<16xf32>
    %neg3A_637 = arith.constant 0.000000e+00 : f32
    %neg3A_638 = vector.broadcast %neg3A_637 : f32 to vector<16xf32>
    %neg3A_639 = arith.subf %neg3A_638, %select_n3A_606 : vector<16xf32>
    %exp3A_640 = math.exp %neg3A_639 : vector<16xf32>
    %add3A_641 = arith.constant 1.000000e+00 : f32
    %add3A_642 = vector.broadcast %add3A_641 : f32 to vector<16xf32>
    %add3A_643 = arith.addf %add3A_642, %exp3A_640 : vector<16xf32>
    %div3A_644 = arith.constant 1.000000e+00 : f32
    %div3A_645 = vector.broadcast %div3A_644 : f32 to vector<16xf32>
    %div3A_646 = arith.divf %div3A_645, %add3A_643 : vector<16xf32>
    %sub3A_647 = arith.constant 5.000000e-01 : f32
    %sub3A_648 = vector.broadcast %sub3A_647 : f32 to vector<16xf32>
    %sub3A_649 = arith.subf %div3A_646, %sub3A_648 : vector<16xf32>
    %mul3A_650 = arith.constant 8.000000e+00 : f32
    %mul3A_651 = vector.broadcast %mul3A_650 : f32 to vector<16xf32>
    %mul3A_652 = arith.mulf %mul3A_651, %sub3A_649 : vector<16xf32>
    %neg3A_653 = arith.constant 0.000000e+00 : f32
    %neg3A_654 = vector.broadcast %neg3A_653 : f32 to vector<16xf32>
    %neg3A_655 = arith.subf %neg3A_654, %select_n3A_616 : vector<16xf32>
    %exp3A_656 = math.exp %neg3A_655 : vector<16xf32>
    %add3A_657 = arith.constant 1.000000e+00 : f32
    %add3A_658 = vector.broadcast %add3A_657 : f32 to vector<16xf32>
    %add3A_659 = arith.addf %add3A_658, %exp3A_656 : vector<16xf32>
    %div3A_660 = arith.constant 1.000000e+00 : f32
    %div3A_661 = vector.broadcast %div3A_660 : f32 to vector<16xf32>
    %div3A_662 = arith.divf %div3A_661, %add3A_659 : vector<16xf32>
    %mul3A_663 = arith.constant 4.000000e+00 : f32
    %mul3A_664 = vector.broadcast %mul3A_663 : f32 to vector<16xf32>
    %mul3A_665 = arith.mulf %mul3A_664, %div3A_662 : vector<16xf32>
    %neg3A_666 = arith.constant 0.000000e+00 : f32
    %neg3A_667 = vector.broadcast %neg3A_666 : f32 to vector<16xf32>
    %neg3A_668 = arith.subf %neg3A_667, %select_n3A_626 : vector<16xf32>
    %exp3A_669 = math.exp %neg3A_668 : vector<16xf32>
    %add3A_670 = arith.constant 1.000000e+00 : f32
    %add3A_671 = vector.broadcast %add3A_670 : f32 to vector<16xf32>
    %add3A_672 = arith.addf %add3A_671, %exp3A_669 : vector<16xf32>
    %div3A_673 = arith.constant 1.000000e+00 : f32
    %div3A_674 = vector.broadcast %div3A_673 : f32 to vector<16xf32>
    %div3A_675 = arith.divf %div3A_674, %add3A_672 : vector<16xf32>
    %sub3A_676 = arith.constant 5.000000e-01 : f32
    %sub3A_677 = vector.broadcast %sub3A_676 : f32 to vector<16xf32>
    %sub3A_678 = arith.subf %div3A_675, %sub3A_677 : vector<16xf32>
    %mul3A_679 = arith.constant 8.000000e+00 : f32
    %mul3A_680 = vector.broadcast %mul3A_679 : f32 to vector<16xf32>
    %mul3A_681 = arith.mulf %mul3A_680, %sub3A_678 : vector<16xf32>
    %neg3A_682 = arith.constant 0.000000e+00 : f32
    %neg3A_683 = vector.broadcast %neg3A_682 : f32 to vector<16xf32>
    %neg3A_684 = arith.subf %neg3A_683, %select_n3A_636 : vector<16xf32>
    %exp3A_685 = math.exp %neg3A_684 : vector<16xf32>
    %add3A_686 = arith.constant 1.000000e+00 : f32
    %add3A_687 = vector.broadcast %add3A_686 : f32 to vector<16xf32>
    %add3A_688 = arith.addf %add3A_687, %exp3A_685 : vector<16xf32>
    %div3A_689 = arith.constant 1.000000e+00 : f32
    %div3A_690 = vector.broadcast %div3A_689 : f32 to vector<16xf32>
    %div3A_691 = arith.divf %div3A_690, %add3A_688 : vector<16xf32>
    %sub3A_692 = arith.constant 1.000000e+00 : f32
    %sub3A_693 = vector.broadcast %sub3A_692 : f32 to vector<16xf32>
    %sub3A_694 = arith.subf %sub3A_693, %div3A_691 : vector<16xf32>
    %mul3A_695 = arith.constant 1.702000e+00 : f32
    %mul3A_696 = vector.broadcast %mul3A_695 : f32 to vector<16xf32>
    %mul3A_697 = arith.mulf %mul3A_696, %mul3A_665 : vector<16xf32>
    %sub3A_698 = arith.subf %mul3A_652, %mul3A_681 : vector<16xf32>
    %mul3A_699 = arith.mulf %mul3A_697, %sub3A_698 : vector<16xf32>
    %neg3A_700 = arith.constant 0.000000e+00 : f32
    %neg3A_701 = vector.broadcast %neg3A_700 : f32 to vector<16xf32>
    %neg3A_702 = arith.subf %neg3A_701, %mul3A_699 : vector<16xf32>
    %exp3A_703 = math.exp %neg3A_702 : vector<16xf32>
    %add3A_704 = arith.constant 1.000000e+00 : f32
    %add3A_705 = vector.broadcast %add3A_704 : f32 to vector<16xf32>
    %add3A_706 = arith.addf %add3A_705, %exp3A_703 : vector<16xf32>
    %div3A_707 = arith.constant 1.000000e+00 : f32
    %div3A_708 = vector.broadcast %div3A_707 : f32 to vector<16xf32>
    %div3A_709 = arith.divf %div3A_708, %add3A_706 : vector<16xf32>
    %mul3A_710 = arith.mulf %sub3A_694, %div3A_709 : vector<16xf32>
    %add3A_711 = arith.addf %div3A_691, %mul3A_710 : vector<16xf32>
    %swap3A_712 = arith.constant 16 : index
    %swap3A_713 = tpu.vector_load %arg19[%swap3A_712] {strides = array<i32>} : memref<512xf32, #tpu.memory_space<vmem>>, vector<16xf32>,
    tpu.vector_store %arg19[%swap3A_712], %add3A_711 {strides = array<i32>} : memref<512xf32, #tpu.memory_space<vmem>>, vector<16xf32>,
    %get3A_714 = arith.constant 32 : index
    %get3A_715 = tpu.vector_load %arg10[%get3A_714] {strides = array<i32>} : memref<512xi32, #tpu.memory_space<vmem>>, vector<16xi32>,
    %get3A_716 = arith.constant 32 : index
    %get3A_717 = tpu.vector_load %arg11[%get3A_716] {strides = array<i32>} : memref<512xi32, #tpu.memory_space<vmem>>, vector<16xi32>,
    %sub3A_718 = arith.constant 999424 : i32
    %sub3A_719 = vector.broadcast %sub3A_718 : i32 to vector<16xi32>
    %sub3A_720 = arith.subi %get3A_715, %sub3A_719 : vector<16xi32>
    %max3A_721 = arith.constant 0 : i32
    %max3A_722 = vector.broadcast %max3A_721 : i32 to vector<16xi32>
    %max3A_723 = arith.maxsi %sub3A_720, %max3A_722 : vector<16xi32>
    %sub3A_724 = arith.constant 999424 : i32
    %sub3A_725 = vector.broadcast %sub3A_724 : i32 to vector<16xi32>
    %sub3A_726 = arith.subi %get3A_717, %sub3A_725 : vector<16xi32>
    %max3A_727 = arith.constant 0 : i32
    %max3A_728 = vector.broadcast %max3A_727 : i32 to vector<16xi32>
    %max3A_729 = arith.maxsi %sub3A_726, %max3A_728 : vector<16xi32>
    %lt3A_730 = arith.constant 999424 : i32
    %lt3A_731 = vector.broadcast %lt3A_730 : i32 to vector<16xi32>
    %lt3A_732 = arith.cmpi slt, %get3A_715, %lt3A_731 : vector<16xi32>
    %get3A_733 = arith.constant 32 : index
    %get3A_734 = tpu.vector_load %arg14[%get3A_733] {strides = array<i32>} : memref<512xf32, #tpu.memory_space<vmem>>, vector<16xf32>,
    %gather3A_735 = tpu.vector_load_idx %arg18[%max3A_723] : memref<2304xf32, #tpu.memory_space<vmem>>[vector<16xi32>], vector<16xf32>,
    %select_n3A_736 = arith.select %lt3A_732, %get3A_734, %gather3A_735 : vector<16xi1>, vector<16xf32>
    %lt3A_737 = arith.constant 999424 : i32
    %lt3A_738 = vector.broadcast %lt3A_737 : i32 to vector<16xi32>
    %lt3A_739 = arith.cmpi slt, %get3A_717, %lt3A_738 : vector<16xi32>
    %get3A_740 = arith.constant 32 : index
    %get3A_741 = tpu.vector_load %arg15[%get3A_740] {strides = array<i32>} : memref<512xf32, #tpu.memory_space<vmem>>, vector<16xf32>,
    %add3A_742 = arith.constant 576 : i32
    %add3A_743 = vector.broadcast %add3A_742 : i32 to vector<16xi32>
    %add3A_744 = arith.addi %max3A_729, %add3A_743 : vector<16xi32>
    %gather3A_745 = tpu.vector_load_idx %arg18[%add3A_744] : memref<2304xf32, #tpu.memory_space<vmem>>[vector<16xi32>], vector<16xf32>,
    %select_n3A_746 = arith.select %lt3A_739, %get3A_741, %gather3A_745 : vector<16xi1>, vector<16xf32>
    %lt3A_747 = arith.constant 999424 : i32
    %lt3A_748 = vector.broadcast %lt3A_747 : i32 to vector<16xi32>
    %lt3A_749 = arith.cmpi slt, %get3A_717, %lt3A_748 : vector<16xi32>
    %get3A_750 = arith.constant 32 : index
    %get3A_751 = tpu.vector_load %arg16[%get3A_750] {strides = array<i32>} : memref<512xf32, #tpu.memory_space<vmem>>, vector<16xf32>,
    %add3A_752 = arith.constant 1152 : i32
    %add3A_753 = vector.broadcast %add3A_752 : i32 to vector<16xi32>
    %add3A_754 = arith.addi %max3A_729, %add3A_753 : vector<16xi32>
    %gather3A_755 = tpu.vector_load_idx %arg18[%add3A_754] : memref<2304xf32, #tpu.memory_space<vmem>>[vector<16xi32>], vector<16xf32>,
    %select_n3A_756 = arith.select %lt3A_749, %get3A_751, %gather3A_755 : vector<16xi1>, vector<16xf32>
    %lt3A_757 = arith.constant 999424 : i32
    %lt3A_758 = vector.broadcast %lt3A_757 : i32 to vector<16xi32>
    %lt3A_759 = arith.cmpi slt, %get3A_717, %lt3A_758 : vector<16xi32>
    %get3A_760 = arith.constant 32 : index
    %get3A_761 = tpu.vector_load %arg17[%get3A_760] {strides = array<i32>} : memref<512xf32, #tpu.memory_space<vmem>>, vector<16xf32>,
    %add3A_762 = arith.constant 1728 : i32
    %add3A_763 = vector.broadcast %add3A_762 : i32 to vector<16xi32>
    %add3A_764 = arith.addi %max3A_729, %add3A_763 : vector<16xi32>
    %gather3A_765 = tpu.vector_load_idx %arg18[%add3A_764] : memref<2304xf32, #tpu.memory_space<vmem>>[vector<16xi32>], vector<16xf32>,
    %select_n3A_766 = arith.select %lt3A_759, %get3A_761, %gather3A_765 : vector<16xi1>, vector<16xf32>
    %neg3A_767 = arith.constant 0.000000e+00 : f32
    %neg3A_768 = vector.broadcast %neg3A_767 : f32 to vector<16xf32>
    %neg3A_769 = arith.subf %neg3A_768, %select_n3A_736 : vector<16xf32>
    %exp3A_770 = math.exp %neg3A_769 : vector<16xf32>
    %add3A_771 = arith.constant 1.000000e+00 : f32
    %add3A_772 = vector.broadcast %add3A_771 : f32 to vector<16xf32>
    %add3A_773 = arith.addf %add3A_772, %exp3A_770 : vector<16xf32>
    %div3A_774 = arith.constant 1.000000e+00 : f32
    %div3A_775 = vector.broadcast %div3A_774 : f32 to vector<16xf32>
    %div3A_776 = arith.divf %div3A_775, %add3A_773 : vector<16xf32>
    %sub3A_777 = arith.constant 5.000000e-01 : f32
    %sub3A_778 = vector.broadcast %sub3A_777 : f32 to vector<16xf32>
    %sub3A_779 = arith.subf %div3A_776, %sub3A_778 : vector<16xf32>
    %mul3A_780 = arith.constant 8.000000e+00 : f32
    %mul3A_781 = vector.broadcast %mul3A_780 : f32 to vector<16xf32>
    %mul3A_782 = arith.mulf %mul3A_781, %sub3A_779 : vector<16xf32>
    %neg3A_783 = arith.constant 0.000000e+00 : f32
    %neg3A_784 = vector.broadcast %neg3A_783 : f32 to vector<16xf32>
    %neg3A_785 = arith.subf %neg3A_784, %select_n3A_746 : vector<16xf32>
    %exp3A_786 = math.exp %neg3A_785 : vector<16xf32>
    %add3A_787 = arith.constant 1.000000e+00 : f32
    %add3A_788 = vector.broadcast %add3A_787 : f32 to vector<16xf32>
    %add3A_789 = arith.addf %add3A_788, %exp3A_786 : vector<16xf32>
    %div3A_790 = arith.constant 1.000000e+00 : f32
    %div3A_791 = vector.broadcast %div3A_790 : f32 to vector<16xf32>
    %div3A_792 = arith.divf %div3A_791, %add3A_789 : vector<16xf32>
    %mul3A_793 = arith.constant 4.000000e+00 : f32
    %mul3A_794 = vector.broadcast %mul3A_793 : f32 to vector<16xf32>
    %mul3A_795 = arith.mulf %mul3A_794, %div3A_792 : vector<16xf32>
    %neg3A_796 = arith.constant 0.000000e+00 : f32
    %neg3A_797 = vector.broadcast %neg3A_796 : f32 to vector<16xf32>
    %neg3A_798 = arith.subf %neg3A_797, %select_n3A_756 : vector<16xf32>
    %exp3A_799 = math.exp %neg3A_798 : vector<16xf32>
    %add3A_800 = arith.constant 1.000000e+00 : f32
    %add3A_801 = vector.broadcast %add3A_800 : f32 to vector<16xf32>
    %add3A_802 = arith.addf %add3A_801, %exp3A_799 : vector<16xf32>
    %div3A_803 = arith.constant 1.000000e+00 : f32
    %div3A_804 = vector.broadcast %div3A_803 : f32 to vector<16xf32>
    %div3A_805 = arith.divf %div3A_804, %add3A_802 : vector<16xf32>
    %sub3A_806 = arith.constant 5.000000e-01 : f32
    %sub3A_807 = vector.broadcast %sub3A_806 : f32 to vector<16xf32>
    %sub3A_808 = arith.subf %div3A_805, %sub3A_807 : vector<16xf32>
    %mul3A_809 = arith.constant 8.000000e+00 : f32
    %mul3A_810 = vector.broadcast %mul3A_809 : f32 to vector<16xf32>
    %mul3A_811 = arith.mulf %mul3A_810, %sub3A_808 : vector<16xf32>
    %neg3A_812 = arith.constant 0.000000e+00 : f32
    %neg3A_813 = vector.broadcast %neg3A_812 : f32 to vector<16xf32>
    %neg3A_814 = arith.subf %neg3A_813, %select_n3A_766 : vector<16xf32>
    %exp3A_815 = math.exp %neg3A_814 : vector<16xf32>
    %add3A_816 = arith.constant 1.000000e+00 : f32
    %add3A_817 = vector.broadcast %add3A_816 : f32 to vector<16xf32>
    %add3A_818 = arith.addf %add3A_817, %exp3A_815 : vector<16xf32>
    %div3A_819 = arith.constant 1.000000e+00 : f32
    %div3A_820 = vector.broadcast %div3A_819 : f32 to vector<16xf32>
    %div3A_821 = arith.divf %div3A_820, %add3A_818 : vector<16xf32>
    %sub3A_822 = arith.constant 1.000000e+00 : f32
    %sub3A_823 = vector.broadcast %sub3A_822 : f32 to vector<16xf32>
    %sub3A_824 = arith.subf %sub3A_823, %div3A_821 : vector<16xf32>
    %mul3A_825 = arith.constant 1.702000e+00 : f32
    %mul3A_826 = vector.broadcast %mul3A_825 : f32 to vector<16xf32>
    %mul3A_827 = arith.mulf %mul3A_826, %mul3A_795 : vector<16xf32>
    %sub3A_828 = arith.subf %mul3A_782, %mul3A_811 : vector<16xf32>
    %mul3A_829 = arith.mulf %mul3A_827, %sub3A_828 : vector<16xf32>
    %neg3A_830 = arith.constant 0.000000e+00 : f32
    %neg3A_831 = vector.broadcast %neg3A_830 : f32 to vector<16xf32>
    %neg3A_832 = arith.subf %neg3A_831, %mul3A_829 : vector<16xf32>
    %exp3A_833 = math.exp %neg3A_832 : vector<16xf32>
    %add3A_834 = arith.constant 1.000000e+00 : f32
    %add3A_835 = vector.broadcast %add3A_834 : f32 to vector<16xf32>
    %add3A_836 = arith.addf %add3A_835, %exp3A_833 : vector<16xf32>
    %div3A_837 = arith.constant 1.000000e+00 : f32
    %div3A_838 = vector.broadcast %div3A_837 : f32 to vector<16xf32>
    %div3A_839 = arith.divf %div3A_838, %add3A_836 : vector<16xf32>
    %mul3A_840 = arith.mulf %sub3A_824, %div3A_839 : vector<16xf32>
    %add3A_841 = arith.addf %div3A_821, %mul3A_840 : vector<16xf32>
    %swap3A_842 = arith.constant 32 : index
    %swap3A_843 = tpu.vector_load %arg19[%swap3A_842] {strides = array<i32>} : memref<512xf32, #tpu.memory_space<vmem>>, vector<16xf32>,
    tpu.vector_store %arg19[%swap3A_842], %add3A_841 {strides = array<i32>} : memref<512xf32, #tpu.memory_space<vmem>>, vector<16xf32>,
    %get3A_844 = arith.constant 48 : index
    %get3A_845 = tpu.vector_load %arg10[%get3A_844] {strides = array<i32>} : memref<512xi32, #tpu.memory_space<vmem>>, vector<16xi32>,
    %get3A_846 = arith.constant 48 : index
    %get3A_847 = tpu.vector_load %arg11[%get3A_846] {strides = array<i32>} : memref<512xi32, #tpu.memory_space<vmem>>, vector<16xi32>,
    %sub3A_848 = arith.constant 999424 : i32
    %sub3A_849 = vector.broadcast %sub3A_848 : i32 to vector<16xi32>
    %sub3A_850 = arith.subi %get3A_845, %sub3A_849 : vector<16xi32>
    %max3A_851 = arith.constant 0 : i32
    %max3A_852 = vector.broadcast %max3A_851 : i32 to vector<16xi32>
    %max3A_853 = arith.maxsi %sub3A_850, %max3A_852 : vector<16xi32>
    %sub3A_854 = arith.constant 999424 : i32
    %sub3A_855 = vector.broadcast %sub3A_854 : i32 to vector<16xi32>
    %sub3A_856 = arith.subi %get3A_847, %sub3A_855 : vector<16xi32>
    %max3A_857 = arith.constant 0 : i32
    %max3A_858 = vector.broadcast %max3A_857 : i32 to vector<16xi32>
    %max3A_859 = arith.maxsi %sub3A_856, %max3A_858 : vector<16xi32>
    %lt3A_860 = arith.constant 999424 : i32
    %lt3A_861 = vector.broadcast %lt3A_860 : i32 to vector<16xi32>
    %lt3A_862 = arith.cmpi slt, %get3A_845, %lt3A_861 : vector<16xi32>
    %get3A_863 = arith.constant 48 : index
    %get3A_864 = tpu.vector_load %arg14[%get3A_863] {strides = array<i32>} : memref<512xf32, #tpu.memory_space<vmem>>, vector<16xf32>,
    %gather3A_865 = tpu.vector_load_idx %arg18[%max3A_853] : memref<2304xf32, #tpu.memory_space<vmem>>[vector<16xi32>], vector<16xf32>,
    %select_n3A_866 = arith.select %lt3A_862, %get3A_864, %gather3A_865 : vector<16xi1>, vector<16xf32>
    %lt3A_867 = arith.constant 999424 : i32
    %lt3A_868 = vector.broadcast %lt3A_867 : i32 to vector<16xi32>
    %lt3A_869 = arith.cmpi slt, %get3A_847, %lt3A_868 : vector<16xi32>
    %get3A_870 = arith.constant 48 : index
    %get3A_871 = tpu.vector_load %arg15[%get3A_870] {strides = array<i32>} : memref<512xf32, #tpu.memory_space<vmem>>, vector<16xf32>,
    %add3A_872 = arith.constant 576 : i32
    %add3A_873 = vector.broadcast %add3A_872 : i32 to vector<16xi32>
    %add3A_874 = arith.addi %max3A_859, %add3A_873 : vector<16xi32>
    %gather3A_875 = tpu.vector_load_idx %arg18[%add3A_874] : memref<2304xf32, #tpu.memory_space<vmem>>[vector<16xi32>], vector<16xf32>,
    %select_n3A_876 = arith.select %lt3A_869, %get3A_871, %gather3A_875 : vector<16xi1>, vector<16xf32>
    %lt3A_877 = arith.constant 999424 : i32
    %lt3A_878 = vector.broadcast %lt3A_877 : i32 to vector<16xi32>
    %lt3A_879 = arith.cmpi slt, %get3A_847, %lt3A_878 : vector<16xi32>
    %get3A_880 = arith.constant 48 : index
    %get3A_881 = tpu.vector_load %arg16[%get3A_880] {strides = array<i32>} : memref<512xf32, #tpu.memory_space<vmem>>, vector<16xf32>,
    %add3A_882 = arith.constant 1152 : i32
    %add3A_883 = vector.broadcast %add3A_882 : i32 to vector<16xi32>
    %add3A_884 = arith.addi %max3A_859, %add3A_883 : vector<16xi32>
    %gather3A_885 = tpu.vector_load_idx %arg18[%add3A_884] : memref<2304xf32, #tpu.memory_space<vmem>>[vector<16xi32>], vector<16xf32>,
    %select_n3A_886 = arith.select %lt3A_879, %get3A_881, %gather3A_885 : vector<16xi1>, vector<16xf32>
    %lt3A_887 = arith.constant 999424 : i32
    %lt3A_888 = vector.broadcast %lt3A_887 : i32 to vector<16xi32>
    %lt3A_889 = arith.cmpi slt, %get3A_847, %lt3A_888 : vector<16xi32>
    %get3A_890 = arith.constant 48 : index
    %get3A_891 = tpu.vector_load %arg17[%get3A_890] {strides = array<i32>} : memref<512xf32, #tpu.memory_space<vmem>>, vector<16xf32>,
    %add3A_892 = arith.constant 1728 : i32
    %add3A_893 = vector.broadcast %add3A_892 : i32 to vector<16xi32>
    %add3A_894 = arith.addi %max3A_859, %add3A_893 : vector<16xi32>
    %gather3A_895 = tpu.vector_load_idx %arg18[%add3A_894] : memref<2304xf32, #tpu.memory_space<vmem>>[vector<16xi32>], vector<16xf32>,
    %select_n3A_896 = arith.select %lt3A_889, %get3A_891, %gather3A_895 : vector<16xi1>, vector<16xf32>
    %neg3A_897 = arith.constant 0.000000e+00 : f32
    %neg3A_898 = vector.broadcast %neg3A_897 : f32 to vector<16xf32>
    %neg3A_899 = arith.subf %neg3A_898, %select_n3A_866 : vector<16xf32>
    %exp3A_900 = math.exp %neg3A_899 : vector<16xf32>
    %add3A_901 = arith.constant 1.000000e+00 : f32
    %add3A_902 = vector.broadcast %add3A_901 : f32 to vector<16xf32>
    %add3A_903 = arith.addf %add3A_902, %exp3A_900 : vector<16xf32>
    %div3A_904 = arith.constant 1.000000e+00 : f32
    %div3A_905 = vector.broadcast %div3A_904 : f32 to vector<16xf32>
    %div3A_906 = arith.divf %div3A_905, %add3A_903 : vector<16xf32>
    %sub3A_907 = arith.constant 5.000000e-01 : f32
    %sub3A_908 = vector.broadcast %sub3A_907 : f32 to vector<16xf32>
    %sub3A_909 = arith.subf %div3A_906, %sub3A_908 : vector<16xf32>
    %mul3A_910 = arith.constant 8.000000e+00 : f32
    %mul3A_911 = vector.broadcast %mul3A_910 : f32 to vector<16xf32>
    %mul3A_912 = arith.mulf %mul3A_911, %sub3A_909 : vector<16xf32>
    %neg3A_913 = arith.constant 0.000000e+00 : f32
    %neg3A_914 = vector.broadcast %neg3A_913 : f32 to vector<16xf32>
    %neg3A_915 = arith.subf %neg3A_914, %select_n3A_876 : vector<16xf32>
    %exp3A_916 = math.exp %neg3A_915 : vector<16xf32>
    %add3A_917 = arith.constant 1.000000e+00 : f32
    %add3A_918 = vector.broadcast %add3A_917 : f32 to vector<16xf32>
    %add3A_919 = arith.addf %add3A_918, %exp3A_916 : vector<16xf32>
    %div3A_920 = arith.constant 1.000000e+00 : f32
    %div3A_921 = vector.broadcast %div3A_920 : f32 to vector<16xf32>
    %div3A_922 = arith.divf %div3A_921, %add3A_919 : vector<16xf32>
    %mul3A_923 = arith.constant 4.000000e+00 : f32
    %mul3A_924 = vector.broadcast %mul3A_923 : f32 to vector<16xf32>
    %mul3A_925 = arith.mulf %mul3A_924, %div3A_922 : vector<16xf32>
    %neg3A_926 = arith.constant 0.000000e+00 : f32
    %neg3A_927 = vector.broadcast %neg3A_926 : f32 to vector<16xf32>
    %neg3A_928 = arith.subf %neg3A_927, %select_n3A_886 : vector<16xf32>
    %exp3A_929 = math.exp %neg3A_928 : vector<16xf32>
    %add3A_930 = arith.constant 1.000000e+00 : f32
    %add3A_931 = vector.broadcast %add3A_930 : f32 to vector<16xf32>
    %add3A_932 = arith.addf %add3A_931, %exp3A_929 : vector<16xf32>
    %div3A_933 = arith.constant 1.000000e+00 : f32
    %div3A_934 = vector.broadcast %div3A_933 : f32 to vector<16xf32>
    %div3A_935 = arith.divf %div3A_934, %add3A_932 : vector<16xf32>
    %sub3A_936 = arith.constant 5.000000e-01 : f32
    %sub3A_937 = vector.broadcast %sub3A_936 : f32 to vector<16xf32>
    %sub3A_938 = arith.subf %div3A_935, %sub3A_937 : vector<16xf32>
    %mul3A_939 = arith.constant 8.000000e+00 : f32
    %mul3A_940 = vector.broadcast %mul3A_939 : f32 to vector<16xf32>
    %mul3A_941 = arith.mulf %mul3A_940, %sub3A_938 : vector<16xf32>
    %neg3A_942 = arith.constant 0.000000e+00 : f32
    %neg3A_943 = vector.broadcast %neg3A_942 : f32 to vector<16xf32>
    %neg3A_944 = arith.subf %neg3A_943, %select_n3A_896 : vector<16xf32>
    %exp3A_945 = math.exp %neg3A_944 : vector<16xf32>
    %add3A_946 = arith.constant 1.000000e+00 : f32
    %add3A_947 = vector.broadcast %add3A_946 : f32 to vector<16xf32>
    %add3A_948 = arith.addf %add3A_947, %exp3A_945 : vector<16xf32>
    %div3A_949 = arith.constant 1.000000e+00 : f32
    %div3A_950 = vector.broadcast %div3A_949 : f32 to vector<16xf32>
    %div3A_951 = arith.divf %div3A_950, %add3A_948 : vector<16xf32>
    %sub3A_952 = arith.constant 1.000000e+00 : f32
    %sub3A_953 = vector.broadcast %sub3A_952 : f32 to vector<16xf32>
    %sub3A_954 = arith.subf %sub3A_953, %div3A_951 : vector<16xf32>
    %mul3A_955 = arith.constant 1.702000e+00 : f32
    %mul3A_956 = vector.broadcast %mul3A_955 : f32 to vector<16xf32>
    %mul3A_957 = arith.mulf %mul3A_956, %mul3A_925 : vector<16xf32>
    %sub3A_958 = arith.subf %mul3A_912, %mul3A_941 : vector<16xf32>
    %mul3A_959 = arith.mulf %mul3A_957, %sub3A_958 : vector<16xf32>
    %neg3A_960 = arith.constant 0.000000e+00 : f32
    %neg3A_961 = vector.broadcast %neg3A_960 : f32 to vector<16xf32>
    %neg3A_962 = arith.subf %neg3A_961, %mul3A_959 : vector<16xf32>
    %exp3A_963 = math.exp %neg3A_962 : vector<16xf32>
    %add3A_964 = arith.constant 1.000000e+00 : f32
    %add3A_965 = vector.broadcast %add3A_964 : f32 to vector<16xf32>
    %add3A_966 = arith.addf %add3A_965, %exp3A_963 : vector<16xf32>
    %div3A_967 = arith.constant 1.000000e+00 : f32
    %div3A_968 = vector.broadcast %div3A_967 : f32 to vector<16xf32>
    %div3A_969 = arith.divf %div3A_968, %add3A_966 : vector<16xf32>
    %mul3A_970 = arith.mulf %sub3A_954, %div3A_969 : vector<16xf32>
    %add3A_971 = arith.addf %div3A_951, %mul3A_970 : vector<16xf32>
    %swap3A_972 = arith.constant 48 : index
    %swap3A_973 = tpu.vector_load %arg19[%swap3A_972] {strides = array<i32>} : memref<512xf32, #tpu.memory_space<vmem>>, vector<16xf32>,
    tpu.vector_store %arg19[%swap3A_972], %add3A_971 {strides = array<i32>} : memref<512xf32, #tpu.memory_space<vmem>>, vector<16xf32>,
    %get3A_974 = arith.constant 64 : index
    %get3A_975 = tpu.vector_load %arg10[%get3A_974] {strides = array<i32>} : memref<512xi32, #tpu.memory_space<vmem>>, vector<16xi32>,
    %get3A_976 = arith.constant 64 : index
    %get3A_977 = tpu.vector_load %arg11[%get3A_976] {strides = array<i32>} : memref<512xi32, #tpu.memory_space<vmem>>, vector<16xi32>,
    %sub3A_978 = arith.constant 999424 : i32
    %sub3A_979 = vector.broadcast %sub3A_978 : i32 to vector<16xi32>
    %sub3A_980 = arith.subi %get3A_975, %sub3A_979 : vector<16xi32>
    %max3A_981 = arith.constant 0 : i32
    %max3A_982 = vector.broadcast %max3A_981 : i32 to vector<16xi32>
    %max3A_983 = arith.maxsi %sub3A_980, %max3A_982 : vector<16xi32>
    %sub3A_984 = arith.constant 999424 : i32
    %sub3A_985 = vector.broadcast %sub3A_984 : i32 to vector<16xi32>
    %sub3A_986 = arith.subi %get3A_977, %sub3A_985 : vector<16xi32>
    %max3A_987 = arith.constant 0 : i32
    %max3A_988 = vector.broadcast %max3A_987 : i32 to vector<16xi32>
    %max3A_989 = arith.maxsi %sub3A_986, %max3A_988 : vector<16xi32>
    %lt3A_990 = arith.constant 999424 : i32
    %lt3A_991 = vector.broadcast %lt3A_990 : i32 to vector<16xi32>
    %lt3A_992 = arith.cmpi slt, %get3A_975, %lt3A_991 : vector<16xi32>
    %get3A_993 = arith.constant 64 : index
    %get3A_994 = tpu.vector_load %arg14[%get3A_993] {strides = array<i32>} : memref<512xf32, #tpu.memory_space<vmem>>, vector<16xf32>,
    %gather3A_995 = tpu.vector_load_idx %arg18[%max3A_983] : memref<2304xf32, #tpu.memory_space<vmem>>[vector<16xi32>], vector<16xf32>,
    %select_n3A_996 = arith.select %lt3A_992, %get3A_994, %gather3A_995 : vector<16xi1>, vector<16xf32>
    %lt3A_997 = arith.constant 999424 : i32
    %lt3A_998 = vector.broadcast %lt3A_997 : i32 to vector<16xi32>
    %lt3A_999 = arith.cmpi slt, %get3A_977, %lt3A_998 : vector<16xi32>
    %get3A_1000 = arith.constant 64 : index
    %get3A_1001 = tpu.vector_load %arg15[%get3A_1000] {strides = array<i32>} : memref<512xf32, #tpu.memory_space<vmem>>, vector<16xf32>,
    %add3A_1002 = arith.constant 576 : i32
    %add3A_1003 = vector.broadcast %add3A_1002 : i32 to vector<16xi32>
    %add3A_1004 = arith.addi %max3A_989, %add3A_1003 : vector<16xi32>
    %gather3A_1005 = tpu.vector_load_idx %arg18[%add3A_1004] : memref<2304xf32, #tpu.memory_space<vmem>>[vector<16xi32>], vector<16xf32>,
    %select_n3A_1006 = arith.select %lt3A_999, %get3A_1001, %gather3A_1005 : vector<16xi1>, vector<16xf32>
    %lt3A_1007 = arith.constant 999424 : i32
    %lt3A_1008 = vector.broadcast %lt3A_1007 : i32 to vector<16xi32>
    %lt3A_1009 = arith.cmpi slt, %get3A_977, %lt3A_1008 : vector<16xi32>
    %get3A_1010 = arith.constant 64 : index
    %get3A_1011 = tpu.vector_load %arg16[%get3A_1010] {strides = array<i32>} : memref<512xf32, #tpu.memory_space<vmem>>, vector<16xf32>,
    %add3A_1012 = arith.constant 1152 : i32
    %add3A_1013 = vector.broadcast %add3A_1012 : i32 to vector<16xi32>
    %add3A_1014 = arith.addi %max3A_989, %add3A_1013 : vector<16xi32>
    %gather3A_1015 = tpu.vector_load_idx %arg18[%add3A_1014] : memref<2304xf32, #tpu.memory_space<vmem>>[vector<16xi32>], vector<16xf32>,
    %select_n3A_1016 = arith.select %lt3A_1009, %get3A_1011, %gather3A_1015 : vector<16xi1>, vector<16xf32>
    %lt3A_1017 = arith.constant 999424 : i32
    %lt3A_1018 = vector.broadcast %lt3A_1017 : i32 to vector<16xi32>
    %lt3A_1019 = arith.cmpi slt, %get3A_977, %lt3A_1018 : vector<16xi32>
    %get3A_1020 = arith.constant 64 : index
    %get3A_1021 = tpu.vector_load %arg17[%get3A_1020] {strides = array<i32>} : memref<512xf32, #tpu.memory_space<vmem>>, vector<16xf32>,
    %add3A_1022 = arith.constant 1728 : i32
    %add3A_1023 = vector.broadcast %add3A_1022 : i32 to vector<16xi32>
    %add3A_1024 = arith.addi %max3A_989, %add3A_1023 : vector<16xi32>
    %gather3A_1025 = tpu.vector_load_idx %arg18[%add3A_1024] : memref<2304xf32, #tpu.memory_space<vmem>>[vector<16xi32>], vector<16xf32>,
    %select_n3A_1026 = arith.select %lt3A_1019, %get3A_1021, %gather3A_1025 : vector<16xi1>, vector<16xf32>
    %neg3A_1027 = arith.constant 0.000000e+00 : f32
    %neg3A_1028 = vector.broadcast %neg3A_1027 : f32 to vector<16xf32>
    %neg3A_1029 = arith.subf %neg3A_1028, %select_n3A_996 : vector<16xf32>
    %exp3A_1030 = math.exp %neg3A_1029 : vector<16xf32>
    %add3A_1031 = arith.constant 1.000000e+00 : f32
    %add3A_1032 = vector.broadcast %add3A_1031 : f32 to vector<16xf32>
    %add3A_1033 = arith.addf %add3A_1032, %exp3A_1030 : vector<16xf32>
    %div3A_1034 = arith.constant 1.000000e+00 : f32
    %div3A_1035 = vector.broadcast %div3A_1034 : f32 to vector<16xf32>
    %div3A_1036 = arith.divf %div3A_1035, %add3A_1033 : vector<16xf32>
    %sub3A_1037 = arith.constant 5.000000e-01 : f32
    %sub3A_1038 = vector.broadcast %sub3A_1037 : f32 to vector<16xf32>
    %sub3A_1039 = arith.subf %div3A_1036, %sub3A_1038 : vector<16xf32>
    %mul3A_1040 = arith.constant 8.000000e+00 : f32
    %mul3A_1041 = vector.broadcast %mul3A_1040 : f32 to vector<16xf32>
    %mul3A_1042 = arith.mulf %mul3A_1041, %sub3A_1039 : vector<16xf32>
    %neg3A_1043 = arith.constant 0.000000e+00 : f32
    %neg3A_1044 = vector.broadcast %neg3A_1043 : f32 to vector<16xf32>
    %neg3A_1045 = arith.subf %neg3A_1044, %select_n3A_1006 : vector<16xf32>
    %exp3A_1046 = math.exp %neg3A_1045 : vector<16xf32>
    %add3A_1047 = arith.constant 1.000000e+00 : f32
    %add3A_1048 = vector.broadcast %add3A_1047 : f32 to vector<16xf32>
    %add3A_1049 = arith.addf %add3A_1048, %exp3A_1046 : vector<16xf32>
    %div3A_1050 = arith.constant 1.000000e+00 : f32
    %div3A_1051 = vector.broadcast %div3A_1050 : f32 to vector<16xf32>
    %div3A_1052 = arith.divf %div3A_1051, %add3A_1049 : vector<16xf32>
    %mul3A_1053 = arith.constant 4.000000e+00 : f32
    %mul3A_1054 = vector.broadcast %mul3A_1053 : f32 to vector<16xf32>
    %mul3A_1055 = arith.mulf %mul3A_1054, %div3A_1052 : vector<16xf32>
    %neg3A_1056 = arith.constant 0.000000e+00 : f32
    %neg3A_1057 = vector.broadcast %neg3A_1056 : f32 to vector<16xf32>
    %neg3A_1058 = arith.subf %neg3A_1057, %select_n3A_1016 : vector<16xf32>
    %exp3A_1059 = math.exp %neg3A_1058 : vector<16xf32>
    %add3A_1060 = arith.constant 1.000000e+00 : f32
    %add3A_1061 = vector.broadcast %add3A_1060 : f32 to vector<16xf32>
    %add3A_1062 = arith.addf %add3A_1061, %exp3A_1059 : vector<16xf32>
    %div3A_1063 = arith.constant 1.000000e+00 : f32
    %div3A_1064 = vector.broadcast %div3A_1063 : f32 to vector<16xf32>
    %div3A_1065 = arith.divf %div3A_1064, %add3A_1062 : vector<16xf32>
    %sub3A_1066 = arith.constant 5.000000e-01 : f32
    %sub3A_1067 = vector.broadcast %sub3A_1066 : f32 to vector<16xf32>
    %sub3A_1068 = arith.subf %div3A_1065, %sub3A_1067 : vector<16xf32>
    %mul3A_1069 = arith.constant 8.000000e+00 : f32
    %mul3A_1070 = vector.broadcast %mul3A_1069 : f32 to vector<16xf32>
    %mul3A_1071 = arith.mulf %mul3A_1070, %sub3A_1068 : vector<16xf32>
    %neg3A_1072 = arith.constant 0.000000e+00 : f32
    %neg3A_1073 = vector.broadcast %neg3A_1072 : f32 to vector<16xf32>
    %neg3A_1074 = arith.subf %neg3A_1073, %select_n3A_1026 : vector<16xf32>
    %exp3A_1075 = math.exp %neg3A_1074 : vector<16xf32>
    %add3A_1076 = arith.constant 1.000000e+00 : f32
    %add3A_1077 = vector.broadcast %add3A_1076 : f32 to vector<16xf32>
    %add3A_1078 = arith.addf %add3A_1077, %exp3A_1075 : vector<16xf32>
    %div3A_1079 = arith.constant 1.000000e+00 : f32
    %div3A_1080 = vector.broadcast %div3A_1079 : f32 to vector<16xf32>
    %div3A_1081 = arith.divf %div3A_1080, %add3A_1078 : vector<16xf32>
    %sub3A_1082 = arith.constant 1.000000e+00 : f32
    %sub3A_1083 = vector.broadcast %sub3A_1082 : f32 to vector<16xf32>
    %sub3A_1084 = arith.subf %sub3A_1083, %div3A_1081 : vector<16xf32>
    %mul3A_1085 = arith.constant 1.702000e+00 : f32
    %mul3A_1086 = vector.broadcast %mul3A_1085 : f32 to vector<16xf32>
    %mul3A_1087 = arith.mulf %mul3A_1086, %mul3A_1055 : vector<16xf32>
    %sub3A_1088 = arith.subf %mul3A_1042, %mul3A_1071 : vector<16xf32>
    %mul3A_1089 = arith.mulf %mul3A_1087, %sub3A_1088 : vector<16xf32>
    %neg3A_1090 = arith.constant 0.000000e+00 : f32
    %neg3A_1091 = vector.broadcast %neg3A_1090 : f32 to vector<16xf32>
    %neg3A_1092 = arith.subf %neg3A_1091, %mul3A_1089 : vector<16xf32>
    %exp3A_1093 = math.exp %neg3A_1092 : vector<16xf32>
    %add3A_1094 = arith.constant 1.000000e+00 : f32
    %add3A_1095 = vector.broadcast %add3A_1094 : f32 to vector<16xf32>
    %add3A_1096 = arith.addf %add3A_1095, %exp3A_1093 : vector<16xf32>
    %div3A_1097 = arith.constant 1.000000e+00 : f32
    %div3A_1098 = vector.broadcast %div3A_1097 : f32 to vector<16xf32>
    %div3A_1099 = arith.divf %div3A_1098, %add3A_1096 : vector<16xf32>
    %mul3A_1100 = arith.mulf %sub3A_1084, %div3A_1099 : vector<16xf32>
    %add3A_1101 = arith.addf %div3A_1081, %mul3A_1100 : vector<16xf32>
    %swap3A_1102 = arith.constant 64 : index
    %swap3A_1103 = tpu.vector_load %arg19[%swap3A_1102] {strides = array<i32>} : memref<512xf32, #tpu.memory_space<vmem>>, vector<16xf32>,
    tpu.vector_store %arg19[%swap3A_1102], %add3A_1101 {strides = array<i32>} : memref<512xf32, #tpu.memory_space<vmem>>, vector<16xf32>,
    %get3A_1104 = arith.constant 80 : index
    %get3A_1105 = tpu.vector_load %arg10[%get3A_1104] {strides = array<i32>} : memref<512xi32, #tpu.memory_space<vmem>>, vector<16xi32>,
    %get3A_1106 = arith.constant 80 : index
    %get3A_1107 = tpu.vector_load %arg11[%get3A_1106] {strides = array<i32>} : memref<512xi32, #tpu.memory_space<vmem>>, vector<16xi32>,
    %sub3A_1108 = arith.constant 999424 : i32
    %sub3A_1109 = vector.broadcast %sub3A_1108 : i32 to vector<16xi32>
    %sub3A_1110 = arith.subi %get3A_1105, %sub3A_1109 : vector<16xi32>
    %max3A_1111 = arith.constant 0 : i32
    %max3A_1112 = vector.broadcast %max3A_1111 : i32 to vector<16xi32>
    %max3A_1113 = arith.maxsi %sub3A_1110, %max3A_1112 : vector<16xi32>
    %sub3A_1114 = arith.constant 999424 : i32
    %sub3A_1115 = vector.broadcast %sub3A_1114 : i32 to vector<16xi32>
    %sub3A_1116 = arith.subi %get3A_1107, %sub3A_1115 : vector<16xi32>
    %max3A_1117 = arith.constant 0 : i32
    %max3A_1118 = vector.broadcast %max3A_1117 : i32 to vector<16xi32>
    %max3A_1119 = arith.maxsi %sub3A_1116, %max3A_1118 : vector<16xi32>
    %lt3A_1120 = arith.constant 999424 : i32
    %lt3A_1121 = vector.broadcast %lt3A_1120 : i32 to vector<16xi32>
    %lt3A_1122 = arith.cmpi slt, %get3A_1105, %lt3A_1121 : vector<16xi32>
    %get3A_1123 = arith.constant 80 : index
    %get3A_1124 = tpu.vector_load %arg14[%get3A_1123] {strides = array<i32>} : memref<512xf32, #tpu.memory_space<vmem>>, vector<16xf32>,
    %gather3A_1125 = tpu.vector_load_idx %arg18[%max3A_1113] : memref<2304xf32, #tpu.memory_space<vmem>>[vector<16xi32>], vector<16xf32>,
    %select_n3A_1126 = arith.select %lt3A_1122, %get3A_1124, %gather3A_1125 : vector<16xi1>, vector<16xf32>
    %lt3A_1127 = arith.constant 999424 : i32
    %lt3A_1128 = vector.broadcast %lt3A_1127 : i32 to vector<16xi32>
    %lt3A_1129 = arith.cmpi slt, %get3A_1107, %lt3A_1128 : vector<16xi32>
    %get3A_1130 = arith.constant 80 : index
    %get3A_1131 = tpu.vector_load %arg15[%get3A_1130] {strides = array<i32>} : memref<512xf32, #tpu.memory_space<vmem>>, vector<16xf32>,
    %add3A_1132 = arith.constant 576 : i32
    %add3A_1133 = vector.broadcast %add3A_1132 : i32 to vector<16xi32>
    %add3A_1134 = arith.addi %max3A_1119, %add3A_1133 : vector<16xi32>
    %gather3A_1135 = tpu.vector_load_idx %arg18[%add3A_1134] : memref<2304xf32, #tpu.memory_space<vmem>>[vector<16xi32>], vector<16xf32>,
    %select_n3A_1136 = arith.select %lt3A_1129, %get3A_1131, %gather3A_1135 : vector<16xi1>, vector<16xf32>
    %lt3A_1137 = arith.constant 999424 : i32
    %lt3A_1138 = vector.broadcast %lt3A_1137 : i32 to vector<16xi32>
    %lt3A_1139 = arith.cmpi slt, %get3A_1107, %lt3A_1138 : vector<16xi32>
    %get3A_1140 = arith.constant 80 : index
    %get3A_1141 = tpu.vector_load %arg16[%get3A_1140] {strides = array<i32>} : memref<512xf32, #tpu.memory_space<vmem>>, vector<16xf32>,
    %add3A_1142 = arith.constant 1152 : i32
    %add3A_1143 = vector.broadcast %add3A_1142 : i32 to vector<16xi32>
    %add3A_1144 = arith.addi %max3A_1119, %add3A_1143 : vector<16xi32>
    %gather3A_1145 = tpu.vector_load_idx %arg18[%add3A_1144] : memref<2304xf32, #tpu.memory_space<vmem>>[vector<16xi32>], vector<16xf32>,
    %select_n3A_1146 = arith.select %lt3A_1139, %get3A_1141, %gather3A_1145 : vector<16xi1>, vector<16xf32>
    %lt3A_1147 = arith.constant 999424 : i32
    %lt3A_1148 = vector.broadcast %lt3A_1147 : i32 to vector<16xi32>
    %lt3A_1149 = arith.cmpi slt, %get3A_1107, %lt3A_1148 : vector<16xi32>
    %get3A_1150 = arith.constant 80 : index
    %get3A_1151 = tpu.vector_load %arg17[%get3A_1150] {strides = array<i32>} : memref<512xf32, #tpu.memory_space<vmem>>, vector<16xf32>,
    %add3A_1152 = arith.constant 1728 : i32
    %add3A_1153 = vector.broadcast %add3A_1152 : i32 to vector<16xi32>
    %add3A_1154 = arith.addi %max3A_1119, %add3A_1153 : vector<16xi32>
    %gather3A_1155 = tpu.vector_load_idx %arg18[%add3A_1154] : memref<2304xf32, #tpu.memory_space<vmem>>[vector<16xi32>], vector<16xf32>,
    %select_n3A_1156 = arith.select %lt3A_1149, %get3A_1151, %gather3A_1155 : vector<16xi1>, vector<16xf32>
    %neg3A_1157 = arith.constant 0.000000e+00 : f32
    %neg3A_1158 = vector.broadcast %neg3A_1157 : f32 to vector<16xf32>
    %neg3A_1159 = arith.subf %neg3A_1158, %select_n3A_1126 : vector<16xf32>
    %exp3A_1160 = math.exp %neg3A_1159 : vector<16xf32>
    %add3A_1161 = arith.constant 1.000000e+00 : f32
    %add3A_1162 = vector.broadcast %add3A_1161 : f32 to vector<16xf32>
    %add3A_1163 = arith.addf %add3A_1162, %exp3A_1160 : vector<16xf32>
    %div3A_1164 = arith.constant 1.000000e+00 : f32
    %div3A_1165 = vector.broadcast %div3A_1164 : f32 to vector<16xf32>
    %div3A_1166 = arith.divf %div3A_1165, %add3A_1163 : vector<16xf32>
    %sub3A_1167 = arith.constant 5.000000e-01 : f32
    %sub3A_1168 = vector.broadcast %sub3A_1167 : f32 to vector<16xf32>
    %sub3A_1169 = arith.subf %div3A_1166, %sub3A_1168 : vector<16xf32>
    %mul3A_1170 = arith.constant 8.000000e+00 : f32
    %mul3A_1171 = vector.broadcast %mul3A_1170 : f32 to vector<16xf32>
    %mul3A_1172 = arith.mulf %mul3A_1171, %sub3A_1169 : vector<16xf32>
    %neg3A_1173 = arith.constant 0.000000e+00 : f32
    %neg3A_1174 = vector.broadcast %neg3A_1173 : f32 to vector<16xf32>
    %neg3A_1175 = arith.subf %neg3A_1174, %select_n3A_1136 : vector<16xf32>
    %exp3A_1176 = math.exp %neg3A_1175 : vector<16xf32>
    %add3A_1177 = arith.constant 1.000000e+00 : f32
    %add3A_1178 = vector.broadcast %add3A_1177 : f32 to vector<16xf32>
    %add3A_1179 = arith.addf %add3A_1178, %exp3A_1176 : vector<16xf32>
    %div3A_1180 = arith.constant 1.000000e+00 : f32
    %div3A_1181 = vector.broadcast %div3A_1180 : f32 to vector<16xf32>
    %div3A_1182 = arith.divf %div3A_1181, %add3A_1179 : vector<16xf32>
    %mul3A_1183 = arith.constant 4.000000e+00 : f32
    %mul3A_1184 = vector.broadcast %mul3A_1183 : f32 to vector<16xf32>
    %mul3A_1185 = arith.mulf %mul3A_1184, %div3A_1182 : vector<16xf32>
    %neg3A_1186 = arith.constant 0.000000e+00 : f32
    %neg3A_1187 = vector.broadcast %neg3A_1186 : f32 to vector<16xf32>
    %neg3A_1188 = arith.subf %neg3A_1187, %select_n3A_1146 : vector<16xf32>
    %exp3A_1189 = math.exp %neg3A_1188 : vector<16xf32>
    %add3A_1190 = arith.constant 1.000000e+00 : f32
    %add3A_1191 = vector.broadcast %add3A_1190 : f32 to vector<16xf32>
    %add3A_1192 = arith.addf %add3A_1191, %exp3A_1189 : vector<16xf32>
    %div3A_1193 = arith.constant 1.000000e+00 : f32
    %div3A_1194 = vector.broadcast %div3A_1193 : f32 to vector<16xf32>
    %div3A_1195 = arith.divf %div3A_1194, %add3A_1192 : vector<16xf32>
    %sub3A_1196 = arith.constant 5.000000e-01 : f32
    %sub3A_1197 = vector.broadcast %sub3A_1196 : f32 to vector<16xf32>
    %sub3A_1198 = arith.subf %div3A_1195, %sub3A_1197 : vector<16xf32>
    %mul3A_1199 = arith.constant 8.000000e+00 : f32
    %mul3A_1200 = vector.broadcast %mul3A_1199 : f32 to vector<16xf32>
    %mul3A_1201 = arith.mulf %mul3A_1200, %sub3A_1198 : vector<16xf32>
    %neg3A_1202 = arith.constant 0.000000e+00 : f32
    %neg3A_1203 = vector.broadcast %neg3A_1202 : f32 to vector<16xf32>
    %neg3A_1204 = arith.subf %neg3A_1203, %select_n3A_1156 : vector<16xf32>
    %exp3A_1205 = math.exp %neg3A_1204 : vector<16xf32>
    %add3A_1206 = arith.constant 1.000000e+00 : f32
    %add3A_1207 = vector.broadcast %add3A_1206 : f32 to vector<16xf32>
    %add3A_1208 = arith.addf %add3A_1207, %exp3A_1205 : vector<16xf32>
    %div3A_1209 = arith.constant 1.000000e+00 : f32
    %div3A_1210 = vector.broadcast %div3A_1209 : f32 to vector<16xf32>
    %div3A_1211 = arith.divf %div3A_1210, %add3A_1208 : vector<16xf32>
    %sub3A_1212 = arith.constant 1.000000e+00 : f32
    %sub3A_1213 = vector.broadcast %sub3A_1212 : f32 to vector<16xf32>
    %sub3A_1214 = arith.subf %sub3A_1213, %div3A_1211 : vector<16xf32>
    %mul3A_1215 = arith.constant 1.702000e+00 : f32
    %mul3A_1216 = vector.broadcast %mul3A_1215 : f32 to vector<16xf32>
    %mul3A_1217 = arith.mulf %mul3A_1216, %mul3A_1185 : vector<16xf32>
    %sub3A_1218 = arith.subf %mul3A_1172, %mul3A_1201 : vector<16xf32>
    %mul3A_1219 = arith.mulf %mul3A_1217, %sub3A_1218 : vector<16xf32>
    %neg3A_1220 = arith.constant 0.000000e+00 : f32
    %neg3A_1221 = vector.broadcast %neg3A_1220 : f32 to vector<16xf32>
    %neg3A_1222 = arith.subf %neg3A_1221, %mul3A_1219 : vector<16xf32>
    %exp3A_1223 = math.exp %neg3A_1222 : vector<16xf32>
    %add3A_1224 = arith.constant 1.000000e+00 : f32
    %add3A_1225 = vector.broadcast %add3A_1224 : f32 to vector<16xf32>
    %add3A_1226 = arith.addf %add3A_1225, %exp3A_1223 : vector<16xf32>
    %div3A_1227 = arith.constant 1.000000e+00 : f32
    %div3A_1228 = vector.broadcast %div3A_1227 : f32 to vector<16xf32>
    %div3A_1229 = arith.divf %div3A_1228, %add3A_1226 : vector<16xf32>
    %mul3A_1230 = arith.mulf %sub3A_1214, %div3A_1229 : vector<16xf32>
    %add3A_1231 = arith.addf %div3A_1211, %mul3A_1230 : vector<16xf32>
    %swap3A_1232 = arith.constant 80 : index
    %swap3A_1233 = tpu.vector_load %arg19[%swap3A_1232] {strides = array<i32>} : memref<512xf32, #tpu.memory_space<vmem>>, vector<16xf32>,
    tpu.vector_store %arg19[%swap3A_1232], %add3A_1231 {strides = array<i32>} : memref<512xf32, #tpu.memory_space<vmem>>, vector<16xf32>,
    %get3A_1234 = arith.constant 96 : index
    %get3A_1235 = tpu.vector_load %arg10[%get3A_1234] {strides = array<i32>} : memref<512xi32, #tpu.memory_space<vmem>>, vector<16xi32>,
    %get3A_1236 = arith.constant 96 : index
    %get3A_1237 = tpu.vector_load %arg11[%get3A_1236] {strides = array<i32>} : memref<512xi32, #tpu.memory_space<vmem>>, vector<16xi32>,
    %sub3A_1238 = arith.constant 999424 : i32
    %sub3A_1239 = vector.broadcast %sub3A_1238 : i32 to vector<16xi32>
    %sub3A_1240 = arith.subi %get3A_1235, %sub3A_1239 : vector<16xi32>
    %max3A_1241 = arith.constant 0 : i32
    %max3A_1242 = vector.broadcast %max3A_1241 : i32 to vector<16xi32>
    %max3A_1243 = arith.maxsi %sub3A_1240, %max3A_1242 : vector<16xi32>
    %sub3A_1244 = arith.constant 999424 : i32
    %sub3A_1245 = vector.broadcast %sub3A_1244 : i32 to vector<16xi32>
    %sub3A_1246 = arith.subi %get3A_1237, %sub3A_1245 : vector<16xi32>
    %max3A_1247 = arith.constant 0 : i32
    %max3A_1248 = vector.broadcast %max3A_1247 : i32 to vector<16xi32>
    %max3A_1249 = arith.maxsi %sub3A_1246, %max3A_1248 : vector<16xi32>
    %lt3A_1250 = arith.constant 999424 : i32
    %lt3A_1251 = vector.broadcast %lt3A_1250 : i32 to vector<16xi32>
    %lt3A_1252 = arith.cmpi slt, %get3A_1235, %lt3A_1251 : vector<16xi32>
    %get3A_1253 = arith.constant 96 : index
    %get3A_1254 = tpu.vector_load %arg14[%get3A_1253] {strides = array<i32>} : memref<512xf32, #tpu.memory_space<vmem>>, vector<16xf32>,
    %gather3A_1255 = tpu.vector_load_idx %arg18[%max3A_1243] : memref<2304xf32, #tpu.memory_space<vmem>>[vector<16xi32>], vector<16xf32>,
    %select_n3A_1256 = arith.select %lt3A_1252, %get3A_1254, %gather3A_1255 : vector<16xi1>, vector<16xf32>
    %lt3A_1257 = arith.constant 999424 : i32
    %lt3A_1258 = vector.broadcast %lt3A_1257 : i32 to vector<16xi32>
    %lt3A_1259 = arith.cmpi slt, %get3A_1237, %lt3A_1258 : vector<16xi32>
    %get3A_1260 = arith.constant 96 : index
    %get3A_1261 = tpu.vector_load %arg15[%get3A_1260] {strides = array<i32>} : memref<512xf32, #tpu.memory_space<vmem>>, vector<16xf32>,
    %add3A_1262 = arith.constant 576 : i32
    %add3A_1263 = vector.broadcast %add3A_1262 : i32 to vector<16xi32>
    %add3A_1264 = arith.addi %max3A_1249, %add3A_1263 : vector<16xi32>
    %gather3A_1265 = tpu.vector_load_idx %arg18[%add3A_1264] : memref<2304xf32, #tpu.memory_space<vmem>>[vector<16xi32>], vector<16xf32>,
    %select_n3A_1266 = arith.select %lt3A_1259, %get3A_1261, %gather3A_1265 : vector<16xi1>, vector<16xf32>
    %lt3A_1267 = arith.constant 999424 : i32
    %lt3A_1268 = vector.broadcast %lt3A_1267 : i32 to vector<16xi32>
    %lt3A_1269 = arith.cmpi slt, %get3A_1237, %lt3A_1268 : vector<16xi32>
    %get3A_1270 = arith.constant 96 : index
    %get3A_1271 = tpu.vector_load %arg16[%get3A_1270] {strides = array<i32>} : memref<512xf32, #tpu.memory_space<vmem>>, vector<16xf32>,
    %add3A_1272 = arith.constant 1152 : i32
    %add3A_1273 = vector.broadcast %add3A_1272 : i32 to vector<16xi32>
    %add3A_1274 = arith.addi %max3A_1249, %add3A_1273 : vector<16xi32>
    %gather3A_1275 = tpu.vector_load_idx %arg18[%add3A_1274] : memref<2304xf32, #tpu.memory_space<vmem>>[vector<16xi32>], vector<16xf32>,
    %select_n3A_1276 = arith.select %lt3A_1269, %get3A_1271, %gather3A_1275 : vector<16xi1>, vector<16xf32>
    %lt3A_1277 = arith.constant 999424 : i32
    %lt3A_1278 = vector.broadcast %lt3A_1277 : i32 to vector<16xi32>
    %lt3A_1279 = arith.cmpi slt, %get3A_1237, %lt3A_1278 : vector<16xi32>
    %get3A_1280 = arith.constant 96 : index
    %get3A_1281 = tpu.vector_load %arg17[%get3A_1280] {strides = array<i32>} : memref<512xf32, #tpu.memory_space<vmem>>, vector<16xf32>,
    %add3A_1282 = arith.constant 1728 : i32
    %add3A_1283 = vector.broadcast %add3A_1282 : i32 to vector<16xi32>
    %add3A_1284 = arith.addi %max3A_1249, %add3A_1283 : vector<16xi32>
    %gather3A_1285 = tpu.vector_load_idx %arg18[%add3A_1284] : memref<2304xf32, #tpu.memory_space<vmem>>[vector<16xi32>], vector<16xf32>,
    %select_n3A_1286 = arith.select %lt3A_1279, %get3A_1281, %gather3A_1285 : vector<16xi1>, vector<16xf32>
    %neg3A_1287 = arith.constant 0.000000e+00 : f32
    %neg3A_1288 = vector.broadcast %neg3A_1287 : f32 to vector<16xf32>
    %neg3A_1289 = arith.subf %neg3A_1288, %select_n3A_1256 : vector<16xf32>
    %exp3A_1290 = math.exp %neg3A_1289 : vector<16xf32>
    %add3A_1291 = arith.constant 1.000000e+00 : f32
    %add3A_1292 = vector.broadcast %add3A_1291 : f32 to vector<16xf32>
    %add3A_1293 = arith.addf %add3A_1292, %exp3A_1290 : vector<16xf32>
    %div3A_1294 = arith.constant 1.000000e+00 : f32
    %div3A_1295 = vector.broadcast %div3A_1294 : f32 to vector<16xf32>
    %div3A_1296 = arith.divf %div3A_1295, %add3A_1293 : vector<16xf32>
    %sub3A_1297 = arith.constant 5.000000e-01 : f32
    %sub3A_1298 = vector.broadcast %sub3A_1297 : f32 to vector<16xf32>
    %sub3A_1299 = arith.subf %div3A_1296, %sub3A_1298 : vector<16xf32>
    %mul3A_1300 = arith.constant 8.000000e+00 : f32
    %mul3A_1301 = vector.broadcast %mul3A_1300 : f32 to vector<16xf32>
    %mul3A_1302 = arith.mulf %mul3A_1301, %sub3A_1299 : vector<16xf32>
    %neg3A_1303 = arith.constant 0.000000e+00 : f32
    %neg3A_1304 = vector.broadcast %neg3A_1303 : f32 to vector<16xf32>
    %neg3A_1305 = arith.subf %neg3A_1304, %select_n3A_1266 : vector<16xf32>
    %exp3A_1306 = math.exp %neg3A_1305 : vector<16xf32>
    %add3A_1307 = arith.constant 1.000000e+00 : f32
    %add3A_1308 = vector.broadcast %add3A_1307 : f32 to vector<16xf32>
    %add3A_1309 = arith.addf %add3A_1308, %exp3A_1306 : vector<16xf32>
    %div3A_1310 = arith.constant 1.000000e+00 : f32
    %div3A_1311 = vector.broadcast %div3A_1310 : f32 to vector<16xf32>
    %div3A_1312 = arith.divf %div3A_1311, %add3A_1309 : vector<16xf32>
    %mul3A_1313 = arith.constant 4.000000e+00 : f32
    %mul3A_1314 = vector.broadcast %mul3A_1313 : f32 to vector<16xf32>
    %mul3A_1315 = arith.mulf %mul3A_1314, %div3A_1312 : vector<16xf32>
    %neg3A_1316 = arith.constant 0.000000e+00 : f32
    %neg3A_1317 = vector.broadcast %neg3A_1316 : f32 to vector<16xf32>
    %neg3A_1318 = arith.subf %neg3A_1317, %select_n3A_1276 : vector<16xf32>
    %exp3A_1319 = math.exp %neg3A_1318 : vector<16xf32>
    %add3A_1320 = arith.constant 1.000000e+00 : f32
    %add3A_1321 = vector.broadcast %add3A_1320 : f32 to vector<16xf32>
    %add3A_1322 = arith.addf %add3A_1321, %exp3A_1319 : vector<16xf32>
    %div3A_1323 = arith.constant 1.000000e+00 : f32
    %div3A_1324 = vector.broadcast %div3A_1323 : f32 to vector<16xf32>
    %div3A_1325 = arith.divf %div3A_1324, %add3A_1322 : vector<16xf32>
    %sub3A_1326 = arith.constant 5.000000e-01 : f32
    %sub3A_1327 = vector.broadcast %sub3A_1326 : f32 to vector<16xf32>
    %sub3A_1328 = arith.subf %div3A_1325, %sub3A_1327 : vector<16xf32>
    %mul3A_1329 = arith.constant 8.000000e+00 : f32
    %mul3A_1330 = vector.broadcast %mul3A_1329 : f32 to vector<16xf32>
    %mul3A_1331 = arith.mulf %mul3A_1330, %sub3A_1328 : vector<16xf32>
    %neg3A_1332 = arith.constant 0.000000e+00 : f32
    %neg3A_1333 = vector.broadcast %neg3A_1332 : f32 to vector<16xf32>
    %neg3A_1334 = arith.subf %neg3A_1333, %select_n3A_1286 : vector<16xf32>
    %exp3A_1335 = math.exp %neg3A_1334 : vector<16xf32>
    %add3A_1336 = arith.constant 1.000000e+00 : f32
    %add3A_1337 = vector.broadcast %add3A_1336 : f32 to vector<16xf32>
    %add3A_1338 = arith.addf %add3A_1337, %exp3A_1335 : vector<16xf32>
    %div3A_1339 = arith.constant 1.000000e+00 : f32
    %div3A_1340 = vector.broadcast %div3A_1339 : f32 to vector<16xf32>
    %div3A_1341 = arith.divf %div3A_1340, %add3A_1338 : vector<16xf32>
    %sub3A_1342 = arith.constant 1.000000e+00 : f32
    %sub3A_1343 = vector.broadcast %sub3A_1342 : f32 to vector<16xf32>
    %sub3A_1344 = arith.subf %sub3A_1343, %div3A_1341 : vector<16xf32>
    %mul3A_1345 = arith.constant 1.702000e+00 : f32
    %mul3A_1346 = vector.broadcast %mul3A_1345 : f32 to vector<16xf32>
    %mul3A_1347 = arith.mulf %mul3A_1346, %mul3A_1315 : vector<16xf32>
    %sub3A_1348 = arith.subf %mul3A_1302, %mul3A_1331 : vector<16xf32>
    %mul3A_1349 = arith.mulf %mul3A_1347, %sub3A_1348 : vector<16xf32>
    %neg3A_1350 = arith.constant 0.000000e+00 : f32
    %neg3A_1351 = vector.broadcast %neg3A_1350 : f32 to vector<16xf32>
    %neg3A_1352 = arith.subf %neg3A_1351, %mul3A_1349 : vector<16xf32>
    %exp3A_1353 = math.exp %neg3A_1352 : vector<16xf32>
    %add3A_1354 = arith.constant 1.000000e+00 : f32
    %add3A_1355 = vector.broadcast %add3A_1354 : f32 to vector<16xf32>
    %add3A_1356 = arith.addf %add3A_1355, %exp3A_1353 : vector<16xf32>
    %div3A_1357 = arith.constant 1.000000e+00 : f32
    %div3A_1358 = vector.broadcast %div3A_1357 : f32 to vector<16xf32>
    %div3A_1359 = arith.divf %div3A_1358, %add3A_1356 : vector<16xf32>
    %mul3A_1360 = arith.mulf %sub3A_1344, %div3A_1359 : vector<16xf32>
    %add3A_1361 = arith.addf %div3A_1341, %mul3A_1360 : vector<16xf32>
    %swap3A_1362 = arith.constant 96 : index
    %swap3A_1363 = tpu.vector_load %arg19[%swap3A_1362] {strides = array<i32>} : memref<512xf32, #tpu.memory_space<vmem>>, vector<16xf32>,
    tpu.vector_store %arg19[%swap3A_1362], %add3A_1361 {strides = array<i32>} : memref<512xf32, #tpu.memory_space<vmem>>, vector<16xf32>,
    %get3A_1364 = arith.constant 112 : index
    %get3A_1365 = tpu.vector_load %arg10[%get3A_1364] {strides = array<i32>} : memref<512xi32, #tpu.memory_space<vmem>>, vector<16xi32>,
    %get3A_1366 = arith.constant 112 : index
    %get3A_1367 = tpu.vector_load %arg11[%get3A_1366] {strides = array<i32>} : memref<512xi32, #tpu.memory_space<vmem>>, vector<16xi32>,
    %sub3A_1368 = arith.constant 999424 : i32
    %sub3A_1369 = vector.broadcast %sub3A_1368 : i32 to vector<16xi32>
    %sub3A_1370 = arith.subi %get3A_1365, %sub3A_1369 : vector<16xi32>
    %max3A_1371 = arith.constant 0 : i32
    %max3A_1372 = vector.broadcast %max3A_1371 : i32 to vector<16xi32>
    %max3A_1373 = arith.maxsi %sub3A_1370, %max3A_1372 : vector<16xi32>
    %sub3A_1374 = arith.constant 999424 : i32
    %sub3A_1375 = vector.broadcast %sub3A_1374 : i32 to vector<16xi32>
    %sub3A_1376 = arith.subi %get3A_1367, %sub3A_1375 : vector<16xi32>
    %max3A_1377 = arith.constant 0 : i32
    %max3A_1378 = vector.broadcast %max3A_1377 : i32 to vector<16xi32>
    %max3A_1379 = arith.maxsi %sub3A_1376, %max3A_1378 : vector<16xi32>
    %lt3A_1380 = arith.constant 999424 : i32
    %lt3A_1381 = vector.broadcast %lt3A_1380 : i32 to vector<16xi32>
    %lt3A_1382 = arith.cmpi slt, %get3A_1365, %lt3A_1381 : vector<16xi32>
    %get3A_1383 = arith.constant 112 : index
    %get3A_1384 = tpu.vector_load %arg14[%get3A_1383] {strides = array<i32>} : memref<512xf32, #tpu.memory_space<vmem>>, vector<16xf32>,
    %gather3A_1385 = tpu.vector_load_idx %arg18[%max3A_1373] : memref<2304xf32, #tpu.memory_space<vmem>>[vector<16xi32>], vector<16xf32>,
    %select_n3A_1386 = arith.select %lt3A_1382, %get3A_1384, %gather3A_1385 : vector<16xi1>, vector<16xf32>
    %lt3A_1387 = arith.constant 999424 : i32
    %lt3A_1388 = vector.broadcast %lt3A_1387 : i32 to vector<16xi32>
    %lt3A_1389 = arith.cmpi slt, %get3A_1367, %lt3A_1388 : vector<16xi32>
    %get3A_1390 = arith.constant 112 : index
    %get3A_1391 = tpu.vector_load %arg15[%get3A_1390] {strides = array<i32>} : memref<512xf32, #tpu.memory_space<vmem>>, vector<16xf32>,
    %add3A_1392 = arith.constant 576 : i32
    %add3A_1393 = vector.broadcast %add3A_1392 : i32 to vector<16xi32>
    %add3A_1394 = arith.addi %max3A_1379, %add3A_1393 : vector<16xi32>
    %gather3A_1395 = tpu.vector_load_idx %arg18[%add3A_1394] : memref<2304xf32, #tpu.memory_space<vmem>>[vector<16xi32>], vector<16xf32>,
    %select_n3A_1396 = arith.select %lt3A_1389, %get3A_1391, %gather3A_1395 : vector<16xi1>, vector<16xf32>
    %lt3A_1397 = arith.constant 999424 : i32
    %lt3A_1398 = vector.broadcast %lt3A_1397 : i32 to vector<16xi32>
    %lt3A_1399 = arith.cmpi slt, %get3A_1367, %lt3A_1398 : vector<16xi32>
    %get3A_1400 = arith.constant 112 : index
    %get3A_1401 = tpu.vector_load %arg16[%get3A_1400] {strides = array<i32>} : memref<512xf32, #tpu.memory_space<vmem>>, vector<16xf32>,
    %add3A_1402 = arith.constant 1152 : i32
    %add3A_1403 = vector.broadcast %add3A_1402 : i32 to vector<16xi32>
    %add3A_1404 = arith.addi %max3A_1379, %add3A_1403 : vector<16xi32>
    %gather3A_1405 = tpu.vector_load_idx %arg18[%add3A_1404] : memref<2304xf32, #tpu.memory_space<vmem>>[vector<16xi32>], vector<16xf32>,
    %select_n3A_1406 = arith.select %lt3A_1399, %get3A_1401, %gather3A_1405 : vector<16xi1>, vector<16xf32>
    %lt3A_1407 = arith.constant 999424 : i32
    %lt3A_1408 = vector.broadcast %lt3A_1407 : i32 to vector<16xi32>
    %lt3A_1409 = arith.cmpi slt, %get3A_1367, %lt3A_1408 : vector<16xi32>
    %get3A_1410 = arith.constant 112 : index
    %get3A_1411 = tpu.vector_load %arg17[%get3A_1410] {strides = array<i32>} : memref<512xf32, #tpu.memory_space<vmem>>, vector<16xf32>,
    %add3A_1412 = arith.constant 1728 : i32
    %add3A_1413 = vector.broadcast %add3A_1412 : i32 to vector<16xi32>
    %add3A_1414 = arith.addi %max3A_1379, %add3A_1413 : vector<16xi32>
    %gather3A_1415 = tpu.vector_load_idx %arg18[%add3A_1414] : memref<2304xf32, #tpu.memory_space<vmem>>[vector<16xi32>], vector<16xf32>,
    %select_n3A_1416 = arith.select %lt3A_1409, %get3A_1411, %gather3A_1415 : vector<16xi1>, vector<16xf32>
    %neg3A_1417 = arith.constant 0.000000e+00 : f32
    %neg3A_1418 = vector.broadcast %neg3A_1417 : f32 to vector<16xf32>
    %neg3A_1419 = arith.subf %neg3A_1418, %select_n3A_1386 : vector<16xf32>
    %exp3A_1420 = math.exp %neg3A_1419 : vector<16xf32>
    %add3A_1421 = arith.constant 1.000000e+00 : f32
    %add3A_1422 = vector.broadcast %add3A_1421 : f32 to vector<16xf32>
    %add3A_1423 = arith.addf %add3A_1422, %exp3A_1420 : vector<16xf32>
    %div3A_1424 = arith.constant 1.000000e+00 : f32
    %div3A_1425 = vector.broadcast %div3A_1424 : f32 to vector<16xf32>
    %div3A_1426 = arith.divf %div3A_1425, %add3A_1423 : vector<16xf32>
    %sub3A_1427 = arith.constant 5.000000e-01 : f32
    %sub3A_1428 = vector.broadcast %sub3A_1427 : f32 to vector<16xf32>
    %sub3A_1429 = arith.subf %div3A_1426, %sub3A_1428 : vector<16xf32>
    %mul3A_1430 = arith.constant 8.000000e+00 : f32
    %mul3A_1431 = vector.broadcast %mul3A_1430 : f32 to vector<16xf32>
    %mul3A_1432 = arith.mulf %mul3A_1431, %sub3A_1429 : vector<16xf32>
    %neg3A_1433 = arith.constant 0.000000e+00 : f32
    %neg3A_1434 = vector.broadcast %neg3A_1433 : f32 to vector<16xf32>
    %neg3A_1435 = arith.subf %neg3A_1434, %select_n3A_1396 : vector<16xf32>
    %exp3A_1436 = math.exp %neg3A_1435 : vector<16xf32>
    %add3A_1437 = arith.constant 1.000000e+00 : f32
    %add3A_1438 = vector.broadcast %add3A_1437 : f32 to vector<16xf32>
    %add3A_1439 = arith.addf %add3A_1438, %exp3A_1436 : vector<16xf32>
    %div3A_1440 = arith.constant 1.000000e+00 : f32
    %div3A_1441 = vector.broadcast %div3A_1440 : f32 to vector<16xf32>
    %div3A_1442 = arith.divf %div3A_1441, %add3A_1439 : vector<16xf32>
    %mul3A_1443 = arith.constant 4.000000e+00 : f32
    %mul3A_1444 = vector.broadcast %mul3A_1443 : f32 to vector<16xf32>
    %mul3A_1445 = arith.mulf %mul3A_1444, %div3A_1442 : vector<16xf32>
    %neg3A_1446 = arith.constant 0.000000e+00 : f32
    %neg3A_1447 = vector.broadcast %neg3A_1446 : f32 to vector<16xf32>
    %neg3A_1448 = arith.subf %neg3A_1447, %select_n3A_1406 : vector<16xf32>
    %exp3A_1449 = math.exp %neg3A_1448 : vector<16xf32>
    %add3A_1450 = arith.constant 1.000000e+00 : f32
    %add3A_1451 = vector.broadcast %add3A_1450 : f32 to vector<16xf32>
    %add3A_1452 = arith.addf %add3A_1451, %exp3A_1449 : vector<16xf32>
    %div3A_1453 = arith.constant 1.000000e+00 : f32
    %div3A_1454 = vector.broadcast %div3A_1453 : f32 to vector<16xf32>
    %div3A_1455 = arith.divf %div3A_1454, %add3A_1452 : vector<16xf32>
    %sub3A_1456 = arith.constant 5.000000e-01 : f32
    %sub3A_1457 = vector.broadcast %sub3A_1456 : f32 to vector<16xf32>
    %sub3A_1458 = arith.subf %div3A_1455, %sub3A_1457 : vector<16xf32>
    %mul3A_1459 = arith.constant 8.000000e+00 : f32
    %mul3A_1460 = vector.broadcast %mul3A_1459 : f32 to vector<16xf32>
    %mul3A_1461 = arith.mulf %mul3A_1460, %sub3A_1458 : vector<16xf32>
    %neg3A_1462 = arith.constant 0.000000e+00 : f32
    %neg3A_1463 = vector.broadcast %neg3A_1462 : f32 to vector<16xf32>
    %neg3A_1464 = arith.subf %neg3A_1463, %select_n3A_1416 : vector<16xf32>
    %exp3A_1465 = math.exp %neg3A_1464 : vector<16xf32>
    %add3A_1466 = arith.constant 1.000000e+00 : f32
    %add3A_1467 = vector.broadcast %add3A_1466 : f32 to vector<16xf32>
    %add3A_1468 = arith.addf %add3A_1467, %exp3A_1465 : vector<16xf32>
    %div3A_1469 = arith.constant 1.000000e+00 : f32
    %div3A_1470 = vector.broadcast %div3A_1469 : f32 to vector<16xf32>
    %div3A_1471 = arith.divf %div3A_1470, %add3A_1468 : vector<16xf32>
    %sub3A_1472 = arith.constant 1.000000e+00 : f32
    %sub3A_1473 = vector.broadcast %sub3A_1472 : f32 to vector<16xf32>
    %sub3A_1474 = arith.subf %sub3A_1473, %div3A_1471 : vector<16xf32>
    %mul3A_1475 = arith.constant 1.702000e+00 : f32
    %mul3A_1476 = vector.broadcast %mul3A_1475 : f32 to vector<16xf32>
    %mul3A_1477 = arith.mulf %mul3A_1476, %mul3A_1445 : vector<16xf32>
    %sub3A_1478 = arith.subf %mul3A_1432, %mul3A_1461 : vector<16xf32>
    %mul3A_1479 = arith.mulf %mul3A_1477, %sub3A_1478 : vector<16xf32>
    %neg3A_1480 = arith.constant 0.000000e+00 : f32
    %neg3A_1481 = vector.broadcast %neg3A_1480 : f32 to vector<16xf32>
    %neg3A_1482 = arith.subf %neg3A_1481, %mul3A_1479 : vector<16xf32>
    %exp3A_1483 = math.exp %neg3A_1482 : vector<16xf32>
    %add3A_1484 = arith.constant 1.000000e+00 : f32
    %add3A_1485 = vector.broadcast %add3A_1484 : f32 to vector<16xf32>
    %add3A_1486 = arith.addf %add3A_1485, %exp3A_1483 : vector<16xf32>
    %div3A_1487 = arith.constant 1.000000e+00 : f32
    %div3A_1488 = vector.broadcast %div3A_1487 : f32 to vector<16xf32>
    %div3A_1489 = arith.divf %div3A_1488, %add3A_1486 : vector<16xf32>
    %mul3A_1490 = arith.mulf %sub3A_1474, %div3A_1489 : vector<16xf32>
    %add3A_1491 = arith.addf %div3A_1471, %mul3A_1490 : vector<16xf32>
    %swap3A_1492 = arith.constant 112 : index
    %swap3A_1493 = tpu.vector_load %arg19[%swap3A_1492] {strides = array<i32>} : memref<512xf32, #tpu.memory_space<vmem>>, vector<16xf32>,
    tpu.vector_store %arg19[%swap3A_1492], %add3A_1491 {strides = array<i32>} : memref<512xf32, #tpu.memory_space<vmem>>, vector<16xf32>,
    %get3A_1494 = arith.constant 128 : index
    %get3A_1495 = tpu.vector_load %arg10[%get3A_1494] {strides = array<i32>} : memref<512xi32, #tpu.memory_space<vmem>>, vector<16xi32>,
    %get3A_1496 = arith.constant 128 : index
    %get3A_1497 = tpu.vector_load %arg11[%get3A_1496] {strides = array<i32>} : memref<512xi32, #tpu.memory_space<vmem>>, vector<16xi32>,
    %sub3A_1498 = arith.constant 999424 : i32
    %sub3A_1499 = vector.broadcast %sub3A_1498 : i32 to vector<16xi32>
    %sub3A_1500 = arith.subi %get3A_1495, %sub3A_1499 : vector<16xi32>
    %max3A_1501 = arith.constant 0 : i32
    %max3A_1502 = vector.broadcast %max3A_1501 : i32 to vector<16xi32>
    %max3A_1503 = arith.maxsi %sub3A_1500, %max3A_1502 : vector<16xi32>
    %sub3A_1504 = arith.constant 999424 : i32
    %sub3A_1505 = vector.broadcast %sub3A_1504 : i32 to vector<16xi32>
    %sub3A_1506 = arith.subi %get3A_1497, %sub3A_1505 : vector<16xi32>
    %max3A_1507 = arith.constant 0 : i32
    %max3A_1508 = vector.broadcast %max3A_1507 : i32 to vector<16xi32>
    %max3A_1509 = arith.maxsi %sub3A_1506, %max3A_1508 : vector<16xi32>
    %lt3A_1510 = arith.constant 999424 : i32
    %lt3A_1511 = vector.broadcast %lt3A_1510 : i32 to vector<16xi32>
    %lt3A_1512 = arith.cmpi slt, %get3A_1495, %lt3A_1511 : vector<16xi32>
    %get3A_1513 = arith.constant 128 : index
    %get3A_1514 = tpu.vector_load %arg14[%get3A_1513] {strides = array<i32>} : memref<512xf32, #tpu.memory_space<vmem>>, vector<16xf32>,
    %gather3A_1515 = tpu.vector_load_idx %arg18[%max3A_1503] : memref<2304xf32, #tpu.memory_space<vmem>>[vector<16xi32>], vector<16xf32>,
    %select_n3A_1516 = arith.select %lt3A_1512, %get3A_1514, %gather3A_1515 : vector<16xi1>, vector<16xf32>
    %lt3A_1517 = arith.constant 999424 : i32
    %lt3A_1518 = vector.broadcast %lt3A_1517 : i32 to vector<16xi32>
    %lt3A_1519 = arith.cmpi slt, %get3A_1497, %lt3A_1518 : vector<16xi32>
    %get3A_1520 = arith.constant 128 : index
    %get3A_1521 = tpu.vector_load %arg15[%get3A_1520] {strides = array<i32>} : memref<512xf32, #tpu.memory_space<vmem>>, vector<16xf32>,
    %add3A_1522 = arith.constant 576 : i32
    %add3A_1523 = vector.broadcast %add3A_1522 : i32 to vector<16xi32>
    %add3A_1524 = arith.addi %max3A_1509, %add3A_1523 : vector<16xi32>
    %gather3A_1525 = tpu.vector_load_idx %arg18[%add3A_1524] : memref<2304xf32, #tpu.memory_space<vmem>>[vector<16xi32>], vector<16xf32>,
    %select_n3A_1526 = arith.select %lt3A_1519, %get3A_1521, %gather3A_1525 : vector<16xi1>, vector<16xf32>
    %lt3A_1527 = arith.constant 999424 : i32
    %lt3A_1528 = vector.broadcast %lt3A_1527 : i32 to vector<16xi32>
    %lt3A_1529 = arith.cmpi slt, %get3A_1497, %lt3A_1528 : vector<16xi32>
    %get3A_1530 = arith.constant 128 : index
    %get3A_1531 = tpu.vector_load %arg16[%get3A_1530] {strides = array<i32>} : memref<512xf32, #tpu.memory_space<vmem>>, vector<16xf32>,
    %add3A_1532 = arith.constant 1152 : i32
    %add3A_1533 = vector.broadcast %add3A_1532 : i32 to vector<16xi32>
    %add3A_1534 = arith.addi %max3A_1509, %add3A_1533 : vector<16xi32>
    %gather3A_1535 = tpu.vector_load_idx %arg18[%add3A_1534] : memref<2304xf32, #tpu.memory_space<vmem>>[vector<16xi32>], vector<16xf32>,
    %select_n3A_1536 = arith.select %lt3A_1529, %get3A_1531, %gather3A_1535 : vector<16xi1>, vector<16xf32>
    %lt3A_1537 = arith.constant 999424 : i32
    %lt3A_1538 = vector.broadcast %lt3A_1537 : i32 to vector<16xi32>
    %lt3A_1539 = arith.cmpi slt, %get3A_1497, %lt3A_1538 : vector<16xi32>
    %get3A_1540 = arith.constant 128 : index
    %get3A_1541 = tpu.vector_load %arg17[%get3A_1540] {strides = array<i32>} : memref<512xf32, #tpu.memory_space<vmem>>, vector<16xf32>,
    %add3A_1542 = arith.constant 1728 : i32
    %add3A_1543 = vector.broadcast %add3A_1542 : i32 to vector<16xi32>
    %add3A_1544 = arith.addi %max3A_1509, %add3A_1543 : vector<16xi32>
    %gather3A_1545 = tpu.vector_load_idx %arg18[%add3A_1544] : memref<2304xf32, #tpu.memory_space<vmem>>[vector<16xi32>], vector<16xf32>,
    %select_n3A_1546 = arith.select %lt3A_1539, %get3A_1541, %gather3A_1545 : vector<16xi1>, vector<16xf32>
    %neg3A_1547 = arith.constant 0.000000e+00 : f32
    %neg3A_1548 = vector.broadcast %neg3A_1547 : f32 to vector<16xf32>
    %neg3A_1549 = arith.subf %neg3A_1548, %select_n3A_1516 : vector<16xf32>
    %exp3A_1550 = math.exp %neg3A_1549 : vector<16xf32>
    %add3A_1551 = arith.constant 1.000000e+00 : f32
    %add3A_1552 = vector.broadcast %add3A_1551 : f32 to vector<16xf32>
    %add3A_1553 = arith.addf %add3A_1552, %exp3A_1550 : vector<16xf32>
    %div3A_1554 = arith.constant 1.000000e+00 : f32
    %div3A_1555 = vector.broadcast %div3A_1554 : f32 to vector<16xf32>
    %div3A_1556 = arith.divf %div3A_1555, %add3A_1553 : vector<16xf32>
    %sub3A_1557 = arith.constant 5.000000e-01 : f32
    %sub3A_1558 = vector.broadcast %sub3A_1557 : f32 to vector<16xf32>
    %sub3A_1559 = arith.subf %div3A_1556, %sub3A_1558 : vector<16xf32>
    %mul3A_1560 = arith.constant 8.000000e+00 : f32
    %mul3A_1561 = vector.broadcast %mul3A_1560 : f32 to vector<16xf32>
    %mul3A_1562 = arith.mulf %mul3A_1561, %sub3A_1559 : vector<16xf32>
    %neg3A_1563 = arith.constant 0.000000e+00 : f32
    %neg3A_1564 = vector.broadcast %neg3A_1563 : f32 to vector<16xf32>
    %neg3A_1565 = arith.subf %neg3A_1564, %select_n3A_1526 : vector<16xf32>
    %exp3A_1566 = math.exp %neg3A_1565 : vector<16xf32>
    %add3A_1567 = arith.constant 1.000000e+00 : f32
    %add3A_1568 = vector.broadcast %add3A_1567 : f32 to vector<16xf32>
    %add3A_1569 = arith.addf %add3A_1568, %exp3A_1566 : vector<16xf32>
    %div3A_1570 = arith.constant 1.000000e+00 : f32
    %div3A_1571 = vector.broadcast %div3A_1570 : f32 to vector<16xf32>
    %div3A_1572 = arith.divf %div3A_1571, %add3A_1569 : vector<16xf32>
    %mul3A_1573 = arith.constant 4.000000e+00 : f32
    %mul3A_1574 = vector.broadcast %mul3A_1573 : f32 to vector<16xf32>
    %mul3A_1575 = arith.mulf %mul3A_1574, %div3A_1572 : vector<16xf32>
    %neg3A_1576 = arith.constant 0.000000e+00 : f32
    %neg3A_1577 = vector.broadcast %neg3A_1576 : f32 to vector<16xf32>
    %neg3A_1578 = arith.subf %neg3A_1577, %select_n3A_1536 : vector<16xf32>
    %exp3A_1579 = math.exp %neg3A_1578 : vector<16xf32>
    %add3A_1580 = arith.constant 1.000000e+00 : f32
    %add3A_1581 = vector.broadcast %add3A_1580 : f32 to vector<16xf32>
    %add3A_1582 = arith.addf %add3A_1581, %exp3A_1579 : vector<16xf32>
    %div3A_1583 = arith.constant 1.000000e+00 : f32
    %div3A_1584 = vector.broadcast %div3A_1583 : f32 to vector<16xf32>
    %div3A_1585 = arith.divf %div3A_1584, %add3A_1582 : vector<16xf32>
    %sub3A_1586 = arith.constant 5.000000e-01 : f32
    %sub3A_1587 = vector.broadcast %sub3A_1586 : f32 to vector<16xf32>
    %sub3A_1588 = arith.subf %div3A_1585, %sub3A_1587 : vector<16xf32>
    %mul3A_1589 = arith.constant 8.000000e+00 : f32
    %mul3A_1590 = vector.broadcast %mul3A_1589 : f32 to vector<16xf32>
    %mul3A_1591 = arith.mulf %mul3A_1590, %sub3A_1588 : vector<16xf32>
    %neg3A_1592 = arith.constant 0.000000e+00 : f32
    %neg3A_1593 = vector.broadcast %neg3A_1592 : f32 to vector<16xf32>
    %neg3A_1594 = arith.subf %neg3A_1593, %select_n3A_1546 : vector<16xf32>
    %exp3A_1595 = math.exp %neg3A_1594 : vector<16xf32>
    %add3A_1596 = arith.constant 1.000000e+00 : f32
    %add3A_1597 = vector.broadcast %add3A_1596 : f32 to vector<16xf32>
    %add3A_1598 = arith.addf %add3A_1597, %exp3A_1595 : vector<16xf32>
    %div3A_1599 = arith.constant 1.000000e+00 : f32
    %div3A_1600 = vector.broadcast %div3A_1599 : f32 to vector<16xf32>
    %div3A_1601 = arith.divf %div3A_1600, %add3A_1598 : vector<16xf32>
    %sub3A_1602 = arith.constant 1.000000e+00 : f32
    %sub3A_1603 = vector.broadcast %sub3A_1602 : f32 to vector<16xf32>
    %sub3A_1604 = arith.subf %sub3A_1603, %div3A_1601 : vector<16xf32>
    %mul3A_1605 = arith.constant 1.702000e+00 : f32
    %mul3A_1606 = vector.broadcast %mul3A_1605 : f32 to vector<16xf32>
    %mul3A_1607 = arith.mulf %mul3A_1606, %mul3A_1575 : vector<16xf32>
    %sub3A_1608 = arith.subf %mul3A_1562, %mul3A_1591 : vector<16xf32>
    %mul3A_1609 = arith.mulf %mul3A_1607, %sub3A_1608 : vector<16xf32>
    %neg3A_1610 = arith.constant 0.000000e+00 : f32
    %neg3A_1611 = vector.broadcast %neg3A_1610 : f32 to vector<16xf32>
    %neg3A_1612 = arith.subf %neg3A_1611, %mul3A_1609 : vector<16xf32>
    %exp3A_1613 = math.exp %neg3A_1612 : vector<16xf32>
    %add3A_1614 = arith.constant 1.000000e+00 : f32
    %add3A_1615 = vector.broadcast %add3A_1614 : f32 to vector<16xf32>
    %add3A_1616 = arith.addf %add3A_1615, %exp3A_1613 : vector<16xf32>
    %div3A_1617 = arith.constant 1.000000e+00 : f32
    %div3A_1618 = vector.broadcast %div3A_1617 : f32 to vector<16xf32>
    %div3A_1619 = arith.divf %div3A_1618, %add3A_1616 : vector<16xf32>
    %mul3A_1620 = arith.mulf %sub3A_1604, %div3A_1619 : vector<16xf32>
    %add3A_1621 = arith.addf %div3A_1601, %mul3A_1620 : vector<16xf32>
    %swap3A_1622 = arith.constant 128 : index
    %swap3A_1623 = tpu.vector_load %arg19[%swap3A_1622] {strides = array<i32>} : memref<512xf32, #tpu.memory_space<vmem>>, vector<16xf32>,
    tpu.vector_store %arg19[%swap3A_1622], %add3A_1621 {strides = array<i32>} : memref<512xf32, #tpu.memory_space<vmem>>, vector<16xf32>,
    %get3A_1624 = arith.constant 144 : index
    %get3A_1625 = tpu.vector_load %arg10[%get3A_1624] {strides = array<i32>} : memref<512xi32, #tpu.memory_space<vmem>>, vector<16xi32>,
    %get3A_1626 = arith.constant 144 : index
    %get3A_1627 = tpu.vector_load %arg11[%get3A_1626] {strides = array<i32>} : memref<512xi32, #tpu.memory_space<vmem>>, vector<16xi32>,
    %sub3A_1628 = arith.constant 999424 : i32
    %sub3A_1629 = vector.broadcast %sub3A_1628 : i32 to vector<16xi32>
    %sub3A_1630 = arith.subi %get3A_1625, %sub3A_1629 : vector<16xi32>
    %max3A_1631 = arith.constant 0 : i32
    %max3A_1632 = vector.broadcast %max3A_1631 : i32 to vector<16xi32>
    %max3A_1633 = arith.maxsi %sub3A_1630, %max3A_1632 : vector<16xi32>
    %sub3A_1634 = arith.constant 999424 : i32
    %sub3A_1635 = vector.broadcast %sub3A_1634 : i32 to vector<16xi32>
    %sub3A_1636 = arith.subi %get3A_1627, %sub3A_1635 : vector<16xi32>
    %max3A_1637 = arith.constant 0 : i32
    %max3A_1638 = vector.broadcast %max3A_1637 : i32 to vector<16xi32>
    %max3A_1639 = arith.maxsi %sub3A_1636, %max3A_1638 : vector<16xi32>
    %lt3A_1640 = arith.constant 999424 : i32
    %lt3A_1641 = vector.broadcast %lt3A_1640 : i32 to vector<16xi32>
    %lt3A_1642 = arith.cmpi slt, %get3A_1625, %lt3A_1641 : vector<16xi32>
    %get3A_1643 = arith.constant 144 : index
    %get3A_1644 = tpu.vector_load %arg14[%get3A_1643] {strides = array<i32>} : memref<512xf32, #tpu.memory_space<vmem>>, vector<16xf32>,
    %gather3A_1645 = tpu.vector_load_idx %arg18[%max3A_1633] : memref<2304xf32, #tpu.memory_space<vmem>>[vector<16xi32>], vector<16xf32>,
    %select_n3A_1646 = arith.select %lt3A_1642, %get3A_1644, %gather3A_1645 : vector<16xi1>, vector<16xf32>
    %lt3A_1647 = arith.constant 999424 : i32
    %lt3A_1648 = vector.broadcast %lt3A_1647 : i32 to vector<16xi32>
    %lt3A_1649 = arith.cmpi slt, %get3A_1627, %lt3A_1648 : vector<16xi32>
    %get3A_1650 = arith.constant 144 : index
    %get3A_1651 = tpu.vector_load %arg15[%get3A_1650] {strides = array<i32>} : memref<512xf32, #tpu.memory_space<vmem>>, vector<16xf32>,
    %add3A_1652 = arith.constant 576 : i32
    %add3A_1653 = vector.broadcast %add3A_1652 : i32 to vector<16xi32>
    %add3A_1654 = arith.addi %max3A_1639, %add3A_1653 : vector<16xi32>
    %gather3A_1655 = tpu.vector_load_idx %arg18[%add3A_1654] : memref<2304xf32, #tpu.memory_space<vmem>>[vector<16xi32>], vector<16xf32>,
    %select_n3A_1656 = arith.select %lt3A_1649, %get3A_1651, %gather3A_1655 : vector<16xi1>, vector<16xf32>
    %lt3A_1657 = arith.constant 999424 : i32
    %lt3A_1658 = vector.broadcast %lt3A_1657 : i32 to vector<16xi32>
    %lt3A_1659 = arith.cmpi slt, %get3A_1627, %lt3A_1658 : vector<16xi32>
    %get3A_1660 = arith.constant 144 : index
    %get3A_1661 = tpu.vector_load %arg16[%get3A_1660] {strides = array<i32>} : memref<512xf32, #tpu.memory_space<vmem>>, vector<16xf32>,
    %add3A_1662 = arith.constant 1152 : i32
    %add3A_1663 = vector.broadcast %add3A_1662 : i32 to vector<16xi32>
    %add3A_1664 = arith.addi %max3A_1639, %add3A_1663 : vector<16xi32>
    %gather3A_1665 = tpu.vector_load_idx %arg18[%add3A_1664] : memref<2304xf32, #tpu.memory_space<vmem>>[vector<16xi32>], vector<16xf32>,
    %select_n3A_1666 = arith.select %lt3A_1659, %get3A_1661, %gather3A_1665 : vector<16xi1>, vector<16xf32>
    %lt3A_1667 = arith.constant 999424 : i32
    %lt3A_1668 = vector.broadcast %lt3A_1667 : i32 to vector<16xi32>
    %lt3A_1669 = arith.cmpi slt, %get3A_1627, %lt3A_1668 : vector<16xi32>
    %get3A_1670 = arith.constant 144 : index
    %get3A_1671 = tpu.vector_load %arg17[%get3A_1670] {strides = array<i32>} : memref<512xf32, #tpu.memory_space<vmem>>, vector<16xf32>,
    %add3A_1672 = arith.constant 1728 : i32
    %add3A_1673 = vector.broadcast %add3A_1672 : i32 to vector<16xi32>
    %add3A_1674 = arith.addi %max3A_1639, %add3A_1673 : vector<16xi32>
    %gather3A_1675 = tpu.vector_load_idx %arg18[%add3A_1674] : memref<2304xf32, #tpu.memory_space<vmem>>[vector<16xi32>], vector<16xf32>,
    %select_n3A_1676 = arith.select %lt3A_1669, %get3A_1671, %gather3A_1675 : vector<16xi1>, vector<16xf32>
    %neg3A_1677 = arith.constant 0.000000e+00 : f32
    %neg3A_1678 = vector.broadcast %neg3A_1677 : f32 to vector<16xf32>
    %neg3A_1679 = arith.subf %neg3A_1678, %select_n3A_1646 : vector<16xf32>
    %exp3A_1680 = math.exp %neg3A_1679 : vector<16xf32>
    %add3A_1681 = arith.constant 1.000000e+00 : f32
    %add3A_1682 = vector.broadcast %add3A_1681 : f32 to vector<16xf32>
    %add3A_1683 = arith.addf %add3A_1682, %exp3A_1680 : vector<16xf32>
    %div3A_1684 = arith.constant 1.000000e+00 : f32
    %div3A_1685 = vector.broadcast %div3A_1684 : f32 to vector<16xf32>
    %div3A_1686 = arith.divf %div3A_1685, %add3A_1683 : vector<16xf32>
    %sub3A_1687 = arith.constant 5.000000e-01 : f32
    %sub3A_1688 = vector.broadcast %sub3A_1687 : f32 to vector<16xf32>
    %sub3A_1689 = arith.subf %div3A_1686, %sub3A_1688 : vector<16xf32>
    %mul3A_1690 = arith.constant 8.000000e+00 : f32
    %mul3A_1691 = vector.broadcast %mul3A_1690 : f32 to vector<16xf32>
    %mul3A_1692 = arith.mulf %mul3A_1691, %sub3A_1689 : vector<16xf32>
    %neg3A_1693 = arith.constant 0.000000e+00 : f32
    %neg3A_1694 = vector.broadcast %neg3A_1693 : f32 to vector<16xf32>
    %neg3A_1695 = arith.subf %neg3A_1694, %select_n3A_1656 : vector<16xf32>
    %exp3A_1696 = math.exp %neg3A_1695 : vector<16xf32>
    %add3A_1697 = arith.constant 1.000000e+00 : f32
    %add3A_1698 = vector.broadcast %add3A_1697 : f32 to vector<16xf32>
    %add3A_1699 = arith.addf %add3A_1698, %exp3A_1696 : vector<16xf32>
    %div3A_1700 = arith.constant 1.000000e+00 : f32
    %div3A_1701 = vector.broadcast %div3A_1700 : f32 to vector<16xf32>
    %div3A_1702 = arith.divf %div3A_1701, %add3A_1699 : vector<16xf32>
    %mul3A_1703 = arith.constant 4.000000e+00 : f32
    %mul3A_1704 = vector.broadcast %mul3A_1703 : f32 to vector<16xf32>
    %mul3A_1705 = arith.mulf %mul3A_1704, %div3A_1702 : vector<16xf32>
    %neg3A_1706 = arith.constant 0.000000e+00 : f32
    %neg3A_1707 = vector.broadcast %neg3A_1706 : f32 to vector<16xf32>
    %neg3A_1708 = arith.subf %neg3A_1707, %select_n3A_1666 : vector<16xf32>
    %exp3A_1709 = math.exp %neg3A_1708 : vector<16xf32>
    %add3A_1710 = arith.constant 1.000000e+00 : f32
    %add3A_1711 = vector.broadcast %add3A_1710 : f32 to vector<16xf32>
    %add3A_1712 = arith.addf %add3A_1711, %exp3A_1709 : vector<16xf32>
    %div3A_1713 = arith.constant 1.000000e+00 : f32
    %div3A_1714 = vector.broadcast %div3A_1713 : f32 to vector<16xf32>
    %div3A_1715 = arith.divf %div3A_1714, %add3A_1712 : vector<16xf32>
    %sub3A_1716 = arith.constant 5.000000e-01 : f32
    %sub3A_1717 = vector.broadcast %sub3A_1716 : f32 to vector<16xf32>
    %sub3A_1718 = arith.subf %div3A_1715, %sub3A_1717 : vector<16xf32>
    %mul3A_1719 = arith.constant 8.000000e+00 : f32
    %mul3A_1720 = vector.broadcast %mul3A_1719 : f32 to vector<16xf32>
    %mul3A_1721 = arith.mulf %mul3A_1720, %sub3A_1718 : vector<16xf32>
    %neg3A_1722 = arith.constant 0.000000e+00 : f32
    %neg3A_1723 = vector.broadcast %neg3A_1722 : f32 to vector<16xf32>
    %neg3A_1724 = arith.subf %neg3A_1723, %select_n3A_1676 : vector<16xf32>
    %exp3A_1725 = math.exp %neg3A_1724 : vector<16xf32>
    %add3A_1726 = arith.constant 1.000000e+00 : f32
    %add3A_1727 = vector.broadcast %add3A_1726 : f32 to vector<16xf32>
    %add3A_1728 = arith.addf %add3A_1727, %exp3A_1725 : vector<16xf32>
    %div3A_1729 = arith.constant 1.000000e+00 : f32
    %div3A_1730 = vector.broadcast %div3A_1729 : f32 to vector<16xf32>
    %div3A_1731 = arith.divf %div3A_1730, %add3A_1728 : vector<16xf32>
    %sub3A_1732 = arith.constant 1.000000e+00 : f32
    %sub3A_1733 = vector.broadcast %sub3A_1732 : f32 to vector<16xf32>
    %sub3A_1734 = arith.subf %sub3A_1733, %div3A_1731 : vector<16xf32>
    %mul3A_1735 = arith.constant 1.702000e+00 : f32
    %mul3A_1736 = vector.broadcast %mul3A_1735 : f32 to vector<16xf32>
    %mul3A_1737 = arith.mulf %mul3A_1736, %mul3A_1705 : vector<16xf32>
    %sub3A_1738 = arith.subf %mul3A_1692, %mul3A_1721 : vector<16xf32>
    %mul3A_1739 = arith.mulf %mul3A_1737, %sub3A_1738 : vector<16xf32>
    %neg3A_1740 = arith.constant 0.000000e+00 : f32
    %neg3A_1741 = vector.broadcast %neg3A_1740 : f32 to vector<16xf32>
    %neg3A_1742 = arith.subf %neg3A_1741, %mul3A_1739 : vector<16xf32>
    %exp3A_1743 = math.exp %neg3A_1742 : vector<16xf32>
    %add3A_1744 = arith.constant 1.000000e+00 : f32
    %add3A_1745 = vector.broadcast %add3A_1744 : f32 to vector<16xf32>
    %add3A_1746 = arith.addf %add3A_1745, %exp3A_1743 : vector<16xf32>
    %div3A_1747 = arith.constant 1.000000e+00 : f32
    %div3A_1748 = vector.broadcast %div3A_1747 : f32 to vector<16xf32>
    %div3A_1749 = arith.divf %div3A_1748, %add3A_1746 : vector<16xf32>
    %mul3A_1750 = arith.mulf %sub3A_1734, %div3A_1749 : vector<16xf32>
    %add3A_1751 = arith.addf %div3A_1731, %mul3A_1750 : vector<16xf32>
    %swap3A_1752 = arith.constant 144 : index
    %swap3A_1753 = tpu.vector_load %arg19[%swap3A_1752] {strides = array<i32>} : memref<512xf32, #tpu.memory_space<vmem>>, vector<16xf32>,
    tpu.vector_store %arg19[%swap3A_1752], %add3A_1751 {strides = array<i32>} : memref<512xf32, #tpu.memory_space<vmem>>, vector<16xf32>,
    %get3A_1754 = arith.constant 160 : index
    %get3A_1755 = tpu.vector_load %arg10[%get3A_1754] {strides = array<i32>} : memref<512xi32, #tpu.memory_space<vmem>>, vector<16xi32>,
    %get3A_1756 = arith.constant 160 : index
    %get3A_1757 = tpu.vector_load %arg11[%get3A_1756] {strides = array<i32>} : memref<512xi32, #tpu.memory_space<vmem>>, vector<16xi32>,
    %sub3A_1758 = arith.constant 999424 : i32
    %sub3A_1759 = vector.broadcast %sub3A_1758 : i32 to vector<16xi32>
    %sub3A_1760 = arith.subi %get3A_1755, %sub3A_1759 : vector<16xi32>
    %max3A_1761 = arith.constant 0 : i32
    %max3A_1762 = vector.broadcast %max3A_1761 : i32 to vector<16xi32>
    %max3A_1763 = arith.maxsi %sub3A_1760, %max3A_1762 : vector<16xi32>
    %sub3A_1764 = arith.constant 999424 : i32
    %sub3A_1765 = vector.broadcast %sub3A_1764 : i32 to vector<16xi32>
    %sub3A_1766 = arith.subi %get3A_1757, %sub3A_1765 : vector<16xi32>
    %max3A_1767 = arith.constant 0 : i32
    %max3A_1768 = vector.broadcast %max3A_1767 : i32 to vector<16xi32>
    %max3A_1769 = arith.maxsi %sub3A_1766, %max3A_1768 : vector<16xi32>
    %lt3A_1770 = arith.constant 999424 : i32
    %lt3A_1771 = vector.broadcast %lt3A_1770 : i32 to vector<16xi32>
    %lt3A_1772 = arith.cmpi slt, %get3A_1755, %lt3A_1771 : vector<16xi32>
    %get3A_1773 = arith.constant 160 : index
    %get3A_1774 = tpu.vector_load %arg14[%get3A_1773] {strides = array<i32>} : memref<512xf32, #tpu.memory_space<vmem>>, vector<16xf32>,
    %gather3A_1775 = tpu.vector_load_idx %arg18[%max3A_1763] : memref<2304xf32, #tpu.memory_space<vmem>>[vector<16xi32>], vector<16xf32>,
    %select_n3A_1776 = arith.select %lt3A_1772, %get3A_1774, %gather3A_1775 : vector<16xi1>, vector<16xf32>
    %lt3A_1777 = arith.constant 999424 : i32
    %lt3A_1778 = vector.broadcast %lt3A_1777 : i32 to vector<16xi32>
    %lt3A_1779 = arith.cmpi slt, %get3A_1757, %lt3A_1778 : vector<16xi32>
    %get3A_1780 = arith.constant 160 : index
    %get3A_1781 = tpu.vector_load %arg15[%get3A_1780] {strides = array<i32>} : memref<512xf32, #tpu.memory_space<vmem>>, vector<16xf32>,
    %add3A_1782 = arith.constant 576 : i32
    %add3A_1783 = vector.broadcast %add3A_1782 : i32 to vector<16xi32>
    %add3A_1784 = arith.addi %max3A_1769, %add3A_1783 : vector<16xi32>
    %gather3A_1785 = tpu.vector_load_idx %arg18[%add3A_1784] : memref<2304xf32, #tpu.memory_space<vmem>>[vector<16xi32>], vector<16xf32>,
    %select_n3A_1786 = arith.select %lt3A_1779, %get3A_1781, %gather3A_1785 : vector<16xi1>, vector<16xf32>
    %lt3A_1787 = arith.constant 999424 : i32
    %lt3A_1788 = vector.broadcast %lt3A_1787 : i32 to vector<16xi32>
    %lt3A_1789 = arith.cmpi slt, %get3A_1757, %lt3A_1788 : vector<16xi32>
    %get3A_1790 = arith.constant 160 : index
    %get3A_1791 = tpu.vector_load %arg16[%get3A_1790] {strides = array<i32>} : memref<512xf32, #tpu.memory_space<vmem>>, vector<16xf32>,
    %add3A_1792 = arith.constant 1152 : i32
    %add3A_1793 = vector.broadcast %add3A_1792 : i32 to vector<16xi32>
    %add3A_1794 = arith.addi %max3A_1769, %add3A_1793 : vector<16xi32>
    %gather3A_1795 = tpu.vector_load_idx %arg18[%add3A_1794] : memref<2304xf32, #tpu.memory_space<vmem>>[vector<16xi32>], vector<16xf32>,
    %select_n3A_1796 = arith.select %lt3A_1789, %get3A_1791, %gather3A_1795 : vector<16xi1>, vector<16xf32>
    %lt3A_1797 = arith.constant 999424 : i32
    %lt3A_1798 = vector.broadcast %lt3A_1797 : i32 to vector<16xi32>
    %lt3A_1799 = arith.cmpi slt, %get3A_1757, %lt3A_1798 : vector<16xi32>
    %get3A_1800 = arith.constant 160 : index
    %get3A_1801 = tpu.vector_load %arg17[%get3A_1800] {strides = array<i32>} : memref<512xf32, #tpu.memory_space<vmem>>, vector<16xf32>,
    %add3A_1802 = arith.constant 1728 : i32
    %add3A_1803 = vector.broadcast %add3A_1802 : i32 to vector<16xi32>
    %add3A_1804 = arith.addi %max3A_1769, %add3A_1803 : vector<16xi32>
    %gather3A_1805 = tpu.vector_load_idx %arg18[%add3A_1804] : memref<2304xf32, #tpu.memory_space<vmem>>[vector<16xi32>], vector<16xf32>,
    %select_n3A_1806 = arith.select %lt3A_1799, %get3A_1801, %gather3A_1805 : vector<16xi1>, vector<16xf32>
    %neg3A_1807 = arith.constant 0.000000e+00 : f32
    %neg3A_1808 = vector.broadcast %neg3A_1807 : f32 to vector<16xf32>
    %neg3A_1809 = arith.subf %neg3A_1808, %select_n3A_1776 : vector<16xf32>
    %exp3A_1810 = math.exp %neg3A_1809 : vector<16xf32>
    %add3A_1811 = arith.constant 1.000000e+00 : f32
    %add3A_1812 = vector.broadcast %add3A_1811 : f32 to vector<16xf32>
    %add3A_1813 = arith.addf %add3A_1812, %exp3A_1810 : vector<16xf32>
    %div3A_1814 = arith.constant 1.000000e+00 : f32
    %div3A_1815 = vector.broadcast %div3A_1814 : f32 to vector<16xf32>
    %div3A_1816 = arith.divf %div3A_1815, %add3A_1813 : vector<16xf32>
    %sub3A_1817 = arith.constant 5.000000e-01 : f32
    %sub3A_1818 = vector.broadcast %sub3A_1817 : f32 to vector<16xf32>
    %sub3A_1819 = arith.subf %div3A_1816, %sub3A_1818 : vector<16xf32>
    %mul3A_1820 = arith.constant 8.000000e+00 : f32
    %mul3A_1821 = vector.broadcast %mul3A_1820 : f32 to vector<16xf32>
    %mul3A_1822 = arith.mulf %mul3A_1821, %sub3A_1819 : vector<16xf32>
    %neg3A_1823 = arith.constant 0.000000e+00 : f32
    %neg3A_1824 = vector.broadcast %neg3A_1823 : f32 to vector<16xf32>
    %neg3A_1825 = arith.subf %neg3A_1824, %select_n3A_1786 : vector<16xf32>
    %exp3A_1826 = math.exp %neg3A_1825 : vector<16xf32>
    %add3A_1827 = arith.constant 1.000000e+00 : f32
    %add3A_1828 = vector.broadcast %add3A_1827 : f32 to vector<16xf32>
    %add3A_1829 = arith.addf %add3A_1828, %exp3A_1826 : vector<16xf32>
    %div3A_1830 = arith.constant 1.000000e+00 : f32
    %div3A_1831 = vector.broadcast %div3A_1830 : f32 to vector<16xf32>
    %div3A_1832 = arith.divf %div3A_1831, %add3A_1829 : vector<16xf32>
    %mul3A_1833 = arith.constant 4.000000e+00 : f32
    %mul3A_1834 = vector.broadcast %mul3A_1833 : f32 to vector<16xf32>
    %mul3A_1835 = arith.mulf %mul3A_1834, %div3A_1832 : vector<16xf32>
    %neg3A_1836 = arith.constant 0.000000e+00 : f32
    %neg3A_1837 = vector.broadcast %neg3A_1836 : f32 to vector<16xf32>
    %neg3A_1838 = arith.subf %neg3A_1837, %select_n3A_1796 : vector<16xf32>
    %exp3A_1839 = math.exp %neg3A_1838 : vector<16xf32>
    %add3A_1840 = arith.constant 1.000000e+00 : f32
    %add3A_1841 = vector.broadcast %add3A_1840 : f32 to vector<16xf32>
    %add3A_1842 = arith.addf %add3A_1841, %exp3A_1839 : vector<16xf32>
    %div3A_1843 = arith.constant 1.000000e+00 : f32
    %div3A_1844 = vector.broadcast %div3A_1843 : f32 to vector<16xf32>
    %div3A_1845 = arith.divf %div3A_1844, %add3A_1842 : vector<16xf32>
    %sub3A_1846 = arith.constant 5.000000e-01 : f32
    %sub3A_1847 = vector.broadcast %sub3A_1846 : f32 to vector<16xf32>
    %sub3A_1848 = arith.subf %div3A_1845, %sub3A_1847 : vector<16xf32>
    %mul3A_1849 = arith.constant 8.000000e+00 : f32
    %mul3A_1850 = vector.broadcast %mul3A_1849 : f32 to vector<16xf32>
    %mul3A_1851 = arith.mulf %mul3A_1850, %sub3A_1848 : vector<16xf32>
    %neg3A_1852 = arith.constant 0.000000e+00 : f32
    %neg3A_1853 = vector.broadcast %neg3A_1852 : f32 to vector<16xf32>
    %neg3A_1854 = arith.subf %neg3A_1853, %select_n3A_1806 : vector<16xf32>
    %exp3A_1855 = math.exp %neg3A_1854 : vector<16xf32>
    %add3A_1856 = arith.constant 1.000000e+00 : f32
    %add3A_1857 = vector.broadcast %add3A_1856 : f32 to vector<16xf32>
    %add3A_1858 = arith.addf %add3A_1857, %exp3A_1855 : vector<16xf32>
    %div3A_1859 = arith.constant 1.000000e+00 : f32
    %div3A_1860 = vector.broadcast %div3A_1859 : f32 to vector<16xf32>
    %div3A_1861 = arith.divf %div3A_1860, %add3A_1858 : vector<16xf32>
    %sub3A_1862 = arith.constant 1.000000e+00 : f32
    %sub3A_1863 = vector.broadcast %sub3A_1862 : f32 to vector<16xf32>
    %sub3A_1864 = arith.subf %sub3A_1863, %div3A_1861 : vector<16xf32>
    %mul3A_1865 = arith.constant 1.702000e+00 : f32
    %mul3A_1866 = vector.broadcast %mul3A_1865 : f32 to vector<16xf32>
    %mul3A_1867 = arith.mulf %mul3A_1866, %mul3A_1835 : vector<16xf32>
    %sub3A_1868 = arith.subf %mul3A_1822, %mul3A_1851 : vector<16xf32>
    %mul3A_1869 = arith.mulf %mul3A_1867, %sub3A_1868 : vector<16xf32>
    %neg3A_1870 = arith.constant 0.000000e+00 : f32
    %neg3A_1871 = vector.broadcast %neg3A_1870 : f32 to vector<16xf32>
    %neg3A_1872 = arith.subf %neg3A_1871, %mul3A_1869 : vector<16xf32>
    %exp3A_1873 = math.exp %neg3A_1872 : vector<16xf32>
    %add3A_1874 = arith.constant 1.000000e+00 : f32
    %add3A_1875 = vector.broadcast %add3A_1874 : f32 to vector<16xf32>
    %add3A_1876 = arith.addf %add3A_1875, %exp3A_1873 : vector<16xf32>
    %div3A_1877 = arith.constant 1.000000e+00 : f32
    %div3A_1878 = vector.broadcast %div3A_1877 : f32 to vector<16xf32>
    %div3A_1879 = arith.divf %div3A_1878, %add3A_1876 : vector<16xf32>
    %mul3A_1880 = arith.mulf %sub3A_1864, %div3A_1879 : vector<16xf32>
    %add3A_1881 = arith.addf %div3A_1861, %mul3A_1880 : vector<16xf32>
    %swap3A_1882 = arith.constant 160 : index
    %swap3A_1883 = tpu.vector_load %arg19[%swap3A_1882] {strides = array<i32>} : memref<512xf32, #tpu.memory_space<vmem>>, vector<16xf32>,
    tpu.vector_store %arg19[%swap3A_1882], %add3A_1881 {strides = array<i32>} : memref<512xf32, #tpu.memory_space<vmem>>, vector<16xf32>,
    %get3A_1884 = arith.constant 176 : index
    %get3A_1885 = tpu.vector_load %arg10[%get3A_1884] {strides = array<i32>} : memref<512xi32, #tpu.memory_space<vmem>>, vector<16xi32>,
    %get3A_1886 = arith.constant 176 : index
    %get3A_1887 = tpu.vector_load %arg11[%get3A_1886] {strides = array<i32>} : memref<512xi32, #tpu.memory_space<vmem>>, vector<16xi32>,
    %sub3A_1888 = arith.constant 999424 : i32
    %sub3A_1889 = vector.broadcast %sub3A_1888 : i32 to vector<16xi32>
    %sub3A_1890 = arith.subi %get3A_1885, %sub3A_1889 : vector<16xi32>
    %max3A_1891 = arith.constant 0 : i32
    %max3A_1892 = vector.broadcast %max3A_1891 : i32 to vector<16xi32>
    %max3A_1893 = arith.maxsi %sub3A_1890, %max3A_1892 : vector<16xi32>
    %sub3A_1894 = arith.constant 999424 : i32
    %sub3A_1895 = vector.broadcast %sub3A_1894 : i32 to vector<16xi32>
    %sub3A_1896 = arith.subi %get3A_1887, %sub3A_1895 : vector<16xi32>
    %max3A_1897 = arith.constant 0 : i32
    %max3A_1898 = vector.broadcast %max3A_1897 : i32 to vector<16xi32>
    %max3A_1899 = arith.maxsi %sub3A_1896, %max3A_1898 : vector<16xi32>
    %lt3A_1900 = arith.constant 999424 : i32
    %lt3A_1901 = vector.broadcast %lt3A_1900 : i32 to vector<16xi32>
    %lt3A_1902 = arith.cmpi slt, %get3A_1885, %lt3A_1901 : vector<16xi32>
    %get3A_1903 = arith.constant 176 : index
    %get3A_1904 = tpu.vector_load %arg14[%get3A_1903] {strides = array<i32>} : memref<512xf32, #tpu.memory_space<vmem>>, vector<16xf32>,
    %gather3A_1905 = tpu.vector_load_idx %arg18[%max3A_1893] : memref<2304xf32, #tpu.memory_space<vmem>>[vector<16xi32>], vector<16xf32>,
    %select_n3A_1906 = arith.select %lt3A_1902, %get3A_1904, %gather3A_1905 : vector<16xi1>, vector<16xf32>
    %lt3A_1907 = arith.constant 999424 : i32
    %lt3A_1908 = vector.broadcast %lt3A_1907 : i32 to vector<16xi32>
    %lt3A_1909 = arith.cmpi slt, %get3A_1887, %lt3A_1908 : vector<16xi32>
    %get3A_1910 = arith.constant 176 : index
    %get3A_1911 = tpu.vector_load %arg15[%get3A_1910] {strides = array<i32>} : memref<512xf32, #tpu.memory_space<vmem>>, vector<16xf32>,
    %add3A_1912 = arith.constant 576 : i32
    %add3A_1913 = vector.broadcast %add3A_1912 : i32 to vector<16xi32>
    %add3A_1914 = arith.addi %max3A_1899, %add3A_1913 : vector<16xi32>
    %gather3A_1915 = tpu.vector_load_idx %arg18[%add3A_1914] : memref<2304xf32, #tpu.memory_space<vmem>>[vector<16xi32>], vector<16xf32>,
    %select_n3A_1916 = arith.select %lt3A_1909, %get3A_1911, %gather3A_1915 : vector<16xi1>, vector<16xf32>
    %lt3A_1917 = arith.constant 999424 : i32
    %lt3A_1918 = vector.broadcast %lt3A_1917 : i32 to vector<16xi32>
    %lt3A_1919 = arith.cmpi slt, %get3A_1887, %lt3A_1918 : vector<16xi32>
    %get3A_1920 = arith.constant 176 : index
    %get3A_1921 = tpu.vector_load %arg16[%get3A_1920] {strides = array<i32>} : memref<512xf32, #tpu.memory_space<vmem>>, vector<16xf32>,
    %add3A_1922 = arith.constant 1152 : i32
    %add3A_1923 = vector.broadcast %add3A_1922 : i32 to vector<16xi32>
    %add3A_1924 = arith.addi %max3A_1899, %add3A_1923 : vector<16xi32>
    %gather3A_1925 = tpu.vector_load_idx %arg18[%add3A_1924] : memref<2304xf32, #tpu.memory_space<vmem>>[vector<16xi32>], vector<16xf32>,
    %select_n3A_1926 = arith.select %lt3A_1919, %get3A_1921, %gather3A_1925 : vector<16xi1>, vector<16xf32>
    %lt3A_1927 = arith.constant 999424 : i32
    %lt3A_1928 = vector.broadcast %lt3A_1927 : i32 to vector<16xi32>
    %lt3A_1929 = arith.cmpi slt, %get3A_1887, %lt3A_1928 : vector<16xi32>
    %get3A_1930 = arith.constant 176 : index
    %get3A_1931 = tpu.vector_load %arg17[%get3A_1930] {strides = array<i32>} : memref<512xf32, #tpu.memory_space<vmem>>, vector<16xf32>,
    %add3A_1932 = arith.constant 1728 : i32
    %add3A_1933 = vector.broadcast %add3A_1932 : i32 to vector<16xi32>
    %add3A_1934 = arith.addi %max3A_1899, %add3A_1933 : vector<16xi32>
    %gather3A_1935 = tpu.vector_load_idx %arg18[%add3A_1934] : memref<2304xf32, #tpu.memory_space<vmem>>[vector<16xi32>], vector<16xf32>,
    %select_n3A_1936 = arith.select %lt3A_1929, %get3A_1931, %gather3A_1935 : vector<16xi1>, vector<16xf32>
    %neg3A_1937 = arith.constant 0.000000e+00 : f32
    %neg3A_1938 = vector.broadcast %neg3A_1937 : f32 to vector<16xf32>
    %neg3A_1939 = arith.subf %neg3A_1938, %select_n3A_1906 : vector<16xf32>
    %exp3A_1940 = math.exp %neg3A_1939 : vector<16xf32>
    %add3A_1941 = arith.constant 1.000000e+00 : f32
    %add3A_1942 = vector.broadcast %add3A_1941 : f32 to vector<16xf32>
    %add3A_1943 = arith.addf %add3A_1942, %exp3A_1940 : vector<16xf32>
    %div3A_1944 = arith.constant 1.000000e+00 : f32
    %div3A_1945 = vector.broadcast %div3A_1944 : f32 to vector<16xf32>
    %div3A_1946 = arith.divf %div3A_1945, %add3A_1943 : vector<16xf32>
    %sub3A_1947 = arith.constant 5.000000e-01 : f32
    %sub3A_1948 = vector.broadcast %sub3A_1947 : f32 to vector<16xf32>
    %sub3A_1949 = arith.subf %div3A_1946, %sub3A_1948 : vector<16xf32>
    %mul3A_1950 = arith.constant 8.000000e+00 : f32
    %mul3A_1951 = vector.broadcast %mul3A_1950 : f32 to vector<16xf32>
    %mul3A_1952 = arith.mulf %mul3A_1951, %sub3A_1949 : vector<16xf32>
    %neg3A_1953 = arith.constant 0.000000e+00 : f32
    %neg3A_1954 = vector.broadcast %neg3A_1953 : f32 to vector<16xf32>
    %neg3A_1955 = arith.subf %neg3A_1954, %select_n3A_1916 : vector<16xf32>
    %exp3A_1956 = math.exp %neg3A_1955 : vector<16xf32>
    %add3A_1957 = arith.constant 1.000000e+00 : f32
    %add3A_1958 = vector.broadcast %add3A_1957 : f32 to vector<16xf32>
    %add3A_1959 = arith.addf %add3A_1958, %exp3A_1956 : vector<16xf32>
    %div3A_1960 = arith.constant 1.000000e+00 : f32
    %div3A_1961 = vector.broadcast %div3A_1960 : f32 to vector<16xf32>
    %div3A_1962 = arith.divf %div3A_1961, %add3A_1959 : vector<16xf32>
    %mul3A_1963 = arith.constant 4.000000e+00 : f32
    %mul3A_1964 = vector.broadcast %mul3A_1963 : f32 to vector<16xf32>
    %mul3A_1965 = arith.mulf %mul3A_1964, %div3A_1962 : vector<16xf32>
    %neg3A_1966 = arith.constant 0.000000e+00 : f32
    %neg3A_1967 = vector.broadcast %neg3A_1966 : f32 to vector<16xf32>
    %neg3A_1968 = arith.subf %neg3A_1967, %select_n3A_1926 : vector<16xf32>
    %exp3A_1969 = math.exp %neg3A_1968 : vector<16xf32>
    %add3A_1970 = arith.constant 1.000000e+00 : f32
    %add3A_1971 = vector.broadcast %add3A_1970 : f32 to vector<16xf32>
    %add3A_1972 = arith.addf %add3A_1971, %exp3A_1969 : vector<16xf32>
    %div3A_1973 = arith.constant 1.000000e+00 : f32
    %div3A_1974 = vector.broadcast %div3A_1973 : f32 to vector<16xf32>
    %div3A_1975 = arith.divf %div3A_1974, %add3A_1972 : vector<16xf32>
    %sub3A_1976 = arith.constant 5.000000e-01 : f32
    %sub3A_1977 = vector.broadcast %sub3A_1976 : f32 to vector<16xf32>
    %sub3A_1978 = arith.subf %div3A_1975, %sub3A_1977 : vector<16xf32>
    %mul3A_1979 = arith.constant 8.000000e+00 : f32
    %mul3A_1980 = vector.broadcast %mul3A_1979 : f32 to vector<16xf32>
    %mul3A_1981 = arith.mulf %mul3A_1980, %sub3A_1978 : vector<16xf32>
    %neg3A_1982 = arith.constant 0.000000e+00 : f32
    %neg3A_1983 = vector.broadcast %neg3A_1982 : f32 to vector<16xf32>
    %neg3A_1984 = arith.subf %neg3A_1983, %select_n3A_1936 : vector<16xf32>
    %exp3A_1985 = math.exp %neg3A_1984 : vector<16xf32>
    %add3A_1986 = arith.constant 1.000000e+00 : f32
    %add3A_1987 = vector.broadcast %add3A_1986 : f32 to vector<16xf32>
    %add3A_1988 = arith.addf %add3A_1987, %exp3A_1985 : vector<16xf32>
    %div3A_1989 = arith.constant 1.000000e+00 : f32
    %div3A_1990 = vector.broadcast %div3A_1989 : f32 to vector<16xf32>
    %div3A_1991 = arith.divf %div3A_1990, %add3A_1988 : vector<16xf32>
    %sub3A_1992 = arith.constant 1.000000e+00 : f32
    %sub3A_1993 = vector.broadcast %sub3A_1992 : f32 to vector<16xf32>
    %sub3A_1994 = arith.subf %sub3A_1993, %div3A_1991 : vector<16xf32>
    %mul3A_1995 = arith.constant 1.702000e+00 : f32
    %mul3A_1996 = vector.broadcast %mul3A_1995 : f32 to vector<16xf32>
    %mul3A_1997 = arith.mulf %mul3A_1996, %mul3A_1965 : vector<16xf32>
    %sub3A_1998 = arith.subf %mul3A_1952, %mul3A_1981 : vector<16xf32>
    %mul3A_1999 = arith.mulf %mul3A_1997, %sub3A_1998 : vector<16xf32>
    %neg3A_2000 = arith.constant 0.000000e+00 : f32
    %neg3A_2001 = vector.broadcast %neg3A_2000 : f32 to vector<16xf32>
    %neg3A_2002 = arith.subf %neg3A_2001, %mul3A_1999 : vector<16xf32>
    %exp3A_2003 = math.exp %neg3A_2002 : vector<16xf32>
    %add3A_2004 = arith.constant 1.000000e+00 : f32
    %add3A_2005 = vector.broadcast %add3A_2004 : f32 to vector<16xf32>
    %add3A_2006 = arith.addf %add3A_2005, %exp3A_2003 : vector<16xf32>
    %div3A_2007 = arith.constant 1.000000e+00 : f32
    %div3A_2008 = vector.broadcast %div3A_2007 : f32 to vector<16xf32>
    %div3A_2009 = arith.divf %div3A_2008, %add3A_2006 : vector<16xf32>
    %mul3A_2010 = arith.mulf %sub3A_1994, %div3A_2009 : vector<16xf32>
    %add3A_2011 = arith.addf %div3A_1991, %mul3A_2010 : vector<16xf32>
    %swap3A_2012 = arith.constant 176 : index
    %swap3A_2013 = tpu.vector_load %arg19[%swap3A_2012] {strides = array<i32>} : memref<512xf32, #tpu.memory_space<vmem>>, vector<16xf32>,
    tpu.vector_store %arg19[%swap3A_2012], %add3A_2011 {strides = array<i32>} : memref<512xf32, #tpu.memory_space<vmem>>, vector<16xf32>,
    %get3A_2014 = arith.constant 192 : index
    %get3A_2015 = tpu.vector_load %arg10[%get3A_2014] {strides = array<i32>} : memref<512xi32, #tpu.memory_space<vmem>>, vector<16xi32>,
    %get3A_2016 = arith.constant 192 : index
    %get3A_2017 = tpu.vector_load %arg11[%get3A_2016] {strides = array<i32>} : memref<512xi32, #tpu.memory_space<vmem>>, vector<16xi32>,
    %sub3A_2018 = arith.constant 999424 : i32
    %sub3A_2019 = vector.broadcast %sub3A_2018 : i32 to vector<16xi32>
    %sub3A_2020 = arith.subi %get3A_2015, %sub3A_2019 : vector<16xi32>
    %max3A_2021 = arith.constant 0 : i32
    %max3A_2022 = vector.broadcast %max3A_2021 : i32 to vector<16xi32>
    %max3A_2023 = arith.maxsi %sub3A_2020, %max3A_2022 : vector<16xi32>
    %sub3A_2024 = arith.constant 999424 : i32
    %sub3A_2025 = vector.broadcast %sub3A_2024 : i32 to vector<16xi32>
    %sub3A_2026 = arith.subi %get3A_2017, %sub3A_2025 : vector<16xi32>
    %max3A_2027 = arith.constant 0 : i32
    %max3A_2028 = vector.broadcast %max3A_2027 : i32 to vector<16xi32>
    %max3A_2029 = arith.maxsi %sub3A_2026, %max3A_2028 : vector<16xi32>
    %lt3A_2030 = arith.constant 999424 : i32
    %lt3A_2031 = vector.broadcast %lt3A_2030 : i32 to vector<16xi32>
    %lt3A_2032 = arith.cmpi slt, %get3A_2015, %lt3A_2031 : vector<16xi32>
    %get3A_2033 = arith.constant 192 : index
    %get3A_2034 = tpu.vector_load %arg14[%get3A_2033] {strides = array<i32>} : memref<512xf32, #tpu.memory_space<vmem>>, vector<16xf32>,
    %gather3A_2035 = tpu.vector_load_idx %arg18[%max3A_2023] : memref<2304xf32, #tpu.memory_space<vmem>>[vector<16xi32>], vector<16xf32>,
    %select_n3A_2036 = arith.select %lt3A_2032, %get3A_2034, %gather3A_2035 : vector<16xi1>, vector<16xf32>
    %lt3A_2037 = arith.constant 999424 : i32
    %lt3A_2038 = vector.broadcast %lt3A_2037 : i32 to vector<16xi32>
    %lt3A_2039 = arith.cmpi slt, %get3A_2017, %lt3A_2038 : vector<16xi32>
    %get3A_2040 = arith.constant 192 : index
    %get3A_2041 = tpu.vector_load %arg15[%get3A_2040] {strides = array<i32>} : memref<512xf32, #tpu.memory_space<vmem>>, vector<16xf32>,
    %add3A_2042 = arith.constant 576 : i32
    %add3A_2043 = vector.broadcast %add3A_2042 : i32 to vector<16xi32>
    %add3A_2044 = arith.addi %max3A_2029, %add3A_2043 : vector<16xi32>
    %gather3A_2045 = tpu.vector_load_idx %arg18[%add3A_2044] : memref<2304xf32, #tpu.memory_space<vmem>>[vector<16xi32>], vector<16xf32>,
    %select_n3A_2046 = arith.select %lt3A_2039, %get3A_2041, %gather3A_2045 : vector<16xi1>, vector<16xf32>
    %lt3A_2047 = arith.constant 999424 : i32
    %lt3A_2048 = vector.broadcast %lt3A_2047 : i32 to vector<16xi32>
    %lt3A_2049 = arith.cmpi slt, %get3A_2017, %lt3A_2048 : vector<16xi32>
    %get3A_2050 = arith.constant 192 : index
    %get3A_2051 = tpu.vector_load %arg16[%get3A_2050] {strides = array<i32>} : memref<512xf32, #tpu.memory_space<vmem>>, vector<16xf32>,
    %add3A_2052 = arith.constant 1152 : i32
    %add3A_2053 = vector.broadcast %add3A_2052 : i32 to vector<16xi32>
    %add3A_2054 = arith.addi %max3A_2029, %add3A_2053 : vector<16xi32>
    %gather3A_2055 = tpu.vector_load_idx %arg18[%add3A_2054] : memref<2304xf32, #tpu.memory_space<vmem>>[vector<16xi32>], vector<16xf32>,
    %select_n3A_2056 = arith.select %lt3A_2049, %get3A_2051, %gather3A_2055 : vector<16xi1>, vector<16xf32>
    %lt3A_2057 = arith.constant 999424 : i32
    %lt3A_2058 = vector.broadcast %lt3A_2057 : i32 to vector<16xi32>
    %lt3A_2059 = arith.cmpi slt, %get3A_2017, %lt3A_2058 : vector<16xi32>
    %get3A_2060 = arith.constant 192 : index
    %get3A_2061 = tpu.vector_load %arg17[%get3A_2060] {strides = array<i32>} : memref<512xf32, #tpu.memory_space<vmem>>, vector<16xf32>,
    %add3A_2062 = arith.constant 1728 : i32
    %add3A_2063 = vector.broadcast %add3A_2062 : i32 to vector<16xi32>
    %add3A_2064 = arith.addi %max3A_2029, %add3A_2063 : vector<16xi32>
    %gather3A_2065 = tpu.vector_load_idx %arg18[%add3A_2064] : memref<2304xf32, #tpu.memory_space<vmem>>[vector<16xi32>], vector<16xf32>,
    %select_n3A_2066 = arith.select %lt3A_2059, %get3A_2061, %gather3A_2065 : vector<16xi1>, vector<16xf32>
    %neg3A_2067 = arith.constant 0.000000e+00 : f32
    %neg3A_2068 = vector.broadcast %neg3A_2067 : f32 to vector<16xf32>
    %neg3A_2069 = arith.subf %neg3A_2068, %select_n3A_2036 : vector<16xf32>
    %exp3A_2070 = math.exp %neg3A_2069 : vector<16xf32>
    %add3A_2071 = arith.constant 1.000000e+00 : f32
    %add3A_2072 = vector.broadcast %add3A_2071 : f32 to vector<16xf32>
    %add3A_2073 = arith.addf %add3A_2072, %exp3A_2070 : vector<16xf32>
    %div3A_2074 = arith.constant 1.000000e+00 : f32
    %div3A_2075 = vector.broadcast %div3A_2074 : f32 to vector<16xf32>
    %div3A_2076 = arith.divf %div3A_2075, %add3A_2073 : vector<16xf32>
    %sub3A_2077 = arith.constant 5.000000e-01 : f32
    %sub3A_2078 = vector.broadcast %sub3A_2077 : f32 to vector<16xf32>
    %sub3A_2079 = arith.subf %div3A_2076, %sub3A_2078 : vector<16xf32>
    %mul3A_2080 = arith.constant 8.000000e+00 : f32
    %mul3A_2081 = vector.broadcast %mul3A_2080 : f32 to vector<16xf32>
    %mul3A_2082 = arith.mulf %mul3A_2081, %sub3A_2079 : vector<16xf32>
    %neg3A_2083 = arith.constant 0.000000e+00 : f32
    %neg3A_2084 = vector.broadcast %neg3A_2083 : f32 to vector<16xf32>
    %neg3A_2085 = arith.subf %neg3A_2084, %select_n3A_2046 : vector<16xf32>
    %exp3A_2086 = math.exp %neg3A_2085 : vector<16xf32>
    %add3A_2087 = arith.constant 1.000000e+00 : f32
    %add3A_2088 = vector.broadcast %add3A_2087 : f32 to vector<16xf32>
    %add3A_2089 = arith.addf %add3A_2088, %exp3A_2086 : vector<16xf32>
    %div3A_2090 = arith.constant 1.000000e+00 : f32
    %div3A_2091 = vector.broadcast %div3A_2090 : f32 to vector<16xf32>
    %div3A_2092 = arith.divf %div3A_2091, %add3A_2089 : vector<16xf32>
    %mul3A_2093 = arith.constant 4.000000e+00 : f32
    %mul3A_2094 = vector.broadcast %mul3A_2093 : f32 to vector<16xf32>
    %mul3A_2095 = arith.mulf %mul3A_2094, %div3A_2092 : vector<16xf32>
    %neg3A_2096 = arith.constant 0.000000e+00 : f32
    %neg3A_2097 = vector.broadcast %neg3A_2096 : f32 to vector<16xf32>
    %neg3A_2098 = arith.subf %neg3A_2097, %select_n3A_2056 : vector<16xf32>
    %exp3A_2099 = math.exp %neg3A_2098 : vector<16xf32>
    %add3A_2100 = arith.constant 1.000000e+00 : f32
    %add3A_2101 = vector.broadcast %add3A_2100 : f32 to vector<16xf32>
    %add3A_2102 = arith.addf %add3A_2101, %exp3A_2099 : vector<16xf32>
    %div3A_2103 = arith.constant 1.000000e+00 : f32
    %div3A_2104 = vector.broadcast %div3A_2103 : f32 to vector<16xf32>
    %div3A_2105 = arith.divf %div3A_2104, %add3A_2102 : vector<16xf32>
    %sub3A_2106 = arith.constant 5.000000e-01 : f32
    %sub3A_2107 = vector.broadcast %sub3A_2106 : f32 to vector<16xf32>
    %sub3A_2108 = arith.subf %div3A_2105, %sub3A_2107 : vector<16xf32>
    %mul3A_2109 = arith.constant 8.000000e+00 : f32
    %mul3A_2110 = vector.broadcast %mul3A_2109 : f32 to vector<16xf32>
    %mul3A_2111 = arith.mulf %mul3A_2110, %sub3A_2108 : vector<16xf32>
    %neg3A_2112 = arith.constant 0.000000e+00 : f32
    %neg3A_2113 = vector.broadcast %neg3A_2112 : f32 to vector<16xf32>
    %neg3A_2114 = arith.subf %neg3A_2113, %select_n3A_2066 : vector<16xf32>
    %exp3A_2115 = math.exp %neg3A_2114 : vector<16xf32>
    %add3A_2116 = arith.constant 1.000000e+00 : f32
    %add3A_2117 = vector.broadcast %add3A_2116 : f32 to vector<16xf32>
    %add3A_2118 = arith.addf %add3A_2117, %exp3A_2115 : vector<16xf32>
    %div3A_2119 = arith.constant 1.000000e+00 : f32
    %div3A_2120 = vector.broadcast %div3A_2119 : f32 to vector<16xf32>
    %div3A_2121 = arith.divf %div3A_2120, %add3A_2118 : vector<16xf32>
    %sub3A_2122 = arith.constant 1.000000e+00 : f32
    %sub3A_2123 = vector.broadcast %sub3A_2122 : f32 to vector<16xf32>
    %sub3A_2124 = arith.subf %sub3A_2123, %div3A_2121 : vector<16xf32>
    %mul3A_2125 = arith.constant 1.702000e+00 : f32
    %mul3A_2126 = vector.broadcast %mul3A_2125 : f32 to vector<16xf32>
    %mul3A_2127 = arith.mulf %mul3A_2126, %mul3A_2095 : vector<16xf32>
    %sub3A_2128 = arith.subf %mul3A_2082, %mul3A_2111 : vector<16xf32>
    %mul3A_2129 = arith.mulf %mul3A_2127, %sub3A_2128 : vector<16xf32>
    %neg3A_2130 = arith.constant 0.000000e+00 : f32
    %neg3A_2131 = vector.broadcast %neg3A_2130 : f32 to vector<16xf32>
    %neg3A_2132 = arith.subf %neg3A_2131, %mul3A_2129 : vector<16xf32>
    %exp3A_2133 = math.exp %neg3A_2132 : vector<16xf32>
    %add3A_2134 = arith.constant 1.000000e+00 : f32
    %add3A_2135 = vector.broadcast %add3A_2134 : f32 to vector<16xf32>
    %add3A_2136 = arith.addf %add3A_2135, %exp3A_2133 : vector<16xf32>
    %div3A_2137 = arith.constant 1.000000e+00 : f32
    %div3A_2138 = vector.broadcast %div3A_2137 : f32 to vector<16xf32>
    %div3A_2139 = arith.divf %div3A_2138, %add3A_2136 : vector<16xf32>
    %mul3A_2140 = arith.mulf %sub3A_2124, %div3A_2139 : vector<16xf32>
    %add3A_2141 = arith.addf %div3A_2121, %mul3A_2140 : vector<16xf32>
    %swap3A_2142 = arith.constant 192 : index
    %swap3A_2143 = tpu.vector_load %arg19[%swap3A_2142] {strides = array<i32>} : memref<512xf32, #tpu.memory_space<vmem>>, vector<16xf32>,
    tpu.vector_store %arg19[%swap3A_2142], %add3A_2141 {strides = array<i32>} : memref<512xf32, #tpu.memory_space<vmem>>, vector<16xf32>,
    %get3A_2144 = arith.constant 208 : index
    %get3A_2145 = tpu.vector_load %arg10[%get3A_2144] {strides = array<i32>} : memref<512xi32, #tpu.memory_space<vmem>>, vector<16xi32>,
    %get3A_2146 = arith.constant 208 : index
    %get3A_2147 = tpu.vector_load %arg11[%get3A_2146] {strides = array<i32>} : memref<512xi32, #tpu.memory_space<vmem>>, vector<16xi32>,
    %sub3A_2148 = arith.constant 999424 : i32
    %sub3A_2149 = vector.broadcast %sub3A_2148 : i32 to vector<16xi32>
    %sub3A_2150 = arith.subi %get3A_2145, %sub3A_2149 : vector<16xi32>
    %max3A_2151 = arith.constant 0 : i32
    %max3A_2152 = vector.broadcast %max3A_2151 : i32 to vector<16xi32>
    %max3A_2153 = arith.maxsi %sub3A_2150, %max3A_2152 : vector<16xi32>
    %sub3A_2154 = arith.constant 999424 : i32
    %sub3A_2155 = vector.broadcast %sub3A_2154 : i32 to vector<16xi32>
    %sub3A_2156 = arith.subi %get3A_2147, %sub3A_2155 : vector<16xi32>
    %max3A_2157 = arith.constant 0 : i32
    %max3A_2158 = vector.broadcast %max3A_2157 : i32 to vector<16xi32>
    %max3A_2159 = arith.maxsi %sub3A_2156, %max3A_2158 : vector<16xi32>
    %lt3A_2160 = arith.constant 999424 : i32
    %lt3A_2161 = vector.broadcast %lt3A_2160 : i32 to vector<16xi32>
    %lt3A_2162 = arith.cmpi slt, %get3A_2145, %lt3A_2161 : vector<16xi32>
    %get3A_2163 = arith.constant 208 : index
    %get3A_2164 = tpu.vector_load %arg14[%get3A_2163] {strides = array<i32>} : memref<512xf32, #tpu.memory_space<vmem>>, vector<16xf32>,
    %gather3A_2165 = tpu.vector_load_idx %arg18[%max3A_2153] : memref<2304xf32, #tpu.memory_space<vmem>>[vector<16xi32>], vector<16xf32>,
    %select_n3A_2166 = arith.select %lt3A_2162, %get3A_2164, %gather3A_2165 : vector<16xi1>, vector<16xf32>
    %lt3A_2167 = arith.constant 999424 : i32
    %lt3A_2168 = vector.broadcast %lt3A_2167 : i32 to vector<16xi32>
    %lt3A_2169 = arith.cmpi slt, %get3A_2147, %lt3A_2168 : vector<16xi32>
    %get3A_2170 = arith.constant 208 : index
    %get3A_2171 = tpu.vector_load %arg15[%get3A_2170] {strides = array<i32>} : memref<512xf32, #tpu.memory_space<vmem>>, vector<16xf32>,
    %add3A_2172 = arith.constant 576 : i32
    %add3A_2173 = vector.broadcast %add3A_2172 : i32 to vector<16xi32>
    %add3A_2174 = arith.addi %max3A_2159, %add3A_2173 : vector<16xi32>
    %gather3A_2175 = tpu.vector_load_idx %arg18[%add3A_2174] : memref<2304xf32, #tpu.memory_space<vmem>>[vector<16xi32>], vector<16xf32>,
    %select_n3A_2176 = arith.select %lt3A_2169, %get3A_2171, %gather3A_2175 : vector<16xi1>, vector<16xf32>
    %lt3A_2177 = arith.constant 999424 : i32
    %lt3A_2178 = vector.broadcast %lt3A_2177 : i32 to vector<16xi32>
    %lt3A_2179 = arith.cmpi slt, %get3A_2147, %lt3A_2178 : vector<16xi32>
    %get3A_2180 = arith.constant 208 : index
    %get3A_2181 = tpu.vector_load %arg16[%get3A_2180] {strides = array<i32>} : memref<512xf32, #tpu.memory_space<vmem>>, vector<16xf32>,
    %add3A_2182 = arith.constant 1152 : i32
    %add3A_2183 = vector.broadcast %add3A_2182 : i32 to vector<16xi32>
    %add3A_2184 = arith.addi %max3A_2159, %add3A_2183 : vector<16xi32>
    %gather3A_2185 = tpu.vector_load_idx %arg18[%add3A_2184] : memref<2304xf32, #tpu.memory_space<vmem>>[vector<16xi32>], vector<16xf32>,
    %select_n3A_2186 = arith.select %lt3A_2179, %get3A_2181, %gather3A_2185 : vector<16xi1>, vector<16xf32>
    %lt3A_2187 = arith.constant 999424 : i32
    %lt3A_2188 = vector.broadcast %lt3A_2187 : i32 to vector<16xi32>
    %lt3A_2189 = arith.cmpi slt, %get3A_2147, %lt3A_2188 : vector<16xi32>
    %get3A_2190 = arith.constant 208 : index
    %get3A_2191 = tpu.vector_load %arg17[%get3A_2190] {strides = array<i32>} : memref<512xf32, #tpu.memory_space<vmem>>, vector<16xf32>,
    %add3A_2192 = arith.constant 1728 : i32
    %add3A_2193 = vector.broadcast %add3A_2192 : i32 to vector<16xi32>
    %add3A_2194 = arith.addi %max3A_2159, %add3A_2193 : vector<16xi32>
    %gather3A_2195 = tpu.vector_load_idx %arg18[%add3A_2194] : memref<2304xf32, #tpu.memory_space<vmem>>[vector<16xi32>], vector<16xf32>,
    %select_n3A_2196 = arith.select %lt3A_2189, %get3A_2191, %gather3A_2195 : vector<16xi1>, vector<16xf32>
    %neg3A_2197 = arith.constant 0.000000e+00 : f32
    %neg3A_2198 = vector.broadcast %neg3A_2197 : f32 to vector<16xf32>
    %neg3A_2199 = arith.subf %neg3A_2198, %select_n3A_2166 : vector<16xf32>
    %exp3A_2200 = math.exp %neg3A_2199 : vector<16xf32>
    %add3A_2201 = arith.constant 1.000000e+00 : f32
    %add3A_2202 = vector.broadcast %add3A_2201 : f32 to vector<16xf32>
    %add3A_2203 = arith.addf %add3A_2202, %exp3A_2200 : vector<16xf32>
    %div3A_2204 = arith.constant 1.000000e+00 : f32
    %div3A_2205 = vector.broadcast %div3A_2204 : f32 to vector<16xf32>
    %div3A_2206 = arith.divf %div3A_2205, %add3A_2203 : vector<16xf32>
    %sub3A_2207 = arith.constant 5.000000e-01 : f32
    %sub3A_2208 = vector.broadcast %sub3A_2207 : f32 to vector<16xf32>
    %sub3A_2209 = arith.subf %div3A_2206, %sub3A_2208 : vector<16xf32>
    %mul3A_2210 = arith.constant 8.000000e+00 : f32
    %mul3A_2211 = vector.broadcast %mul3A_2210 : f32 to vector<16xf32>
    %mul3A_2212 = arith.mulf %mul3A_2211, %sub3A_2209 : vector<16xf32>
    %neg3A_2213 = arith.constant 0.000000e+00 : f32
    %neg3A_2214 = vector.broadcast %neg3A_2213 : f32 to vector<16xf32>
    %neg3A_2215 = arith.subf %neg3A_2214, %select_n3A_2176 : vector<16xf32>
    %exp3A_2216 = math.exp %neg3A_2215 : vector<16xf32>
    %add3A_2217 = arith.constant 1.000000e+00 : f32
    %add3A_2218 = vector.broadcast %add3A_2217 : f32 to vector<16xf32>
    %add3A_2219 = arith.addf %add3A_2218, %exp3A_2216 : vector<16xf32>
    %div3A_2220 = arith.constant 1.000000e+00 : f32
    %div3A_2221 = vector.broadcast %div3A_2220 : f32 to vector<16xf32>
    %div3A_2222 = arith.divf %div3A_2221, %add3A_2219 : vector<16xf32>
    %mul3A_2223 = arith.constant 4.000000e+00 : f32
    %mul3A_2224 = vector.broadcast %mul3A_2223 : f32 to vector<16xf32>
    %mul3A_2225 = arith.mulf %mul3A_2224, %div3A_2222 : vector<16xf32>
    %neg3A_2226 = arith.constant 0.000000e+00 : f32
    %neg3A_2227 = vector.broadcast %neg3A_2226 : f32 to vector<16xf32>
    %neg3A_2228 = arith.subf %neg3A_2227, %select_n3A_2186 : vector<16xf32>
    %exp3A_2229 = math.exp %neg3A_2228 : vector<16xf32>
    %add3A_2230 = arith.constant 1.000000e+00 : f32
    %add3A_2231 = vector.broadcast %add3A_2230 : f32 to vector<16xf32>
    %add3A_2232 = arith.addf %add3A_2231, %exp3A_2229 : vector<16xf32>
    %div3A_2233 = arith.constant 1.000000e+00 : f32
    %div3A_2234 = vector.broadcast %div3A_2233 : f32 to vector<16xf32>
    %div3A_2235 = arith.divf %div3A_2234, %add3A_2232 : vector<16xf32>
    %sub3A_2236 = arith.constant 5.000000e-01 : f32
    %sub3A_2237 = vector.broadcast %sub3A_2236 : f32 to vector<16xf32>
    %sub3A_2238 = arith.subf %div3A_2235, %sub3A_2237 : vector<16xf32>
    %mul3A_2239 = arith.constant 8.000000e+00 : f32
    %mul3A_2240 = vector.broadcast %mul3A_2239 : f32 to vector<16xf32>
    %mul3A_2241 = arith.mulf %mul3A_2240, %sub3A_2238 : vector<16xf32>
    %neg3A_2242 = arith.constant 0.000000e+00 : f32
    %neg3A_2243 = vector.broadcast %neg3A_2242 : f32 to vector<16xf32>
    %neg3A_2244 = arith.subf %neg3A_2243, %select_n3A_2196 : vector<16xf32>
    %exp3A_2245 = math.exp %neg3A_2244 : vector<16xf32>
    %add3A_2246 = arith.constant 1.000000e+00 : f32
    %add3A_2247 = vector.broadcast %add3A_2246 : f32 to vector<16xf32>
    %add3A_2248 = arith.addf %add3A_2247, %exp3A_2245 : vector<16xf32>
    %div3A_2249 = arith.constant 1.000000e+00 : f32
    %div3A_2250 = vector.broadcast %div3A_2249 : f32 to vector<16xf32>
    %div3A_2251 = arith.divf %div3A_2250, %add3A_2248 : vector<16xf32>
    %sub3A_2252 = arith.constant 1.000000e+00 : f32
    %sub3A_2253 = vector.broadcast %sub3A_2252 : f32 to vector<16xf32>
    %sub3A_2254 = arith.subf %sub3A_2253, %div3A_2251 : vector<16xf32>
    %mul3A_2255 = arith.constant 1.702000e+00 : f32
    %mul3A_2256 = vector.broadcast %mul3A_2255 : f32 to vector<16xf32>
    %mul3A_2257 = arith.mulf %mul3A_2256, %mul3A_2225 : vector<16xf32>
    %sub3A_2258 = arith.subf %mul3A_2212, %mul3A_2241 : vector<16xf32>
    %mul3A_2259 = arith.mulf %mul3A_2257, %sub3A_2258 : vector<16xf32>
    %neg3A_2260 = arith.constant 0.000000e+00 : f32
    %neg3A_2261 = vector.broadcast %neg3A_2260 : f32 to vector<16xf32>
    %neg3A_2262 = arith.subf %neg3A_2261, %mul3A_2259 : vector<16xf32>
    %exp3A_2263 = math.exp %neg3A_2262 : vector<16xf32>
    %add3A_2264 = arith.constant 1.000000e+00 : f32
    %add3A_2265 = vector.broadcast %add3A_2264 : f32 to vector<16xf32>
    %add3A_2266 = arith.addf %add3A_2265, %exp3A_2263 : vector<16xf32>
    %div3A_2267 = arith.constant 1.000000e+00 : f32
    %div3A_2268 = vector.broadcast %div3A_2267 : f32 to vector<16xf32>
    %div3A_2269 = arith.divf %div3A_2268, %add3A_2266 : vector<16xf32>
    %mul3A_2270 = arith.mulf %sub3A_2254, %div3A_2269 : vector<16xf32>
    %add3A_2271 = arith.addf %div3A_2251, %mul3A_2270 : vector<16xf32>
    %swap3A_2272 = arith.constant 208 : index
    %swap3A_2273 = tpu.vector_load %arg19[%swap3A_2272] {strides = array<i32>} : memref<512xf32, #tpu.memory_space<vmem>>, vector<16xf32>,
    tpu.vector_store %arg19[%swap3A_2272], %add3A_2271 {strides = array<i32>} : memref<512xf32, #tpu.memory_space<vmem>>, vector<16xf32>,
    %get3A_2274 = arith.constant 224 : index
    %get3A_2275 = tpu.vector_load %arg10[%get3A_2274] {strides = array<i32>} : memref<512xi32, #tpu.memory_space<vmem>>, vector<16xi32>,
    %get3A_2276 = arith.constant 224 : index
    %get3A_2277 = tpu.vector_load %arg11[%get3A_2276] {strides = array<i32>} : memref<512xi32, #tpu.memory_space<vmem>>, vector<16xi32>,
    %sub3A_2278 = arith.constant 999424 : i32
    %sub3A_2279 = vector.broadcast %sub3A_2278 : i32 to vector<16xi32>
    %sub3A_2280 = arith.subi %get3A_2275, %sub3A_2279 : vector<16xi32>
    %max3A_2281 = arith.constant 0 : i32
    %max3A_2282 = vector.broadcast %max3A_2281 : i32 to vector<16xi32>
    %max3A_2283 = arith.maxsi %sub3A_2280, %max3A_2282 : vector<16xi32>
    %sub3A_2284 = arith.constant 999424 : i32
    %sub3A_2285 = vector.broadcast %sub3A_2284 : i32 to vector<16xi32>
    %sub3A_2286 = arith.subi %get3A_2277, %sub3A_2285 : vector<16xi32>
    %max3A_2287 = arith.constant 0 : i32
    %max3A_2288 = vector.broadcast %max3A_2287 : i32 to vector<16xi32>
    %max3A_2289 = arith.maxsi %sub3A_2286, %max3A_2288 : vector<16xi32>
    %lt3A_2290 = arith.constant 999424 : i32
    %lt3A_2291 = vector.broadcast %lt3A_2290 : i32 to vector<16xi32>
    %lt3A_2292 = arith.cmpi slt, %get3A_2275, %lt3A_2291 : vector<16xi32>
    %get3A_2293 = arith.constant 224 : index
    %get3A_2294 = tpu.vector_load %arg14[%get3A_2293] {strides = array<i32>} : memref<512xf32, #tpu.memory_space<vmem>>, vector<16xf32>,
    %gather3A_2295 = tpu.vector_load_idx %arg18[%max3A_2283] : memref<2304xf32, #tpu.memory_space<vmem>>[vector<16xi32>], vector<16xf32>,
    %select_n3A_2296 = arith.select %lt3A_2292, %get3A_2294, %gather3A_2295 : vector<16xi1>, vector<16xf32>
    %lt3A_2297 = arith.constant 999424 : i32
    %lt3A_2298 = vector.broadcast %lt3A_2297 : i32 to vector<16xi32>
    %lt3A_2299 = arith.cmpi slt, %get3A_2277, %lt3A_2298 : vector<16xi32>
    %get3A_2300 = arith.constant 224 : index
    %get3A_2301 = tpu.vector_load %arg15[%get3A_2300] {strides = array<i32>} : memref<512xf32, #tpu.memory_space<vmem>>, vector<16xf32>,
    %add3A_2302 = arith.constant 576 : i32
    %add3A_2303 = vector.broadcast %add3A_2302 : i32 to vector<16xi32>
    %add3A_2304 = arith.addi %max3A_2289, %add3A_2303 : vector<16xi32>
    %gather3A_2305 = tpu.vector_load_idx %arg18[%add3A_2304] : memref<2304xf32, #tpu.memory_space<vmem>>[vector<16xi32>], vector<16xf32>,
    %select_n3A_2306 = arith.select %lt3A_2299, %get3A_2301, %gather3A_2305 : vector<16xi1>, vector<16xf32>
    %lt3A_2307 = arith.constant 999424 : i32
    %lt3A_2308 = vector.broadcast %lt3A_2307 : i32 to vector<16xi32>
    %lt3A_2309 = arith.cmpi slt, %get3A_2277, %lt3A_2308 : vector<16xi32>
    %get3A_2310 = arith.constant 224 : index
    %get3A_2311 = tpu.vector_load %arg16[%get3A_2310] {strides = array<i32>} : memref<512xf32, #tpu.memory_space<vmem>>, vector<16xf32>,
    %add3A_2312 = arith.constant 1152 : i32
    %add3A_2313 = vector.broadcast %add3A_2312 : i32 to vector<16xi32>
    %add3A_2314 = arith.addi %max3A_2289, %add3A_2313 : vector<16xi32>
    %gather3A_2315 = tpu.vector_load_idx %arg18[%add3A_2314] : memref<2304xf32, #tpu.memory_space<vmem>>[vector<16xi32>], vector<16xf32>,
    %select_n3A_2316 = arith.select %lt3A_2309, %get3A_2311, %gather3A_2315 : vector<16xi1>, vector<16xf32>
    %lt3A_2317 = arith.constant 999424 : i32
    %lt3A_2318 = vector.broadcast %lt3A_2317 : i32 to vector<16xi32>
    %lt3A_2319 = arith.cmpi slt, %get3A_2277, %lt3A_2318 : vector<16xi32>
    %get3A_2320 = arith.constant 224 : index
    %get3A_2321 = tpu.vector_load %arg17[%get3A_2320] {strides = array<i32>} : memref<512xf32, #tpu.memory_space<vmem>>, vector<16xf32>,
    %add3A_2322 = arith.constant 1728 : i32
    %add3A_2323 = vector.broadcast %add3A_2322 : i32 to vector<16xi32>
    %add3A_2324 = arith.addi %max3A_2289, %add3A_2323 : vector<16xi32>
    %gather3A_2325 = tpu.vector_load_idx %arg18[%add3A_2324] : memref<2304xf32, #tpu.memory_space<vmem>>[vector<16xi32>], vector<16xf32>,
    %select_n3A_2326 = arith.select %lt3A_2319, %get3A_2321, %gather3A_2325 : vector<16xi1>, vector<16xf32>
    %neg3A_2327 = arith.constant 0.000000e+00 : f32
    %neg3A_2328 = vector.broadcast %neg3A_2327 : f32 to vector<16xf32>
    %neg3A_2329 = arith.subf %neg3A_2328, %select_n3A_2296 : vector<16xf32>
    %exp3A_2330 = math.exp %neg3A_2329 : vector<16xf32>
    %add3A_2331 = arith.constant 1.000000e+00 : f32
    %add3A_2332 = vector.broadcast %add3A_2331 : f32 to vector<16xf32>
    %add3A_2333 = arith.addf %add3A_2332, %exp3A_2330 : vector<16xf32>
    %div3A_2334 = arith.constant 1.000000e+00 : f32
    %div3A_2335 = vector.broadcast %div3A_2334 : f32 to vector<16xf32>
    %div3A_2336 = arith.divf %div3A_2335, %add3A_2333 : vector<16xf32>
    %sub3A_2337 = arith.constant 5.000000e-01 : f32
    %sub3A_2338 = vector.broadcast %sub3A_2337 : f32 to vector<16xf32>
    %sub3A_2339 = arith.subf %div3A_2336, %sub3A_2338 : vector<16xf32>
    %mul3A_2340 = arith.constant 8.000000e+00 : f32
    %mul3A_2341 = vector.broadcast %mul3A_2340 : f32 to vector<16xf32>
    %mul3A_2342 = arith.mulf %mul3A_2341, %sub3A_2339 : vector<16xf32>
    %neg3A_2343 = arith.constant 0.000000e+00 : f32
    %neg3A_2344 = vector.broadcast %neg3A_2343 : f32 to vector<16xf32>
    %neg3A_2345 = arith.subf %neg3A_2344, %select_n3A_2306 : vector<16xf32>
    %exp3A_2346 = math.exp %neg3A_2345 : vector<16xf32>
    %add3A_2347 = arith.constant 1.000000e+00 : f32
    %add3A_2348 = vector.broadcast %add3A_2347 : f32 to vector<16xf32>
    %add3A_2349 = arith.addf %add3A_2348, %exp3A_2346 : vector<16xf32>
    %div3A_2350 = arith.constant 1.000000e+00 : f32
    %div3A_2351 = vector.broadcast %div3A_2350 : f32 to vector<16xf32>
    %div3A_2352 = arith.divf %div3A_2351, %add3A_2349 : vector<16xf32>
    %mul3A_2353 = arith.constant 4.000000e+00 : f32
    %mul3A_2354 = vector.broadcast %mul3A_2353 : f32 to vector<16xf32>
    %mul3A_2355 = arith.mulf %mul3A_2354, %div3A_2352 : vector<16xf32>
    %neg3A_2356 = arith.constant 0.000000e+00 : f32
    %neg3A_2357 = vector.broadcast %neg3A_2356 : f32 to vector<16xf32>
    %neg3A_2358 = arith.subf %neg3A_2357, %select_n3A_2316 : vector<16xf32>
    %exp3A_2359 = math.exp %neg3A_2358 : vector<16xf32>
    %add3A_2360 = arith.constant 1.000000e+00 : f32
    %add3A_2361 = vector.broadcast %add3A_2360 : f32 to vector<16xf32>
    %add3A_2362 = arith.addf %add3A_2361, %exp3A_2359 : vector<16xf32>
    %div3A_2363 = arith.constant 1.000000e+00 : f32
    %div3A_2364 = vector.broadcast %div3A_2363 : f32 to vector<16xf32>
    %div3A_2365 = arith.divf %div3A_2364, %add3A_2362 : vector<16xf32>
    %sub3A_2366 = arith.constant 5.000000e-01 : f32
    %sub3A_2367 = vector.broadcast %sub3A_2366 : f32 to vector<16xf32>
    %sub3A_2368 = arith.subf %div3A_2365, %sub3A_2367 : vector<16xf32>
    %mul3A_2369 = arith.constant 8.000000e+00 : f32
    %mul3A_2370 = vector.broadcast %mul3A_2369 : f32 to vector<16xf32>
    %mul3A_2371 = arith.mulf %mul3A_2370, %sub3A_2368 : vector<16xf32>
    %neg3A_2372 = arith.constant 0.000000e+00 : f32
    %neg3A_2373 = vector.broadcast %neg3A_2372 : f32 to vector<16xf32>
    %neg3A_2374 = arith.subf %neg3A_2373, %select_n3A_2326 : vector<16xf32>
    %exp3A_2375 = math.exp %neg3A_2374 : vector<16xf32>
    %add3A_2376 = arith.constant 1.000000e+00 : f32
    %add3A_2377 = vector.broadcast %add3A_2376 : f32 to vector<16xf32>
    %add3A_2378 = arith.addf %add3A_2377, %exp3A_2375 : vector<16xf32>
    %div3A_2379 = arith.constant 1.000000e+00 : f32
    %div3A_2380 = vector.broadcast %div3A_2379 : f32 to vector<16xf32>
    %div3A_2381 = arith.divf %div3A_2380, %add3A_2378 : vector<16xf32>
    %sub3A_2382 = arith.constant 1.000000e+00 : f32
    %sub3A_2383 = vector.broadcast %sub3A_2382 : f32 to vector<16xf32>
    %sub3A_2384 = arith.subf %sub3A_2383, %div3A_2381 : vector<16xf32>
    %mul3A_2385 = arith.constant 1.702000e+00 : f32
    %mul3A_2386 = vector.broadcast %mul3A_2385 : f32 to vector<16xf32>
    %mul3A_2387 = arith.mulf %mul3A_2386, %mul3A_2355 : vector<16xf32>
    %sub3A_2388 = arith.subf %mul3A_2342, %mul3A_2371 : vector<16xf32>
    %mul3A_2389 = arith.mulf %mul3A_2387, %sub3A_2388 : vector<16xf32>
    %neg3A_2390 = arith.constant 0.000000e+00 : f32
    %neg3A_2391 = vector.broadcast %neg3A_2390 : f32 to vector<16xf32>
    %neg3A_2392 = arith.subf %neg3A_2391, %mul3A_2389 : vector<16xf32>
    %exp3A_2393 = math.exp %neg3A_2392 : vector<16xf32>
    %add3A_2394 = arith.constant 1.000000e+00 : f32
    %add3A_2395 = vector.broadcast %add3A_2394 : f32 to vector<16xf32>
    %add3A_2396 = arith.addf %add3A_2395, %exp3A_2393 : vector<16xf32>
    %div3A_2397 = arith.constant 1.000000e+00 : f32
    %div3A_2398 = vector.broadcast %div3A_2397 : f32 to vector<16xf32>
    %div3A_2399 = arith.divf %div3A_2398, %add3A_2396 : vector<16xf32>
    %mul3A_2400 = arith.mulf %sub3A_2384, %div3A_2399 : vector<16xf32>
    %add3A_2401 = arith.addf %div3A_2381, %mul3A_2400 : vector<16xf32>
    %swap3A_2402 = arith.constant 224 : index
    %swap3A_2403 = tpu.vector_load %arg19[%swap3A_2402] {strides = array<i32>} : memref<512xf32, #tpu.memory_space<vmem>>, vector<16xf32>,
    tpu.vector_store %arg19[%swap3A_2402], %add3A_2401 {strides = array<i32>} : memref<512xf32, #tpu.memory_space<vmem>>, vector<16xf32>,
    %get3A_2404 = arith.constant 240 : index
    %get3A_2405 = tpu.vector_load %arg10[%get3A_2404] {strides = array<i32>} : memref<512xi32, #tpu.memory_space<vmem>>, vector<16xi32>,
    %get3A_2406 = arith.constant 240 : index
    %get3A_2407 = tpu.vector_load %arg11[%get3A_2406] {strides = array<i32>} : memref<512xi32, #tpu.memory_space<vmem>>, vector<16xi32>,
    %sub3A_2408 = arith.constant 999424 : i32
    %sub3A_2409 = vector.broadcast %sub3A_2408 : i32 to vector<16xi32>
    %sub3A_2410 = arith.subi %get3A_2405, %sub3A_2409 : vector<16xi32>
    %max3A_2411 = arith.constant 0 : i32
    %max3A_2412 = vector.broadcast %max3A_2411 : i32 to vector<16xi32>
    %max3A_2413 = arith.maxsi %sub3A_2410, %max3A_2412 : vector<16xi32>
    %sub3A_2414 = arith.constant 999424 : i32
    %sub3A_2415 = vector.broadcast %sub3A_2414 : i32 to vector<16xi32>
    %sub3A_2416 = arith.subi %get3A_2407, %sub3A_2415 : vector<16xi32>
    %max3A_2417 = arith.constant 0 : i32
    %max3A_2418 = vector.broadcast %max3A_2417 : i32 to vector<16xi32>
    %max3A_2419 = arith.maxsi %sub3A_2416, %max3A_2418 : vector<16xi32>
    %lt3A_2420 = arith.constant 999424 : i32
    %lt3A_2421 = vector.broadcast %lt3A_2420 : i32 to vector<16xi32>
    %lt3A_2422 = arith.cmpi slt, %get3A_2405, %lt3A_2421 : vector<16xi32>
    %get3A_2423 = arith.constant 240 : index
    %get3A_2424 = tpu.vector_load %arg14[%get3A_2423] {strides = array<i32>} : memref<512xf32, #tpu.memory_space<vmem>>, vector<16xf32>,
    %gather3A_2425 = tpu.vector_load_idx %arg18[%max3A_2413] : memref<2304xf32, #tpu.memory_space<vmem>>[vector<16xi32>], vector<16xf32>,
    %select_n3A_2426 = arith.select %lt3A_2422, %get3A_2424, %gather3A_2425 : vector<16xi1>, vector<16xf32>
    %lt3A_2427 = arith.constant 999424 : i32
    %lt3A_2428 = vector.broadcast %lt3A_2427 : i32 to vector<16xi32>
    %lt3A_2429 = arith.cmpi slt, %get3A_2407, %lt3A_2428 : vector<16xi32>
    %get3A_2430 = arith.constant 240 : index
    %get3A_2431 = tpu.vector_load %arg15[%get3A_2430] {strides = array<i32>} : memref<512xf32, #tpu.memory_space<vmem>>, vector<16xf32>,
    %add3A_2432 = arith.constant 576 : i32
    %add3A_2433 = vector.broadcast %add3A_2432 : i32 to vector<16xi32>
    %add3A_2434 = arith.addi %max3A_2419, %add3A_2433 : vector<16xi32>
    %gather3A_2435 = tpu.vector_load_idx %arg18[%add3A_2434] : memref<2304xf32, #tpu.memory_space<vmem>>[vector<16xi32>], vector<16xf32>,
    %select_n3A_2436 = arith.select %lt3A_2429, %get3A_2431, %gather3A_2435 : vector<16xi1>, vector<16xf32>
    %lt3A_2437 = arith.constant 999424 : i32
    %lt3A_2438 = vector.broadcast %lt3A_2437 : i32 to vector<16xi32>
    %lt3A_2439 = arith.cmpi slt, %get3A_2407, %lt3A_2438 : vector<16xi32>
    %get3A_2440 = arith.constant 240 : index
    %get3A_2441 = tpu.vector_load %arg16[%get3A_2440] {strides = array<i32>} : memref<512xf32, #tpu.memory_space<vmem>>, vector<16xf32>,
    %add3A_2442 = arith.constant 1152 : i32
    %add3A_2443 = vector.broadcast %add3A_2442 : i32 to vector<16xi32>
    %add3A_2444 = arith.addi %max3A_2419, %add3A_2443 : vector<16xi32>
    %gather3A_2445 = tpu.vector_load_idx %arg18[%add3A_2444] : memref<2304xf32, #tpu.memory_space<vmem>>[vector<16xi32>], vector<16xf32>,
    %select_n3A_2446 = arith.select %lt3A_2439, %get3A_2441, %gather3A_2445 : vector<16xi1>, vector<16xf32>
    %lt3A_2447 = arith.constant 999424 : i32
    %lt3A_2448 = vector.broadcast %lt3A_2447 : i32 to vector<16xi32>
    %lt3A_2449 = arith.cmpi slt, %get3A_2407, %lt3A_2448 : vector<16xi32>
    %get3A_2450 = arith.constant 240 : index
    %get3A_2451 = tpu.vector_load %arg17[%get3A_2450] {strides = array<i32>} : memref<512xf32, #tpu.memory_space<vmem>>, vector<16xf32>,
    %add3A_2452 = arith.constant 1728 : i32
    %add3A_2453 = vector.broadcast %add3A_2452 : i32 to vector<16xi32>
    %add3A_2454 = arith.addi %max3A_2419, %add3A_2453 : vector<16xi32>
    %gather3A_2455 = tpu.vector_load_idx %arg18[%add3A_2454] : memref<2304xf32, #tpu.memory_space<vmem>>[vector<16xi32>], vector<16xf32>,
    %select_n3A_2456 = arith.select %lt3A_2449, %get3A_2451, %gather3A_2455 : vector<16xi1>, vector<16xf32>
    %neg3A_2457 = arith.constant 0.000000e+00 : f32
    %neg3A_2458 = vector.broadcast %neg3A_2457 : f32 to vector<16xf32>
    %neg3A_2459 = arith.subf %neg3A_2458, %select_n3A_2426 : vector<16xf32>
    %exp3A_2460 = math.exp %neg3A_2459 : vector<16xf32>
    %add3A_2461 = arith.constant 1.000000e+00 : f32
    %add3A_2462 = vector.broadcast %add3A_2461 : f32 to vector<16xf32>
    %add3A_2463 = arith.addf %add3A_2462, %exp3A_2460 : vector<16xf32>
    %div3A_2464 = arith.constant 1.000000e+00 : f32
    %div3A_2465 = vector.broadcast %div3A_2464 : f32 to vector<16xf32>
    %div3A_2466 = arith.divf %div3A_2465, %add3A_2463 : vector<16xf32>
    %sub3A_2467 = arith.constant 5.000000e-01 : f32
    %sub3A_2468 = vector.broadcast %sub3A_2467 : f32 to vector<16xf32>
    %sub3A_2469 = arith.subf %div3A_2466, %sub3A_2468 : vector<16xf32>
    %mul3A_2470 = arith.constant 8.000000e+00 : f32
    %mul3A_2471 = vector.broadcast %mul3A_2470 : f32 to vector<16xf32>
    %mul3A_2472 = arith.mulf %mul3A_2471, %sub3A_2469 : vector<16xf32>
    %neg3A_2473 = arith.constant 0.000000e+00 : f32
    %neg3A_2474 = vector.broadcast %neg3A_2473 : f32 to vector<16xf32>
    %neg3A_2475 = arith.subf %neg3A_2474, %select_n3A_2436 : vector<16xf32>
    %exp3A_2476 = math.exp %neg3A_2475 : vector<16xf32>
    %add3A_2477 = arith.constant 1.000000e+00 : f32
    %add3A_2478 = vector.broadcast %add3A_2477 : f32 to vector<16xf32>
    %add3A_2479 = arith.addf %add3A_2478, %exp3A_2476 : vector<16xf32>
    %div3A_2480 = arith.constant 1.000000e+00 : f32
    %div3A_2481 = vector.broadcast %div3A_2480 : f32 to vector<16xf32>
    %div3A_2482 = arith.divf %div3A_2481, %add3A_2479 : vector<16xf32>
    %mul3A_2483 = arith.constant 4.000000e+00 : f32
    %mul3A_2484 = vector.broadcast %mul3A_2483 : f32 to vector<16xf32>
    %mul3A_2485 = arith.mulf %mul3A_2484, %div3A_2482 : vector<16xf32>
    %neg3A_2486 = arith.constant 0.000000e+00 : f32
    %neg3A_2487 = vector.broadcast %neg3A_2486 : f32 to vector<16xf32>
    %neg3A_2488 = arith.subf %neg3A_2487, %select_n3A_2446 : vector<16xf32>
    %exp3A_2489 = math.exp %neg3A_2488 : vector<16xf32>
    %add3A_2490 = arith.constant 1.000000e+00 : f32
    %add3A_2491 = vector.broadcast %add3A_2490 : f32 to vector<16xf32>
    %add3A_2492 = arith.addf %add3A_2491, %exp3A_2489 : vector<16xf32>
    %div3A_2493 = arith.constant 1.000000e+00 : f32
    %div3A_2494 = vector.broadcast %div3A_2493 : f32 to vector<16xf32>
    %div3A_2495 = arith.divf %div3A_2494, %add3A_2492 : vector<16xf32>
    %sub3A_2496 = arith.constant 5.000000e-01 : f32
    %sub3A_2497 = vector.broadcast %sub3A_2496 : f32 to vector<16xf32>
    %sub3A_2498 = arith.subf %div3A_2495, %sub3A_2497 : vector<16xf32>
    %mul3A_2499 = arith.constant 8.000000e+00 : f32
    %mul3A_2500 = vector.broadcast %mul3A_2499 : f32 to vector<16xf32>
    %mul3A_2501 = arith.mulf %mul3A_2500, %sub3A_2498 : vector<16xf32>
    %neg3A_2502 = arith.constant 0.000000e+00 : f32
    %neg3A_2503 = vector.broadcast %neg3A_2502 : f32 to vector<16xf32>
    %neg3A_2504 = arith.subf %neg3A_2503, %select_n3A_2456 : vector<16xf32>
    %exp3A_2505 = math.exp %neg3A_2504 : vector<16xf32>
    %add3A_2506 = arith.constant 1.000000e+00 : f32
    %add3A_2507 = vector.broadcast %add3A_2506 : f32 to vector<16xf32>
    %add3A_2508 = arith.addf %add3A_2507, %exp3A_2505 : vector<16xf32>
    %div3A_2509 = arith.constant 1.000000e+00 : f32
    %div3A_2510 = vector.broadcast %div3A_2509 : f32 to vector<16xf32>
    %div3A_2511 = arith.divf %div3A_2510, %add3A_2508 : vector<16xf32>
    %sub3A_2512 = arith.constant 1.000000e+00 : f32
    %sub3A_2513 = vector.broadcast %sub3A_2512 : f32 to vector<16xf32>
    %sub3A_2514 = arith.subf %sub3A_2513, %div3A_2511 : vector<16xf32>
    %mul3A_2515 = arith.constant 1.702000e+00 : f32
    %mul3A_2516 = vector.broadcast %mul3A_2515 : f32 to vector<16xf32>
    %mul3A_2517 = arith.mulf %mul3A_2516, %mul3A_2485 : vector<16xf32>
    %sub3A_2518 = arith.subf %mul3A_2472, %mul3A_2501 : vector<16xf32>
    %mul3A_2519 = arith.mulf %mul3A_2517, %sub3A_2518 : vector<16xf32>
    %neg3A_2520 = arith.constant 0.000000e+00 : f32
    %neg3A_2521 = vector.broadcast %neg3A_2520 : f32 to vector<16xf32>
    %neg3A_2522 = arith.subf %neg3A_2521, %mul3A_2519 : vector<16xf32>
    %exp3A_2523 = math.exp %neg3A_2522 : vector<16xf32>
    %add3A_2524 = arith.constant 1.000000e+00 : f32
    %add3A_2525 = vector.broadcast %add3A_2524 : f32 to vector<16xf32>
    %add3A_2526 = arith.addf %add3A_2525, %exp3A_2523 : vector<16xf32>
    %div3A_2527 = arith.constant 1.000000e+00 : f32
    %div3A_2528 = vector.broadcast %div3A_2527 : f32 to vector<16xf32>
    %div3A_2529 = arith.divf %div3A_2528, %add3A_2526 : vector<16xf32>
    %mul3A_2530 = arith.mulf %sub3A_2514, %div3A_2529 : vector<16xf32>
    %add3A_2531 = arith.addf %div3A_2511, %mul3A_2530 : vector<16xf32>
    %swap3A_2532 = arith.constant 240 : index
    %swap3A_2533 = tpu.vector_load %arg19[%swap3A_2532] {strides = array<i32>} : memref<512xf32, #tpu.memory_space<vmem>>, vector<16xf32>,
    tpu.vector_store %arg19[%swap3A_2532], %add3A_2531 {strides = array<i32>} : memref<512xf32, #tpu.memory_space<vmem>>, vector<16xf32>,
    %get3A_2534 = arith.constant 256 : index
    %get3A_2535 = tpu.vector_load %arg10[%get3A_2534] {strides = array<i32>} : memref<512xi32, #tpu.memory_space<vmem>>, vector<16xi32>,
    %get3A_2536 = arith.constant 256 : index
    %get3A_2537 = tpu.vector_load %arg11[%get3A_2536] {strides = array<i32>} : memref<512xi32, #tpu.memory_space<vmem>>, vector<16xi32>,
    %sub3A_2538 = arith.constant 999424 : i32
    %sub3A_2539 = vector.broadcast %sub3A_2538 : i32 to vector<16xi32>
    %sub3A_2540 = arith.subi %get3A_2535, %sub3A_2539 : vector<16xi32>
    %max3A_2541 = arith.constant 0 : i32
    %max3A_2542 = vector.broadcast %max3A_2541 : i32 to vector<16xi32>
    %max3A_2543 = arith.maxsi %sub3A_2540, %max3A_2542 : vector<16xi32>
    %sub3A_2544 = arith.constant 999424 : i32
    %sub3A_2545 = vector.broadcast %sub3A_2544 : i32 to vector<16xi32>
    %sub3A_2546 = arith.subi %get3A_2537, %sub3A_2545 : vector<16xi32>
    %max3A_2547 = arith.constant 0 : i32
    %max3A_2548 = vector.broadcast %max3A_2547 : i32 to vector<16xi32>
    %max3A_2549 = arith.maxsi %sub3A_2546, %max3A_2548 : vector<16xi32>
    %lt3A_2550 = arith.constant 999424 : i32
    %lt3A_2551 = vector.broadcast %lt3A_2550 : i32 to vector<16xi32>
    %lt3A_2552 = arith.cmpi slt, %get3A_2535, %lt3A_2551 : vector<16xi32>
    %get3A_2553 = arith.constant 256 : index
    %get3A_2554 = tpu.vector_load %arg14[%get3A_2553] {strides = array<i32>} : memref<512xf32, #tpu.memory_space<vmem>>, vector<16xf32>,
    %gather3A_2555 = tpu.vector_load_idx %arg18[%max3A_2543] : memref<2304xf32, #tpu.memory_space<vmem>>[vector<16xi32>], vector<16xf32>,
    %select_n3A_2556 = arith.select %lt3A_2552, %get3A_2554, %gather3A_2555 : vector<16xi1>, vector<16xf32>
    %lt3A_2557 = arith.constant 999424 : i32
    %lt3A_2558 = vector.broadcast %lt3A_2557 : i32 to vector<16xi32>
    %lt3A_2559 = arith.cmpi slt, %get3A_2537, %lt3A_2558 : vector<16xi32>
    %get3A_2560 = arith.constant 256 : index
    %get3A_2561 = tpu.vector_load %arg15[%get3A_2560] {strides = array<i32>} : memref<512xf32, #tpu.memory_space<vmem>>, vector<16xf32>,
    %add3A_2562 = arith.constant 576 : i32
    %add3A_2563 = vector.broadcast %add3A_2562 : i32 to vector<16xi32>
    %add3A_2564 = arith.addi %max3A_2549, %add3A_2563 : vector<16xi32>
    %gather3A_2565 = tpu.vector_load_idx %arg18[%add3A_2564] : memref<2304xf32, #tpu.memory_space<vmem>>[vector<16xi32>], vector<16xf32>,
    %select_n3A_2566 = arith.select %lt3A_2559, %get3A_2561, %gather3A_2565 : vector<16xi1>, vector<16xf32>
    %lt3A_2567 = arith.constant 999424 : i32
    %lt3A_2568 = vector.broadcast %lt3A_2567 : i32 to vector<16xi32>
    %lt3A_2569 = arith.cmpi slt, %get3A_2537, %lt3A_2568 : vector<16xi32>
    %get3A_2570 = arith.constant 256 : index
    %get3A_2571 = tpu.vector_load %arg16[%get3A_2570] {strides = array<i32>} : memref<512xf32, #tpu.memory_space<vmem>>, vector<16xf32>,
    %add3A_2572 = arith.constant 1152 : i32
    %add3A_2573 = vector.broadcast %add3A_2572 : i32 to vector<16xi32>
    %add3A_2574 = arith.addi %max3A_2549, %add3A_2573 : vector<16xi32>
    %gather3A_2575 = tpu.vector_load_idx %arg18[%add3A_2574] : memref<2304xf32, #tpu.memory_space<vmem>>[vector<16xi32>], vector<16xf32>,
    %select_n3A_2576 = arith.select %lt3A_2569, %get3A_2571, %gather3A_2575 : vector<16xi1>, vector<16xf32>
    %lt3A_2577 = arith.constant 999424 : i32
    %lt3A_2578 = vector.broadcast %lt3A_2577 : i32 to vector<16xi32>
    %lt3A_2579 = arith.cmpi slt, %get3A_2537, %lt3A_2578 : vector<16xi32>
    %get3A_2580 = arith.constant 256 : index
    %get3A_2581 = tpu.vector_load %arg17[%get3A_2580] {strides = array<i32>} : memref<512xf32, #tpu.memory_space<vmem>>, vector<16xf32>,
    %add3A_2582 = arith.constant 1728 : i32
    %add3A_2583 = vector.broadcast %add3A_2582 : i32 to vector<16xi32>
    %add3A_2584 = arith.addi %max3A_2549, %add3A_2583 : vector<16xi32>
    %gather3A_2585 = tpu.vector_load_idx %arg18[%add3A_2584] : memref<2304xf32, #tpu.memory_space<vmem>>[vector<16xi32>], vector<16xf32>,
    %select_n3A_2586 = arith.select %lt3A_2579, %get3A_2581, %gather3A_2585 : vector<16xi1>, vector<16xf32>
    %neg3A_2587 = arith.constant 0.000000e+00 : f32
    %neg3A_2588 = vector.broadcast %neg3A_2587 : f32 to vector<16xf32>
    %neg3A_2589 = arith.subf %neg3A_2588, %select_n3A_2556 : vector<16xf32>
    %exp3A_2590 = math.exp %neg3A_2589 : vector<16xf32>
    %add3A_2591 = arith.constant 1.000000e+00 : f32
    %add3A_2592 = vector.broadcast %add3A_2591 : f32 to vector<16xf32>
    %add3A_2593 = arith.addf %add3A_2592, %exp3A_2590 : vector<16xf32>
    %div3A_2594 = arith.constant 1.000000e+00 : f32
    %div3A_2595 = vector.broadcast %div3A_2594 : f32 to vector<16xf32>
    %div3A_2596 = arith.divf %div3A_2595, %add3A_2593 : vector<16xf32>
    %sub3A_2597 = arith.constant 5.000000e-01 : f32
    %sub3A_2598 = vector.broadcast %sub3A_2597 : f32 to vector<16xf32>
    %sub3A_2599 = arith.subf %div3A_2596, %sub3A_2598 : vector<16xf32>
    %mul3A_2600 = arith.constant 8.000000e+00 : f32
    %mul3A_2601 = vector.broadcast %mul3A_2600 : f32 to vector<16xf32>
    %mul3A_2602 = arith.mulf %mul3A_2601, %sub3A_2599 : vector<16xf32>
    %neg3A_2603 = arith.constant 0.000000e+00 : f32
    %neg3A_2604 = vector.broadcast %neg3A_2603 : f32 to vector<16xf32>
    %neg3A_2605 = arith.subf %neg3A_2604, %select_n3A_2566 : vector<16xf32>
    %exp3A_2606 = math.exp %neg3A_2605 : vector<16xf32>
    %add3A_2607 = arith.constant 1.000000e+00 : f32
    %add3A_2608 = vector.broadcast %add3A_2607 : f32 to vector<16xf32>
    %add3A_2609 = arith.addf %add3A_2608, %exp3A_2606 : vector<16xf32>
    %div3A_2610 = arith.constant 1.000000e+00 : f32
    %div3A_2611 = vector.broadcast %div3A_2610 : f32 to vector<16xf32>
    %div3A_2612 = arith.divf %div3A_2611, %add3A_2609 : vector<16xf32>
    %mul3A_2613 = arith.constant 4.000000e+00 : f32
    %mul3A_2614 = vector.broadcast %mul3A_2613 : f32 to vector<16xf32>
    %mul3A_2615 = arith.mulf %mul3A_2614, %div3A_2612 : vector<16xf32>
    %neg3A_2616 = arith.constant 0.000000e+00 : f32
    %neg3A_2617 = vector.broadcast %neg3A_2616 : f32 to vector<16xf32>
    %neg3A_2618 = arith.subf %neg3A_2617, %select_n3A_2576 : vector<16xf32>
    %exp3A_2619 = math.exp %neg3A_2618 : vector<16xf32>
    %add3A_2620 = arith.constant 1.000000e+00 : f32
    %add3A_2621 = vector.broadcast %add3A_2620 : f32 to vector<16xf32>
    %add3A_2622 = arith.addf %add3A_2621, %exp3A_2619 : vector<16xf32>
    %div3A_2623 = arith.constant 1.000000e+00 : f32
    %div3A_2624 = vector.broadcast %div3A_2623 : f32 to vector<16xf32>
    %div3A_2625 = arith.divf %div3A_2624, %add3A_2622 : vector<16xf32>
    %sub3A_2626 = arith.constant 5.000000e-01 : f32
    %sub3A_2627 = vector.broadcast %sub3A_2626 : f32 to vector<16xf32>
    %sub3A_2628 = arith.subf %div3A_2625, %sub3A_2627 : vector<16xf32>
    %mul3A_2629 = arith.constant 8.000000e+00 : f32
    %mul3A_2630 = vector.broadcast %mul3A_2629 : f32 to vector<16xf32>
    %mul3A_2631 = arith.mulf %mul3A_2630, %sub3A_2628 : vector<16xf32>
    %neg3A_2632 = arith.constant 0.000000e+00 : f32
    %neg3A_2633 = vector.broadcast %neg3A_2632 : f32 to vector<16xf32>
    %neg3A_2634 = arith.subf %neg3A_2633, %select_n3A_2586 : vector<16xf32>
    %exp3A_2635 = math.exp %neg3A_2634 : vector<16xf32>
    %add3A_2636 = arith.constant 1.000000e+00 : f32
    %add3A_2637 = vector.broadcast %add3A_2636 : f32 to vector<16xf32>
    %add3A_2638 = arith.addf %add3A_2637, %exp3A_2635 : vector<16xf32>
    %div3A_2639 = arith.constant 1.000000e+00 : f32
    %div3A_2640 = vector.broadcast %div3A_2639 : f32 to vector<16xf32>
    %div3A_2641 = arith.divf %div3A_2640, %add3A_2638 : vector<16xf32>
    %sub3A_2642 = arith.constant 1.000000e+00 : f32
    %sub3A_2643 = vector.broadcast %sub3A_2642 : f32 to vector<16xf32>
    %sub3A_2644 = arith.subf %sub3A_2643, %div3A_2641 : vector<16xf32>
    %mul3A_2645 = arith.constant 1.702000e+00 : f32
    %mul3A_2646 = vector.broadcast %mul3A_2645 : f32 to vector<16xf32>
    %mul3A_2647 = arith.mulf %mul3A_2646, %mul3A_2615 : vector<16xf32>
    %sub3A_2648 = arith.subf %mul3A_2602, %mul3A_2631 : vector<16xf32>
    %mul3A_2649 = arith.mulf %mul3A_2647, %sub3A_2648 : vector<16xf32>
    %neg3A_2650 = arith.constant 0.000000e+00 : f32
    %neg3A_2651 = vector.broadcast %neg3A_2650 : f32 to vector<16xf32>
    %neg3A_2652 = arith.subf %neg3A_2651, %mul3A_2649 : vector<16xf32>
    %exp3A_2653 = math.exp %neg3A_2652 : vector<16xf32>
    %add3A_2654 = arith.constant 1.000000e+00 : f32
    %add3A_2655 = vector.broadcast %add3A_2654 : f32 to vector<16xf32>
    %add3A_2656 = arith.addf %add3A_2655, %exp3A_2653 : vector<16xf32>
    %div3A_2657 = arith.constant 1.000000e+00 : f32
    %div3A_2658 = vector.broadcast %div3A_2657 : f32 to vector<16xf32>
    %div3A_2659 = arith.divf %div3A_2658, %add3A_2656 : vector<16xf32>
    %mul3A_2660 = arith.mulf %sub3A_2644, %div3A_2659 : vector<16xf32>
    %add3A_2661 = arith.addf %div3A_2641, %mul3A_2660 : vector<16xf32>
    %swap3A_2662 = arith.constant 256 : index
    %swap3A_2663 = tpu.vector_load %arg19[%swap3A_2662] {strides = array<i32>} : memref<512xf32, #tpu.memory_space<vmem>>, vector<16xf32>,
    tpu.vector_store %arg19[%swap3A_2662], %add3A_2661 {strides = array<i32>} : memref<512xf32, #tpu.memory_space<vmem>>, vector<16xf32>,
    %get3A_2664 = arith.constant 272 : index
    %get3A_2665 = tpu.vector_load %arg10[%get3A_2664] {strides = array<i32>} : memref<512xi32, #tpu.memory_space<vmem>>, vector<16xi32>,
    %get3A_2666 = arith.constant 272 : index
    %get3A_2667 = tpu.vector_load %arg11[%get3A_2666] {strides = array<i32>} : memref<512xi32, #tpu.memory_space<vmem>>, vector<16xi32>,
    %sub3A_2668 = arith.constant 999424 : i32
    %sub3A_2669 = vector.broadcast %sub3A_2668 : i32 to vector<16xi32>
    %sub3A_2670 = arith.subi %get3A_2665, %sub3A_2669 : vector<16xi32>
    %max3A_2671 = arith.constant 0 : i32
    %max3A_2672 = vector.broadcast %max3A_2671 : i32 to vector<16xi32>
    %max3A_2673 = arith.maxsi %sub3A_2670, %max3A_2672 : vector<16xi32>
    %sub3A_2674 = arith.constant 999424 : i32
    %sub3A_2675 = vector.broadcast %sub3A_2674 : i32 to vector<16xi32>
    %sub3A_2676 = arith.subi %get3A_2667, %sub3A_2675 : vector<16xi32>
    %max3A_2677 = arith.constant 0 : i32
    %max3A_2678 = vector.broadcast %max3A_2677 : i32 to vector<16xi32>
    %max3A_2679 = arith.maxsi %sub3A_2676, %max3A_2678 : vector<16xi32>
    %lt3A_2680 = arith.constant 999424 : i32
    %lt3A_2681 = vector.broadcast %lt3A_2680 : i32 to vector<16xi32>
    %lt3A_2682 = arith.cmpi slt, %get3A_2665, %lt3A_2681 : vector<16xi32>
    %get3A_2683 = arith.constant 272 : index
    %get3A_2684 = tpu.vector_load %arg14[%get3A_2683] {strides = array<i32>} : memref<512xf32, #tpu.memory_space<vmem>>, vector<16xf32>,
    %gather3A_2685 = tpu.vector_load_idx %arg18[%max3A_2673] : memref<2304xf32, #tpu.memory_space<vmem>>[vector<16xi32>], vector<16xf32>,
    %select_n3A_2686 = arith.select %lt3A_2682, %get3A_2684, %gather3A_2685 : vector<16xi1>, vector<16xf32>
    %lt3A_2687 = arith.constant 999424 : i32
    %lt3A_2688 = vector.broadcast %lt3A_2687 : i32 to vector<16xi32>
    %lt3A_2689 = arith.cmpi slt, %get3A_2667, %lt3A_2688 : vector<16xi32>
    %get3A_2690 = arith.constant 272 : index
    %get3A_2691 = tpu.vector_load %arg15[%get3A_2690] {strides = array<i32>} : memref<512xf32, #tpu.memory_space<vmem>>, vector<16xf32>,
    %add3A_2692 = arith.constant 576 : i32
    %add3A_2693 = vector.broadcast %add3A_2692 : i32 to vector<16xi32>
    %add3A_2694 = arith.addi %max3A_2679, %add3A_2693 : vector<16xi32>
    %gather3A_2695 = tpu.vector_load_idx %arg18[%add3A_2694] : memref<2304xf32, #tpu.memory_space<vmem>>[vector<16xi32>], vector<16xf32>,
    %select_n3A_2696 = arith.select %lt3A_2689, %get3A_2691, %gather3A_2695 : vector<16xi1>, vector<16xf32>
    %lt3A_2697 = arith.constant 999424 : i32
    %lt3A_2698 = vector.broadcast %lt3A_2697 : i32 to vector<16xi32>
    %lt3A_2699 = arith.cmpi slt, %get3A_2667, %lt3A_2698 : vector<16xi32>
    %get3A_2700 = arith.constant 272 : index
    %get3A_2701 = tpu.vector_load %arg16[%get3A_2700] {strides = array<i32>} : memref<512xf32, #tpu.memory_space<vmem>>, vector<16xf32>,
    %add3A_2702 = arith.constant 1152 : i32
    %add3A_2703 = vector.broadcast %add3A_2702 : i32 to vector<16xi32>
    %add3A_2704 = arith.addi %max3A_2679, %add3A_2703 : vector<16xi32>
    %gather3A_2705 = tpu.vector_load_idx %arg18[%add3A_2704] : memref<2304xf32, #tpu.memory_space<vmem>>[vector<16xi32>], vector<16xf32>,
    %select_n3A_2706 = arith.select %lt3A_2699, %get3A_2701, %gather3A_2705 : vector<16xi1>, vector<16xf32>
    %lt3A_2707 = arith.constant 999424 : i32
    %lt3A_2708 = vector.broadcast %lt3A_2707 : i32 to vector<16xi32>
    %lt3A_2709 = arith.cmpi slt, %get3A_2667, %lt3A_2708 : vector<16xi32>
    %get3A_2710 = arith.constant 272 : index
    %get3A_2711 = tpu.vector_load %arg17[%get3A_2710] {strides = array<i32>} : memref<512xf32, #tpu.memory_space<vmem>>, vector<16xf32>,
    %add3A_2712 = arith.constant 1728 : i32
    %add3A_2713 = vector.broadcast %add3A_2712 : i32 to vector<16xi32>
    %add3A_2714 = arith.addi %max3A_2679, %add3A_2713 : vector<16xi32>
    %gather3A_2715 = tpu.vector_load_idx %arg18[%add3A_2714] : memref<2304xf32, #tpu.memory_space<vmem>>[vector<16xi32>], vector<16xf32>,
    %select_n3A_2716 = arith.select %lt3A_2709, %get3A_2711, %gather3A_2715 : vector<16xi1>, vector<16xf32>
    %neg3A_2717 = arith.constant 0.000000e+00 : f32
    %neg3A_2718 = vector.broadcast %neg3A_2717 : f32 to vector<16xf32>
    %neg3A_2719 = arith.subf %neg3A_2718, %select_n3A_2686 : vector<16xf32>
    %exp3A_2720 = math.exp %neg3A_2719 : vector<16xf32>
    %add3A_2721 = arith.constant 1.000000e+00 : f32
    %add3A_2722 = vector.broadcast %add3A_2721 : f32 to vector<16xf32>
    %add3A_2723 = arith.addf %add3A_2722, %exp3A_2720 : vector<16xf32>
    %div3A_2724 = arith.constant 1.000000e+00 : f32
    %div3A_2725 = vector.broadcast %div3A_2724 : f32 to vector<16xf32>
    %div3A_2726 = arith.divf %div3A_2725, %add3A_2723 : vector<16xf32>
    %sub3A_2727 = arith.constant 5.000000e-01 : f32
    %sub3A_2728 = vector.broadcast %sub3A_2727 : f32 to vector<16xf32>
    %sub3A_2729 = arith.subf %div3A_2726, %sub3A_2728 : vector<16xf32>
    %mul3A_2730 = arith.constant 8.000000e+00 : f32
    %mul3A_2731 = vector.broadcast %mul3A_2730 : f32 to vector<16xf32>
    %mul3A_2732 = arith.mulf %mul3A_2731, %sub3A_2729 : vector<16xf32>
    %neg3A_2733 = arith.constant 0.000000e+00 : f32
    %neg3A_2734 = vector.broadcast %neg3A_2733 : f32 to vector<16xf32>
    %neg3A_2735 = arith.subf %neg3A_2734, %select_n3A_2696 : vector<16xf32>
    %exp3A_2736 = math.exp %neg3A_2735 : vector<16xf32>
    %add3A_2737 = arith.constant 1.000000e+00 : f32
    %add3A_2738 = vector.broadcast %add3A_2737 : f32 to vector<16xf32>
    %add3A_2739 = arith.addf %add3A_2738, %exp3A_2736 : vector<16xf32>
    %div3A_2740 = arith.constant 1.000000e+00 : f32
    %div3A_2741 = vector.broadcast %div3A_2740 : f32 to vector<16xf32>
    %div3A_2742 = arith.divf %div3A_2741, %add3A_2739 : vector<16xf32>
    %mul3A_2743 = arith.constant 4.000000e+00 : f32
    %mul3A_2744 = vector.broadcast %mul3A_2743 : f32 to vector<16xf32>
    %mul3A_2745 = arith.mulf %mul3A_2744, %div3A_2742 : vector<16xf32>
    %neg3A_2746 = arith.constant 0.000000e+00 : f32
    %neg3A_2747 = vector.broadcast %neg3A_2746 : f32 to vector<16xf32>
    %neg3A_2748 = arith.subf %neg3A_2747, %select_n3A_2706 : vector<16xf32>
    %exp3A_2749 = math.exp %neg3A_2748 : vector<16xf32>
    %add3A_2750 = arith.constant 1.000000e+00 : f32
    %add3A_2751 = vector.broadcast %add3A_2750 : f32 to vector<16xf32>
    %add3A_2752 = arith.addf %add3A_2751, %exp3A_2749 : vector<16xf32>
    %div3A_2753 = arith.constant 1.000000e+00 : f32
    %div3A_2754 = vector.broadcast %div3A_2753 : f32 to vector<16xf32>
    %div3A_2755 = arith.divf %div3A_2754, %add3A_2752 : vector<16xf32>
    %sub3A_2756 = arith.constant 5.000000e-01 : f32
    %sub3A_2757 = vector.broadcast %sub3A_2756 : f32 to vector<16xf32>
    %sub3A_2758 = arith.subf %div3A_2755, %sub3A_2757 : vector<16xf32>
    %mul3A_2759 = arith.constant 8.000000e+00 : f32
    %mul3A_2760 = vector.broadcast %mul3A_2759 : f32 to vector<16xf32>
    %mul3A_2761 = arith.mulf %mul3A_2760, %sub3A_2758 : vector<16xf32>
    %neg3A_2762 = arith.constant 0.000000e+00 : f32
    %neg3A_2763 = vector.broadcast %neg3A_2762 : f32 to vector<16xf32>
    %neg3A_2764 = arith.subf %neg3A_2763, %select_n3A_2716 : vector<16xf32>
    %exp3A_2765 = math.exp %neg3A_2764 : vector<16xf32>
    %add3A_2766 = arith.constant 1.000000e+00 : f32
    %add3A_2767 = vector.broadcast %add3A_2766 : f32 to vector<16xf32>
    %add3A_2768 = arith.addf %add3A_2767, %exp3A_2765 : vector<16xf32>
    %div3A_2769 = arith.constant 1.000000e+00 : f32
    %div3A_2770 = vector.broadcast %div3A_2769 : f32 to vector<16xf32>
    %div3A_2771 = arith.divf %div3A_2770, %add3A_2768 : vector<16xf32>
    %sub3A_2772 = arith.constant 1.000000e+00 : f32
    %sub3A_2773 = vector.broadcast %sub3A_2772 : f32 to vector<16xf32>
    %sub3A_2774 = arith.subf %sub3A_2773, %div3A_2771 : vector<16xf32>
    %mul3A_2775 = arith.constant 1.702000e+00 : f32
    %mul3A_2776 = vector.broadcast %mul3A_2775 : f32 to vector<16xf32>
    %mul3A_2777 = arith.mulf %mul3A_2776, %mul3A_2745 : vector<16xf32>
    %sub3A_2778 = arith.subf %mul3A_2732, %mul3A_2761 : vector<16xf32>
    %mul3A_2779 = arith.mulf %mul3A_2777, %sub3A_2778 : vector<16xf32>
    %neg3A_2780 = arith.constant 0.000000e+00 : f32
    %neg3A_2781 = vector.broadcast %neg3A_2780 : f32 to vector<16xf32>
    %neg3A_2782 = arith.subf %neg3A_2781, %mul3A_2779 : vector<16xf32>
    %exp3A_2783 = math.exp %neg3A_2782 : vector<16xf32>
    %add3A_2784 = arith.constant 1.000000e+00 : f32
    %add3A_2785 = vector.broadcast %add3A_2784 : f32 to vector<16xf32>
    %add3A_2786 = arith.addf %add3A_2785, %exp3A_2783 : vector<16xf32>
    %div3A_2787 = arith.constant 1.000000e+00 : f32
    %div3A_2788 = vector.broadcast %div3A_2787 : f32 to vector<16xf32>
    %div3A_2789 = arith.divf %div3A_2788, %add3A_2786 : vector<16xf32>
    %mul3A_2790 = arith.mulf %sub3A_2774, %div3A_2789 : vector<16xf32>
    %add3A_2791 = arith.addf %div3A_2771, %mul3A_2790 : vector<16xf32>
    %swap3A_2792 = arith.constant 272 : index
    %swap3A_2793 = tpu.vector_load %arg19[%swap3A_2792] {strides = array<i32>} : memref<512xf32, #tpu.memory_space<vmem>>, vector<16xf32>,
    tpu.vector_store %arg19[%swap3A_2792], %add3A_2791 {strides = array<i32>} : memref<512xf32, #tpu.memory_space<vmem>>, vector<16xf32>,
    %get3A_2794 = arith.constant 288 : index
    %get3A_2795 = tpu.vector_load %arg10[%get3A_2794] {strides = array<i32>} : memref<512xi32, #tpu.memory_space<vmem>>, vector<16xi32>,
    %get3A_2796 = arith.constant 288 : index
    %get3A_2797 = tpu.vector_load %arg11[%get3A_2796] {strides = array<i32>} : memref<512xi32, #tpu.memory_space<vmem>>, vector<16xi32>,
    %sub3A_2798 = arith.constant 999424 : i32
    %sub3A_2799 = vector.broadcast %sub3A_2798 : i32 to vector<16xi32>
    %sub3A_2800 = arith.subi %get3A_2795, %sub3A_2799 : vector<16xi32>
    %max3A_2801 = arith.constant 0 : i32
    %max3A_2802 = vector.broadcast %max3A_2801 : i32 to vector<16xi32>
    %max3A_2803 = arith.maxsi %sub3A_2800, %max3A_2802 : vector<16xi32>
    %sub3A_2804 = arith.constant 999424 : i32
    %sub3A_2805 = vector.broadcast %sub3A_2804 : i32 to vector<16xi32>
    %sub3A_2806 = arith.subi %get3A_2797, %sub3A_2805 : vector<16xi32>
    %max3A_2807 = arith.constant 0 : i32
    %max3A_2808 = vector.broadcast %max3A_2807 : i32 to vector<16xi32>
    %max3A_2809 = arith.maxsi %sub3A_2806, %max3A_2808 : vector<16xi32>
    %lt3A_2810 = arith.constant 999424 : i32
    %lt3A_2811 = vector.broadcast %lt3A_2810 : i32 to vector<16xi32>
    %lt3A_2812 = arith.cmpi slt, %get3A_2795, %lt3A_2811 : vector<16xi32>
    %get3A_2813 = arith.constant 288 : index
    %get3A_2814 = tpu.vector_load %arg14[%get3A_2813] {strides = array<i32>} : memref<512xf32, #tpu.memory_space<vmem>>, vector<16xf32>,
    %gather3A_2815 = tpu.vector_load_idx %arg18[%max3A_2803] : memref<2304xf32, #tpu.memory_space<vmem>>[vector<16xi32>], vector<16xf32>,
    %select_n3A_2816 = arith.select %lt3A_2812, %get3A_2814, %gather3A_2815 : vector<16xi1>, vector<16xf32>
    %lt3A_2817 = arith.constant 999424 : i32
    %lt3A_2818 = vector.broadcast %lt3A_2817 : i32 to vector<16xi32>
    %lt3A_2819 = arith.cmpi slt, %get3A_2797, %lt3A_2818 : vector<16xi32>
    %get3A_2820 = arith.constant 288 : index
    %get3A_2821 = tpu.vector_load %arg15[%get3A_2820] {strides = array<i32>} : memref<512xf32, #tpu.memory_space<vmem>>, vector<16xf32>,
    %add3A_2822 = arith.constant 576 : i32
    %add3A_2823 = vector.broadcast %add3A_2822 : i32 to vector<16xi32>
    %add3A_2824 = arith.addi %max3A_2809, %add3A_2823 : vector<16xi32>
    %gather3A_2825 = tpu.vector_load_idx %arg18[%add3A_2824] : memref<2304xf32, #tpu.memory_space<vmem>>[vector<16xi32>], vector<16xf32>,
    %select_n3A_2826 = arith.select %lt3A_2819, %get3A_2821, %gather3A_2825 : vector<16xi1>, vector<16xf32>
    %lt3A_2827 = arith.constant 999424 : i32
    %lt3A_2828 = vector.broadcast %lt3A_2827 : i32 to vector<16xi32>
    %lt3A_2829 = arith.cmpi slt, %get3A_2797, %lt3A_2828 : vector<16xi32>
    %get3A_2830 = arith.constant 288 : index
    %get3A_2831 = tpu.vector_load %arg16[%get3A_2830] {strides = array<i32>} : memref<512xf32, #tpu.memory_space<vmem>>, vector<16xf32>,
    %add3A_2832 = arith.constant 1152 : i32
    %add3A_2833 = vector.broadcast %add3A_2832 : i32 to vector<16xi32>
    %add3A_2834 = arith.addi %max3A_2809, %add3A_2833 : vector<16xi32>
    %gather3A_2835 = tpu.vector_load_idx %arg18[%add3A_2834] : memref<2304xf32, #tpu.memory_space<vmem>>[vector<16xi32>], vector<16xf32>,
    %select_n3A_2836 = arith.select %lt3A_2829, %get3A_2831, %gather3A_2835 : vector<16xi1>, vector<16xf32>
    %lt3A_2837 = arith.constant 999424 : i32
    %lt3A_2838 = vector.broadcast %lt3A_2837 : i32 to vector<16xi32>
    %lt3A_2839 = arith.cmpi slt, %get3A_2797, %lt3A_2838 : vector<16xi32>
    %get3A_2840 = arith.constant 288 : index
    %get3A_2841 = tpu.vector_load %arg17[%get3A_2840] {strides = array<i32>} : memref<512xf32, #tpu.memory_space<vmem>>, vector<16xf32>,
    %add3A_2842 = arith.constant 1728 : i32
    %add3A_2843 = vector.broadcast %add3A_2842 : i32 to vector<16xi32>
    %add3A_2844 = arith.addi %max3A_2809, %add3A_2843 : vector<16xi32>
    %gather3A_2845 = tpu.vector_load_idx %arg18[%add3A_2844] : memref<2304xf32, #tpu.memory_space<vmem>>[vector<16xi32>], vector<16xf32>,
    %select_n3A_2846 = arith.select %lt3A_2839, %get3A_2841, %gather3A_2845 : vector<16xi1>, vector<16xf32>
    %neg3A_2847 = arith.constant 0.000000e+00 : f32
    %neg3A_2848 = vector.broadcast %neg3A_2847 : f32 to vector<16xf32>
    %neg3A_2849 = arith.subf %neg3A_2848, %select_n3A_2816 : vector<16xf32>
    %exp3A_2850 = math.exp %neg3A_2849 : vector<16xf32>
    %add3A_2851 = arith.constant 1.000000e+00 : f32
    %add3A_2852 = vector.broadcast %add3A_2851 : f32 to vector<16xf32>
    %add3A_2853 = arith.addf %add3A_2852, %exp3A_2850 : vector<16xf32>
    %div3A_2854 = arith.constant 1.000000e+00 : f32
    %div3A_2855 = vector.broadcast %div3A_2854 : f32 to vector<16xf32>
    %div3A_2856 = arith.divf %div3A_2855, %add3A_2853 : vector<16xf32>
    %sub3A_2857 = arith.constant 5.000000e-01 : f32
    %sub3A_2858 = vector.broadcast %sub3A_2857 : f32 to vector<16xf32>
    %sub3A_2859 = arith.subf %div3A_2856, %sub3A_2858 : vector<16xf32>
    %mul3A_2860 = arith.constant 8.000000e+00 : f32
    %mul3A_2861 = vector.broadcast %mul3A_2860 : f32 to vector<16xf32>
    %mul3A_2862 = arith.mulf %mul3A_2861, %sub3A_2859 : vector<16xf32>
    %neg3A_2863 = arith.constant 0.000000e+00 : f32
    %neg3A_2864 = vector.broadcast %neg3A_2863 : f32 to vector<16xf32>
    %neg3A_2865 = arith.subf %neg3A_2864, %select_n3A_2826 : vector<16xf32>
    %exp3A_2866 = math.exp %neg3A_2865 : vector<16xf32>
    %add3A_2867 = arith.constant 1.000000e+00 : f32
    %add3A_2868 = vector.broadcast %add3A_2867 : f32 to vector<16xf32>
    %add3A_2869 = arith.addf %add3A_2868, %exp3A_2866 : vector<16xf32>
    %div3A_2870 = arith.constant 1.000000e+00 : f32
    %div3A_2871 = vector.broadcast %div3A_2870 : f32 to vector<16xf32>
    %div3A_2872 = arith.divf %div3A_2871, %add3A_2869 : vector<16xf32>
    %mul3A_2873 = arith.constant 4.000000e+00 : f32
    %mul3A_2874 = vector.broadcast %mul3A_2873 : f32 to vector<16xf32>
    %mul3A_2875 = arith.mulf %mul3A_2874, %div3A_2872 : vector<16xf32>
    %neg3A_2876 = arith.constant 0.000000e+00 : f32
    %neg3A_2877 = vector.broadcast %neg3A_2876 : f32 to vector<16xf32>
    %neg3A_2878 = arith.subf %neg3A_2877, %select_n3A_2836 : vector<16xf32>
    %exp3A_2879 = math.exp %neg3A_2878 : vector<16xf32>
    %add3A_2880 = arith.constant 1.000000e+00 : f32
    %add3A_2881 = vector.broadcast %add3A_2880 : f32 to vector<16xf32>
    %add3A_2882 = arith.addf %add3A_2881, %exp3A_2879 : vector<16xf32>
    %div3A_2883 = arith.constant 1.000000e+00 : f32
    %div3A_2884 = vector.broadcast %div3A_2883 : f32 to vector<16xf32>
    %div3A_2885 = arith.divf %div3A_2884, %add3A_2882 : vector<16xf32>
    %sub3A_2886 = arith.constant 5.000000e-01 : f32
    %sub3A_2887 = vector.broadcast %sub3A_2886 : f32 to vector<16xf32>
    %sub3A_2888 = arith.subf %div3A_2885, %sub3A_2887 : vector<16xf32>
    %mul3A_2889 = arith.constant 8.000000e+00 : f32
    %mul3A_2890 = vector.broadcast %mul3A_2889 : f32 to vector<16xf32>
    %mul3A_2891 = arith.mulf %mul3A_2890, %sub3A_2888 : vector<16xf32>
    %neg3A_2892 = arith.constant 0.000000e+00 : f32
    %neg3A_2893 = vector.broadcast %neg3A_2892 : f32 to vector<16xf32>
    %neg3A_2894 = arith.subf %neg3A_2893, %select_n3A_2846 : vector<16xf32>
    %exp3A_2895 = math.exp %neg3A_2894 : vector<16xf32>
    %add3A_2896 = arith.constant 1.000000e+00 : f32
    %add3A_2897 = vector.broadcast %add3A_2896 : f32 to vector<16xf32>
    %add3A_2898 = arith.addf %add3A_2897, %exp3A_2895 : vector<16xf32>
    %div3A_2899 = arith.constant 1.000000e+00 : f32
    %div3A_2900 = vector.broadcast %div3A_2899 : f32 to vector<16xf32>
    %div3A_2901 = arith.divf %div3A_2900, %add3A_2898 : vector<16xf32>
    %sub3A_2902 = arith.constant 1.000000e+00 : f32
    %sub3A_2903 = vector.broadcast %sub3A_2902 : f32 to vector<16xf32>
    %sub3A_2904 = arith.subf %sub3A_2903, %div3A_2901 : vector<16xf32>
    %mul3A_2905 = arith.constant 1.702000e+00 : f32
    %mul3A_2906 = vector.broadcast %mul3A_2905 : f32 to vector<16xf32>
    %mul3A_2907 = arith.mulf %mul3A_2906, %mul3A_2875 : vector<16xf32>
    %sub3A_2908 = arith.subf %mul3A_2862, %mul3A_2891 : vector<16xf32>
    %mul3A_2909 = arith.mulf %mul3A_2907, %sub3A_2908 : vector<16xf32>
    %neg3A_2910 = arith.constant 0.000000e+00 : f32
    %neg3A_2911 = vector.broadcast %neg3A_2910 : f32 to vector<16xf32>
    %neg3A_2912 = arith.subf %neg3A_2911, %mul3A_2909 : vector<16xf32>
    %exp3A_2913 = math.exp %neg3A_2912 : vector<16xf32>
    %add3A_2914 = arith.constant 1.000000e+00 : f32
    %add3A_2915 = vector.broadcast %add3A_2914 : f32 to vector<16xf32>
    %add3A_2916 = arith.addf %add3A_2915, %exp3A_2913 : vector<16xf32>
    %div3A_2917 = arith.constant 1.000000e+00 : f32
    %div3A_2918 = vector.broadcast %div3A_2917 : f32 to vector<16xf32>
    %div3A_2919 = arith.divf %div3A_2918, %add3A_2916 : vector<16xf32>
    %mul3A_2920 = arith.mulf %sub3A_2904, %div3A_2919 : vector<16xf32>
    %add3A_2921 = arith.addf %div3A_2901, %mul3A_2920 : vector<16xf32>
    %swap3A_2922 = arith.constant 288 : index
    %swap3A_2923 = tpu.vector_load %arg19[%swap3A_2922] {strides = array<i32>} : memref<512xf32, #tpu.memory_space<vmem>>, vector<16xf32>,
    tpu.vector_store %arg19[%swap3A_2922], %add3A_2921 {strides = array<i32>} : memref<512xf32, #tpu.memory_space<vmem>>, vector<16xf32>,
    %get3A_2924 = arith.constant 304 : index
    %get3A_2925 = tpu.vector_load %arg10[%get3A_2924] {strides = array<i32>} : memref<512xi32, #tpu.memory_space<vmem>>, vector<16xi32>,
    %get3A_2926 = arith.constant 304 : index
    %get3A_2927 = tpu.vector_load %arg11[%get3A_2926] {strides = array<i32>} : memref<512xi32, #tpu.memory_space<vmem>>, vector<16xi32>,
    %sub3A_2928 = arith.constant 999424 : i32
    %sub3A_2929 = vector.broadcast %sub3A_2928 : i32 to vector<16xi32>
    %sub3A_2930 = arith.subi %get3A_2925, %sub3A_2929 : vector<16xi32>
    %max3A_2931 = arith.constant 0 : i32
    %max3A_2932 = vector.broadcast %max3A_2931 : i32 to vector<16xi32>
    %max3A_2933 = arith.maxsi %sub3A_2930, %max3A_2932 : vector<16xi32>
    %sub3A_2934 = arith.constant 999424 : i32
    %sub3A_2935 = vector.broadcast %sub3A_2934 : i32 to vector<16xi32>
    %sub3A_2936 = arith.subi %get3A_2927, %sub3A_2935 : vector<16xi32>
    %max3A_2937 = arith.constant 0 : i32
    %max3A_2938 = vector.broadcast %max3A_2937 : i32 to vector<16xi32>
    %max3A_2939 = arith.maxsi %sub3A_2936, %max3A_2938 : vector<16xi32>
    %lt3A_2940 = arith.constant 999424 : i32
    %lt3A_2941 = vector.broadcast %lt3A_2940 : i32 to vector<16xi32>
    %lt3A_2942 = arith.cmpi slt, %get3A_2925, %lt3A_2941 : vector<16xi32>
    %get3A_2943 = arith.constant 304 : index
    %get3A_2944 = tpu.vector_load %arg14[%get3A_2943] {strides = array<i32>} : memref<512xf32, #tpu.memory_space<vmem>>, vector<16xf32>,
    %gather3A_2945 = tpu.vector_load_idx %arg18[%max3A_2933] : memref<2304xf32, #tpu.memory_space<vmem>>[vector<16xi32>], vector<16xf32>,
    %select_n3A_2946 = arith.select %lt3A_2942, %get3A_2944, %gather3A_2945 : vector<16xi1>, vector<16xf32>
    %lt3A_2947 = arith.constant 999424 : i32
    %lt3A_2948 = vector.broadcast %lt3A_2947 : i32 to vector<16xi32>
    %lt3A_2949 = arith.cmpi slt, %get3A_2927, %lt3A_2948 : vector<16xi32>
    %get3A_2950 = arith.constant 304 : index
    %get3A_2951 = tpu.vector_load %arg15[%get3A_2950] {strides = array<i32>} : memref<512xf32, #tpu.memory_space<vmem>>, vector<16xf32>,
    %add3A_2952 = arith.constant 576 : i32
    %add3A_2953 = vector.broadcast %add3A_2952 : i32 to vector<16xi32>
    %add3A_2954 = arith.addi %max3A_2939, %add3A_2953 : vector<16xi32>
    %gather3A_2955 = tpu.vector_load_idx %arg18[%add3A_2954] : memref<2304xf32, #tpu.memory_space<vmem>>[vector<16xi32>], vector<16xf32>,
    %select_n3A_2956 = arith.select %lt3A_2949, %get3A_2951, %gather3A_2955 : vector<16xi1>, vector<16xf32>
    %lt3A_2957 = arith.constant 999424 : i32
    %lt3A_2958 = vector.broadcast %lt3A_2957 : i32 to vector<16xi32>
    %lt3A_2959 = arith.cmpi slt, %get3A_2927, %lt3A_2958 : vector<16xi32>
    %get3A_2960 = arith.constant 304 : index
    %get3A_2961 = tpu.vector_load %arg16[%get3A_2960] {strides = array<i32>} : memref<512xf32, #tpu.memory_space<vmem>>, vector<16xf32>,
    %add3A_2962 = arith.constant 1152 : i32
    %add3A_2963 = vector.broadcast %add3A_2962 : i32 to vector<16xi32>
    %add3A_2964 = arith.addi %max3A_2939, %add3A_2963 : vector<16xi32>
    %gather3A_2965 = tpu.vector_load_idx %arg18[%add3A_2964] : memref<2304xf32, #tpu.memory_space<vmem>>[vector<16xi32>], vector<16xf32>,
    %select_n3A_2966 = arith.select %lt3A_2959, %get3A_2961, %gather3A_2965 : vector<16xi1>, vector<16xf32>
    %lt3A_2967 = arith.constant 999424 : i32
    %lt3A_2968 = vector.broadcast %lt3A_2967 : i32 to vector<16xi32>
    %lt3A_2969 = arith.cmpi slt, %get3A_2927, %lt3A_2968 : vector<16xi32>
    %get3A_2970 = arith.constant 304 : index
    %get3A_2971 = tpu.vector_load %arg17[%get3A_2970] {strides = array<i32>} : memref<512xf32, #tpu.memory_space<vmem>>, vector<16xf32>,
    %add3A_2972 = arith.constant 1728 : i32
    %add3A_2973 = vector.broadcast %add3A_2972 : i32 to vector<16xi32>
    %add3A_2974 = arith.addi %max3A_2939, %add3A_2973 : vector<16xi32>
    %gather3A_2975 = tpu.vector_load_idx %arg18[%add3A_2974] : memref<2304xf32, #tpu.memory_space<vmem>>[vector<16xi32>], vector<16xf32>,
    %select_n3A_2976 = arith.select %lt3A_2969, %get3A_2971, %gather3A_2975 : vector<16xi1>, vector<16xf32>
    %neg3A_2977 = arith.constant 0.000000e+00 : f32
    %neg3A_2978 = vector.broadcast %neg3A_2977 : f32 to vector<16xf32>
    %neg3A_2979 = arith.subf %neg3A_2978, %select_n3A_2946 : vector<16xf32>
    %exp3A_2980 = math.exp %neg3A_2979 : vector<16xf32>
    %add3A_2981 = arith.constant 1.000000e+00 : f32
    %add3A_2982 = vector.broadcast %add3A_2981 : f32 to vector<16xf32>
    %add3A_2983 = arith.addf %add3A_2982, %exp3A_2980 : vector<16xf32>
    %div3A_2984 = arith.constant 1.000000e+00 : f32
    %div3A_2985 = vector.broadcast %div3A_2984 : f32 to vector<16xf32>
    %div3A_2986 = arith.divf %div3A_2985, %add3A_2983 : vector<16xf32>
    %sub3A_2987 = arith.constant 5.000000e-01 : f32
    %sub3A_2988 = vector.broadcast %sub3A_2987 : f32 to vector<16xf32>
    %sub3A_2989 = arith.subf %div3A_2986, %sub3A_2988 : vector<16xf32>
    %mul3A_2990 = arith.constant 8.000000e+00 : f32
    %mul3A_2991 = vector.broadcast %mul3A_2990 : f32 to vector<16xf32>
    %mul3A_2992 = arith.mulf %mul3A_2991, %sub3A_2989 : vector<16xf32>
    %neg3A_2993 = arith.constant 0.000000e+00 : f32
    %neg3A_2994 = vector.broadcast %neg3A_2993 : f32 to vector<16xf32>
    %neg3A_2995 = arith.subf %neg3A_2994, %select_n3A_2956 : vector<16xf32>
    %exp3A_2996 = math.exp %neg3A_2995 : vector<16xf32>
    %add3A_2997 = arith.constant 1.000000e+00 : f32
    %add3A_2998 = vector.broadcast %add3A_2997 : f32 to vector<16xf32>
    %add3A_2999 = arith.addf %add3A_2998, %exp3A_2996 : vector<16xf32>
    %div3A_3000 = arith.constant 1.000000e+00 : f32
    %div3A_3001 = vector.broadcast %div3A_3000 : f32 to vector<16xf32>
    %div3A_3002 = arith.divf %div3A_3001, %add3A_2999 : vector<16xf32>
    %mul3A_3003 = arith.constant 4.000000e+00 : f32
    %mul3A_3004 = vector.broadcast %mul3A_3003 : f32 to vector<16xf32>
    %mul3A_3005 = arith.mulf %mul3A_3004, %div3A_3002 : vector<16xf32>
    %neg3A_3006 = arith.constant 0.000000e+00 : f32
    %neg3A_3007 = vector.broadcast %neg3A_3006 : f32 to vector<16xf32>
    %neg3A_3008 = arith.subf %neg3A_3007, %select_n3A_2966 : vector<16xf32>
    %exp3A_3009 = math.exp %neg3A_3008 : vector<16xf32>
    %add3A_3010 = arith.constant 1.000000e+00 : f32
    %add3A_3011 = vector.broadcast %add3A_3010 : f32 to vector<16xf32>
    %add3A_3012 = arith.addf %add3A_3011, %exp3A_3009 : vector<16xf32>
    %div3A_3013 = arith.constant 1.000000e+00 : f32
    %div3A_3014 = vector.broadcast %div3A_3013 : f32 to vector<16xf32>
    %div3A_3015 = arith.divf %div3A_3014, %add3A_3012 : vector<16xf32>
    %sub3A_3016 = arith.constant 5.000000e-01 : f32
    %sub3A_3017 = vector.broadcast %sub3A_3016 : f32 to vector<16xf32>
    %sub3A_3018 = arith.subf %div3A_3015, %sub3A_3017 : vector<16xf32>
    %mul3A_3019 = arith.constant 8.000000e+00 : f32
    %mul3A_3020 = vector.broadcast %mul3A_3019 : f32 to vector<16xf32>
    %mul3A_3021 = arith.mulf %mul3A_3020, %sub3A_3018 : vector<16xf32>
    %neg3A_3022 = arith.constant 0.000000e+00 : f32
    %neg3A_3023 = vector.broadcast %neg3A_3022 : f32 to vector<16xf32>
    %neg3A_3024 = arith.subf %neg3A_3023, %select_n3A_2976 : vector<16xf32>
    %exp3A_3025 = math.exp %neg3A_3024 : vector<16xf32>
    %add3A_3026 = arith.constant 1.000000e+00 : f32
    %add3A_3027 = vector.broadcast %add3A_3026 : f32 to vector<16xf32>
    %add3A_3028 = arith.addf %add3A_3027, %exp3A_3025 : vector<16xf32>
    %div3A_3029 = arith.constant 1.000000e+00 : f32
    %div3A_3030 = vector.broadcast %div3A_3029 : f32 to vector<16xf32>
    %div3A_3031 = arith.divf %div3A_3030, %add3A_3028 : vector<16xf32>
    %sub3A_3032 = arith.constant 1.000000e+00 : f32
    %sub3A_3033 = vector.broadcast %sub3A_3032 : f32 to vector<16xf32>
    %sub3A_3034 = arith.subf %sub3A_3033, %div3A_3031 : vector<16xf32>
    %mul3A_3035 = arith.constant 1.702000e+00 : f32
    %mul3A_3036 = vector.broadcast %mul3A_3035 : f32 to vector<16xf32>
    %mul3A_3037 = arith.mulf %mul3A_3036, %mul3A_3005 : vector<16xf32>
    %sub3A_3038 = arith.subf %mul3A_2992, %mul3A_3021 : vector<16xf32>
    %mul3A_3039 = arith.mulf %mul3A_3037, %sub3A_3038 : vector<16xf32>
    %neg3A_3040 = arith.constant 0.000000e+00 : f32
    %neg3A_3041 = vector.broadcast %neg3A_3040 : f32 to vector<16xf32>
    %neg3A_3042 = arith.subf %neg3A_3041, %mul3A_3039 : vector<16xf32>
    %exp3A_3043 = math.exp %neg3A_3042 : vector<16xf32>
    %add3A_3044 = arith.constant 1.000000e+00 : f32
    %add3A_3045 = vector.broadcast %add3A_3044 : f32 to vector<16xf32>
    %add3A_3046 = arith.addf %add3A_3045, %exp3A_3043 : vector<16xf32>
    %div3A_3047 = arith.constant 1.000000e+00 : f32
    %div3A_3048 = vector.broadcast %div3A_3047 : f32 to vector<16xf32>
    %div3A_3049 = arith.divf %div3A_3048, %add3A_3046 : vector<16xf32>
    %mul3A_3050 = arith.mulf %sub3A_3034, %div3A_3049 : vector<16xf32>
    %add3A_3051 = arith.addf %div3A_3031, %mul3A_3050 : vector<16xf32>
    %swap3A_3052 = arith.constant 304 : index
    %swap3A_3053 = tpu.vector_load %arg19[%swap3A_3052] {strides = array<i32>} : memref<512xf32, #tpu.memory_space<vmem>>, vector<16xf32>,
    tpu.vector_store %arg19[%swap3A_3052], %add3A_3051 {strides = array<i32>} : memref<512xf32, #tpu.memory_space<vmem>>, vector<16xf32>,
    %get3A_3054 = arith.constant 320 : index
    %get3A_3055 = tpu.vector_load %arg10[%get3A_3054] {strides = array<i32>} : memref<512xi32, #tpu.memory_space<vmem>>, vector<16xi32>,
    %get3A_3056 = arith.constant 320 : index
    %get3A_3057 = tpu.vector_load %arg11[%get3A_3056] {strides = array<i32>} : memref<512xi32, #tpu.memory_space<vmem>>, vector<16xi32>,
    %sub3A_3058 = arith.constant 999424 : i32
    %sub3A_3059 = vector.broadcast %sub3A_3058 : i32 to vector<16xi32>
    %sub3A_3060 = arith.subi %get3A_3055, %sub3A_3059 : vector<16xi32>
    %max3A_3061 = arith.constant 0 : i32
    %max3A_3062 = vector.broadcast %max3A_3061 : i32 to vector<16xi32>
    %max3A_3063 = arith.maxsi %sub3A_3060, %max3A_3062 : vector<16xi32>
    %sub3A_3064 = arith.constant 999424 : i32
    %sub3A_3065 = vector.broadcast %sub3A_3064 : i32 to vector<16xi32>
    %sub3A_3066 = arith.subi %get3A_3057, %sub3A_3065 : vector<16xi32>
    %max3A_3067 = arith.constant 0 : i32
    %max3A_3068 = vector.broadcast %max3A_3067 : i32 to vector<16xi32>
    %max3A_3069 = arith.maxsi %sub3A_3066, %max3A_3068 : vector<16xi32>
    %lt3A_3070 = arith.constant 999424 : i32
    %lt3A_3071 = vector.broadcast %lt3A_3070 : i32 to vector<16xi32>
    %lt3A_3072 = arith.cmpi slt, %get3A_3055, %lt3A_3071 : vector<16xi32>
    %get3A_3073 = arith.constant 320 : index
    %get3A_3074 = tpu.vector_load %arg14[%get3A_3073] {strides = array<i32>} : memref<512xf32, #tpu.memory_space<vmem>>, vector<16xf32>,
    %gather3A_3075 = tpu.vector_load_idx %arg18[%max3A_3063] : memref<2304xf32, #tpu.memory_space<vmem>>[vector<16xi32>], vector<16xf32>,
    %select_n3A_3076 = arith.select %lt3A_3072, %get3A_3074, %gather3A_3075 : vector<16xi1>, vector<16xf32>
    %lt3A_3077 = arith.constant 999424 : i32
    %lt3A_3078 = vector.broadcast %lt3A_3077 : i32 to vector<16xi32>
    %lt3A_3079 = arith.cmpi slt, %get3A_3057, %lt3A_3078 : vector<16xi32>
    %get3A_3080 = arith.constant 320 : index
    %get3A_3081 = tpu.vector_load %arg15[%get3A_3080] {strides = array<i32>} : memref<512xf32, #tpu.memory_space<vmem>>, vector<16xf32>,
    %add3A_3082 = arith.constant 576 : i32
    %add3A_3083 = vector.broadcast %add3A_3082 : i32 to vector<16xi32>
    %add3A_3084 = arith.addi %max3A_3069, %add3A_3083 : vector<16xi32>
    %gather3A_3085 = tpu.vector_load_idx %arg18[%add3A_3084] : memref<2304xf32, #tpu.memory_space<vmem>>[vector<16xi32>], vector<16xf32>,
    %select_n3A_3086 = arith.select %lt3A_3079, %get3A_3081, %gather3A_3085 : vector<16xi1>, vector<16xf32>
    %lt3A_3087 = arith.constant 999424 : i32
    %lt3A_3088 = vector.broadcast %lt3A_3087 : i32 to vector<16xi32>
    %lt3A_3089 = arith.cmpi slt, %get3A_3057, %lt3A_3088 : vector<16xi32>
    %get3A_3090 = arith.constant 320 : index
    %get3A_3091 = tpu.vector_load %arg16[%get3A_3090] {strides = array<i32>} : memref<512xf32, #tpu.memory_space<vmem>>, vector<16xf32>,
    %add3A_3092 = arith.constant 1152 : i32
    %add3A_3093 = vector.broadcast %add3A_3092 : i32 to vector<16xi32>
    %add3A_3094 = arith.addi %max3A_3069, %add3A_3093 : vector<16xi32>
    %gather3A_3095 = tpu.vector_load_idx %arg18[%add3A_3094] : memref<2304xf32, #tpu.memory_space<vmem>>[vector<16xi32>], vector<16xf32>,
    %select_n3A_3096 = arith.select %lt3A_3089, %get3A_3091, %gather3A_3095 : vector<16xi1>, vector<16xf32>
    %lt3A_3097 = arith.constant 999424 : i32
    %lt3A_3098 = vector.broadcast %lt3A_3097 : i32 to vector<16xi32>
    %lt3A_3099 = arith.cmpi slt, %get3A_3057, %lt3A_3098 : vector<16xi32>
    %get3A_3100 = arith.constant 320 : index
    %get3A_3101 = tpu.vector_load %arg17[%get3A_3100] {strides = array<i32>} : memref<512xf32, #tpu.memory_space<vmem>>, vector<16xf32>,
    %add3A_3102 = arith.constant 1728 : i32
    %add3A_3103 = vector.broadcast %add3A_3102 : i32 to vector<16xi32>
    %add3A_3104 = arith.addi %max3A_3069, %add3A_3103 : vector<16xi32>
    %gather3A_3105 = tpu.vector_load_idx %arg18[%add3A_3104] : memref<2304xf32, #tpu.memory_space<vmem>>[vector<16xi32>], vector<16xf32>,
    %select_n3A_3106 = arith.select %lt3A_3099, %get3A_3101, %gather3A_3105 : vector<16xi1>, vector<16xf32>
    %neg3A_3107 = arith.constant 0.000000e+00 : f32
    %neg3A_3108 = vector.broadcast %neg3A_3107 : f32 to vector<16xf32>
    %neg3A_3109 = arith.subf %neg3A_3108, %select_n3A_3076 : vector<16xf32>
    %exp3A_3110 = math.exp %neg3A_3109 : vector<16xf32>
    %add3A_3111 = arith.constant 1.000000e+00 : f32
    %add3A_3112 = vector.broadcast %add3A_3111 : f32 to vector<16xf32>
    %add3A_3113 = arith.addf %add3A_3112, %exp3A_3110 : vector<16xf32>
    %div3A_3114 = arith.constant 1.000000e+00 : f32
    %div3A_3115 = vector.broadcast %div3A_3114 : f32 to vector<16xf32>
    %div3A_3116 = arith.divf %div3A_3115, %add3A_3113 : vector<16xf32>
    %sub3A_3117 = arith.constant 5.000000e-01 : f32
    %sub3A_3118 = vector.broadcast %sub3A_3117 : f32 to vector<16xf32>
    %sub3A_3119 = arith.subf %div3A_3116, %sub3A_3118 : vector<16xf32>
    %mul3A_3120 = arith.constant 8.000000e+00 : f32
    %mul3A_3121 = vector.broadcast %mul3A_3120 : f32 to vector<16xf32>
    %mul3A_3122 = arith.mulf %mul3A_3121, %sub3A_3119 : vector<16xf32>
    %neg3A_3123 = arith.constant 0.000000e+00 : f32
    %neg3A_3124 = vector.broadcast %neg3A_3123 : f32 to vector<16xf32>
    %neg3A_3125 = arith.subf %neg3A_3124, %select_n3A_3086 : vector<16xf32>
    %exp3A_3126 = math.exp %neg3A_3125 : vector<16xf32>
    %add3A_3127 = arith.constant 1.000000e+00 : f32
    %add3A_3128 = vector.broadcast %add3A_3127 : f32 to vector<16xf32>
    %add3A_3129 = arith.addf %add3A_3128, %exp3A_3126 : vector<16xf32>
    %div3A_3130 = arith.constant 1.000000e+00 : f32
    %div3A_3131 = vector.broadcast %div3A_3130 : f32 to vector<16xf32>
    %div3A_3132 = arith.divf %div3A_3131, %add3A_3129 : vector<16xf32>
    %mul3A_3133 = arith.constant 4.000000e+00 : f32
    %mul3A_3134 = vector.broadcast %mul3A_3133 : f32 to vector<16xf32>
    %mul3A_3135 = arith.mulf %mul3A_3134, %div3A_3132 : vector<16xf32>
    %neg3A_3136 = arith.constant 0.000000e+00 : f32
    %neg3A_3137 = vector.broadcast %neg3A_3136 : f32 to vector<16xf32>
    %neg3A_3138 = arith.subf %neg3A_3137, %select_n3A_3096 : vector<16xf32>
    %exp3A_3139 = math.exp %neg3A_3138 : vector<16xf32>
    %add3A_3140 = arith.constant 1.000000e+00 : f32
    %add3A_3141 = vector.broadcast %add3A_3140 : f32 to vector<16xf32>
    %add3A_3142 = arith.addf %add3A_3141, %exp3A_3139 : vector<16xf32>
    %div3A_3143 = arith.constant 1.000000e+00 : f32
    %div3A_3144 = vector.broadcast %div3A_3143 : f32 to vector<16xf32>
    %div3A_3145 = arith.divf %div3A_3144, %add3A_3142 : vector<16xf32>
    %sub3A_3146 = arith.constant 5.000000e-01 : f32
    %sub3A_3147 = vector.broadcast %sub3A_3146 : f32 to vector<16xf32>
    %sub3A_3148 = arith.subf %div3A_3145, %sub3A_3147 : vector<16xf32>
    %mul3A_3149 = arith.constant 8.000000e+00 : f32
    %mul3A_3150 = vector.broadcast %mul3A_3149 : f32 to vector<16xf32>
    %mul3A_3151 = arith.mulf %mul3A_3150, %sub3A_3148 : vector<16xf32>
    %neg3A_3152 = arith.constant 0.000000e+00 : f32
    %neg3A_3153 = vector.broadcast %neg3A_3152 : f32 to vector<16xf32>
    %neg3A_3154 = arith.subf %neg3A_3153, %select_n3A_3106 : vector<16xf32>
    %exp3A_3155 = math.exp %neg3A_3154 : vector<16xf32>
    %add3A_3156 = arith.constant 1.000000e+00 : f32
    %add3A_3157 = vector.broadcast %add3A_3156 : f32 to vector<16xf32>
    %add3A_3158 = arith.addf %add3A_3157, %exp3A_3155 : vector<16xf32>
    %div3A_3159 = arith.constant 1.000000e+00 : f32
    %div3A_3160 = vector.broadcast %div3A_3159 : f32 to vector<16xf32>
    %div3A_3161 = arith.divf %div3A_3160, %add3A_3158 : vector<16xf32>
    %sub3A_3162 = arith.constant 1.000000e+00 : f32
    %sub3A_3163 = vector.broadcast %sub3A_3162 : f32 to vector<16xf32>
    %sub3A_3164 = arith.subf %sub3A_3163, %div3A_3161 : vector<16xf32>
    %mul3A_3165 = arith.constant 1.702000e+00 : f32
    %mul3A_3166 = vector.broadcast %mul3A_3165 : f32 to vector<16xf32>
    %mul3A_3167 = arith.mulf %mul3A_3166, %mul3A_3135 : vector<16xf32>
    %sub3A_3168 = arith.subf %mul3A_3122, %mul3A_3151 : vector<16xf32>
    %mul3A_3169 = arith.mulf %mul3A_3167, %sub3A_3168 : vector<16xf32>
    %neg3A_3170 = arith.constant 0.000000e+00 : f32
    %neg3A_3171 = vector.broadcast %neg3A_3170 : f32 to vector<16xf32>
    %neg3A_3172 = arith.subf %neg3A_3171, %mul3A_3169 : vector<16xf32>
    %exp3A_3173 = math.exp %neg3A_3172 : vector<16xf32>
    %add3A_3174 = arith.constant 1.000000e+00 : f32
    %add3A_3175 = vector.broadcast %add3A_3174 : f32 to vector<16xf32>
    %add3A_3176 = arith.addf %add3A_3175, %exp3A_3173 : vector<16xf32>
    %div3A_3177 = arith.constant 1.000000e+00 : f32
    %div3A_3178 = vector.broadcast %div3A_3177 : f32 to vector<16xf32>
    %div3A_3179 = arith.divf %div3A_3178, %add3A_3176 : vector<16xf32>
    %mul3A_3180 = arith.mulf %sub3A_3164, %div3A_3179 : vector<16xf32>
    %add3A_3181 = arith.addf %div3A_3161, %mul3A_3180 : vector<16xf32>
    %swap3A_3182 = arith.constant 320 : index
    %swap3A_3183 = tpu.vector_load %arg19[%swap3A_3182] {strides = array<i32>} : memref<512xf32, #tpu.memory_space<vmem>>, vector<16xf32>,
    tpu.vector_store %arg19[%swap3A_3182], %add3A_3181 {strides = array<i32>} : memref<512xf32, #tpu.memory_space<vmem>>, vector<16xf32>,
    %get3A_3184 = arith.constant 336 : index
    %get3A_3185 = tpu.vector_load %arg10[%get3A_3184] {strides = array<i32>} : memref<512xi32, #tpu.memory_space<vmem>>, vector<16xi32>,
    %get3A_3186 = arith.constant 336 : index
    %get3A_3187 = tpu.vector_load %arg11[%get3A_3186] {strides = array<i32>} : memref<512xi32, #tpu.memory_space<vmem>>, vector<16xi32>,
    %sub3A_3188 = arith.constant 999424 : i32
    %sub3A_3189 = vector.broadcast %sub3A_3188 : i32 to vector<16xi32>
    %sub3A_3190 = arith.subi %get3A_3185, %sub3A_3189 : vector<16xi32>
    %max3A_3191 = arith.constant 0 : i32
    %max3A_3192 = vector.broadcast %max3A_3191 : i32 to vector<16xi32>
    %max3A_3193 = arith.maxsi %sub3A_3190, %max3A_3192 : vector<16xi32>
    %sub3A_3194 = arith.constant 999424 : i32
    %sub3A_3195 = vector.broadcast %sub3A_3194 : i32 to vector<16xi32>
    %sub3A_3196 = arith.subi %get3A_3187, %sub3A_3195 : vector<16xi32>
    %max3A_3197 = arith.constant 0 : i32
    %max3A_3198 = vector.broadcast %max3A_3197 : i32 to vector<16xi32>
    %max3A_3199 = arith.maxsi %sub3A_3196, %max3A_3198 : vector<16xi32>
    %lt3A_3200 = arith.constant 999424 : i32
    %lt3A_3201 = vector.broadcast %lt3A_3200 : i32 to vector<16xi32>
    %lt3A_3202 = arith.cmpi slt, %get3A_3185, %lt3A_3201 : vector<16xi32>
    %get3A_3203 = arith.constant 336 : index
    %get3A_3204 = tpu.vector_load %arg14[%get3A_3203] {strides = array<i32>} : memref<512xf32, #tpu.memory_space<vmem>>, vector<16xf32>,
    %gather3A_3205 = tpu.vector_load_idx %arg18[%max3A_3193] : memref<2304xf32, #tpu.memory_space<vmem>>[vector<16xi32>], vector<16xf32>,
    %select_n3A_3206 = arith.select %lt3A_3202, %get3A_3204, %gather3A_3205 : vector<16xi1>, vector<16xf32>
    %lt3A_3207 = arith.constant 999424 : i32
    %lt3A_3208 = vector.broadcast %lt3A_3207 : i32 to vector<16xi32>
    %lt3A_3209 = arith.cmpi slt, %get3A_3187, %lt3A_3208 : vector<16xi32>
    %get3A_3210 = arith.constant 336 : index
    %get3A_3211 = tpu.vector_load %arg15[%get3A_3210] {strides = array<i32>} : memref<512xf32, #tpu.memory_space<vmem>>, vector<16xf32>,
    %add3A_3212 = arith.constant 576 : i32
    %add3A_3213 = vector.broadcast %add3A_3212 : i32 to vector<16xi32>
    %add3A_3214 = arith.addi %max3A_3199, %add3A_3213 : vector<16xi32>
    %gather3A_3215 = tpu.vector_load_idx %arg18[%add3A_3214] : memref<2304xf32, #tpu.memory_space<vmem>>[vector<16xi32>], vector<16xf32>,
    %select_n3A_3216 = arith.select %lt3A_3209, %get3A_3211, %gather3A_3215 : vector<16xi1>, vector<16xf32>
    %lt3A_3217 = arith.constant 999424 : i32
    %lt3A_3218 = vector.broadcast %lt3A_3217 : i32 to vector<16xi32>
    %lt3A_3219 = arith.cmpi slt, %get3A_3187, %lt3A_3218 : vector<16xi32>
    %get3A_3220 = arith.constant 336 : index
    %get3A_3221 = tpu.vector_load %arg16[%get3A_3220] {strides = array<i32>} : memref<512xf32, #tpu.memory_space<vmem>>, vector<16xf32>,
    %add3A_3222 = arith.constant 1152 : i32
    %add3A_3223 = vector.broadcast %add3A_3222 : i32 to vector<16xi32>
    %add3A_3224 = arith.addi %max3A_3199, %add3A_3223 : vector<16xi32>
    %gather3A_3225 = tpu.vector_load_idx %arg18[%add3A_3224] : memref<2304xf32, #tpu.memory_space<vmem>>[vector<16xi32>], vector<16xf32>,
    %select_n3A_3226 = arith.select %lt3A_3219, %get3A_3221, %gather3A_3225 : vector<16xi1>, vector<16xf32>
    %lt3A_3227 = arith.constant 999424 : i32
    %lt3A_3228 = vector.broadcast %lt3A_3227 : i32 to vector<16xi32>
    %lt3A_3229 = arith.cmpi slt, %get3A_3187, %lt3A_3228 : vector<16xi32>
    %get3A_3230 = arith.constant 336 : index
    %get3A_3231 = tpu.vector_load %arg17[%get3A_3230] {strides = array<i32>} : memref<512xf32, #tpu.memory_space<vmem>>, vector<16xf32>,
    %add3A_3232 = arith.constant 1728 : i32
    %add3A_3233 = vector.broadcast %add3A_3232 : i32 to vector<16xi32>
    %add3A_3234 = arith.addi %max3A_3199, %add3A_3233 : vector<16xi32>
    %gather3A_3235 = tpu.vector_load_idx %arg18[%add3A_3234] : memref<2304xf32, #tpu.memory_space<vmem>>[vector<16xi32>], vector<16xf32>,
    %select_n3A_3236 = arith.select %lt3A_3229, %get3A_3231, %gather3A_3235 : vector<16xi1>, vector<16xf32>
    %neg3A_3237 = arith.constant 0.000000e+00 : f32
    %neg3A_3238 = vector.broadcast %neg3A_3237 : f32 to vector<16xf32>
    %neg3A_3239 = arith.subf %neg3A_3238, %select_n3A_3206 : vector<16xf32>
    %exp3A_3240 = math.exp %neg3A_3239 : vector<16xf32>
    %add3A_3241 = arith.constant 1.000000e+00 : f32
    %add3A_3242 = vector.broadcast %add3A_3241 : f32 to vector<16xf32>
    %add3A_3243 = arith.addf %add3A_3242, %exp3A_3240 : vector<16xf32>
    %div3A_3244 = arith.constant 1.000000e+00 : f32
    %div3A_3245 = vector.broadcast %div3A_3244 : f32 to vector<16xf32>
    %div3A_3246 = arith.divf %div3A_3245, %add3A_3243 : vector<16xf32>
    %sub3A_3247 = arith.constant 5.000000e-01 : f32
    %sub3A_3248 = vector.broadcast %sub3A_3247 : f32 to vector<16xf32>
    %sub3A_3249 = arith.subf %div3A_3246, %sub3A_3248 : vector<16xf32>
    %mul3A_3250 = arith.constant 8.000000e+00 : f32
    %mul3A_3251 = vector.broadcast %mul3A_3250 : f32 to vector<16xf32>
    %mul3A_3252 = arith.mulf %mul3A_3251, %sub3A_3249 : vector<16xf32>
    %neg3A_3253 = arith.constant 0.000000e+00 : f32
    %neg3A_3254 = vector.broadcast %neg3A_3253 : f32 to vector<16xf32>
    %neg3A_3255 = arith.subf %neg3A_3254, %select_n3A_3216 : vector<16xf32>
    %exp3A_3256 = math.exp %neg3A_3255 : vector<16xf32>
    %add3A_3257 = arith.constant 1.000000e+00 : f32
    %add3A_3258 = vector.broadcast %add3A_3257 : f32 to vector<16xf32>
    %add3A_3259 = arith.addf %add3A_3258, %exp3A_3256 : vector<16xf32>
    %div3A_3260 = arith.constant 1.000000e+00 : f32
    %div3A_3261 = vector.broadcast %div3A_3260 : f32 to vector<16xf32>
    %div3A_3262 = arith.divf %div3A_3261, %add3A_3259 : vector<16xf32>
    %mul3A_3263 = arith.constant 4.000000e+00 : f32
    %mul3A_3264 = vector.broadcast %mul3A_3263 : f32 to vector<16xf32>
    %mul3A_3265 = arith.mulf %mul3A_3264, %div3A_3262 : vector<16xf32>
    %neg3A_3266 = arith.constant 0.000000e+00 : f32
    %neg3A_3267 = vector.broadcast %neg3A_3266 : f32 to vector<16xf32>
    %neg3A_3268 = arith.subf %neg3A_3267, %select_n3A_3226 : vector<16xf32>
    %exp3A_3269 = math.exp %neg3A_3268 : vector<16xf32>
    %add3A_3270 = arith.constant 1.000000e+00 : f32
    %add3A_3271 = vector.broadcast %add3A_3270 : f32 to vector<16xf32>
    %add3A_3272 = arith.addf %add3A_3271, %exp3A_3269 : vector<16xf32>
    %div3A_3273 = arith.constant 1.000000e+00 : f32
    %div3A_3274 = vector.broadcast %div3A_3273 : f32 to vector<16xf32>
    %div3A_3275 = arith.divf %div3A_3274, %add3A_3272 : vector<16xf32>
    %sub3A_3276 = arith.constant 5.000000e-01 : f32
    %sub3A_3277 = vector.broadcast %sub3A_3276 : f32 to vector<16xf32>
    %sub3A_3278 = arith.subf %div3A_3275, %sub3A_3277 : vector<16xf32>
    %mul3A_3279 = arith.constant 8.000000e+00 : f32
    %mul3A_3280 = vector.broadcast %mul3A_3279 : f32 to vector<16xf32>
    %mul3A_3281 = arith.mulf %mul3A_3280, %sub3A_3278 : vector<16xf32>
    %neg3A_3282 = arith.constant 0.000000e+00 : f32
    %neg3A_3283 = vector.broadcast %neg3A_3282 : f32 to vector<16xf32>
    %neg3A_3284 = arith.subf %neg3A_3283, %select_n3A_3236 : vector<16xf32>
    %exp3A_3285 = math.exp %neg3A_3284 : vector<16xf32>
    %add3A_3286 = arith.constant 1.000000e+00 : f32
    %add3A_3287 = vector.broadcast %add3A_3286 : f32 to vector<16xf32>
    %add3A_3288 = arith.addf %add3A_3287, %exp3A_3285 : vector<16xf32>
    %div3A_3289 = arith.constant 1.000000e+00 : f32
    %div3A_3290 = vector.broadcast %div3A_3289 : f32 to vector<16xf32>
    %div3A_3291 = arith.divf %div3A_3290, %add3A_3288 : vector<16xf32>
    %sub3A_3292 = arith.constant 1.000000e+00 : f32
    %sub3A_3293 = vector.broadcast %sub3A_3292 : f32 to vector<16xf32>
    %sub3A_3294 = arith.subf %sub3A_3293, %div3A_3291 : vector<16xf32>
    %mul3A_3295 = arith.constant 1.702000e+00 : f32
    %mul3A_3296 = vector.broadcast %mul3A_3295 : f32 to vector<16xf32>
    %mul3A_3297 = arith.mulf %mul3A_3296, %mul3A_3265 : vector<16xf32>
    %sub3A_3298 = arith.subf %mul3A_3252, %mul3A_3281 : vector<16xf32>
    %mul3A_3299 = arith.mulf %mul3A_3297, %sub3A_3298 : vector<16xf32>
    %neg3A_3300 = arith.constant 0.000000e+00 : f32
    %neg3A_3301 = vector.broadcast %neg3A_3300 : f32 to vector<16xf32>
    %neg3A_3302 = arith.subf %neg3A_3301, %mul3A_3299 : vector<16xf32>
    %exp3A_3303 = math.exp %neg3A_3302 : vector<16xf32>
    %add3A_3304 = arith.constant 1.000000e+00 : f32
    %add3A_3305 = vector.broadcast %add3A_3304 : f32 to vector<16xf32>
    %add3A_3306 = arith.addf %add3A_3305, %exp3A_3303 : vector<16xf32>
    %div3A_3307 = arith.constant 1.000000e+00 : f32
    %div3A_3308 = vector.broadcast %div3A_3307 : f32 to vector<16xf32>
    %div3A_3309 = arith.divf %div3A_3308, %add3A_3306 : vector<16xf32>
    %mul3A_3310 = arith.mulf %sub3A_3294, %div3A_3309 : vector<16xf32>
    %add3A_3311 = arith.addf %div3A_3291, %mul3A_3310 : vector<16xf32>
    %swap3A_3312 = arith.constant 336 : index
    %swap3A_3313 = tpu.vector_load %arg19[%swap3A_3312] {strides = array<i32>} : memref<512xf32, #tpu.memory_space<vmem>>, vector<16xf32>,
    tpu.vector_store %arg19[%swap3A_3312], %add3A_3311 {strides = array<i32>} : memref<512xf32, #tpu.memory_space<vmem>>, vector<16xf32>,
    %get3A_3314 = arith.constant 352 : index
    %get3A_3315 = tpu.vector_load %arg10[%get3A_3314] {strides = array<i32>} : memref<512xi32, #tpu.memory_space<vmem>>, vector<16xi32>,
    %get3A_3316 = arith.constant 352 : index
    %get3A_3317 = tpu.vector_load %arg11[%get3A_3316] {strides = array<i32>} : memref<512xi32, #tpu.memory_space<vmem>>, vector<16xi32>,
    %sub3A_3318 = arith.constant 999424 : i32
    %sub3A_3319 = vector.broadcast %sub3A_3318 : i32 to vector<16xi32>
    %sub3A_3320 = arith.subi %get3A_3315, %sub3A_3319 : vector<16xi32>
    %max3A_3321 = arith.constant 0 : i32
    %max3A_3322 = vector.broadcast %max3A_3321 : i32 to vector<16xi32>
    %max3A_3323 = arith.maxsi %sub3A_3320, %max3A_3322 : vector<16xi32>
    %sub3A_3324 = arith.constant 999424 : i32
    %sub3A_3325 = vector.broadcast %sub3A_3324 : i32 to vector<16xi32>
    %sub3A_3326 = arith.subi %get3A_3317, %sub3A_3325 : vector<16xi32>
    %max3A_3327 = arith.constant 0 : i32
    %max3A_3328 = vector.broadcast %max3A_3327 : i32 to vector<16xi32>
    %max3A_3329 = arith.maxsi %sub3A_3326, %max3A_3328 : vector<16xi32>
    %lt3A_3330 = arith.constant 999424 : i32
    %lt3A_3331 = vector.broadcast %lt3A_3330 : i32 to vector<16xi32>
    %lt3A_3332 = arith.cmpi slt, %get3A_3315, %lt3A_3331 : vector<16xi32>
    %get3A_3333 = arith.constant 352 : index
    %get3A_3334 = tpu.vector_load %arg14[%get3A_3333] {strides = array<i32>} : memref<512xf32, #tpu.memory_space<vmem>>, vector<16xf32>,
    %gather3A_3335 = tpu.vector_load_idx %arg18[%max3A_3323] : memref<2304xf32, #tpu.memory_space<vmem>>[vector<16xi32>], vector<16xf32>,
    %select_n3A_3336 = arith.select %lt3A_3332, %get3A_3334, %gather3A_3335 : vector<16xi1>, vector<16xf32>
    %lt3A_3337 = arith.constant 999424 : i32
    %lt3A_3338 = vector.broadcast %lt3A_3337 : i32 to vector<16xi32>
    %lt3A_3339 = arith.cmpi slt, %get3A_3317, %lt3A_3338 : vector<16xi32>
    %get3A_3340 = arith.constant 352 : index
    %get3A_3341 = tpu.vector_load %arg15[%get3A_3340] {strides = array<i32>} : memref<512xf32, #tpu.memory_space<vmem>>, vector<16xf32>,
    %add3A_3342 = arith.constant 576 : i32
    %add3A_3343 = vector.broadcast %add3A_3342 : i32 to vector<16xi32>
    %add3A_3344 = arith.addi %max3A_3329, %add3A_3343 : vector<16xi32>
    %gather3A_3345 = tpu.vector_load_idx %arg18[%add3A_3344] : memref<2304xf32, #tpu.memory_space<vmem>>[vector<16xi32>], vector<16xf32>,
    %select_n3A_3346 = arith.select %lt3A_3339, %get3A_3341, %gather3A_3345 : vector<16xi1>, vector<16xf32>
    %lt3A_3347 = arith.constant 999424 : i32
    %lt3A_3348 = vector.broadcast %lt3A_3347 : i32 to vector<16xi32>
    %lt3A_3349 = arith.cmpi slt, %get3A_3317, %lt3A_3348 : vector<16xi32>
    %get3A_3350 = arith.constant 352 : index
    %get3A_3351 = tpu.vector_load %arg16[%get3A_3350] {strides = array<i32>} : memref<512xf32, #tpu.memory_space<vmem>>, vector<16xf32>,
    %add3A_3352 = arith.constant 1152 : i32
    %add3A_3353 = vector.broadcast %add3A_3352 : i32 to vector<16xi32>
    %add3A_3354 = arith.addi %max3A_3329, %add3A_3353 : vector<16xi32>
    %gather3A_3355 = tpu.vector_load_idx %arg18[%add3A_3354] : memref<2304xf32, #tpu.memory_space<vmem>>[vector<16xi32>], vector<16xf32>,
    %select_n3A_3356 = arith.select %lt3A_3349, %get3A_3351, %gather3A_3355 : vector<16xi1>, vector<16xf32>
    %lt3A_3357 = arith.constant 999424 : i32
    %lt3A_3358 = vector.broadcast %lt3A_3357 : i32 to vector<16xi32>
    %lt3A_3359 = arith.cmpi slt, %get3A_3317, %lt3A_3358 : vector<16xi32>
    %get3A_3360 = arith.constant 352 : index
    %get3A_3361 = tpu.vector_load %arg17[%get3A_3360] {strides = array<i32>} : memref<512xf32, #tpu.memory_space<vmem>>, vector<16xf32>,
    %add3A_3362 = arith.constant 1728 : i32
    %add3A_3363 = vector.broadcast %add3A_3362 : i32 to vector<16xi32>
    %add3A_3364 = arith.addi %max3A_3329, %add3A_3363 : vector<16xi32>
    %gather3A_3365 = tpu.vector_load_idx %arg18[%add3A_3364] : memref<2304xf32, #tpu.memory_space<vmem>>[vector<16xi32>], vector<16xf32>,
    %select_n3A_3366 = arith.select %lt3A_3359, %get3A_3361, %gather3A_3365 : vector<16xi1>, vector<16xf32>
    %neg3A_3367 = arith.constant 0.000000e+00 : f32
    %neg3A_3368 = vector.broadcast %neg3A_3367 : f32 to vector<16xf32>
    %neg3A_3369 = arith.subf %neg3A_3368, %select_n3A_3336 : vector<16xf32>
    %exp3A_3370 = math.exp %neg3A_3369 : vector<16xf32>
    %add3A_3371 = arith.constant 1.000000e+00 : f32
    %add3A_3372 = vector.broadcast %add3A_3371 : f32 to vector<16xf32>
    %add3A_3373 = arith.addf %add3A_3372, %exp3A_3370 : vector<16xf32>
    %div3A_3374 = arith.constant 1.000000e+00 : f32
    %div3A_3375 = vector.broadcast %div3A_3374 : f32 to vector<16xf32>
    %div3A_3376 = arith.divf %div3A_3375, %add3A_3373 : vector<16xf32>
    %sub3A_3377 = arith.constant 5.000000e-01 : f32
    %sub3A_3378 = vector.broadcast %sub3A_3377 : f32 to vector<16xf32>
    %sub3A_3379 = arith.subf %div3A_3376, %sub3A_3378 : vector<16xf32>
    %mul3A_3380 = arith.constant 8.000000e+00 : f32
    %mul3A_3381 = vector.broadcast %mul3A_3380 : f32 to vector<16xf32>
    %mul3A_3382 = arith.mulf %mul3A_3381, %sub3A_3379 : vector<16xf32>
    %neg3A_3383 = arith.constant 0.000000e+00 : f32
    %neg3A_3384 = vector.broadcast %neg3A_3383 : f32 to vector<16xf32>
    %neg3A_3385 = arith.subf %neg3A_3384, %select_n3A_3346 : vector<16xf32>
    %exp3A_3386 = math.exp %neg3A_3385 : vector<16xf32>
    %add3A_3387 = arith.constant 1.000000e+00 : f32
    %add3A_3388 = vector.broadcast %add3A_3387 : f32 to vector<16xf32>
    %add3A_3389 = arith.addf %add3A_3388, %exp3A_3386 : vector<16xf32>
    %div3A_3390 = arith.constant 1.000000e+00 : f32
    %div3A_3391 = vector.broadcast %div3A_3390 : f32 to vector<16xf32>
    %div3A_3392 = arith.divf %div3A_3391, %add3A_3389 : vector<16xf32>
    %mul3A_3393 = arith.constant 4.000000e+00 : f32
    %mul3A_3394 = vector.broadcast %mul3A_3393 : f32 to vector<16xf32>
    %mul3A_3395 = arith.mulf %mul3A_3394, %div3A_3392 : vector<16xf32>
    %neg3A_3396 = arith.constant 0.000000e+00 : f32
    %neg3A_3397 = vector.broadcast %neg3A_3396 : f32 to vector<16xf32>
    %neg3A_3398 = arith.subf %neg3A_3397, %select_n3A_3356 : vector<16xf32>
    %exp3A_3399 = math.exp %neg3A_3398 : vector<16xf32>
    %add3A_3400 = arith.constant 1.000000e+00 : f32
    %add3A_3401 = vector.broadcast %add3A_3400 : f32 to vector<16xf32>
    %add3A_3402 = arith.addf %add3A_3401, %exp3A_3399 : vector<16xf32>
    %div3A_3403 = arith.constant 1.000000e+00 : f32
    %div3A_3404 = vector.broadcast %div3A_3403 : f32 to vector<16xf32>
    %div3A_3405 = arith.divf %div3A_3404, %add3A_3402 : vector<16xf32>
    %sub3A_3406 = arith.constant 5.000000e-01 : f32
    %sub3A_3407 = vector.broadcast %sub3A_3406 : f32 to vector<16xf32>
    %sub3A_3408 = arith.subf %div3A_3405, %sub3A_3407 : vector<16xf32>
    %mul3A_3409 = arith.constant 8.000000e+00 : f32
    %mul3A_3410 = vector.broadcast %mul3A_3409 : f32 to vector<16xf32>
    %mul3A_3411 = arith.mulf %mul3A_3410, %sub3A_3408 : vector<16xf32>
    %neg3A_3412 = arith.constant 0.000000e+00 : f32
    %neg3A_3413 = vector.broadcast %neg3A_3412 : f32 to vector<16xf32>
    %neg3A_3414 = arith.subf %neg3A_3413, %select_n3A_3366 : vector<16xf32>
    %exp3A_3415 = math.exp %neg3A_3414 : vector<16xf32>
    %add3A_3416 = arith.constant 1.000000e+00 : f32
    %add3A_3417 = vector.broadcast %add3A_3416 : f32 to vector<16xf32>
    %add3A_3418 = arith.addf %add3A_3417, %exp3A_3415 : vector<16xf32>
    %div3A_3419 = arith.constant 1.000000e+00 : f32
    %div3A_3420 = vector.broadcast %div3A_3419 : f32 to vector<16xf32>
    %div3A_3421 = arith.divf %div3A_3420, %add3A_3418 : vector<16xf32>
    %sub3A_3422 = arith.constant 1.000000e+00 : f32
    %sub3A_3423 = vector.broadcast %sub3A_3422 : f32 to vector<16xf32>
    %sub3A_3424 = arith.subf %sub3A_3423, %div3A_3421 : vector<16xf32>
    %mul3A_3425 = arith.constant 1.702000e+00 : f32
    %mul3A_3426 = vector.broadcast %mul3A_3425 : f32 to vector<16xf32>
    %mul3A_3427 = arith.mulf %mul3A_3426, %mul3A_3395 : vector<16xf32>
    %sub3A_3428 = arith.subf %mul3A_3382, %mul3A_3411 : vector<16xf32>
    %mul3A_3429 = arith.mulf %mul3A_3427, %sub3A_3428 : vector<16xf32>
    %neg3A_3430 = arith.constant 0.000000e+00 : f32
    %neg3A_3431 = vector.broadcast %neg3A_3430 : f32 to vector<16xf32>
    %neg3A_3432 = arith.subf %neg3A_3431, %mul3A_3429 : vector<16xf32>
    %exp3A_3433 = math.exp %neg3A_3432 : vector<16xf32>
    %add3A_3434 = arith.constant 1.000000e+00 : f32
    %add3A_3435 = vector.broadcast %add3A_3434 : f32 to vector<16xf32>
    %add3A_3436 = arith.addf %add3A_3435, %exp3A_3433 : vector<16xf32>
    %div3A_3437 = arith.constant 1.000000e+00 : f32
    %div3A_3438 = vector.broadcast %div3A_3437 : f32 to vector<16xf32>
    %div3A_3439 = arith.divf %div3A_3438, %add3A_3436 : vector<16xf32>
    %mul3A_3440 = arith.mulf %sub3A_3424, %div3A_3439 : vector<16xf32>
    %add3A_3441 = arith.addf %div3A_3421, %mul3A_3440 : vector<16xf32>
    %swap3A_3442 = arith.constant 352 : index
    %swap3A_3443 = tpu.vector_load %arg19[%swap3A_3442] {strides = array<i32>} : memref<512xf32, #tpu.memory_space<vmem>>, vector<16xf32>,
    tpu.vector_store %arg19[%swap3A_3442], %add3A_3441 {strides = array<i32>} : memref<512xf32, #tpu.memory_space<vmem>>, vector<16xf32>,
    %get3A_3444 = arith.constant 368 : index
    %get3A_3445 = tpu.vector_load %arg10[%get3A_3444] {strides = array<i32>} : memref<512xi32, #tpu.memory_space<vmem>>, vector<16xi32>,
    %get3A_3446 = arith.constant 368 : index
    %get3A_3447 = tpu.vector_load %arg11[%get3A_3446] {strides = array<i32>} : memref<512xi32, #tpu.memory_space<vmem>>, vector<16xi32>,
    %sub3A_3448 = arith.constant 999424 : i32
    %sub3A_3449 = vector.broadcast %sub3A_3448 : i32 to vector<16xi32>
    %sub3A_3450 = arith.subi %get3A_3445, %sub3A_3449 : vector<16xi32>
    %max3A_3451 = arith.constant 0 : i32
    %max3A_3452 = vector.broadcast %max3A_3451 : i32 to vector<16xi32>
    %max3A_3453 = arith.maxsi %sub3A_3450, %max3A_3452 : vector<16xi32>
    %sub3A_3454 = arith.constant 999424 : i32
    %sub3A_3455 = vector.broadcast %sub3A_3454 : i32 to vector<16xi32>
    %sub3A_3456 = arith.subi %get3A_3447, %sub3A_3455 : vector<16xi32>
    %max3A_3457 = arith.constant 0 : i32
    %max3A_3458 = vector.broadcast %max3A_3457 : i32 to vector<16xi32>
    %max3A_3459 = arith.maxsi %sub3A_3456, %max3A_3458 : vector<16xi32>
    %lt3A_3460 = arith.constant 999424 : i32
    %lt3A_3461 = vector.broadcast %lt3A_3460 : i32 to vector<16xi32>
    %lt3A_3462 = arith.cmpi slt, %get3A_3445, %lt3A_3461 : vector<16xi32>
    %get3A_3463 = arith.constant 368 : index
    %get3A_3464 = tpu.vector_load %arg14[%get3A_3463] {strides = array<i32>} : memref<512xf32, #tpu.memory_space<vmem>>, vector<16xf32>,
    %gather3A_3465 = tpu.vector_load_idx %arg18[%max3A_3453] : memref<2304xf32, #tpu.memory_space<vmem>>[vector<16xi32>], vector<16xf32>,
    %select_n3A_3466 = arith.select %lt3A_3462, %get3A_3464, %gather3A_3465 : vector<16xi1>, vector<16xf32>
    %lt3A_3467 = arith.constant 999424 : i32
    %lt3A_3468 = vector.broadcast %lt3A_3467 : i32 to vector<16xi32>
    %lt3A_3469 = arith.cmpi slt, %get3A_3447, %lt3A_3468 : vector<16xi32>
    %get3A_3470 = arith.constant 368 : index
    %get3A_3471 = tpu.vector_load %arg15[%get3A_3470] {strides = array<i32>} : memref<512xf32, #tpu.memory_space<vmem>>, vector<16xf32>,
    %add3A_3472 = arith.constant 576 : i32
    %add3A_3473 = vector.broadcast %add3A_3472 : i32 to vector<16xi32>
    %add3A_3474 = arith.addi %max3A_3459, %add3A_3473 : vector<16xi32>
    %gather3A_3475 = tpu.vector_load_idx %arg18[%add3A_3474] : memref<2304xf32, #tpu.memory_space<vmem>>[vector<16xi32>], vector<16xf32>,
    %select_n3A_3476 = arith.select %lt3A_3469, %get3A_3471, %gather3A_3475 : vector<16xi1>, vector<16xf32>
    %lt3A_3477 = arith.constant 999424 : i32
    %lt3A_3478 = vector.broadcast %lt3A_3477 : i32 to vector<16xi32>
    %lt3A_3479 = arith.cmpi slt, %get3A_3447, %lt3A_3478 : vector<16xi32>
    %get3A_3480 = arith.constant 368 : index
    %get3A_3481 = tpu.vector_load %arg16[%get3A_3480] {strides = array<i32>} : memref<512xf32, #tpu.memory_space<vmem>>, vector<16xf32>,
    %add3A_3482 = arith.constant 1152 : i32
    %add3A_3483 = vector.broadcast %add3A_3482 : i32 to vector<16xi32>
    %add3A_3484 = arith.addi %max3A_3459, %add3A_3483 : vector<16xi32>
    %gather3A_3485 = tpu.vector_load_idx %arg18[%add3A_3484] : memref<2304xf32, #tpu.memory_space<vmem>>[vector<16xi32>], vector<16xf32>,
    %select_n3A_3486 = arith.select %lt3A_3479, %get3A_3481, %gather3A_3485 : vector<16xi1>, vector<16xf32>
    %lt3A_3487 = arith.constant 999424 : i32
    %lt3A_3488 = vector.broadcast %lt3A_3487 : i32 to vector<16xi32>
    %lt3A_3489 = arith.cmpi slt, %get3A_3447, %lt3A_3488 : vector<16xi32>
    %get3A_3490 = arith.constant 368 : index
    %get3A_3491 = tpu.vector_load %arg17[%get3A_3490] {strides = array<i32>} : memref<512xf32, #tpu.memory_space<vmem>>, vector<16xf32>,
    %add3A_3492 = arith.constant 1728 : i32
    %add3A_3493 = vector.broadcast %add3A_3492 : i32 to vector<16xi32>
    %add3A_3494 = arith.addi %max3A_3459, %add3A_3493 : vector<16xi32>
    %gather3A_3495 = tpu.vector_load_idx %arg18[%add3A_3494] : memref<2304xf32, #tpu.memory_space<vmem>>[vector<16xi32>], vector<16xf32>,
    %select_n3A_3496 = arith.select %lt3A_3489, %get3A_3491, %gather3A_3495 : vector<16xi1>, vector<16xf32>
    %neg3A_3497 = arith.constant 0.000000e+00 : f32
    %neg3A_3498 = vector.broadcast %neg3A_3497 : f32 to vector<16xf32>
    %neg3A_3499 = arith.subf %neg3A_3498, %select_n3A_3466 : vector<16xf32>
    %exp3A_3500 = math.exp %neg3A_3499 : vector<16xf32>
    %add3A_3501 = arith.constant 1.000000e+00 : f32
    %add3A_3502 = vector.broadcast %add3A_3501 : f32 to vector<16xf32>
    %add3A_3503 = arith.addf %add3A_3502, %exp3A_3500 : vector<16xf32>
    %div3A_3504 = arith.constant 1.000000e+00 : f32
    %div3A_3505 = vector.broadcast %div3A_3504 : f32 to vector<16xf32>
    %div3A_3506 = arith.divf %div3A_3505, %add3A_3503 : vector<16xf32>
    %sub3A_3507 = arith.constant 5.000000e-01 : f32
    %sub3A_3508 = vector.broadcast %sub3A_3507 : f32 to vector<16xf32>
    %sub3A_3509 = arith.subf %div3A_3506, %sub3A_3508 : vector<16xf32>
    %mul3A_3510 = arith.constant 8.000000e+00 : f32
    %mul3A_3511 = vector.broadcast %mul3A_3510 : f32 to vector<16xf32>
    %mul3A_3512 = arith.mulf %mul3A_3511, %sub3A_3509 : vector<16xf32>
    %neg3A_3513 = arith.constant 0.000000e+00 : f32
    %neg3A_3514 = vector.broadcast %neg3A_3513 : f32 to vector<16xf32>
    %neg3A_3515 = arith.subf %neg3A_3514, %select_n3A_3476 : vector<16xf32>
    %exp3A_3516 = math.exp %neg3A_3515 : vector<16xf32>
    %add3A_3517 = arith.constant 1.000000e+00 : f32
    %add3A_3518 = vector.broadcast %add3A_3517 : f32 to vector<16xf32>
    %add3A_3519 = arith.addf %add3A_3518, %exp3A_3516 : vector<16xf32>
    %div3A_3520 = arith.constant 1.000000e+00 : f32
    %div3A_3521 = vector.broadcast %div3A_3520 : f32 to vector<16xf32>
    %div3A_3522 = arith.divf %div3A_3521, %add3A_3519 : vector<16xf32>
    %mul3A_3523 = arith.constant 4.000000e+00 : f32
    %mul3A_3524 = vector.broadcast %mul3A_3523 : f32 to vector<16xf32>
    %mul3A_3525 = arith.mulf %mul3A_3524, %div3A_3522 : vector<16xf32>
    %neg3A_3526 = arith.constant 0.000000e+00 : f32
    %neg3A_3527 = vector.broadcast %neg3A_3526 : f32 to vector<16xf32>
    %neg3A_3528 = arith.subf %neg3A_3527, %select_n3A_3486 : vector<16xf32>
    %exp3A_3529 = math.exp %neg3A_3528 : vector<16xf32>
    %add3A_3530 = arith.constant 1.000000e+00 : f32
    %add3A_3531 = vector.broadcast %add3A_3530 : f32 to vector<16xf32>
    %add3A_3532 = arith.addf %add3A_3531, %exp3A_3529 : vector<16xf32>
    %div3A_3533 = arith.constant 1.000000e+00 : f32
    %div3A_3534 = vector.broadcast %div3A_3533 : f32 to vector<16xf32>
    %div3A_3535 = arith.divf %div3A_3534, %add3A_3532 : vector<16xf32>
    %sub3A_3536 = arith.constant 5.000000e-01 : f32
    %sub3A_3537 = vector.broadcast %sub3A_3536 : f32 to vector<16xf32>
    %sub3A_3538 = arith.subf %div3A_3535, %sub3A_3537 : vector<16xf32>
    %mul3A_3539 = arith.constant 8.000000e+00 : f32
    %mul3A_3540 = vector.broadcast %mul3A_3539 : f32 to vector<16xf32>
    %mul3A_3541 = arith.mulf %mul3A_3540, %sub3A_3538 : vector<16xf32>
    %neg3A_3542 = arith.constant 0.000000e+00 : f32
    %neg3A_3543 = vector.broadcast %neg3A_3542 : f32 to vector<16xf32>
    %neg3A_3544 = arith.subf %neg3A_3543, %select_n3A_3496 : vector<16xf32>
    %exp3A_3545 = math.exp %neg3A_3544 : vector<16xf32>
    %add3A_3546 = arith.constant 1.000000e+00 : f32
    %add3A_3547 = vector.broadcast %add3A_3546 : f32 to vector<16xf32>
    %add3A_3548 = arith.addf %add3A_3547, %exp3A_3545 : vector<16xf32>
    %div3A_3549 = arith.constant 1.000000e+00 : f32
    %div3A_3550 = vector.broadcast %div3A_3549 : f32 to vector<16xf32>
    %div3A_3551 = arith.divf %div3A_3550, %add3A_3548 : vector<16xf32>
    %sub3A_3552 = arith.constant 1.000000e+00 : f32
    %sub3A_3553 = vector.broadcast %sub3A_3552 : f32 to vector<16xf32>
    %sub3A_3554 = arith.subf %sub3A_3553, %div3A_3551 : vector<16xf32>
    %mul3A_3555 = arith.constant 1.702000e+00 : f32
    %mul3A_3556 = vector.broadcast %mul3A_3555 : f32 to vector<16xf32>
    %mul3A_3557 = arith.mulf %mul3A_3556, %mul3A_3525 : vector<16xf32>
    %sub3A_3558 = arith.subf %mul3A_3512, %mul3A_3541 : vector<16xf32>
    %mul3A_3559 = arith.mulf %mul3A_3557, %sub3A_3558 : vector<16xf32>
    %neg3A_3560 = arith.constant 0.000000e+00 : f32
    %neg3A_3561 = vector.broadcast %neg3A_3560 : f32 to vector<16xf32>
    %neg3A_3562 = arith.subf %neg3A_3561, %mul3A_3559 : vector<16xf32>
    %exp3A_3563 = math.exp %neg3A_3562 : vector<16xf32>
    %add3A_3564 = arith.constant 1.000000e+00 : f32
    %add3A_3565 = vector.broadcast %add3A_3564 : f32 to vector<16xf32>
    %add3A_3566 = arith.addf %add3A_3565, %exp3A_3563 : vector<16xf32>
    %div3A_3567 = arith.constant 1.000000e+00 : f32
    %div3A_3568 = vector.broadcast %div3A_3567 : f32 to vector<16xf32>
    %div3A_3569 = arith.divf %div3A_3568, %add3A_3566 : vector<16xf32>
    %mul3A_3570 = arith.mulf %sub3A_3554, %div3A_3569 : vector<16xf32>
    %add3A_3571 = arith.addf %div3A_3551, %mul3A_3570 : vector<16xf32>
    %swap3A_3572 = arith.constant 368 : index
    %swap3A_3573 = tpu.vector_load %arg19[%swap3A_3572] {strides = array<i32>} : memref<512xf32, #tpu.memory_space<vmem>>, vector<16xf32>,
    tpu.vector_store %arg19[%swap3A_3572], %add3A_3571 {strides = array<i32>} : memref<512xf32, #tpu.memory_space<vmem>>, vector<16xf32>,
    %get3A_3574 = arith.constant 384 : index
    %get3A_3575 = tpu.vector_load %arg10[%get3A_3574] {strides = array<i32>} : memref<512xi32, #tpu.memory_space<vmem>>, vector<16xi32>,
    %get3A_3576 = arith.constant 384 : index
    %get3A_3577 = tpu.vector_load %arg11[%get3A_3576] {strides = array<i32>} : memref<512xi32, #tpu.memory_space<vmem>>, vector<16xi32>,
    %sub3A_3578 = arith.constant 999424 : i32
    %sub3A_3579 = vector.broadcast %sub3A_3578 : i32 to vector<16xi32>
    %sub3A_3580 = arith.subi %get3A_3575, %sub3A_3579 : vector<16xi32>
    %max3A_3581 = arith.constant 0 : i32
    %max3A_3582 = vector.broadcast %max3A_3581 : i32 to vector<16xi32>
    %max3A_3583 = arith.maxsi %sub3A_3580, %max3A_3582 : vector<16xi32>
    %sub3A_3584 = arith.constant 999424 : i32
    %sub3A_3585 = vector.broadcast %sub3A_3584 : i32 to vector<16xi32>
    %sub3A_3586 = arith.subi %get3A_3577, %sub3A_3585 : vector<16xi32>
    %max3A_3587 = arith.constant 0 : i32
    %max3A_3588 = vector.broadcast %max3A_3587 : i32 to vector<16xi32>
    %max3A_3589 = arith.maxsi %sub3A_3586, %max3A_3588 : vector<16xi32>
    %lt3A_3590 = arith.constant 999424 : i32
    %lt3A_3591 = vector.broadcast %lt3A_3590 : i32 to vector<16xi32>
    %lt3A_3592 = arith.cmpi slt, %get3A_3575, %lt3A_3591 : vector<16xi32>
    %get3A_3593 = arith.constant 384 : index
    %get3A_3594 = tpu.vector_load %arg14[%get3A_3593] {strides = array<i32>} : memref<512xf32, #tpu.memory_space<vmem>>, vector<16xf32>,
    %gather3A_3595 = tpu.vector_load_idx %arg18[%max3A_3583] : memref<2304xf32, #tpu.memory_space<vmem>>[vector<16xi32>], vector<16xf32>,
    %select_n3A_3596 = arith.select %lt3A_3592, %get3A_3594, %gather3A_3595 : vector<16xi1>, vector<16xf32>
    %lt3A_3597 = arith.constant 999424 : i32
    %lt3A_3598 = vector.broadcast %lt3A_3597 : i32 to vector<16xi32>
    %lt3A_3599 = arith.cmpi slt, %get3A_3577, %lt3A_3598 : vector<16xi32>
    %get3A_3600 = arith.constant 384 : index
    %get3A_3601 = tpu.vector_load %arg15[%get3A_3600] {strides = array<i32>} : memref<512xf32, #tpu.memory_space<vmem>>, vector<16xf32>,
    %add3A_3602 = arith.constant 576 : i32
    %add3A_3603 = vector.broadcast %add3A_3602 : i32 to vector<16xi32>
    %add3A_3604 = arith.addi %max3A_3589, %add3A_3603 : vector<16xi32>
    %gather3A_3605 = tpu.vector_load_idx %arg18[%add3A_3604] : memref<2304xf32, #tpu.memory_space<vmem>>[vector<16xi32>], vector<16xf32>,
    %select_n3A_3606 = arith.select %lt3A_3599, %get3A_3601, %gather3A_3605 : vector<16xi1>, vector<16xf32>
    %lt3A_3607 = arith.constant 999424 : i32
    %lt3A_3608 = vector.broadcast %lt3A_3607 : i32 to vector<16xi32>
    %lt3A_3609 = arith.cmpi slt, %get3A_3577, %lt3A_3608 : vector<16xi32>
    %get3A_3610 = arith.constant 384 : index
    %get3A_3611 = tpu.vector_load %arg16[%get3A_3610] {strides = array<i32>} : memref<512xf32, #tpu.memory_space<vmem>>, vector<16xf32>,
    %add3A_3612 = arith.constant 1152 : i32
    %add3A_3613 = vector.broadcast %add3A_3612 : i32 to vector<16xi32>
    %add3A_3614 = arith.addi %max3A_3589, %add3A_3613 : vector<16xi32>
    %gather3A_3615 = tpu.vector_load_idx %arg18[%add3A_3614] : memref<2304xf32, #tpu.memory_space<vmem>>[vector<16xi32>], vector<16xf32>,
    %select_n3A_3616 = arith.select %lt3A_3609, %get3A_3611, %gather3A_3615 : vector<16xi1>, vector<16xf32>
    %lt3A_3617 = arith.constant 999424 : i32
    %lt3A_3618 = vector.broadcast %lt3A_3617 : i32 to vector<16xi32>
    %lt3A_3619 = arith.cmpi slt, %get3A_3577, %lt3A_3618 : vector<16xi32>
    %get3A_3620 = arith.constant 384 : index
    %get3A_3621 = tpu.vector_load %arg17[%get3A_3620] {strides = array<i32>} : memref<512xf32, #tpu.memory_space<vmem>>, vector<16xf32>,
    %add3A_3622 = arith.constant 1728 : i32
    %add3A_3623 = vector.broadcast %add3A_3622 : i32 to vector<16xi32>
    %add3A_3624 = arith.addi %max3A_3589, %add3A_3623 : vector<16xi32>
    %gather3A_3625 = tpu.vector_load_idx %arg18[%add3A_3624] : memref<2304xf32, #tpu.memory_space<vmem>>[vector<16xi32>], vector<16xf32>,
    %select_n3A_3626 = arith.select %lt3A_3619, %get3A_3621, %gather3A_3625 : vector<16xi1>, vector<16xf32>
    %neg3A_3627 = arith.constant 0.000000e+00 : f32
    %neg3A_3628 = vector.broadcast %neg3A_3627 : f32 to vector<16xf32>
    %neg3A_3629 = arith.subf %neg3A_3628, %select_n3A_3596 : vector<16xf32>
    %exp3A_3630 = math.exp %neg3A_3629 : vector<16xf32>
    %add3A_3631 = arith.constant 1.000000e+00 : f32
    %add3A_3632 = vector.broadcast %add3A_3631 : f32 to vector<16xf32>
    %add3A_3633 = arith.addf %add3A_3632, %exp3A_3630 : vector<16xf32>
    %div3A_3634 = arith.constant 1.000000e+00 : f32
    %div3A_3635 = vector.broadcast %div3A_3634 : f32 to vector<16xf32>
    %div3A_3636 = arith.divf %div3A_3635, %add3A_3633 : vector<16xf32>
    %sub3A_3637 = arith.constant 5.000000e-01 : f32
    %sub3A_3638 = vector.broadcast %sub3A_3637 : f32 to vector<16xf32>
    %sub3A_3639 = arith.subf %div3A_3636, %sub3A_3638 : vector<16xf32>
    %mul3A_3640 = arith.constant 8.000000e+00 : f32
    %mul3A_3641 = vector.broadcast %mul3A_3640 : f32 to vector<16xf32>
    %mul3A_3642 = arith.mulf %mul3A_3641, %sub3A_3639 : vector<16xf32>
    %neg3A_3643 = arith.constant 0.000000e+00 : f32
    %neg3A_3644 = vector.broadcast %neg3A_3643 : f32 to vector<16xf32>
    %neg3A_3645 = arith.subf %neg3A_3644, %select_n3A_3606 : vector<16xf32>
    %exp3A_3646 = math.exp %neg3A_3645 : vector<16xf32>
    %add3A_3647 = arith.constant 1.000000e+00 : f32
    %add3A_3648 = vector.broadcast %add3A_3647 : f32 to vector<16xf32>
    %add3A_3649 = arith.addf %add3A_3648, %exp3A_3646 : vector<16xf32>
    %div3A_3650 = arith.constant 1.000000e+00 : f32
    %div3A_3651 = vector.broadcast %div3A_3650 : f32 to vector<16xf32>
    %div3A_3652 = arith.divf %div3A_3651, %add3A_3649 : vector<16xf32>
    %mul3A_3653 = arith.constant 4.000000e+00 : f32
    %mul3A_3654 = vector.broadcast %mul3A_3653 : f32 to vector<16xf32>
    %mul3A_3655 = arith.mulf %mul3A_3654, %div3A_3652 : vector<16xf32>
    %neg3A_3656 = arith.constant 0.000000e+00 : f32
    %neg3A_3657 = vector.broadcast %neg3A_3656 : f32 to vector<16xf32>
    %neg3A_3658 = arith.subf %neg3A_3657, %select_n3A_3616 : vector<16xf32>
    %exp3A_3659 = math.exp %neg3A_3658 : vector<16xf32>
    %add3A_3660 = arith.constant 1.000000e+00 : f32
    %add3A_3661 = vector.broadcast %add3A_3660 : f32 to vector<16xf32>
    %add3A_3662 = arith.addf %add3A_3661, %exp3A_3659 : vector<16xf32>
    %div3A_3663 = arith.constant 1.000000e+00 : f32
    %div3A_3664 = vector.broadcast %div3A_3663 : f32 to vector<16xf32>
    %div3A_3665 = arith.divf %div3A_3664, %add3A_3662 : vector<16xf32>
    %sub3A_3666 = arith.constant 5.000000e-01 : f32
    %sub3A_3667 = vector.broadcast %sub3A_3666 : f32 to vector<16xf32>
    %sub3A_3668 = arith.subf %div3A_3665, %sub3A_3667 : vector<16xf32>
    %mul3A_3669 = arith.constant 8.000000e+00 : f32
    %mul3A_3670 = vector.broadcast %mul3A_3669 : f32 to vector<16xf32>
    %mul3A_3671 = arith.mulf %mul3A_3670, %sub3A_3668 : vector<16xf32>
    %neg3A_3672 = arith.constant 0.000000e+00 : f32
    %neg3A_3673 = vector.broadcast %neg3A_3672 : f32 to vector<16xf32>
    %neg3A_3674 = arith.subf %neg3A_3673, %select_n3A_3626 : vector<16xf32>
    %exp3A_3675 = math.exp %neg3A_3674 : vector<16xf32>
    %add3A_3676 = arith.constant 1.000000e+00 : f32
    %add3A_3677 = vector.broadcast %add3A_3676 : f32 to vector<16xf32>
    %add3A_3678 = arith.addf %add3A_3677, %exp3A_3675 : vector<16xf32>
    %div3A_3679 = arith.constant 1.000000e+00 : f32
    %div3A_3680 = vector.broadcast %div3A_3679 : f32 to vector<16xf32>
    %div3A_3681 = arith.divf %div3A_3680, %add3A_3678 : vector<16xf32>
    %sub3A_3682 = arith.constant 1.000000e+00 : f32
    %sub3A_3683 = vector.broadcast %sub3A_3682 : f32 to vector<16xf32>
    %sub3A_3684 = arith.subf %sub3A_3683, %div3A_3681 : vector<16xf32>
    %mul3A_3685 = arith.constant 1.702000e+00 : f32
    %mul3A_3686 = vector.broadcast %mul3A_3685 : f32 to vector<16xf32>
    %mul3A_3687 = arith.mulf %mul3A_3686, %mul3A_3655 : vector<16xf32>
    %sub3A_3688 = arith.subf %mul3A_3642, %mul3A_3671 : vector<16xf32>
    %mul3A_3689 = arith.mulf %mul3A_3687, %sub3A_3688 : vector<16xf32>
    %neg3A_3690 = arith.constant 0.000000e+00 : f32
    %neg3A_3691 = vector.broadcast %neg3A_3690 : f32 to vector<16xf32>
    %neg3A_3692 = arith.subf %neg3A_3691, %mul3A_3689 : vector<16xf32>
    %exp3A_3693 = math.exp %neg3A_3692 : vector<16xf32>
    %add3A_3694 = arith.constant 1.000000e+00 : f32
    %add3A_3695 = vector.broadcast %add3A_3694 : f32 to vector<16xf32>
    %add3A_3696 = arith.addf %add3A_3695, %exp3A_3693 : vector<16xf32>
    %div3A_3697 = arith.constant 1.000000e+00 : f32
    %div3A_3698 = vector.broadcast %div3A_3697 : f32 to vector<16xf32>
    %div3A_3699 = arith.divf %div3A_3698, %add3A_3696 : vector<16xf32>
    %mul3A_3700 = arith.mulf %sub3A_3684, %div3A_3699 : vector<16xf32>
    %add3A_3701 = arith.addf %div3A_3681, %mul3A_3700 : vector<16xf32>
    %swap3A_3702 = arith.constant 384 : index
    %swap3A_3703 = tpu.vector_load %arg19[%swap3A_3702] {strides = array<i32>} : memref<512xf32, #tpu.memory_space<vmem>>, vector<16xf32>,
    tpu.vector_store %arg19[%swap3A_3702], %add3A_3701 {strides = array<i32>} : memref<512xf32, #tpu.memory_space<vmem>>, vector<16xf32>,
    %get3A_3704 = arith.constant 400 : index
    %get3A_3705 = tpu.vector_load %arg10[%get3A_3704] {strides = array<i32>} : memref<512xi32, #tpu.memory_space<vmem>>, vector<16xi32>,
    %get3A_3706 = arith.constant 400 : index
    %get3A_3707 = tpu.vector_load %arg11[%get3A_3706] {strides = array<i32>} : memref<512xi32, #tpu.memory_space<vmem>>, vector<16xi32>,
    %sub3A_3708 = arith.constant 999424 : i32
    %sub3A_3709 = vector.broadcast %sub3A_3708 : i32 to vector<16xi32>
    %sub3A_3710 = arith.subi %get3A_3705, %sub3A_3709 : vector<16xi32>
    %max3A_3711 = arith.constant 0 : i32
    %max3A_3712 = vector.broadcast %max3A_3711 : i32 to vector<16xi32>
    %max3A_3713 = arith.maxsi %sub3A_3710, %max3A_3712 : vector<16xi32>
    %sub3A_3714 = arith.constant 999424 : i32
    %sub3A_3715 = vector.broadcast %sub3A_3714 : i32 to vector<16xi32>
    %sub3A_3716 = arith.subi %get3A_3707, %sub3A_3715 : vector<16xi32>
    %max3A_3717 = arith.constant 0 : i32
    %max3A_3718 = vector.broadcast %max3A_3717 : i32 to vector<16xi32>
    %max3A_3719 = arith.maxsi %sub3A_3716, %max3A_3718 : vector<16xi32>
    %lt3A_3720 = arith.constant 999424 : i32
    %lt3A_3721 = vector.broadcast %lt3A_3720 : i32 to vector<16xi32>
    %lt3A_3722 = arith.cmpi slt, %get3A_3705, %lt3A_3721 : vector<16xi32>
    %get3A_3723 = arith.constant 400 : index
    %get3A_3724 = tpu.vector_load %arg14[%get3A_3723] {strides = array<i32>} : memref<512xf32, #tpu.memory_space<vmem>>, vector<16xf32>,
    %gather3A_3725 = tpu.vector_load_idx %arg18[%max3A_3713] : memref<2304xf32, #tpu.memory_space<vmem>>[vector<16xi32>], vector<16xf32>,
    %select_n3A_3726 = arith.select %lt3A_3722, %get3A_3724, %gather3A_3725 : vector<16xi1>, vector<16xf32>
    %lt3A_3727 = arith.constant 999424 : i32
    %lt3A_3728 = vector.broadcast %lt3A_3727 : i32 to vector<16xi32>
    %lt3A_3729 = arith.cmpi slt, %get3A_3707, %lt3A_3728 : vector<16xi32>
    %get3A_3730 = arith.constant 400 : index
    %get3A_3731 = tpu.vector_load %arg15[%get3A_3730] {strides = array<i32>} : memref<512xf32, #tpu.memory_space<vmem>>, vector<16xf32>,
    %add3A_3732 = arith.constant 576 : i32
    %add3A_3733 = vector.broadcast %add3A_3732 : i32 to vector<16xi32>
    %add3A_3734 = arith.addi %max3A_3719, %add3A_3733 : vector<16xi32>
    %gather3A_3735 = tpu.vector_load_idx %arg18[%add3A_3734] : memref<2304xf32, #tpu.memory_space<vmem>>[vector<16xi32>], vector<16xf32>,
    %select_n3A_3736 = arith.select %lt3A_3729, %get3A_3731, %gather3A_3735 : vector<16xi1>, vector<16xf32>
    %lt3A_3737 = arith.constant 999424 : i32
    %lt3A_3738 = vector.broadcast %lt3A_3737 : i32 to vector<16xi32>
    %lt3A_3739 = arith.cmpi slt, %get3A_3707, %lt3A_3738 : vector<16xi32>
    %get3A_3740 = arith.constant 400 : index
    %get3A_3741 = tpu.vector_load %arg16[%get3A_3740] {strides = array<i32>} : memref<512xf32, #tpu.memory_space<vmem>>, vector<16xf32>,
    %add3A_3742 = arith.constant 1152 : i32
    %add3A_3743 = vector.broadcast %add3A_3742 : i32 to vector<16xi32>
    %add3A_3744 = arith.addi %max3A_3719, %add3A_3743 : vector<16xi32>
    %gather3A_3745 = tpu.vector_load_idx %arg18[%add3A_3744] : memref<2304xf32, #tpu.memory_space<vmem>>[vector<16xi32>], vector<16xf32>,
    %select_n3A_3746 = arith.select %lt3A_3739, %get3A_3741, %gather3A_3745 : vector<16xi1>, vector<16xf32>
    %lt3A_3747 = arith.constant 999424 : i32
    %lt3A_3748 = vector.broadcast %lt3A_3747 : i32 to vector<16xi32>
    %lt3A_3749 = arith.cmpi slt, %get3A_3707, %lt3A_3748 : vector<16xi32>
    %get3A_3750 = arith.constant 400 : index
    %get3A_3751 = tpu.vector_load %arg17[%get3A_3750] {strides = array<i32>} : memref<512xf32, #tpu.memory_space<vmem>>, vector<16xf32>,
    %add3A_3752 = arith.constant 1728 : i32
    %add3A_3753 = vector.broadcast %add3A_3752 : i32 to vector<16xi32>
    %add3A_3754 = arith.addi %max3A_3719, %add3A_3753 : vector<16xi32>
    %gather3A_3755 = tpu.vector_load_idx %arg18[%add3A_3754] : memref<2304xf32, #tpu.memory_space<vmem>>[vector<16xi32>], vector<16xf32>,
    %select_n3A_3756 = arith.select %lt3A_3749, %get3A_3751, %gather3A_3755 : vector<16xi1>, vector<16xf32>
    %neg3A_3757 = arith.constant 0.000000e+00 : f32
    %neg3A_3758 = vector.broadcast %neg3A_3757 : f32 to vector<16xf32>
    %neg3A_3759 = arith.subf %neg3A_3758, %select_n3A_3726 : vector<16xf32>
    %exp3A_3760 = math.exp %neg3A_3759 : vector<16xf32>
    %add3A_3761 = arith.constant 1.000000e+00 : f32
    %add3A_3762 = vector.broadcast %add3A_3761 : f32 to vector<16xf32>
    %add3A_3763 = arith.addf %add3A_3762, %exp3A_3760 : vector<16xf32>
    %div3A_3764 = arith.constant 1.000000e+00 : f32
    %div3A_3765 = vector.broadcast %div3A_3764 : f32 to vector<16xf32>
    %div3A_3766 = arith.divf %div3A_3765, %add3A_3763 : vector<16xf32>
    %sub3A_3767 = arith.constant 5.000000e-01 : f32
    %sub3A_3768 = vector.broadcast %sub3A_3767 : f32 to vector<16xf32>
    %sub3A_3769 = arith.subf %div3A_3766, %sub3A_3768 : vector<16xf32>
    %mul3A_3770 = arith.constant 8.000000e+00 : f32
    %mul3A_3771 = vector.broadcast %mul3A_3770 : f32 to vector<16xf32>
    %mul3A_3772 = arith.mulf %mul3A_3771, %sub3A_3769 : vector<16xf32>
    %neg3A_3773 = arith.constant 0.000000e+00 : f32
    %neg3A_3774 = vector.broadcast %neg3A_3773 : f32 to vector<16xf32>
    %neg3A_3775 = arith.subf %neg3A_3774, %select_n3A_3736 : vector<16xf32>
    %exp3A_3776 = math.exp %neg3A_3775 : vector<16xf32>
    %add3A_3777 = arith.constant 1.000000e+00 : f32
    %add3A_3778 = vector.broadcast %add3A_3777 : f32 to vector<16xf32>
    %add3A_3779 = arith.addf %add3A_3778, %exp3A_3776 : vector<16xf32>
    %div3A_3780 = arith.constant 1.000000e+00 : f32
    %div3A_3781 = vector.broadcast %div3A_3780 : f32 to vector<16xf32>
    %div3A_3782 = arith.divf %div3A_3781, %add3A_3779 : vector<16xf32>
    %mul3A_3783 = arith.constant 4.000000e+00 : f32
    %mul3A_3784 = vector.broadcast %mul3A_3783 : f32 to vector<16xf32>
    %mul3A_3785 = arith.mulf %mul3A_3784, %div3A_3782 : vector<16xf32>
    %neg3A_3786 = arith.constant 0.000000e+00 : f32
    %neg3A_3787 = vector.broadcast %neg3A_3786 : f32 to vector<16xf32>
    %neg3A_3788 = arith.subf %neg3A_3787, %select_n3A_3746 : vector<16xf32>
    %exp3A_3789 = math.exp %neg3A_3788 : vector<16xf32>
    %add3A_3790 = arith.constant 1.000000e+00 : f32
    %add3A_3791 = vector.broadcast %add3A_3790 : f32 to vector<16xf32>
    %add3A_3792 = arith.addf %add3A_3791, %exp3A_3789 : vector<16xf32>
    %div3A_3793 = arith.constant 1.000000e+00 : f32
    %div3A_3794 = vector.broadcast %div3A_3793 : f32 to vector<16xf32>
    %div3A_3795 = arith.divf %div3A_3794, %add3A_3792 : vector<16xf32>
    %sub3A_3796 = arith.constant 5.000000e-01 : f32
    %sub3A_3797 = vector.broadcast %sub3A_3796 : f32 to vector<16xf32>
    %sub3A_3798 = arith.subf %div3A_3795, %sub3A_3797 : vector<16xf32>
    %mul3A_3799 = arith.constant 8.000000e+00 : f32
    %mul3A_3800 = vector.broadcast %mul3A_3799 : f32 to vector<16xf32>
    %mul3A_3801 = arith.mulf %mul3A_3800, %sub3A_3798 : vector<16xf32>
    %neg3A_3802 = arith.constant 0.000000e+00 : f32
    %neg3A_3803 = vector.broadcast %neg3A_3802 : f32 to vector<16xf32>
    %neg3A_3804 = arith.subf %neg3A_3803, %select_n3A_3756 : vector<16xf32>
    %exp3A_3805 = math.exp %neg3A_3804 : vector<16xf32>
    %add3A_3806 = arith.constant 1.000000e+00 : f32
    %add3A_3807 = vector.broadcast %add3A_3806 : f32 to vector<16xf32>
    %add3A_3808 = arith.addf %add3A_3807, %exp3A_3805 : vector<16xf32>
    %div3A_3809 = arith.constant 1.000000e+00 : f32
    %div3A_3810 = vector.broadcast %div3A_3809 : f32 to vector<16xf32>
    %div3A_3811 = arith.divf %div3A_3810, %add3A_3808 : vector<16xf32>
    %sub3A_3812 = arith.constant 1.000000e+00 : f32
    %sub3A_3813 = vector.broadcast %sub3A_3812 : f32 to vector<16xf32>
    %sub3A_3814 = arith.subf %sub3A_3813, %div3A_3811 : vector<16xf32>
    %mul3A_3815 = arith.constant 1.702000e+00 : f32
    %mul3A_3816 = vector.broadcast %mul3A_3815 : f32 to vector<16xf32>
    %mul3A_3817 = arith.mulf %mul3A_3816, %mul3A_3785 : vector<16xf32>
    %sub3A_3818 = arith.subf %mul3A_3772, %mul3A_3801 : vector<16xf32>
    %mul3A_3819 = arith.mulf %mul3A_3817, %sub3A_3818 : vector<16xf32>
    %neg3A_3820 = arith.constant 0.000000e+00 : f32
    %neg3A_3821 = vector.broadcast %neg3A_3820 : f32 to vector<16xf32>
    %neg3A_3822 = arith.subf %neg3A_3821, %mul3A_3819 : vector<16xf32>
    %exp3A_3823 = math.exp %neg3A_3822 : vector<16xf32>
    %add3A_3824 = arith.constant 1.000000e+00 : f32
    %add3A_3825 = vector.broadcast %add3A_3824 : f32 to vector<16xf32>
    %add3A_3826 = arith.addf %add3A_3825, %exp3A_3823 : vector<16xf32>
    %div3A_3827 = arith.constant 1.000000e+00 : f32
    %div3A_3828 = vector.broadcast %div3A_3827 : f32 to vector<16xf32>
    %div3A_3829 = arith.divf %div3A_3828, %add3A_3826 : vector<16xf32>
    %mul3A_3830 = arith.mulf %sub3A_3814, %div3A_3829 : vector<16xf32>
    %add3A_3831 = arith.addf %div3A_3811, %mul3A_3830 : vector<16xf32>
    %swap3A_3832 = arith.constant 400 : index
    %swap3A_3833 = tpu.vector_load %arg19[%swap3A_3832] {strides = array<i32>} : memref<512xf32, #tpu.memory_space<vmem>>, vector<16xf32>,
    tpu.vector_store %arg19[%swap3A_3832], %add3A_3831 {strides = array<i32>} : memref<512xf32, #tpu.memory_space<vmem>>, vector<16xf32>,
    %get3A_3834 = arith.constant 416 : index
    %get3A_3835 = tpu.vector_load %arg10[%get3A_3834] {strides = array<i32>} : memref<512xi32, #tpu.memory_space<vmem>>, vector<16xi32>,
    %get3A_3836 = arith.constant 416 : index
    %get3A_3837 = tpu.vector_load %arg11[%get3A_3836] {strides = array<i32>} : memref<512xi32, #tpu.memory_space<vmem>>, vector<16xi32>,
    %sub3A_3838 = arith.constant 999424 : i32
    %sub3A_3839 = vector.broadcast %sub3A_3838 : i32 to vector<16xi32>
    %sub3A_3840 = arith.subi %get3A_3835, %sub3A_3839 : vector<16xi32>
    %max3A_3841 = arith.constant 0 : i32
    %max3A_3842 = vector.broadcast %max3A_3841 : i32 to vector<16xi32>
    %max3A_3843 = arith.maxsi %sub3A_3840, %max3A_3842 : vector<16xi32>
    %sub3A_3844 = arith.constant 999424 : i32
    %sub3A_3845 = vector.broadcast %sub3A_3844 : i32 to vector<16xi32>
    %sub3A_3846 = arith.subi %get3A_3837, %sub3A_3845 : vector<16xi32>
    %max3A_3847 = arith.constant 0 : i32
    %max3A_3848 = vector.broadcast %max3A_3847 : i32 to vector<16xi32>
    %max3A_3849 = arith.maxsi %sub3A_3846, %max3A_3848 : vector<16xi32>
    %lt3A_3850 = arith.constant 999424 : i32
    %lt3A_3851 = vector.broadcast %lt3A_3850 : i32 to vector<16xi32>
    %lt3A_3852 = arith.cmpi slt, %get3A_3835, %lt3A_3851 : vector<16xi32>
    %get3A_3853 = arith.constant 416 : index
    %get3A_3854 = tpu.vector_load %arg14[%get3A_3853] {strides = array<i32>} : memref<512xf32, #tpu.memory_space<vmem>>, vector<16xf32>,
    %gather3A_3855 = tpu.vector_load_idx %arg18[%max3A_3843] : memref<2304xf32, #tpu.memory_space<vmem>>[vector<16xi32>], vector<16xf32>,
    %select_n3A_3856 = arith.select %lt3A_3852, %get3A_3854, %gather3A_3855 : vector<16xi1>, vector<16xf32>
    %lt3A_3857 = arith.constant 999424 : i32
    %lt3A_3858 = vector.broadcast %lt3A_3857 : i32 to vector<16xi32>
    %lt3A_3859 = arith.cmpi slt, %get3A_3837, %lt3A_3858 : vector<16xi32>
    %get3A_3860 = arith.constant 416 : index
    %get3A_3861 = tpu.vector_load %arg15[%get3A_3860] {strides = array<i32>} : memref<512xf32, #tpu.memory_space<vmem>>, vector<16xf32>,
    %add3A_3862 = arith.constant 576 : i32
    %add3A_3863 = vector.broadcast %add3A_3862 : i32 to vector<16xi32>
    %add3A_3864 = arith.addi %max3A_3849, %add3A_3863 : vector<16xi32>
    %gather3A_3865 = tpu.vector_load_idx %arg18[%add3A_3864] : memref<2304xf32, #tpu.memory_space<vmem>>[vector<16xi32>], vector<16xf32>,
    %select_n3A_3866 = arith.select %lt3A_3859, %get3A_3861, %gather3A_3865 : vector<16xi1>, vector<16xf32>
    %lt3A_3867 = arith.constant 999424 : i32
    %lt3A_3868 = vector.broadcast %lt3A_3867 : i32 to vector<16xi32>
    %lt3A_3869 = arith.cmpi slt, %get3A_3837, %lt3A_3868 : vector<16xi32>
    %get3A_3870 = arith.constant 416 : index
    %get3A_3871 = tpu.vector_load %arg16[%get3A_3870] {strides = array<i32>} : memref<512xf32, #tpu.memory_space<vmem>>, vector<16xf32>,
    %add3A_3872 = arith.constant 1152 : i32
    %add3A_3873 = vector.broadcast %add3A_3872 : i32 to vector<16xi32>
    %add3A_3874 = arith.addi %max3A_3849, %add3A_3873 : vector<16xi32>
    %gather3A_3875 = tpu.vector_load_idx %arg18[%add3A_3874] : memref<2304xf32, #tpu.memory_space<vmem>>[vector<16xi32>], vector<16xf32>,
    %select_n3A_3876 = arith.select %lt3A_3869, %get3A_3871, %gather3A_3875 : vector<16xi1>, vector<16xf32>
    %lt3A_3877 = arith.constant 999424 : i32
    %lt3A_3878 = vector.broadcast %lt3A_3877 : i32 to vector<16xi32>
    %lt3A_3879 = arith.cmpi slt, %get3A_3837, %lt3A_3878 : vector<16xi32>
    %get3A_3880 = arith.constant 416 : index
    %get3A_3881 = tpu.vector_load %arg17[%get3A_3880] {strides = array<i32>} : memref<512xf32, #tpu.memory_space<vmem>>, vector<16xf32>,
    %add3A_3882 = arith.constant 1728 : i32
    %add3A_3883 = vector.broadcast %add3A_3882 : i32 to vector<16xi32>
    %add3A_3884 = arith.addi %max3A_3849, %add3A_3883 : vector<16xi32>
    %gather3A_3885 = tpu.vector_load_idx %arg18[%add3A_3884] : memref<2304xf32, #tpu.memory_space<vmem>>[vector<16xi32>], vector<16xf32>,
    %select_n3A_3886 = arith.select %lt3A_3879, %get3A_3881, %gather3A_3885 : vector<16xi1>, vector<16xf32>
    %neg3A_3887 = arith.constant 0.000000e+00 : f32
    %neg3A_3888 = vector.broadcast %neg3A_3887 : f32 to vector<16xf32>
    %neg3A_3889 = arith.subf %neg3A_3888, %select_n3A_3856 : vector<16xf32>
    %exp3A_3890 = math.exp %neg3A_3889 : vector<16xf32>
    %add3A_3891 = arith.constant 1.000000e+00 : f32
    %add3A_3892 = vector.broadcast %add3A_3891 : f32 to vector<16xf32>
    %add3A_3893 = arith.addf %add3A_3892, %exp3A_3890 : vector<16xf32>
    %div3A_3894 = arith.constant 1.000000e+00 : f32
    %div3A_3895 = vector.broadcast %div3A_3894 : f32 to vector<16xf32>
    %div3A_3896 = arith.divf %div3A_3895, %add3A_3893 : vector<16xf32>
    %sub3A_3897 = arith.constant 5.000000e-01 : f32
    %sub3A_3898 = vector.broadcast %sub3A_3897 : f32 to vector<16xf32>
    %sub3A_3899 = arith.subf %div3A_3896, %sub3A_3898 : vector<16xf32>
    %mul3A_3900 = arith.constant 8.000000e+00 : f32
    %mul3A_3901 = vector.broadcast %mul3A_3900 : f32 to vector<16xf32>
    %mul3A_3902 = arith.mulf %mul3A_3901, %sub3A_3899 : vector<16xf32>
    %neg3A_3903 = arith.constant 0.000000e+00 : f32
    %neg3A_3904 = vector.broadcast %neg3A_3903 : f32 to vector<16xf32>
    %neg3A_3905 = arith.subf %neg3A_3904, %select_n3A_3866 : vector<16xf32>
    %exp3A_3906 = math.exp %neg3A_3905 : vector<16xf32>
    %add3A_3907 = arith.constant 1.000000e+00 : f32
    %add3A_3908 = vector.broadcast %add3A_3907 : f32 to vector<16xf32>
    %add3A_3909 = arith.addf %add3A_3908, %exp3A_3906 : vector<16xf32>
    %div3A_3910 = arith.constant 1.000000e+00 : f32
    %div3A_3911 = vector.broadcast %div3A_3910 : f32 to vector<16xf32>
    %div3A_3912 = arith.divf %div3A_3911, %add3A_3909 : vector<16xf32>
    %mul3A_3913 = arith.constant 4.000000e+00 : f32
    %mul3A_3914 = vector.broadcast %mul3A_3913 : f32 to vector<16xf32>
    %mul3A_3915 = arith.mulf %mul3A_3914, %div3A_3912 : vector<16xf32>
    %neg3A_3916 = arith.constant 0.000000e+00 : f32
    %neg3A_3917 = vector.broadcast %neg3A_3916 : f32 to vector<16xf32>
    %neg3A_3918 = arith.subf %neg3A_3917, %select_n3A_3876 : vector<16xf32>
    %exp3A_3919 = math.exp %neg3A_3918 : vector<16xf32>
    %add3A_3920 = arith.constant 1.000000e+00 : f32
    %add3A_3921 = vector.broadcast %add3A_3920 : f32 to vector<16xf32>
    %add3A_3922 = arith.addf %add3A_3921, %exp3A_3919 : vector<16xf32>
    %div3A_3923 = arith.constant 1.000000e+00 : f32
    %div3A_3924 = vector.broadcast %div3A_3923 : f32 to vector<16xf32>
    %div3A_3925 = arith.divf %div3A_3924, %add3A_3922 : vector<16xf32>
    %sub3A_3926 = arith.constant 5.000000e-01 : f32
    %sub3A_3927 = vector.broadcast %sub3A_3926 : f32 to vector<16xf32>
    %sub3A_3928 = arith.subf %div3A_3925, %sub3A_3927 : vector<16xf32>
    %mul3A_3929 = arith.constant 8.000000e+00 : f32
    %mul3A_3930 = vector.broadcast %mul3A_3929 : f32 to vector<16xf32>
    %mul3A_3931 = arith.mulf %mul3A_3930, %sub3A_3928 : vector<16xf32>
    %neg3A_3932 = arith.constant 0.000000e+00 : f32
    %neg3A_3933 = vector.broadcast %neg3A_3932 : f32 to vector<16xf32>
    %neg3A_3934 = arith.subf %neg3A_3933, %select_n3A_3886 : vector<16xf32>
    %exp3A_3935 = math.exp %neg3A_3934 : vector<16xf32>
    %add3A_3936 = arith.constant 1.000000e+00 : f32
    %add3A_3937 = vector.broadcast %add3A_3936 : f32 to vector<16xf32>
    %add3A_3938 = arith.addf %add3A_3937, %exp3A_3935 : vector<16xf32>
    %div3A_3939 = arith.constant 1.000000e+00 : f32
    %div3A_3940 = vector.broadcast %div3A_3939 : f32 to vector<16xf32>
    %div3A_3941 = arith.divf %div3A_3940, %add3A_3938 : vector<16xf32>
    %sub3A_3942 = arith.constant 1.000000e+00 : f32
    %sub3A_3943 = vector.broadcast %sub3A_3942 : f32 to vector<16xf32>
    %sub3A_3944 = arith.subf %sub3A_3943, %div3A_3941 : vector<16xf32>
    %mul3A_3945 = arith.constant 1.702000e+00 : f32
    %mul3A_3946 = vector.broadcast %mul3A_3945 : f32 to vector<16xf32>
    %mul3A_3947 = arith.mulf %mul3A_3946, %mul3A_3915 : vector<16xf32>
    %sub3A_3948 = arith.subf %mul3A_3902, %mul3A_3931 : vector<16xf32>
    %mul3A_3949 = arith.mulf %mul3A_3947, %sub3A_3948 : vector<16xf32>
    %neg3A_3950 = arith.constant 0.000000e+00 : f32
    %neg3A_3951 = vector.broadcast %neg3A_3950 : f32 to vector<16xf32>
    %neg3A_3952 = arith.subf %neg3A_3951, %mul3A_3949 : vector<16xf32>
    %exp3A_3953 = math.exp %neg3A_3952 : vector<16xf32>
    %add3A_3954 = arith.constant 1.000000e+00 : f32
    %add3A_3955 = vector.broadcast %add3A_3954 : f32 to vector<16xf32>
    %add3A_3956 = arith.addf %add3A_3955, %exp3A_3953 : vector<16xf32>
    %div3A_3957 = arith.constant 1.000000e+00 : f32
    %div3A_3958 = vector.broadcast %div3A_3957 : f32 to vector<16xf32>
    %div3A_3959 = arith.divf %div3A_3958, %add3A_3956 : vector<16xf32>
    %mul3A_3960 = arith.mulf %sub3A_3944, %div3A_3959 : vector<16xf32>
    %add3A_3961 = arith.addf %div3A_3941, %mul3A_3960 : vector<16xf32>
    %swap3A_3962 = arith.constant 416 : index
    %swap3A_3963 = tpu.vector_load %arg19[%swap3A_3962] {strides = array<i32>} : memref<512xf32, #tpu.memory_space<vmem>>, vector<16xf32>,
    tpu.vector_store %arg19[%swap3A_3962], %add3A_3961 {strides = array<i32>} : memref<512xf32, #tpu.memory_space<vmem>>, vector<16xf32>,
    %get3A_3964 = arith.constant 432 : index
    %get3A_3965 = tpu.vector_load %arg10[%get3A_3964] {strides = array<i32>} : memref<512xi32, #tpu.memory_space<vmem>>, vector<16xi32>,
    %get3A_3966 = arith.constant 432 : index
    %get3A_3967 = tpu.vector_load %arg11[%get3A_3966] {strides = array<i32>} : memref<512xi32, #tpu.memory_space<vmem>>, vector<16xi32>,
    %sub3A_3968 = arith.constant 999424 : i32
    %sub3A_3969 = vector.broadcast %sub3A_3968 : i32 to vector<16xi32>
    %sub3A_3970 = arith.subi %get3A_3965, %sub3A_3969 : vector<16xi32>
    %max3A_3971 = arith.constant 0 : i32
    %max3A_3972 = vector.broadcast %max3A_3971 : i32 to vector<16xi32>
    %max3A_3973 = arith.maxsi %sub3A_3970, %max3A_3972 : vector<16xi32>
    %sub3A_3974 = arith.constant 999424 : i32
    %sub3A_3975 = vector.broadcast %sub3A_3974 : i32 to vector<16xi32>
    %sub3A_3976 = arith.subi %get3A_3967, %sub3A_3975 : vector<16xi32>
    %max3A_3977 = arith.constant 0 : i32
    %max3A_3978 = vector.broadcast %max3A_3977 : i32 to vector<16xi32>
    %max3A_3979 = arith.maxsi %sub3A_3976, %max3A_3978 : vector<16xi32>
    %lt3A_3980 = arith.constant 999424 : i32
    %lt3A_3981 = vector.broadcast %lt3A_3980 : i32 to vector<16xi32>
    %lt3A_3982 = arith.cmpi slt, %get3A_3965, %lt3A_3981 : vector<16xi32>
    %get3A_3983 = arith.constant 432 : index
    %get3A_3984 = tpu.vector_load %arg14[%get3A_3983] {strides = array<i32>} : memref<512xf32, #tpu.memory_space<vmem>>, vector<16xf32>,
    %gather3A_3985 = tpu.vector_load_idx %arg18[%max3A_3973] : memref<2304xf32, #tpu.memory_space<vmem>>[vector<16xi32>], vector<16xf32>,
    %select_n3A_3986 = arith.select %lt3A_3982, %get3A_3984, %gather3A_3985 : vector<16xi1>, vector<16xf32>
    %lt3A_3987 = arith.constant 999424 : i32
    %lt3A_3988 = vector.broadcast %lt3A_3987 : i32 to vector<16xi32>
    %lt3A_3989 = arith.cmpi slt, %get3A_3967, %lt3A_3988 : vector<16xi32>
    %get3A_3990 = arith.constant 432 : index
    %get3A_3991 = tpu.vector_load %arg15[%get3A_3990] {strides = array<i32>} : memref<512xf32, #tpu.memory_space<vmem>>, vector<16xf32>,
    %add3A_3992 = arith.constant 576 : i32
    %add3A_3993 = vector.broadcast %add3A_3992 : i32 to vector<16xi32>
    %add3A_3994 = arith.addi %max3A_3979, %add3A_3993 : vector<16xi32>
    %gather3A_3995 = tpu.vector_load_idx %arg18[%add3A_3994] : memref<2304xf32, #tpu.memory_space<vmem>>[vector<16xi32>], vector<16xf32>,
    %select_n3A_3996 = arith.select %lt3A_3989, %get3A_3991, %gather3A_3995 : vector<16xi1>, vector<16xf32>
    %lt3A_3997 = arith.constant 999424 : i32
    %lt3A_3998 = vector.broadcast %lt3A_3997 : i32 to vector<16xi32>
    %lt3A_3999 = arith.cmpi slt, %get3A_3967, %lt3A_3998 : vector<16xi32>
    %get3A_4000 = arith.constant 432 : index
    %get3A_4001 = tpu.vector_load %arg16[%get3A_4000] {strides = array<i32>} : memref<512xf32, #tpu.memory_space<vmem>>, vector<16xf32>,
    %add3A_4002 = arith.constant 1152 : i32
    %add3A_4003 = vector.broadcast %add3A_4002 : i32 to vector<16xi32>
    %add3A_4004 = arith.addi %max3A_3979, %add3A_4003 : vector<16xi32>
    %gather3A_4005 = tpu.vector_load_idx %arg18[%add3A_4004] : memref<2304xf32, #tpu.memory_space<vmem>>[vector<16xi32>], vector<16xf32>,
    %select_n3A_4006 = arith.select %lt3A_3999, %get3A_4001, %gather3A_4005 : vector<16xi1>, vector<16xf32>
    %lt3A_4007 = arith.constant 999424 : i32
    %lt3A_4008 = vector.broadcast %lt3A_4007 : i32 to vector<16xi32>
    %lt3A_4009 = arith.cmpi slt, %get3A_3967, %lt3A_4008 : vector<16xi32>
    %get3A_4010 = arith.constant 432 : index
    %get3A_4011 = tpu.vector_load %arg17[%get3A_4010] {strides = array<i32>} : memref<512xf32, #tpu.memory_space<vmem>>, vector<16xf32>,
    %add3A_4012 = arith.constant 1728 : i32
    %add3A_4013 = vector.broadcast %add3A_4012 : i32 to vector<16xi32>
    %add3A_4014 = arith.addi %max3A_3979, %add3A_4013 : vector<16xi32>
    %gather3A_4015 = tpu.vector_load_idx %arg18[%add3A_4014] : memref<2304xf32, #tpu.memory_space<vmem>>[vector<16xi32>], vector<16xf32>,
    %select_n3A_4016 = arith.select %lt3A_4009, %get3A_4011, %gather3A_4015 : vector<16xi1>, vector<16xf32>
    %neg3A_4017 = arith.constant 0.000000e+00 : f32
    %neg3A_4018 = vector.broadcast %neg3A_4017 : f32 to vector<16xf32>
    %neg3A_4019 = arith.subf %neg3A_4018, %select_n3A_3986 : vector<16xf32>
    %exp3A_4020 = math.exp %neg3A_4019 : vector<16xf32>
    %add3A_4021 = arith.constant 1.000000e+00 : f32
    %add3A_4022 = vector.broadcast %add3A_4021 : f32 to vector<16xf32>
    %add3A_4023 = arith.addf %add3A_4022, %exp3A_4020 : vector<16xf32>
    %div3A_4024 = arith.constant 1.000000e+00 : f32
    %div3A_4025 = vector.broadcast %div3A_4024 : f32 to vector<16xf32>
    %div3A_4026 = arith.divf %div3A_4025, %add3A_4023 : vector<16xf32>
    %sub3A_4027 = arith.constant 5.000000e-01 : f32
    %sub3A_4028 = vector.broadcast %sub3A_4027 : f32 to vector<16xf32>
    %sub3A_4029 = arith.subf %div3A_4026, %sub3A_4028 : vector<16xf32>
    %mul3A_4030 = arith.constant 8.000000e+00 : f32
    %mul3A_4031 = vector.broadcast %mul3A_4030 : f32 to vector<16xf32>
    %mul3A_4032 = arith.mulf %mul3A_4031, %sub3A_4029 : vector<16xf32>
    %neg3A_4033 = arith.constant 0.000000e+00 : f32
    %neg3A_4034 = vector.broadcast %neg3A_4033 : f32 to vector<16xf32>
    %neg3A_4035 = arith.subf %neg3A_4034, %select_n3A_3996 : vector<16xf32>
    %exp3A_4036 = math.exp %neg3A_4035 : vector<16xf32>
    %add3A_4037 = arith.constant 1.000000e+00 : f32
    %add3A_4038 = vector.broadcast %add3A_4037 : f32 to vector<16xf32>
    %add3A_4039 = arith.addf %add3A_4038, %exp3A_4036 : vector<16xf32>
    %div3A_4040 = arith.constant 1.000000e+00 : f32
    %div3A_4041 = vector.broadcast %div3A_4040 : f32 to vector<16xf32>
    %div3A_4042 = arith.divf %div3A_4041, %add3A_4039 : vector<16xf32>
    %mul3A_4043 = arith.constant 4.000000e+00 : f32
    %mul3A_4044 = vector.broadcast %mul3A_4043 : f32 to vector<16xf32>
    %mul3A_4045 = arith.mulf %mul3A_4044, %div3A_4042 : vector<16xf32>
    %neg3A_4046 = arith.constant 0.000000e+00 : f32
    %neg3A_4047 = vector.broadcast %neg3A_4046 : f32 to vector<16xf32>
    %neg3A_4048 = arith.subf %neg3A_4047, %select_n3A_4006 : vector<16xf32>
    %exp3A_4049 = math.exp %neg3A_4048 : vector<16xf32>
    %add3A_4050 = arith.constant 1.000000e+00 : f32
    %add3A_4051 = vector.broadcast %add3A_4050 : f32 to vector<16xf32>
    %add3A_4052 = arith.addf %add3A_4051, %exp3A_4049 : vector<16xf32>
    %div3A_4053 = arith.constant 1.000000e+00 : f32
    %div3A_4054 = vector.broadcast %div3A_4053 : f32 to vector<16xf32>
    %div3A_4055 = arith.divf %div3A_4054, %add3A_4052 : vector<16xf32>
    %sub3A_4056 = arith.constant 5.000000e-01 : f32
    %sub3A_4057 = vector.broadcast %sub3A_4056 : f32 to vector<16xf32>
    %sub3A_4058 = arith.subf %div3A_4055, %sub3A_4057 : vector<16xf32>
    %mul3A_4059 = arith.constant 8.000000e+00 : f32
    %mul3A_4060 = vector.broadcast %mul3A_4059 : f32 to vector<16xf32>
    %mul3A_4061 = arith.mulf %mul3A_4060, %sub3A_4058 : vector<16xf32>
    %neg3A_4062 = arith.constant 0.000000e+00 : f32
    %neg3A_4063 = vector.broadcast %neg3A_4062 : f32 to vector<16xf32>
    %neg3A_4064 = arith.subf %neg3A_4063, %select_n3A_4016 : vector<16xf32>
    %exp3A_4065 = math.exp %neg3A_4064 : vector<16xf32>
    %add3A_4066 = arith.constant 1.000000e+00 : f32
    %add3A_4067 = vector.broadcast %add3A_4066 : f32 to vector<16xf32>
    %add3A_4068 = arith.addf %add3A_4067, %exp3A_4065 : vector<16xf32>
    %div3A_4069 = arith.constant 1.000000e+00 : f32
    %div3A_4070 = vector.broadcast %div3A_4069 : f32 to vector<16xf32>
    %div3A_4071 = arith.divf %div3A_4070, %add3A_4068 : vector<16xf32>
    %sub3A_4072 = arith.constant 1.000000e+00 : f32
    %sub3A_4073 = vector.broadcast %sub3A_4072 : f32 to vector<16xf32>
    %sub3A_4074 = arith.subf %sub3A_4073, %div3A_4071 : vector<16xf32>
    %mul3A_4075 = arith.constant 1.702000e+00 : f32
    %mul3A_4076 = vector.broadcast %mul3A_4075 : f32 to vector<16xf32>
    %mul3A_4077 = arith.mulf %mul3A_4076, %mul3A_4045 : vector<16xf32>
    %sub3A_4078 = arith.subf %mul3A_4032, %mul3A_4061 : vector<16xf32>
    %mul3A_4079 = arith.mulf %mul3A_4077, %sub3A_4078 : vector<16xf32>
    %neg3A_4080 = arith.constant 0.000000e+00 : f32
    %neg3A_4081 = vector.broadcast %neg3A_4080 : f32 to vector<16xf32>
    %neg3A_4082 = arith.subf %neg3A_4081, %mul3A_4079 : vector<16xf32>
    %exp3A_4083 = math.exp %neg3A_4082 : vector<16xf32>
    %add3A_4084 = arith.constant 1.000000e+00 : f32
    %add3A_4085 = vector.broadcast %add3A_4084 : f32 to vector<16xf32>
    %add3A_4086 = arith.addf %add3A_4085, %exp3A_4083 : vector<16xf32>
    %div3A_4087 = arith.constant 1.000000e+00 : f32
    %div3A_4088 = vector.broadcast %div3A_4087 : f32 to vector<16xf32>
    %div3A_4089 = arith.divf %div3A_4088, %add3A_4086 : vector<16xf32>
    %mul3A_4090 = arith.mulf %sub3A_4074, %div3A_4089 : vector<16xf32>
    %add3A_4091 = arith.addf %div3A_4071, %mul3A_4090 : vector<16xf32>
    %swap3A_4092 = arith.constant 432 : index
    %swap3A_4093 = tpu.vector_load %arg19[%swap3A_4092] {strides = array<i32>} : memref<512xf32, #tpu.memory_space<vmem>>, vector<16xf32>,
    tpu.vector_store %arg19[%swap3A_4092], %add3A_4091 {strides = array<i32>} : memref<512xf32, #tpu.memory_space<vmem>>, vector<16xf32>,
    %get3A_4094 = arith.constant 448 : index
    %get3A_4095 = tpu.vector_load %arg10[%get3A_4094] {strides = array<i32>} : memref<512xi32, #tpu.memory_space<vmem>>, vector<16xi32>,
    %get3A_4096 = arith.constant 448 : index
    %get3A_4097 = tpu.vector_load %arg11[%get3A_4096] {strides = array<i32>} : memref<512xi32, #tpu.memory_space<vmem>>, vector<16xi32>,
    %sub3A_4098 = arith.constant 999424 : i32
    %sub3A_4099 = vector.broadcast %sub3A_4098 : i32 to vector<16xi32>
    %sub3A_4100 = arith.subi %get3A_4095, %sub3A_4099 : vector<16xi32>
    %max3A_4101 = arith.constant 0 : i32
    %max3A_4102 = vector.broadcast %max3A_4101 : i32 to vector<16xi32>
    %max3A_4103 = arith.maxsi %sub3A_4100, %max3A_4102 : vector<16xi32>
    %sub3A_4104 = arith.constant 999424 : i32
    %sub3A_4105 = vector.broadcast %sub3A_4104 : i32 to vector<16xi32>
    %sub3A_4106 = arith.subi %get3A_4097, %sub3A_4105 : vector<16xi32>
    %max3A_4107 = arith.constant 0 : i32
    %max3A_4108 = vector.broadcast %max3A_4107 : i32 to vector<16xi32>
    %max3A_4109 = arith.maxsi %sub3A_4106, %max3A_4108 : vector<16xi32>
    %lt3A_4110 = arith.constant 999424 : i32
    %lt3A_4111 = vector.broadcast %lt3A_4110 : i32 to vector<16xi32>
    %lt3A_4112 = arith.cmpi slt, %get3A_4095, %lt3A_4111 : vector<16xi32>
    %get3A_4113 = arith.constant 448 : index
    %get3A_4114 = tpu.vector_load %arg14[%get3A_4113] {strides = array<i32>} : memref<512xf32, #tpu.memory_space<vmem>>, vector<16xf32>,
    %gather3A_4115 = tpu.vector_load_idx %arg18[%max3A_4103] : memref<2304xf32, #tpu.memory_space<vmem>>[vector<16xi32>], vector<16xf32>,
    %select_n3A_4116 = arith.select %lt3A_4112, %get3A_4114, %gather3A_4115 : vector<16xi1>, vector<16xf32>
    %lt3A_4117 = arith.constant 999424 : i32
    %lt3A_4118 = vector.broadcast %lt3A_4117 : i32 to vector<16xi32>
    %lt3A_4119 = arith.cmpi slt, %get3A_4097, %lt3A_4118 : vector<16xi32>
    %get3A_4120 = arith.constant 448 : index
    %get3A_4121 = tpu.vector_load %arg15[%get3A_4120] {strides = array<i32>} : memref<512xf32, #tpu.memory_space<vmem>>, vector<16xf32>,
    %add3A_4122 = arith.constant 576 : i32
    %add3A_4123 = vector.broadcast %add3A_4122 : i32 to vector<16xi32>
    %add3A_4124 = arith.addi %max3A_4109, %add3A_4123 : vector<16xi32>
    %gather3A_4125 = tpu.vector_load_idx %arg18[%add3A_4124] : memref<2304xf32, #tpu.memory_space<vmem>>[vector<16xi32>], vector<16xf32>,
    %select_n3A_4126 = arith.select %lt3A_4119, %get3A_4121, %gather3A_4125 : vector<16xi1>, vector<16xf32>
    %lt3A_4127 = arith.constant 999424 : i32
    %lt3A_4128 = vector.broadcast %lt3A_4127 : i32 to vector<16xi32>
    %lt3A_4129 = arith.cmpi slt, %get3A_4097, %lt3A_4128 : vector<16xi32>
    %get3A_4130 = arith.constant 448 : index
    %get3A_4131 = tpu.vector_load %arg16[%get3A_4130] {strides = array<i32>} : memref<512xf32, #tpu.memory_space<vmem>>, vector<16xf32>,
    %add3A_4132 = arith.constant 1152 : i32
    %add3A_4133 = vector.broadcast %add3A_4132 : i32 to vector<16xi32>
    %add3A_4134 = arith.addi %max3A_4109, %add3A_4133 : vector<16xi32>
    %gather3A_4135 = tpu.vector_load_idx %arg18[%add3A_4134] : memref<2304xf32, #tpu.memory_space<vmem>>[vector<16xi32>], vector<16xf32>,
    %select_n3A_4136 = arith.select %lt3A_4129, %get3A_4131, %gather3A_4135 : vector<16xi1>, vector<16xf32>
    %lt3A_4137 = arith.constant 999424 : i32
    %lt3A_4138 = vector.broadcast %lt3A_4137 : i32 to vector<16xi32>
    %lt3A_4139 = arith.cmpi slt, %get3A_4097, %lt3A_4138 : vector<16xi32>
    %get3A_4140 = arith.constant 448 : index
    %get3A_4141 = tpu.vector_load %arg17[%get3A_4140] {strides = array<i32>} : memref<512xf32, #tpu.memory_space<vmem>>, vector<16xf32>,
    %add3A_4142 = arith.constant 1728 : i32
    %add3A_4143 = vector.broadcast %add3A_4142 : i32 to vector<16xi32>
    %add3A_4144 = arith.addi %max3A_4109, %add3A_4143 : vector<16xi32>
    %gather3A_4145 = tpu.vector_load_idx %arg18[%add3A_4144] : memref<2304xf32, #tpu.memory_space<vmem>>[vector<16xi32>], vector<16xf32>,
    %select_n3A_4146 = arith.select %lt3A_4139, %get3A_4141, %gather3A_4145 : vector<16xi1>, vector<16xf32>
    %neg3A_4147 = arith.constant 0.000000e+00 : f32
    %neg3A_4148 = vector.broadcast %neg3A_4147 : f32 to vector<16xf32>
    %neg3A_4149 = arith.subf %neg3A_4148, %select_n3A_4116 : vector<16xf32>
    %exp3A_4150 = math.exp %neg3A_4149 : vector<16xf32>
    %add3A_4151 = arith.constant 1.000000e+00 : f32
    %add3A_4152 = vector.broadcast %add3A_4151 : f32 to vector<16xf32>
    %add3A_4153 = arith.addf %add3A_4152, %exp3A_4150 : vector<16xf32>
    %div3A_4154 = arith.constant 1.000000e+00 : f32
    %div3A_4155 = vector.broadcast %div3A_4154 : f32 to vector<16xf32>
    %div3A_4156 = arith.divf %div3A_4155, %add3A_4153 : vector<16xf32>
    %sub3A_4157 = arith.constant 5.000000e-01 : f32
    %sub3A_4158 = vector.broadcast %sub3A_4157 : f32 to vector<16xf32>
    %sub3A_4159 = arith.subf %div3A_4156, %sub3A_4158 : vector<16xf32>
    %mul3A_4160 = arith.constant 8.000000e+00 : f32
    %mul3A_4161 = vector.broadcast %mul3A_4160 : f32 to vector<16xf32>
    %mul3A_4162 = arith.mulf %mul3A_4161, %sub3A_4159 : vector<16xf32>
    %neg3A_4163 = arith.constant 0.000000e+00 : f32
    %neg3A_4164 = vector.broadcast %neg3A_4163 : f32 to vector<16xf32>
    %neg3A_4165 = arith.subf %neg3A_4164, %select_n3A_4126 : vector<16xf32>
    %exp3A_4166 = math.exp %neg3A_4165 : vector<16xf32>
    %add3A_4167 = arith.constant 1.000000e+00 : f32
    %add3A_4168 = vector.broadcast %add3A_4167 : f32 to vector<16xf32>
    %add3A_4169 = arith.addf %add3A_4168, %exp3A_4166 : vector<16xf32>
    %div3A_4170 = arith.constant 1.000000e+00 : f32
    %div3A_4171 = vector.broadcast %div3A_4170 : f32 to vector<16xf32>
    %div3A_4172 = arith.divf %div3A_4171, %add3A_4169 : vector<16xf32>
    %mul3A_4173 = arith.constant 4.000000e+00 : f32
    %mul3A_4174 = vector.broadcast %mul3A_4173 : f32 to vector<16xf32>
    %mul3A_4175 = arith.mulf %mul3A_4174, %div3A_4172 : vector<16xf32>
    %neg3A_4176 = arith.constant 0.000000e+00 : f32
    %neg3A_4177 = vector.broadcast %neg3A_4176 : f32 to vector<16xf32>
    %neg3A_4178 = arith.subf %neg3A_4177, %select_n3A_4136 : vector<16xf32>
    %exp3A_4179 = math.exp %neg3A_4178 : vector<16xf32>
    %add3A_4180 = arith.constant 1.000000e+00 : f32
    %add3A_4181 = vector.broadcast %add3A_4180 : f32 to vector<16xf32>
    %add3A_4182 = arith.addf %add3A_4181, %exp3A_4179 : vector<16xf32>
    %div3A_4183 = arith.constant 1.000000e+00 : f32
    %div3A_4184 = vector.broadcast %div3A_4183 : f32 to vector<16xf32>
    %div3A_4185 = arith.divf %div3A_4184, %add3A_4182 : vector<16xf32>
    %sub3A_4186 = arith.constant 5.000000e-01 : f32
    %sub3A_4187 = vector.broadcast %sub3A_4186 : f32 to vector<16xf32>
    %sub3A_4188 = arith.subf %div3A_4185, %sub3A_4187 : vector<16xf32>
    %mul3A_4189 = arith.constant 8.000000e+00 : f32
    %mul3A_4190 = vector.broadcast %mul3A_4189 : f32 to vector<16xf32>
    %mul3A_4191 = arith.mulf %mul3A_4190, %sub3A_4188 : vector<16xf32>
    %neg3A_4192 = arith.constant 0.000000e+00 : f32
    %neg3A_4193 = vector.broadcast %neg3A_4192 : f32 to vector<16xf32>
    %neg3A_4194 = arith.subf %neg3A_4193, %select_n3A_4146 : vector<16xf32>
    %exp3A_4195 = math.exp %neg3A_4194 : vector<16xf32>
    %add3A_4196 = arith.constant 1.000000e+00 : f32
    %add3A_4197 = vector.broadcast %add3A_4196 : f32 to vector<16xf32>
    %add3A_4198 = arith.addf %add3A_4197, %exp3A_4195 : vector<16xf32>
    %div3A_4199 = arith.constant 1.000000e+00 : f32
    %div3A_4200 = vector.broadcast %div3A_4199 : f32 to vector<16xf32>
    %div3A_4201 = arith.divf %div3A_4200, %add3A_4198 : vector<16xf32>
    %sub3A_4202 = arith.constant 1.000000e+00 : f32
    %sub3A_4203 = vector.broadcast %sub3A_4202 : f32 to vector<16xf32>
    %sub3A_4204 = arith.subf %sub3A_4203, %div3A_4201 : vector<16xf32>
    %mul3A_4205 = arith.constant 1.702000e+00 : f32
    %mul3A_4206 = vector.broadcast %mul3A_4205 : f32 to vector<16xf32>
    %mul3A_4207 = arith.mulf %mul3A_4206, %mul3A_4175 : vector<16xf32>
    %sub3A_4208 = arith.subf %mul3A_4162, %mul3A_4191 : vector<16xf32>
    %mul3A_4209 = arith.mulf %mul3A_4207, %sub3A_4208 : vector<16xf32>
    %neg3A_4210 = arith.constant 0.000000e+00 : f32
    %neg3A_4211 = vector.broadcast %neg3A_4210 : f32 to vector<16xf32>
    %neg3A_4212 = arith.subf %neg3A_4211, %mul3A_4209 : vector<16xf32>
    %exp3A_4213 = math.exp %neg3A_4212 : vector<16xf32>
    %add3A_4214 = arith.constant 1.000000e+00 : f32
    %add3A_4215 = vector.broadcast %add3A_4214 : f32 to vector<16xf32>
    %add3A_4216 = arith.addf %add3A_4215, %exp3A_4213 : vector<16xf32>
    %div3A_4217 = arith.constant 1.000000e+00 : f32
    %div3A_4218 = vector.broadcast %div3A_4217 : f32 to vector<16xf32>
    %div3A_4219 = arith.divf %div3A_4218, %add3A_4216 : vector<16xf32>
    %mul3A_4220 = arith.mulf %sub3A_4204, %div3A_4219 : vector<16xf32>
    %add3A_4221 = arith.addf %div3A_4201, %mul3A_4220 : vector<16xf32>
    %swap3A_4222 = arith.constant 448 : index
    %swap3A_4223 = tpu.vector_load %arg19[%swap3A_4222] {strides = array<i32>} : memref<512xf32, #tpu.memory_space<vmem>>, vector<16xf32>,
    tpu.vector_store %arg19[%swap3A_4222], %add3A_4221 {strides = array<i32>} : memref<512xf32, #tpu.memory_space<vmem>>, vector<16xf32>,
    %get3A_4224 = arith.constant 464 : index
    %get3A_4225 = tpu.vector_load %arg10[%get3A_4224] {strides = array<i32>} : memref<512xi32, #tpu.memory_space<vmem>>, vector<16xi32>,
    %get3A_4226 = arith.constant 464 : index
    %get3A_4227 = tpu.vector_load %arg11[%get3A_4226] {strides = array<i32>} : memref<512xi32, #tpu.memory_space<vmem>>, vector<16xi32>,
    %sub3A_4228 = arith.constant 999424 : i32
    %sub3A_4229 = vector.broadcast %sub3A_4228 : i32 to vector<16xi32>
    %sub3A_4230 = arith.subi %get3A_4225, %sub3A_4229 : vector<16xi32>
    %max3A_4231 = arith.constant 0 : i32
    %max3A_4232 = vector.broadcast %max3A_4231 : i32 to vector<16xi32>
    %max3A_4233 = arith.maxsi %sub3A_4230, %max3A_4232 : vector<16xi32>
    %sub3A_4234 = arith.constant 999424 : i32
    %sub3A_4235 = vector.broadcast %sub3A_4234 : i32 to vector<16xi32>
    %sub3A_4236 = arith.subi %get3A_4227, %sub3A_4235 : vector<16xi32>
    %max3A_4237 = arith.constant 0 : i32
    %max3A_4238 = vector.broadcast %max3A_4237 : i32 to vector<16xi32>
    %max3A_4239 = arith.maxsi %sub3A_4236, %max3A_4238 : vector<16xi32>
    %lt3A_4240 = arith.constant 999424 : i32
    %lt3A_4241 = vector.broadcast %lt3A_4240 : i32 to vector<16xi32>
    %lt3A_4242 = arith.cmpi slt, %get3A_4225, %lt3A_4241 : vector<16xi32>
    %get3A_4243 = arith.constant 464 : index
    %get3A_4244 = tpu.vector_load %arg14[%get3A_4243] {strides = array<i32>} : memref<512xf32, #tpu.memory_space<vmem>>, vector<16xf32>,
    %gather3A_4245 = tpu.vector_load_idx %arg18[%max3A_4233] : memref<2304xf32, #tpu.memory_space<vmem>>[vector<16xi32>], vector<16xf32>,
    %select_n3A_4246 = arith.select %lt3A_4242, %get3A_4244, %gather3A_4245 : vector<16xi1>, vector<16xf32>
    %lt3A_4247 = arith.constant 999424 : i32
    %lt3A_4248 = vector.broadcast %lt3A_4247 : i32 to vector<16xi32>
    %lt3A_4249 = arith.cmpi slt, %get3A_4227, %lt3A_4248 : vector<16xi32>
    %get3A_4250 = arith.constant 464 : index
    %get3A_4251 = tpu.vector_load %arg15[%get3A_4250] {strides = array<i32>} : memref<512xf32, #tpu.memory_space<vmem>>, vector<16xf32>,
    %add3A_4252 = arith.constant 576 : i32
    %add3A_4253 = vector.broadcast %add3A_4252 : i32 to vector<16xi32>
    %add3A_4254 = arith.addi %max3A_4239, %add3A_4253 : vector<16xi32>
    %gather3A_4255 = tpu.vector_load_idx %arg18[%add3A_4254] : memref<2304xf32, #tpu.memory_space<vmem>>[vector<16xi32>], vector<16xf32>,
    %select_n3A_4256 = arith.select %lt3A_4249, %get3A_4251, %gather3A_4255 : vector<16xi1>, vector<16xf32>
    %lt3A_4257 = arith.constant 999424 : i32
    %lt3A_4258 = vector.broadcast %lt3A_4257 : i32 to vector<16xi32>
    %lt3A_4259 = arith.cmpi slt, %get3A_4227, %lt3A_4258 : vector<16xi32>
    %get3A_4260 = arith.constant 464 : index
    %get3A_4261 = tpu.vector_load %arg16[%get3A_4260] {strides = array<i32>} : memref<512xf32, #tpu.memory_space<vmem>>, vector<16xf32>,
    %add3A_4262 = arith.constant 1152 : i32
    %add3A_4263 = vector.broadcast %add3A_4262 : i32 to vector<16xi32>
    %add3A_4264 = arith.addi %max3A_4239, %add3A_4263 : vector<16xi32>
    %gather3A_4265 = tpu.vector_load_idx %arg18[%add3A_4264] : memref<2304xf32, #tpu.memory_space<vmem>>[vector<16xi32>], vector<16xf32>,
    %select_n3A_4266 = arith.select %lt3A_4259, %get3A_4261, %gather3A_4265 : vector<16xi1>, vector<16xf32>
    %lt3A_4267 = arith.constant 999424 : i32
    %lt3A_4268 = vector.broadcast %lt3A_4267 : i32 to vector<16xi32>
    %lt3A_4269 = arith.cmpi slt, %get3A_4227, %lt3A_4268 : vector<16xi32>
    %get3A_4270 = arith.constant 464 : index
    %get3A_4271 = tpu.vector_load %arg17[%get3A_4270] {strides = array<i32>} : memref<512xf32, #tpu.memory_space<vmem>>, vector<16xf32>,
    %add3A_4272 = arith.constant 1728 : i32
    %add3A_4273 = vector.broadcast %add3A_4272 : i32 to vector<16xi32>
    %add3A_4274 = arith.addi %max3A_4239, %add3A_4273 : vector<16xi32>
    %gather3A_4275 = tpu.vector_load_idx %arg18[%add3A_4274] : memref<2304xf32, #tpu.memory_space<vmem>>[vector<16xi32>], vector<16xf32>,
    %select_n3A_4276 = arith.select %lt3A_4269, %get3A_4271, %gather3A_4275 : vector<16xi1>, vector<16xf32>
    %neg3A_4277 = arith.constant 0.000000e+00 : f32
    %neg3A_4278 = vector.broadcast %neg3A_4277 : f32 to vector<16xf32>
    %neg3A_4279 = arith.subf %neg3A_4278, %select_n3A_4246 : vector<16xf32>
    %exp3A_4280 = math.exp %neg3A_4279 : vector<16xf32>
    %add3A_4281 = arith.constant 1.000000e+00 : f32
    %add3A_4282 = vector.broadcast %add3A_4281 : f32 to vector<16xf32>
    %add3A_4283 = arith.addf %add3A_4282, %exp3A_4280 : vector<16xf32>
    %div3A_4284 = arith.constant 1.000000e+00 : f32
    %div3A_4285 = vector.broadcast %div3A_4284 : f32 to vector<16xf32>
    %div3A_4286 = arith.divf %div3A_4285, %add3A_4283 : vector<16xf32>
    %sub3A_4287 = arith.constant 5.000000e-01 : f32
    %sub3A_4288 = vector.broadcast %sub3A_4287 : f32 to vector<16xf32>
    %sub3A_4289 = arith.subf %div3A_4286, %sub3A_4288 : vector<16xf32>
    %mul3A_4290 = arith.constant 8.000000e+00 : f32
    %mul3A_4291 = vector.broadcast %mul3A_4290 : f32 to vector<16xf32>
    %mul3A_4292 = arith.mulf %mul3A_4291, %sub3A_4289 : vector<16xf32>
    %neg3A_4293 = arith.constant 0.000000e+00 : f32
    %neg3A_4294 = vector.broadcast %neg3A_4293 : f32 to vector<16xf32>
    %neg3A_4295 = arith.subf %neg3A_4294, %select_n3A_4256 : vector<16xf32>
    %exp3A_4296 = math.exp %neg3A_4295 : vector<16xf32>
    %add3A_4297 = arith.constant 1.000000e+00 : f32
    %add3A_4298 = vector.broadcast %add3A_4297 : f32 to vector<16xf32>
    %add3A_4299 = arith.addf %add3A_4298, %exp3A_4296 : vector<16xf32>
    %div3A_4300 = arith.constant 1.000000e+00 : f32
    %div3A_4301 = vector.broadcast %div3A_4300 : f32 to vector<16xf32>
    %div3A_4302 = arith.divf %div3A_4301, %add3A_4299 : vector<16xf32>
    %mul3A_4303 = arith.constant 4.000000e+00 : f32
    %mul3A_4304 = vector.broadcast %mul3A_4303 : f32 to vector<16xf32>
    %mul3A_4305 = arith.mulf %mul3A_4304, %div3A_4302 : vector<16xf32>
    %neg3A_4306 = arith.constant 0.000000e+00 : f32
    %neg3A_4307 = vector.broadcast %neg3A_4306 : f32 to vector<16xf32>
    %neg3A_4308 = arith.subf %neg3A_4307, %select_n3A_4266 : vector<16xf32>
    %exp3A_4309 = math.exp %neg3A_4308 : vector<16xf32>
    %add3A_4310 = arith.constant 1.000000e+00 : f32
    %add3A_4311 = vector.broadcast %add3A_4310 : f32 to vector<16xf32>
    %add3A_4312 = arith.addf %add3A_4311, %exp3A_4309 : vector<16xf32>
    %div3A_4313 = arith.constant 1.000000e+00 : f32
    %div3A_4314 = vector.broadcast %div3A_4313 : f32 to vector<16xf32>
    %div3A_4315 = arith.divf %div3A_4314, %add3A_4312 : vector<16xf32>
    %sub3A_4316 = arith.constant 5.000000e-01 : f32
    %sub3A_4317 = vector.broadcast %sub3A_4316 : f32 to vector<16xf32>
    %sub3A_4318 = arith.subf %div3A_4315, %sub3A_4317 : vector<16xf32>
    %mul3A_4319 = arith.constant 8.000000e+00 : f32
    %mul3A_4320 = vector.broadcast %mul3A_4319 : f32 to vector<16xf32>
    %mul3A_4321 = arith.mulf %mul3A_4320, %sub3A_4318 : vector<16xf32>
    %neg3A_4322 = arith.constant 0.000000e+00 : f32
    %neg3A_4323 = vector.broadcast %neg3A_4322 : f32 to vector<16xf32>
    %neg3A_4324 = arith.subf %neg3A_4323, %select_n3A_4276 : vector<16xf32>
    %exp3A_4325 = math.exp %neg3A_4324 : vector<16xf32>
    %add3A_4326 = arith.constant 1.000000e+00 : f32
    %add3A_4327 = vector.broadcast %add3A_4326 : f32 to vector<16xf32>
    %add3A_4328 = arith.addf %add3A_4327, %exp3A_4325 : vector<16xf32>
    %div3A_4329 = arith.constant 1.000000e+00 : f32
    %div3A_4330 = vector.broadcast %div3A_4329 : f32 to vector<16xf32>
    %div3A_4331 = arith.divf %div3A_4330, %add3A_4328 : vector<16xf32>
    %sub3A_4332 = arith.constant 1.000000e+00 : f32
    %sub3A_4333 = vector.broadcast %sub3A_4332 : f32 to vector<16xf32>
    %sub3A_4334 = arith.subf %sub3A_4333, %div3A_4331 : vector<16xf32>
    %mul3A_4335 = arith.constant 1.702000e+00 : f32
    %mul3A_4336 = vector.broadcast %mul3A_4335 : f32 to vector<16xf32>
    %mul3A_4337 = arith.mulf %mul3A_4336, %mul3A_4305 : vector<16xf32>
    %sub3A_4338 = arith.subf %mul3A_4292, %mul3A_4321 : vector<16xf32>
    %mul3A_4339 = arith.mulf %mul3A_4337, %sub3A_4338 : vector<16xf32>
    %neg3A_4340 = arith.constant 0.000000e+00 : f32
    %neg3A_4341 = vector.broadcast %neg3A_4340 : f32 to vector<16xf32>
    %neg3A_4342 = arith.subf %neg3A_4341, %mul3A_4339 : vector<16xf32>
    %exp3A_4343 = math.exp %neg3A_4342 : vector<16xf32>
    %add3A_4344 = arith.constant 1.000000e+00 : f32
    %add3A_4345 = vector.broadcast %add3A_4344 : f32 to vector<16xf32>
    %add3A_4346 = arith.addf %add3A_4345, %exp3A_4343 : vector<16xf32>
    %div3A_4347 = arith.constant 1.000000e+00 : f32
    %div3A_4348 = vector.broadcast %div3A_4347 : f32 to vector<16xf32>
    %div3A_4349 = arith.divf %div3A_4348, %add3A_4346 : vector<16xf32>
    %mul3A_4350 = arith.mulf %sub3A_4334, %div3A_4349 : vector<16xf32>
    %add3A_4351 = arith.addf %div3A_4331, %mul3A_4350 : vector<16xf32>
    %swap3A_4352 = arith.constant 464 : index
    %swap3A_4353 = tpu.vector_load %arg19[%swap3A_4352] {strides = array<i32>} : memref<512xf32, #tpu.memory_space<vmem>>, vector<16xf32>,
    tpu.vector_store %arg19[%swap3A_4352], %add3A_4351 {strides = array<i32>} : memref<512xf32, #tpu.memory_space<vmem>>, vector<16xf32>,
    %get3A_4354 = arith.constant 480 : index
    %get3A_4355 = tpu.vector_load %arg10[%get3A_4354] {strides = array<i32>} : memref<512xi32, #tpu.memory_space<vmem>>, vector<16xi32>,
    %get3A_4356 = arith.constant 480 : index
    %get3A_4357 = tpu.vector_load %arg11[%get3A_4356] {strides = array<i32>} : memref<512xi32, #tpu.memory_space<vmem>>, vector<16xi32>,
    %sub3A_4358 = arith.constant 999424 : i32
    %sub3A_4359 = vector.broadcast %sub3A_4358 : i32 to vector<16xi32>
    %sub3A_4360 = arith.subi %get3A_4355, %sub3A_4359 : vector<16xi32>
    %max3A_4361 = arith.constant 0 : i32
    %max3A_4362 = vector.broadcast %max3A_4361 : i32 to vector<16xi32>
    %max3A_4363 = arith.maxsi %sub3A_4360, %max3A_4362 : vector<16xi32>
    %sub3A_4364 = arith.constant 999424 : i32
    %sub3A_4365 = vector.broadcast %sub3A_4364 : i32 to vector<16xi32>
    %sub3A_4366 = arith.subi %get3A_4357, %sub3A_4365 : vector<16xi32>
    %max3A_4367 = arith.constant 0 : i32
    %max3A_4368 = vector.broadcast %max3A_4367 : i32 to vector<16xi32>
    %max3A_4369 = arith.maxsi %sub3A_4366, %max3A_4368 : vector<16xi32>
    %lt3A_4370 = arith.constant 999424 : i32
    %lt3A_4371 = vector.broadcast %lt3A_4370 : i32 to vector<16xi32>
    %lt3A_4372 = arith.cmpi slt, %get3A_4355, %lt3A_4371 : vector<16xi32>
    %get3A_4373 = arith.constant 480 : index
    %get3A_4374 = tpu.vector_load %arg14[%get3A_4373] {strides = array<i32>} : memref<512xf32, #tpu.memory_space<vmem>>, vector<16xf32>,
    %gather3A_4375 = tpu.vector_load_idx %arg18[%max3A_4363] : memref<2304xf32, #tpu.memory_space<vmem>>[vector<16xi32>], vector<16xf32>,
    %select_n3A_4376 = arith.select %lt3A_4372, %get3A_4374, %gather3A_4375 : vector<16xi1>, vector<16xf32>
    %lt3A_4377 = arith.constant 999424 : i32
    %lt3A_4378 = vector.broadcast %lt3A_4377 : i32 to vector<16xi32>
    %lt3A_4379 = arith.cmpi slt, %get3A_4357, %lt3A_4378 : vector<16xi32>
    %get3A_4380 = arith.constant 480 : index
    %get3A_4381 = tpu.vector_load %arg15[%get3A_4380] {strides = array<i32>} : memref<512xf32, #tpu.memory_space<vmem>>, vector<16xf32>,
    %add3A_4382 = arith.constant 576 : i32
    %add3A_4383 = vector.broadcast %add3A_4382 : i32 to vector<16xi32>
    %add3A_4384 = arith.addi %max3A_4369, %add3A_4383 : vector<16xi32>
    %gather3A_4385 = tpu.vector_load_idx %arg18[%add3A_4384] : memref<2304xf32, #tpu.memory_space<vmem>>[vector<16xi32>], vector<16xf32>,
    %select_n3A_4386 = arith.select %lt3A_4379, %get3A_4381, %gather3A_4385 : vector<16xi1>, vector<16xf32>
    %lt3A_4387 = arith.constant 999424 : i32
    %lt3A_4388 = vector.broadcast %lt3A_4387 : i32 to vector<16xi32>
    %lt3A_4389 = arith.cmpi slt, %get3A_4357, %lt3A_4388 : vector<16xi32>
    %get3A_4390 = arith.constant 480 : index
    %get3A_4391 = tpu.vector_load %arg16[%get3A_4390] {strides = array<i32>} : memref<512xf32, #tpu.memory_space<vmem>>, vector<16xf32>,
    %add3A_4392 = arith.constant 1152 : i32
    %add3A_4393 = vector.broadcast %add3A_4392 : i32 to vector<16xi32>
    %add3A_4394 = arith.addi %max3A_4369, %add3A_4393 : vector<16xi32>
    %gather3A_4395 = tpu.vector_load_idx %arg18[%add3A_4394] : memref<2304xf32, #tpu.memory_space<vmem>>[vector<16xi32>], vector<16xf32>,
    %select_n3A_4396 = arith.select %lt3A_4389, %get3A_4391, %gather3A_4395 : vector<16xi1>, vector<16xf32>
    %lt3A_4397 = arith.constant 999424 : i32
    %lt3A_4398 = vector.broadcast %lt3A_4397 : i32 to vector<16xi32>
    %lt3A_4399 = arith.cmpi slt, %get3A_4357, %lt3A_4398 : vector<16xi32>
    %get3A_4400 = arith.constant 480 : index
    %get3A_4401 = tpu.vector_load %arg17[%get3A_4400] {strides = array<i32>} : memref<512xf32, #tpu.memory_space<vmem>>, vector<16xf32>,
    %add3A_4402 = arith.constant 1728 : i32
    %add3A_4403 = vector.broadcast %add3A_4402 : i32 to vector<16xi32>
    %add3A_4404 = arith.addi %max3A_4369, %add3A_4403 : vector<16xi32>
    %gather3A_4405 = tpu.vector_load_idx %arg18[%add3A_4404] : memref<2304xf32, #tpu.memory_space<vmem>>[vector<16xi32>], vector<16xf32>,
    %select_n3A_4406 = arith.select %lt3A_4399, %get3A_4401, %gather3A_4405 : vector<16xi1>, vector<16xf32>
    %neg3A_4407 = arith.constant 0.000000e+00 : f32
    %neg3A_4408 = vector.broadcast %neg3A_4407 : f32 to vector<16xf32>
    %neg3A_4409 = arith.subf %neg3A_4408, %select_n3A_4376 : vector<16xf32>
    %exp3A_4410 = math.exp %neg3A_4409 : vector<16xf32>
    %add3A_4411 = arith.constant 1.000000e+00 : f32
    %add3A_4412 = vector.broadcast %add3A_4411 : f32 to vector<16xf32>
    %add3A_4413 = arith.addf %add3A_4412, %exp3A_4410 : vector<16xf32>
    %div3A_4414 = arith.constant 1.000000e+00 : f32
    %div3A_4415 = vector.broadcast %div3A_4414 : f32 to vector<16xf32>
    %div3A_4416 = arith.divf %div3A_4415, %add3A_4413 : vector<16xf32>
    %sub3A_4417 = arith.constant 5.000000e-01 : f32
    %sub3A_4418 = vector.broadcast %sub3A_4417 : f32 to vector<16xf32>
    %sub3A_4419 = arith.subf %div3A_4416, %sub3A_4418 : vector<16xf32>
    %mul3A_4420 = arith.constant 8.000000e+00 : f32
    %mul3A_4421 = vector.broadcast %mul3A_4420 : f32 to vector<16xf32>
    %mul3A_4422 = arith.mulf %mul3A_4421, %sub3A_4419 : vector<16xf32>
    %neg3A_4423 = arith.constant 0.000000e+00 : f32
    %neg3A_4424 = vector.broadcast %neg3A_4423 : f32 to vector<16xf32>
    %neg3A_4425 = arith.subf %neg3A_4424, %select_n3A_4386 : vector<16xf32>
    %exp3A_4426 = math.exp %neg3A_4425 : vector<16xf32>
    %add3A_4427 = arith.constant 1.000000e+00 : f32
    %add3A_4428 = vector.broadcast %add3A_4427 : f32 to vector<16xf32>
    %add3A_4429 = arith.addf %add3A_4428, %exp3A_4426 : vector<16xf32>
    %div3A_4430 = arith.constant 1.000000e+00 : f32
    %div3A_4431 = vector.broadcast %div3A_4430 : f32 to vector<16xf32>
    %div3A_4432 = arith.divf %div3A_4431, %add3A_4429 : vector<16xf32>
    %mul3A_4433 = arith.constant 4.000000e+00 : f32
    %mul3A_4434 = vector.broadcast %mul3A_4433 : f32 to vector<16xf32>
    %mul3A_4435 = arith.mulf %mul3A_4434, %div3A_4432 : vector<16xf32>
    %neg3A_4436 = arith.constant 0.000000e+00 : f32
    %neg3A_4437 = vector.broadcast %neg3A_4436 : f32 to vector<16xf32>
    %neg3A_4438 = arith.subf %neg3A_4437, %select_n3A_4396 : vector<16xf32>
    %exp3A_4439 = math.exp %neg3A_4438 : vector<16xf32>
    %add3A_4440 = arith.constant 1.000000e+00 : f32
    %add3A_4441 = vector.broadcast %add3A_4440 : f32 to vector<16xf32>
    %add3A_4442 = arith.addf %add3A_4441, %exp3A_4439 : vector<16xf32>
    %div3A_4443 = arith.constant 1.000000e+00 : f32
    %div3A_4444 = vector.broadcast %div3A_4443 : f32 to vector<16xf32>
    %div3A_4445 = arith.divf %div3A_4444, %add3A_4442 : vector<16xf32>
    %sub3A_4446 = arith.constant 5.000000e-01 : f32
    %sub3A_4447 = vector.broadcast %sub3A_4446 : f32 to vector<16xf32>
    %sub3A_4448 = arith.subf %div3A_4445, %sub3A_4447 : vector<16xf32>
    %mul3A_4449 = arith.constant 8.000000e+00 : f32
    %mul3A_4450 = vector.broadcast %mul3A_4449 : f32 to vector<16xf32>
    %mul3A_4451 = arith.mulf %mul3A_4450, %sub3A_4448 : vector<16xf32>
    %neg3A_4452 = arith.constant 0.000000e+00 : f32
    %neg3A_4453 = vector.broadcast %neg3A_4452 : f32 to vector<16xf32>
    %neg3A_4454 = arith.subf %neg3A_4453, %select_n3A_4406 : vector<16xf32>
    %exp3A_4455 = math.exp %neg3A_4454 : vector<16xf32>
    %add3A_4456 = arith.constant 1.000000e+00 : f32
    %add3A_4457 = vector.broadcast %add3A_4456 : f32 to vector<16xf32>
    %add3A_4458 = arith.addf %add3A_4457, %exp3A_4455 : vector<16xf32>
    %div3A_4459 = arith.constant 1.000000e+00 : f32
    %div3A_4460 = vector.broadcast %div3A_4459 : f32 to vector<16xf32>
    %div3A_4461 = arith.divf %div3A_4460, %add3A_4458 : vector<16xf32>
    %sub3A_4462 = arith.constant 1.000000e+00 : f32
    %sub3A_4463 = vector.broadcast %sub3A_4462 : f32 to vector<16xf32>
    %sub3A_4464 = arith.subf %sub3A_4463, %div3A_4461 : vector<16xf32>
    %mul3A_4465 = arith.constant 1.702000e+00 : f32
    %mul3A_4466 = vector.broadcast %mul3A_4465 : f32 to vector<16xf32>
    %mul3A_4467 = arith.mulf %mul3A_4466, %mul3A_4435 : vector<16xf32>
    %sub3A_4468 = arith.subf %mul3A_4422, %mul3A_4451 : vector<16xf32>
    %mul3A_4469 = arith.mulf %mul3A_4467, %sub3A_4468 : vector<16xf32>
    %neg3A_4470 = arith.constant 0.000000e+00 : f32
    %neg3A_4471 = vector.broadcast %neg3A_4470 : f32 to vector<16xf32>
    %neg3A_4472 = arith.subf %neg3A_4471, %mul3A_4469 : vector<16xf32>
    %exp3A_4473 = math.exp %neg3A_4472 : vector<16xf32>
    %add3A_4474 = arith.constant 1.000000e+00 : f32
    %add3A_4475 = vector.broadcast %add3A_4474 : f32 to vector<16xf32>
    %add3A_4476 = arith.addf %add3A_4475, %exp3A_4473 : vector<16xf32>
    %div3A_4477 = arith.constant 1.000000e+00 : f32
    %div3A_4478 = vector.broadcast %div3A_4477 : f32 to vector<16xf32>
    %div3A_4479 = arith.divf %div3A_4478, %add3A_4476 : vector<16xf32>
    %mul3A_4480 = arith.mulf %sub3A_4464, %div3A_4479 : vector<16xf32>
    %add3A_4481 = arith.addf %div3A_4461, %mul3A_4480 : vector<16xf32>
    %swap3A_4482 = arith.constant 480 : index
    %swap3A_4483 = tpu.vector_load %arg19[%swap3A_4482] {strides = array<i32>} : memref<512xf32, #tpu.memory_space<vmem>>, vector<16xf32>,
    tpu.vector_store %arg19[%swap3A_4482], %add3A_4481 {strides = array<i32>} : memref<512xf32, #tpu.memory_space<vmem>>, vector<16xf32>,
    %get3A_4484 = arith.constant 496 : index
    %get3A_4485 = tpu.vector_load %arg10[%get3A_4484] {strides = array<i32>} : memref<512xi32, #tpu.memory_space<vmem>>, vector<16xi32>,
    %get3A_4486 = arith.constant 496 : index
    %get3A_4487 = tpu.vector_load %arg11[%get3A_4486] {strides = array<i32>} : memref<512xi32, #tpu.memory_space<vmem>>, vector<16xi32>,
    %sub3A_4488 = arith.constant 999424 : i32
    %sub3A_4489 = vector.broadcast %sub3A_4488 : i32 to vector<16xi32>
    %sub3A_4490 = arith.subi %get3A_4485, %sub3A_4489 : vector<16xi32>
    %max3A_4491 = arith.constant 0 : i32
    %max3A_4492 = vector.broadcast %max3A_4491 : i32 to vector<16xi32>
    %max3A_4493 = arith.maxsi %sub3A_4490, %max3A_4492 : vector<16xi32>
    %sub3A_4494 = arith.constant 999424 : i32
    %sub3A_4495 = vector.broadcast %sub3A_4494 : i32 to vector<16xi32>
    %sub3A_4496 = arith.subi %get3A_4487, %sub3A_4495 : vector<16xi32>
    %max3A_4497 = arith.constant 0 : i32
    %max3A_4498 = vector.broadcast %max3A_4497 : i32 to vector<16xi32>
    %max3A_4499 = arith.maxsi %sub3A_4496, %max3A_4498 : vector<16xi32>
    %lt3A_4500 = arith.constant 999424 : i32
    %lt3A_4501 = vector.broadcast %lt3A_4500 : i32 to vector<16xi32>
    %lt3A_4502 = arith.cmpi slt, %get3A_4485, %lt3A_4501 : vector<16xi32>
    %get3A_4503 = arith.constant 496 : index
    %get3A_4504 = tpu.vector_load %arg14[%get3A_4503] {strides = array<i32>} : memref<512xf32, #tpu.memory_space<vmem>>, vector<16xf32>,
    %gather3A_4505 = tpu.vector_load_idx %arg18[%max3A_4493] : memref<2304xf32, #tpu.memory_space<vmem>>[vector<16xi32>], vector<16xf32>,
    %select_n3A_4506 = arith.select %lt3A_4502, %get3A_4504, %gather3A_4505 : vector<16xi1>, vector<16xf32>
    %lt3A_4507 = arith.constant 999424 : i32
    %lt3A_4508 = vector.broadcast %lt3A_4507 : i32 to vector<16xi32>
    %lt3A_4509 = arith.cmpi slt, %get3A_4487, %lt3A_4508 : vector<16xi32>
    %get3A_4510 = arith.constant 496 : index
    %get3A_4511 = tpu.vector_load %arg15[%get3A_4510] {strides = array<i32>} : memref<512xf32, #tpu.memory_space<vmem>>, vector<16xf32>,
    %add3A_4512 = arith.constant 576 : i32
    %add3A_4513 = vector.broadcast %add3A_4512 : i32 to vector<16xi32>
    %add3A_4514 = arith.addi %max3A_4499, %add3A_4513 : vector<16xi32>
    %gather3A_4515 = tpu.vector_load_idx %arg18[%add3A_4514] : memref<2304xf32, #tpu.memory_space<vmem>>[vector<16xi32>], vector<16xf32>,
    %select_n3A_4516 = arith.select %lt3A_4509, %get3A_4511, %gather3A_4515 : vector<16xi1>, vector<16xf32>
    %lt3A_4517 = arith.constant 999424 : i32
    %lt3A_4518 = vector.broadcast %lt3A_4517 : i32 to vector<16xi32>
    %lt3A_4519 = arith.cmpi slt, %get3A_4487, %lt3A_4518 : vector<16xi32>
    %get3A_4520 = arith.constant 496 : index
    %get3A_4521 = tpu.vector_load %arg16[%get3A_4520] {strides = array<i32>} : memref<512xf32, #tpu.memory_space<vmem>>, vector<16xf32>,
    %add3A_4522 = arith.constant 1152 : i32
    %add3A_4523 = vector.broadcast %add3A_4522 : i32 to vector<16xi32>
    %add3A_4524 = arith.addi %max3A_4499, %add3A_4523 : vector<16xi32>
    %gather3A_4525 = tpu.vector_load_idx %arg18[%add3A_4524] : memref<2304xf32, #tpu.memory_space<vmem>>[vector<16xi32>], vector<16xf32>,
    %select_n3A_4526 = arith.select %lt3A_4519, %get3A_4521, %gather3A_4525 : vector<16xi1>, vector<16xf32>
    %lt3A_4527 = arith.constant 999424 : i32
    %lt3A_4528 = vector.broadcast %lt3A_4527 : i32 to vector<16xi32>
    %lt3A_4529 = arith.cmpi slt, %get3A_4487, %lt3A_4528 : vector<16xi32>
    %get3A_4530 = arith.constant 496 : index
    %get3A_4531 = tpu.vector_load %arg17[%get3A_4530] {strides = array<i32>} : memref<512xf32, #tpu.memory_space<vmem>>, vector<16xf32>,
    %add3A_4532 = arith.constant 1728 : i32
    %add3A_4533 = vector.broadcast %add3A_4532 : i32 to vector<16xi32>
    %add3A_4534 = arith.addi %max3A_4499, %add3A_4533 : vector<16xi32>
    %gather3A_4535 = tpu.vector_load_idx %arg18[%add3A_4534] : memref<2304xf32, #tpu.memory_space<vmem>>[vector<16xi32>], vector<16xf32>,
    %select_n3A_4536 = arith.select %lt3A_4529, %get3A_4531, %gather3A_4535 : vector<16xi1>, vector<16xf32>
    %neg3A_4537 = arith.constant 0.000000e+00 : f32
    %neg3A_4538 = vector.broadcast %neg3A_4537 : f32 to vector<16xf32>
    %neg3A_4539 = arith.subf %neg3A_4538, %select_n3A_4506 : vector<16xf32>
    %exp3A_4540 = math.exp %neg3A_4539 : vector<16xf32>
    %add3A_4541 = arith.constant 1.000000e+00 : f32
    %add3A_4542 = vector.broadcast %add3A_4541 : f32 to vector<16xf32>
    %add3A_4543 = arith.addf %add3A_4542, %exp3A_4540 : vector<16xf32>
    %div3A_4544 = arith.constant 1.000000e+00 : f32
    %div3A_4545 = vector.broadcast %div3A_4544 : f32 to vector<16xf32>
    %div3A_4546 = arith.divf %div3A_4545, %add3A_4543 : vector<16xf32>
    %sub3A_4547 = arith.constant 5.000000e-01 : f32
    %sub3A_4548 = vector.broadcast %sub3A_4547 : f32 to vector<16xf32>
    %sub3A_4549 = arith.subf %div3A_4546, %sub3A_4548 : vector<16xf32>
    %mul3A_4550 = arith.constant 8.000000e+00 : f32
    %mul3A_4551 = vector.broadcast %mul3A_4550 : f32 to vector<16xf32>
    %mul3A_4552 = arith.mulf %mul3A_4551, %sub3A_4549 : vector<16xf32>
    %neg3A_4553 = arith.constant 0.000000e+00 : f32
    %neg3A_4554 = vector.broadcast %neg3A_4553 : f32 to vector<16xf32>
    %neg3A_4555 = arith.subf %neg3A_4554, %select_n3A_4516 : vector<16xf32>
    %exp3A_4556 = math.exp %neg3A_4555 : vector<16xf32>
    %add3A_4557 = arith.constant 1.000000e+00 : f32
    %add3A_4558 = vector.broadcast %add3A_4557 : f32 to vector<16xf32>
    %add3A_4559 = arith.addf %add3A_4558, %exp3A_4556 : vector<16xf32>
    %div3A_4560 = arith.constant 1.000000e+00 : f32
    %div3A_4561 = vector.broadcast %div3A_4560 : f32 to vector<16xf32>
    %div3A_4562 = arith.divf %div3A_4561, %add3A_4559 : vector<16xf32>
    %mul3A_4563 = arith.constant 4.000000e+00 : f32
    %mul3A_4564 = vector.broadcast %mul3A_4563 : f32 to vector<16xf32>
    %mul3A_4565 = arith.mulf %mul3A_4564, %div3A_4562 : vector<16xf32>
    %neg3A_4566 = arith.constant 0.000000e+00 : f32
    %neg3A_4567 = vector.broadcast %neg3A_4566 : f32 to vector<16xf32>
    %neg3A_4568 = arith.subf %neg3A_4567, %select_n3A_4526 : vector<16xf32>
    %exp3A_4569 = math.exp %neg3A_4568 : vector<16xf32>
    %add3A_4570 = arith.constant 1.000000e+00 : f32
    %add3A_4571 = vector.broadcast %add3A_4570 : f32 to vector<16xf32>
    %add3A_4572 = arith.addf %add3A_4571, %exp3A_4569 : vector<16xf32>
    %div3A_4573 = arith.constant 1.000000e+00 : f32
    %div3A_4574 = vector.broadcast %div3A_4573 : f32 to vector<16xf32>
    %div3A_4575 = arith.divf %div3A_4574, %add3A_4572 : vector<16xf32>
    %sub3A_4576 = arith.constant 5.000000e-01 : f32
    %sub3A_4577 = vector.broadcast %sub3A_4576 : f32 to vector<16xf32>
    %sub3A_4578 = arith.subf %div3A_4575, %sub3A_4577 : vector<16xf32>
    %mul3A_4579 = arith.constant 8.000000e+00 : f32
    %mul3A_4580 = vector.broadcast %mul3A_4579 : f32 to vector<16xf32>
    %mul3A_4581 = arith.mulf %mul3A_4580, %sub3A_4578 : vector<16xf32>
    %neg3A_4582 = arith.constant 0.000000e+00 : f32
    %neg3A_4583 = vector.broadcast %neg3A_4582 : f32 to vector<16xf32>
    %neg3A_4584 = arith.subf %neg3A_4583, %select_n3A_4536 : vector<16xf32>
    %exp3A_4585 = math.exp %neg3A_4584 : vector<16xf32>
    %add3A_4586 = arith.constant 1.000000e+00 : f32
    %add3A_4587 = vector.broadcast %add3A_4586 : f32 to vector<16xf32>
    %add3A_4588 = arith.addf %add3A_4587, %exp3A_4585 : vector<16xf32>
    %div3A_4589 = arith.constant 1.000000e+00 : f32
    %div3A_4590 = vector.broadcast %div3A_4589 : f32 to vector<16xf32>
    %div3A_4591 = arith.divf %div3A_4590, %add3A_4588 : vector<16xf32>
    %sub3A_4592 = arith.constant 1.000000e+00 : f32
    %sub3A_4593 = vector.broadcast %sub3A_4592 : f32 to vector<16xf32>
    %sub3A_4594 = arith.subf %sub3A_4593, %div3A_4591 : vector<16xf32>
    %mul3A_4595 = arith.constant 1.702000e+00 : f32
    %mul3A_4596 = vector.broadcast %mul3A_4595 : f32 to vector<16xf32>
    %mul3A_4597 = arith.mulf %mul3A_4596, %mul3A_4565 : vector<16xf32>
    %sub3A_4598 = arith.subf %mul3A_4552, %mul3A_4581 : vector<16xf32>
    %mul3A_4599 = arith.mulf %mul3A_4597, %sub3A_4598 : vector<16xf32>
    %neg3A_4600 = arith.constant 0.000000e+00 : f32
    %neg3A_4601 = vector.broadcast %neg3A_4600 : f32 to vector<16xf32>
    %neg3A_4602 = arith.subf %neg3A_4601, %mul3A_4599 : vector<16xf32>
    %exp3A_4603 = math.exp %neg3A_4602 : vector<16xf32>
    %add3A_4604 = arith.constant 1.000000e+00 : f32
    %add3A_4605 = vector.broadcast %add3A_4604 : f32 to vector<16xf32>
    %add3A_4606 = arith.addf %add3A_4605, %exp3A_4603 : vector<16xf32>
    %div3A_4607 = arith.constant 1.000000e+00 : f32
    %div3A_4608 = vector.broadcast %div3A_4607 : f32 to vector<16xf32>
    %div3A_4609 = arith.divf %div3A_4608, %add3A_4606 : vector<16xf32>
    %mul3A_4610 = arith.mulf %sub3A_4594, %div3A_4609 : vector<16xf32>
    %add3A_4611 = arith.addf %div3A_4591, %mul3A_4610 : vector<16xf32>
    %swap3A_4612 = arith.constant 496 : index
    %swap3A_4613 = tpu.vector_load %arg19[%swap3A_4612] {strides = array<i32>} : memref<512xf32, #tpu.memory_space<vmem>>, vector<16xf32>,
    tpu.vector_store %arg19[%swap3A_4612], %add3A_4611 {strides = array<i32>} : memref<512xf32, #tpu.memory_space<vmem>>, vector<16xf32>,
    "tpu.region"() ({
      %run_scoped3A = tpu.sem_alloc : memref<!tpu.dma_semaphore, #tpu.memory_space<semaphore_mem>>
      %dma_start3A_4614 = tpu.memref_slice %arg9[%mul3A_2] : memref<16384xf32, #tpu.memory_space<hbm>> -> memref<512xf32, #tpu.memory_space<hbm>>
      %dma_start3A_4615 = tpu.memref_slice %arg9[%mul3A_2] : memref<16384xf32, #tpu.memory_space<hbm>> -> memref<512xf32, #tpu.memory_space<hbm>>
      tpu.enqueue_dma source(%arg19 : memref<512xf32, #tpu.memory_space<vmem>>) target(%dma_start3A_4615 : memref<512xf32, #tpu.memory_space<hbm>>) target_semaphore(%run_scoped3A : memref<!tpu.dma_semaphore, #tpu.memory_space<semaphore_mem>>)
      %dma_wait3A_4616 = tpu.memref_slice %arg9[%mul3A_2] : memref<16384xf32, #tpu.memory_space<hbm>> -> memref<512xf32, #tpu.memory_space<hbm>>
      %dma_wait3A_4617 = tpu.memref_slice %arg9[%mul3A_2] : memref<16384xf32, #tpu.memory_space<hbm>> -> memref<512xf32, #tpu.memory_space<hbm>>
      tpu.wait_dma2 semaphore(%run_scoped3A : memref<!tpu.dma_semaphore, #tpu.memory_space<semaphore_mem>>) src(%arg19 : memref<512xf32, #tpu.memory_space<vmem>>) dst(%dma_wait3A_4617 : memref<512xf32, #tpu.memory_space<hbm>>)
      tpu.yield
    }) : () -> ()
    return
  }
}

</mosaic_0001>

<sc_bundles>
// kernel: _run.3.cloned.1.call-start
scs
__scs_entry_jumppad:
0x0: {  	(pc) =	sbr.rel $0x88, $3  }
0x1: {  	(tag) =	ssettag $0x0;
	lr =	simm.s32 $0x1  }
0x2: {  	[smem:$0x3F9A] =	sst lr;
	_ =	strace $0xD0000000  }
0x3: {  	_ = 	snop  }
0x4: {  	_ = 	snop  }
0x5: {  	_ = 	snop  }
0x6: {  	_ = 	snop  }
0x7: {  	_ = 	snop  }
__scs_overlays_trampoline_lowered:
0x8: {  	[smem:$0x3FA9] =	sst s0  }
0x9: {  	[smem:$0x3FAA] =	sst s1  }
0xa: {  	[smem:$0x3FAB] =	sst s2  }
0xb: {  	[smem:$0x3FAC] =	sst s3  }
0xc: {  	[smem:$0x3FAD] =	sst s4  }
0xd: {  	[smem:$0x3FAE] =	sst s5  }
0xe: {  	[smem:$0x3FAF] =	sst s6  }
0xf: {  	[smem:$0x3FB0] =	sst s7  }
0x10: {  	[smem:$0x3FB1] =	sst s8  }
0x11: {  	[smem:$0x3FB2] =	sst s9;
	s0 =	simm.s32 @!p0 $0x0  }
0x12: {  	s1 =	sld [smem:$0x3F98];
	s0 =	simm.s32 @p0 $0x1  }
0x13: {  	[smem:$0x3FB3] =	sst s0;
	s0 =	simm.s32 @!p1 $0x0  }
0x14: {  	s2 =	sld [smem:$0x3F97];
	s0 =	simm.s32 @p1 $0x1  }
0x15: {  	[smem:$0x3FB4] =	sst s0;
	s0 =	simm.s32 @!p2 $0x0  }
0x16: {  	s3 =	sld [smem:$0x3FDB];
	s0 =	simm.s32 @p2 $0x1  }
0x17: {  	s4 =	simm.s32 $0x1BF5;
	[smem:$0x3FB6] =	sst s0  }
0x18: {  	s0 =	sld [smem:$0x3F99];
	_ =	swait.ge [sflag:s4], $0x0  }
0x19: {  	s7 =	sld [smem:$0x3F9A]  }
0x1a: {  	s8 =	sadd.s32 $0xFFFFE003, lr  }
0x1b: {  	s9 =	sadd.s32 $0xFFFFFEF7, lr;
	s5 =	simm.s32 $0xFFFFFFFF;
	p2 =	slt.u32 s8, $0xFFFFF086  }
0x1c: {  	p1 =	slt.u32 s9, $0xF7A;
	s5 =	simm.s32 @!p2 $0x0  }
0x1d: {  	s5 =	simm.s32 @p1 $0x1;
	p0 =	seq.s32 s7, s2  }
0x1e: {  	s7 =	smul.u32 @!p0 $0xF7A, s2;
	p2 =	seq.s32 @!p0 s5, $0x0  }
0x1f: {  	s9 =	smul.u32 $0xF7A, s1;
	s8 =	simm.s32 @!p0 $0x1BF5;
	p2 =	por !p2, p0  }
0x20: {  	[sflag:s8] =	ssyncset.s32 @!p0 $0xFFFFF086;
	s6 =	sadd.s32 @!p0 s3, s7;
	s7 =	simm.s32 @!p0 $0x108  }
0x21: {  	s3 =	sadd.s32 s3, s9;
	s6 =	sadd.s32 @!p0 $0x88, s6;
	s7 =	simm.s32 @p2 $0x1082  }
0x22: {  	[simem:s7], [sflag:s8] =	dma.local @!p0 [hbm:s6], $0xF7A  }
0x23: {  	s9 =	sor.u32 $0xD0000000, s2;
	s6 =	simm.s32 $0x108;
	_ =	swait.ge @!p0 [sflag:s8], $0x0  }
0x24: {  	s3 =	sadd.s32 $0x88, s3;
	s6 =	simm.s32 @!p1 $0x1082;
	[sflag:s4] =	ssyncset.s32 $0xFFFFF086  }
0x25: {  	[simem:s6], [sflag:s4] =	dma.local [hbm:s3], $0xF7A  }
0x26: {  	[smem:$0x3F9A] =	sst s1;
	(tag) =	ssettag s2;
	_ =	strace s9  }
0x27: {  	s1 =	sld [smem:$0x3FAA]  }
0x28: {  	s2 =	sld [smem:$0x3FAB]  }
0x29: {  	s4 =	sld [smem:$0x3FAD]  }
0x2a: {  	p0 =	seq.s32 s5, $0x0;
	s5 =	sld [smem:$0x3FAE]  }
0x2b: {  	s6 =	sld [smem:$0x3FAF]  }
0x2c: {  	s7 =	sld [smem:$0x3FB0]  }
0x2d: {  	s3 =	simm.s32 $0x108;
	s8 =	sld [smem:$0x3FB1]  }
0x2e: {  	s3 =	simm.s32 @!p0 $0x1082;
	s9 =	sld [smem:$0x3FB2]  }
0x2f: {  	lr =	sadd.s32 s0, s3;
	s0 =	sld [smem:$0x3FA9]  }
0x30: {  	s3 =	sld [smem:$0x3FAC]  }
0x31: {  	[smem:$0x3FB5] =	sst s10  }
0x32: {  	s10 =	sld [smem:$0x3FB3];
	_ =	sdelay $0x3  }
0x33: {  	p0 =	seq.s32 s10, $0x1;
	s10 =	sld [smem:$0x3FB5];
	_ =	sdelay $0x3  }
0x34: {  	[smem:$0x3FB5] =	sst s10  }
0x35: {  	s10 =	sld [smem:$0x3FB4];
	_ =	sdelay $0x3  }
0x36: {  	p1 =	seq.s32 s10, $0x1;
	s10 =	sld [smem:$0x3FB5];
	_ =	sdelay $0x3  }
0x37: {  	[smem:$0x3FB5] =	sst s10  }
0x38: {  	s10 =	sld [smem:$0x3FB6]  }
0x39: {  	_ = 	snop;
	(pc) =	sbr.ind lr, $3  }
0x3a: {  	_ = 	snop  }
0x3b: {  	_ = 	snop  }
0x3c: {  	p2 =	seq.s32 s10, $0x1;
	s10 =	sld [smem:$0x3FB5]  }
0x3d: {  	_ =	shalt  }
0x3e: {  	_ =	shalt  }
0x3f: {  	_ =	shalt  }
0x40: {  	_ =	shalt  }
0x41: {  	_ =	shalt  }
0x42: {  	_ =	shalt  }
0x43: {  	_ =	shalt  }
0x44: {  	_ =	shalt  }
0x45: {  	_ =	shalt  }
0x46: {  	_ =	shalt  }
0x47: {  	_ =	shalt  }
0x48: {  	_ =	shalt  }
0x49: {  	_ =	shalt  }
0x4a: {  	_ =	shalt  }
0x4b: {  	_ =	shalt  }
0x4c: {  	_ =	shalt  }
0x4d: {  	_ =	shalt  }
0x4e: {  	_ =	shalt  }
0x4f: {  	_ =	shalt  }
0x50: {  	_ =	shalt  }
0x51: {  	_ =	shalt  }
0x52: {  	_ =	shalt  }
0x53: {  	_ =	shalt  }
0x54: {  	_ =	shalt  }
0x55: {  	_ =	shalt  }
0x56: {  	_ =	shalt  }
0x57: {  	_ =	shalt  }
0x58: {  	_ =	shalt  }
0x59: {  	_ =	shalt  }
0x5a: {  	_ =	shalt  }
0x5b: {  	_ =	shalt  }
0x5c: {  	_ =	shalt  }
0x5d: {  	_ =	shalt  }
0x5e: {  	_ =	shalt  }
0x5f: {  	_ =	shalt  }
0x60: {  	_ =	shalt  }
0x61: {  	_ =	shalt  }
0x62: {  	_ =	shalt  }
0x63: {  	_ =	shalt  }
0x64: {  	_ =	shalt  }
0x65: {  	_ =	shalt  }
0x66: {  	_ =	shalt  }
0x67: {  	_ =	shalt  }
0x68: {  	_ =	shalt  }
0x69: {  	_ =	shalt  }
0x6a: {  	_ =	shalt  }
0x6b: {  	_ =	shalt  }
0x6c: {  	_ =	shalt  }
0x6d: {  	_ =	shalt  }
0x6e: {  	_ =	shalt  }
0x6f: {  	_ =	shalt  }
0x70: {  	_ =	shalt  }
0x71: {  	_ =	shalt  }
0x72: {  	_ =	shalt  }
0x73: {  	_ =	shalt  }
0x74: {  	_ =	shalt  }
0x75: {  	_ =	shalt  }
0x76: {  	_ =	shalt  }
0x77: {  	_ =	shalt  }
0x78: {  	_ =	shalt  }
0x79: {  	_ =	shalt  }
0x7a: {  	_ =	shalt  }
0x7b: {  	_ =	shalt  }
0x7c: {  	_ =	shalt  }
0x7d: {  	_ =	shalt  }
0x7e: {  	_ =	shalt  }
0x7f: {  	_ =	shalt  }
0x80: {  	_ =	shalt  }
0x81: {  	_ =	shalt  }
0x82: {  	_ =	shalt  }
0x83: {  	_ =	shalt  }
0x84: {  	_ =	shalt  }
0x85: {  	_ =	shalt  }
0x86: {  	_ =	shalt  }
0x87: {  	_ =	shalt  }
.Lfunc_end0:
.L_simem_size_0:
called_computation_lowered:
.L_overlay_start_0:
0x88: {  	s2 =	sld [smem:$0x3FD9]  }
0x89: {  	s3 =	sld [smem:$0x3FFE];
	_ =	sdelay $0x1  }
0x8a: {  	s1 =	srdreg.scid  }
0x8b: {  	s0 =	sand.u32 $0x1, s1  }
0x8c: {  	s18 =	sshll.u32 s0, $0xA;
	s2 =	sadd.s32 s3, s2  }
0x8d: {  	s2 =	sadd.s32 s2, s18  }
0x8e: {  	[smem:$0x3FC1] =	sst s2  }
0x8f: {  	_ = 	snop  }
0x90: {  	s2 =	sld [smem:$0x3FC9]  }
0x91: {  	s19 =	sld [smem:$0x3FC8]  }
0x92: {  	s4 =	sld [smem:$0x3FC7]  }
0x93: {  	s5 =	sld [smem:$0x3FC6]  }
0x94: {  	s6 =	sld [smem:$0x3FC5]  }
0x95: {  	s7 =	sld [smem:$0x3FC4]  }
0x96: {  	s8 =	sld [smem:$0x3FC3]  }
0x97: {  	s9 =	sld [smem:$0x3FD0];
	(tm) =	ssettm $0x1  }
0x98: {  	s10 =	sld [smem:$0x3FFB];
	_ =	sdelay $0x3  }
0x99: {  	_ =	strace s10  }
0x9a: {  	s10 =	sld [smem:$0x3FFC];
	_ =	sdelay $0x3  }
0x9b: {  	_ =	strace s10  }
0x9c: {  	s10 =	sld [smem:$0x3FFD];
	_ =	sdelay $0x3  }
0x9d: {  	_ =	strace s10  }
0x9e: {  	_ =	strace $0x8FFFFFFF  }
0x9f: {  	s20 =	sld [smem:$0x3FDB];
	_ =	sdelay $0x1  }
0xa0: {  	s11 =	simm.s32 $_scs_section_size  }
0xa1: {  	s12 =	simm.s32 $_size__tile_overlayer_lowered;
	s13 =	simm.s32 $_tile_overlayer_lowered  }
0xa2: {  	s23 =	simm.s32 $0x1BFF;
	s22 =	sshll.u32 s13, $0x1;
	s10 =	sadd.s32 s11, s20  }
0xa3: {  	s14 =	simm.s32 $0x0;
	s21 =	sshll.u32 s12, $0x1;
	s12 =	sadd.s32 s22, s10  }
0xa4: {  	[timem:s14], [sflag:s23] =	dma.local [hbm:s12], s21  }
0xa5: {  	_ =	swait.ge [sflag:s23], s21  }
0xa6: {  	s11 =	ssub.s32 $0x0, s21;
	[sflag:s23] =	ssyncset.done $0x0  }
0xa7: {  	[sflag:s23] =	ssyncadd.s32 s11;
	_ =	sdelay $0x1  }
0xa8: {  	s24 =	simm.s32 $0x1B8B  }
0xa9: {  	_ =	swait.ge [sflag:s24], $0x1  }
0xaa: {  	[sflag:s24] =	ssyncset.done $0x0  }
0xab: {  	s25 =	simm.s32 $0x1B8E;
	[sflag:s24] =	ssyncadd.s32 $0xFFFFFFFF  }
0xac: {  	s26 =	simm.s32 $execute0_lowered;
	[smem:$0x3FD2] =	sst s25  }
0xad: {  	s11 =	sshll.u32 s26, $0x1;
	_ =	strace $0x80000046;
	[dreg:$0x1] =	wrdreg $0xFFFFFFFF  }
0xae: {  	s28 =	simm.s32 $_size_execute0_lowered;
	s10 =	sadd.s32 s10, s11;
	[dreg:$0x0] =	wrdreg $0x0  }
0xaf: {  	s11 =	sshll.u32 s28, $0x1;
	[dreg:$0x2] =	wrdreg s10  }
0xb0: {  	[dreg:$0x3] =	wrdreg s11  }
0xb1: {  	[dreg:$0x4] =	wrdreg $0xC0  }
0xb2: {  	_ =	task [dreg:s14], $0x5FFFF  }
0xb3: {  	[dreg:$0x1] =	wrdreg $0xFFFFFFFF  }
0xb4: {  	[dreg:$0x0] =	wrdreg $0x60  }
0xb5: {  	[dreg:$0x2] =	wrdreg s2  }
0xb6: {  	[dreg:$0x3] =	wrdreg s19  }
0xb7: {  	[dreg:$0x4] =	wrdreg s4  }
0xb8: {  	[dreg:$0x5] =	wrdreg s5  }
0xb9: {  	[dreg:$0x6] =	wrdreg s6  }
0xba: {  	[dreg:$0x7] =	wrdreg s7  }
0xbb: {  	[dreg:$0x8] =	wrdreg s8  }
0xbc: {  	[dreg:$0x9] =	wrdreg s9  }
0xbd: {  	[dreg:$0xa] =	wrdreg $0x9  }
0xbe: {  	_ =	task.clear_ibuf [dreg:s14], $0xBFFFF;
	_ =	strace $0x90000046  }
0xbf: {  	s29 =	simm.s32 $0x9;
	_ =	strace $0x80000048  }
0xc0: {  	_ =	swait.ge [sflag:s29], $0x1  }
0xc1: {  	[sflag:s29] =	ssyncadd.s32 $0xFFFFFFFF  }
0xc2: {  	_ =	strace $0x90000048  }
0xc3: {  	_ =	sfence  }
0xc4: {  	s30 =	sld [smem:$0x0];
	_ =	sdelay $0x2  }
0xc5: {  	s31 =	sshll.u32 s1, $0xD;
	s1 =	sshrl.u32 s1, $0x2  }
0xc6: {  	s3 =	sand.u32 $0x4000, s31;
	s1 =	sadd.s32 s1, s30  }
0xc7: {  	s0 =	sor.u32 s3, s0;
	s1 =	sshll.u32 s1, $0x11  }
0xc8: {  	s0 =	sor.u32 s1, s0  }
0xc9: {  	s0 =	sadd.s32 $0x8F2B, s0  }
0xca: {  	[sflag:s0] =	ssyncadd.remote.s32 $0x1  }
0xcb: {  	_ =	sfence.sel $0xFFFF  }
0xcc: {  	[dreg:$0x0] =	wrdreg $0xFFFFFFFF;
	(pc) =	sbr.abs _section_cstart, $3  }
0xcd: {  	[dreg:$0x1] =	wrdreg $0xFFFFFFFF  }
0xce: {  	_ =	task.clear_ibuf [dreg:s14], $0x2FFFF;
	_ =	strace $0x9FFFFFFF  }
0xcf: {  	(tm) =	ssettm $0x7FFFFFFF  }
tec
execute0_lowered:
.L_overlay_start_1:
0x0: {  	(tag) =	ssettag $0x1  }
0x1: {  	s0 =	rddreg [dreg:$0x0]  }
0x2: {  	s1 =	rddreg [dreg:$0x1]  }
0x3: {  	s2 =	rddreg [dreg:$0x2]  }
0x4: {  	s4 =	rddreg [dreg:$0x3]  }
0x5: {  	s5 =	rddreg [dreg:$0x4]  }
0x6: {  	s8 =	rddreg [dreg:$0x5]  }
0x7: {  	s9 =	rddreg [dreg:$0x6]  }
0x8: {  	s10 =	rddreg [dreg:$0x7];
	s6 =	srdreg.scid  }
0x9: {  	s3 =	rddreg [dreg:$0x8];
	s7 =	simm.s32 $0x0;
	s15 =	simm.s32 $0x800  }
0xa: {  	s16 =	simm.s32 $0x600;
	s17 =	simm.s32 $0xA00;
	s18 =	simm.s32 $0xC00  }
0xb: {  	s19 =	simm.s32 $0xE00;
	s20 =	simm.s32 $0x1000;
	s21 =	simm.s32 $0x1  }
0xc: {  	s22 =	simm.s32 $0x1900;
	s11 =	sand.u32 $0x1, s6;
	s6 =	stileid.u32  }
0xd: {  	[smem:$0x7FF] =	sst s7;
	s12 =	ssub.s32 $0x2, s11;
	s14 =	sshll.u32 s6, $0x7  }
0xe: {  	s11 =	sshll.u32 s11, $0x6;
	_ =	strace $0x80000047;
	s13 =	sshrl.u32 s12, $0x1  }
0xf: {  	s11 =	sor.u32 s11, s14;
	s14 =	simm.s32 $0x400;
	s12 =	ssub.s32 s12, s13  }
0x10: {  	s8 =	sadd.s32 s8, s11;
	s9 =	sadd.s32 s9, s11;
	s10 =	sadd.s32 s10, s11  }
0x11: {  	s13 =	simm.s32 $0x200;
	s11 =	smax.u32 s12, $0x1;
	s12 =	simm.s32 $0x2  }
.LBB2_1:
0x12: {  	[tilespmem:s7], [sflag:$0x2] =	stream.linear.gather [hbm4b:s8+s7], $0x200, $0x38;
	[tilespmem:$0x1B00] =	vst v63  }
0x13: {  	_ =	swait.ge [sflag:s12], $0x200  }
0x14: {  	[sflag:s12] =	ssyncset.done $0x0  }
0x15: {  	[sflag:s12] =	ssyncadd.s32 $0xFFFFFE00  }
0x16: {  	[tilespmem:s13], [sflag:$0x2] =	stream.linear.gather [hbm4b:s9+s7], $0x200, $0x38;
	[tilespmem:$0x1B00] =	vst v63  }
0x17: {  	_ =	swait.ge [sflag:s12], $0x200  }
0x18: {  	[sflag:s12] =	ssyncset.done $0x0  }
0x19: {  	[sflag:s12] =	ssyncadd.s32 $0xFFFFFE00  }
0x1a: {  	v0 =	vld [tilespmem:$0x0]  }
0x1b: {  	v1 =	vld [tilespmem:$0x200]  }
0x1c: {  	v2 =	vld [tilespmem:$0x10]  }
0x1d: {  	v3 =	vld [tilespmem:$0x210]  }
0x1e: {  	v4 =	vld [tilespmem:$0x20]  }
0x1f: {  	v5 =	vld [tilespmem:$0x220];
	vm0 =	vlt.s32 v0, $0xF3FFF  }
0x20: {  	v6 =	vld [tilespmem:$0x30];
	vm5 =	vlt.s32 v1, $0xF3FFF;
	v0 =	vnsel vm0, $0xF3FFF, v0  }
0x21: {  	v9 =	vld [tilespmem:$0x230];
	vm6 =	vlt.s32 v2, $0xF3FFF;
	v8 =	vnsel vm5, $0xF3FFF, v1;
	[tilespmem:$0x400] =	vst v0  }
0x22: {  	v11 =	vld [tilespmem:$0x40];
	vm7 =	vlt.s32 v3, $0xF3FFF;
	v10 =	vnsel vm6, $0xF3FFF, v2;
	[tilespmem:$0x600] =	vst v8  }
0x23: {  	v13 =	vld [tilespmem:$0x240];
	vm8 =	vlt.s32 v4, $0xF3FFF;
	v12 =	vnsel vm7, $0xF3FFF, v3;
	[tilespmem:$0x410] =	vst v10  }
0x24: {  	v15 =	vld [tilespmem:$0x50];
	vm9 =	vlt.s32 v5, $0xF3FFF;
	v14 =	vnsel vm8, $0xF3FFF, v4;
	[tilespmem:$0x610] =	vst v12  }
0x25: {  	v17 =	vld [tilespmem:$0x250];
	vm10 =	vlt.s32 v6, $0xF3FFF;
	v16 =	vnsel vm9, $0xF3FFF, v5;
	[tilespmem:$0x420] =	vst v14  }
0x26: {  	v19 =	vld [tilespmem:$0x60];
	vm11 =	vlt.s32 v9, $0xF3FFF;
	v18 =	vnsel vm10, $0xF3FFF, v6;
	[tilespmem:$0x620] =	vst v16  }
0x27: {  	v21 =	vld [tilespmem:$0x260];
	vm12 =	vlt.s32 v11, $0xF3FFF;
	v20 =	vnsel vm11, $0xF3FFF, v9;
	[tilespmem:$0x430] =	vst v18  }
0x28: {  	v23 =	vld [tilespmem:$0x70];
	vm13 =	vlt.s32 v13, $0xF3FFF;
	v22 =	vnsel vm12, $0xF3FFF, v11;
	[tilespmem:$0x630] =	vst v20  }
0x29: {  	v25 =	vld [tilespmem:$0x270];
	vm14 =	vlt.s32 v15, $0xF3FFF;
	v24 =	vnsel vm13, $0xF3FFF, v13;
	[tilespmem:$0x440] =	vst v22  }
0x2a: {  	v27 =	vld [tilespmem:$0x80];
	vm15 =	vlt.s32 v17, $0xF3FFF;
	v26 =	vnsel vm14, $0xF3FFF, v15;
	[tilespmem:$0x640] =	vst v24  }
0x2b: {  	v29 =	vld [tilespmem:$0x280];
	vm4 =	vlt.s32 v19, $0xF3FFF;
	v28 =	vnsel vm15, $0xF3FFF, v17;
	[tilespmem:$0x450] =	vst v26  }
0x2c: {  	v31 =	vld [tilespmem:$0x90];
	v30 =	vnsel vm4, $0xF3FFF, v19;
	vm5 =	vlt.s32 v21, $0xF3FFF;
	[tilespmem:$0x650] =	vst v28  }
0x2d: {  	v33 =	vld [tilespmem:$0x290];
	vm6 =	vlt.s32 v23, $0xF3FFF;
	[tilespmem:$0x460] =	vst v30;
	v32 =	vnsel vm5, $0xF3FFF, v21  }
0x2e: {  	v35 =	vld [tilespmem:$0xA0];
	vm7 =	vlt.s32 v25, $0xF3FFF;
	v34 =	vnsel vm6, $0xF3FFF, v23;
	[tilespmem:$0x660] =	vst v32  }
0x2f: {  	v37 =	vld [tilespmem:$0x2A0];
	vm8 =	vlt.s32 v27, $0xF3FFF;
	v36 =	vnsel vm7, $0xF3FFF, v25;
	[tilespmem:$0x470] =	vst v34  }
0x30: {  	v39 =	vld [tilespmem:$0xB0];
	vm9 =	vlt.s32 v29, $0xF3FFF;
	v38 =	vnsel vm8, $0xF3FFF, v27;
	[tilespmem:$0x670] =	vst v36  }
0x31: {  	v41 =	vld [tilespmem:$0x2B0];
	vm10 =	vlt.s32 v31, $0xF3FFF;
	v40 =	vnsel vm9, $0xF3FFF, v29;
	[tilespmem:$0x480] =	vst v38  }
0x32: {  	v43 =	vld [tilespmem:$0xC0];
	vm11 =	vlt.s32 v33, $0xF3FFF;
	v42 =	vnsel vm10, $0xF3FFF, v31;
	[tilespmem:$0x680] =	vst v40  }
0x33: {  	v45 =	vld [tilespmem:$0x2C0];
	vm12 =	vlt.s32 v35, $0xF3FFF;
	v44 =	vnsel vm11, $0xF3FFF, v33;
	[tilespmem:$0x490] =	vst v42  }
0x34: {  	v47 =	vld [tilespmem:$0xD0];
	vm13 =	vlt.s32 v37, $0xF3FFF;
	v46 =	vnsel vm12, $0xF3FFF, v35;
	[tilespmem:$0x690] =	vst v44  }
0x35: {  	v49 =	vld [tilespmem:$0x2D0];
	vm14 =	vlt.s32 v39, $0xF3FFF;
	v48 =	vnsel vm13, $0xF3FFF, v37;
	[tilespmem:$0x4A0] =	vst v46  }
0x36: {  	v51 =	vld [tilespmem:$0xE0];
	vm15 =	vlt.s32 v41, $0xF3FFF;
	v50 =	vnsel vm14, $0xF3FFF, v39;
	[tilespmem:$0x6A0] =	vst v48  }
0x37: {  	v53 =	vld [tilespmem:$0x2E0];
	vm4 =	vlt.s32 v43, $0xF3FFF;
	v52 =	vnsel vm15, $0xF3FFF, v41;
	[tilespmem:$0x4B0] =	vst v50  }
0x38: {  	v55 =	vld [tilespmem:$0xF0];
	v54 =	vnsel vm4, $0xF3FFF, v43;
	vm5 =	vlt.s32 v45, $0xF3FFF;
	[tilespmem:$0x6B0] =	vst v52  }
0x39: {  	v57 =	vld [tilespmem:$0x2F0];
	vm6 =	vlt.s32 v47, $0xF3FFF;
	[tilespmem:$0x4C0] =	vst v54;
	v56 =	vnsel vm5, $0xF3FFF, v45  }
0x3a: {  	v59 =	vld [tilespmem:$0x100];
	vm7 =	vlt.s32 v49, $0xF3FFF;
	v58 =	vnsel vm6, $0xF3FFF, v47;
	[tilespmem:$0x6C0] =	vst v56  }
0x3b: {  	v61 =	vld [tilespmem:$0x300];
	vm8 =	vlt.s32 v51, $0xF3FFF;
	v60 =	vnsel vm7, $0xF3FFF, v49;
	[tilespmem:$0x4D0] =	vst v58  }
0x3c: {  	v63 =	vld [tilespmem:$0x110];
	vm9 =	vlt.s32 v53, $0xF3FFF;
	v62 =	vnsel vm8, $0xF3FFF, v51;
	[tilespmem:$0x6D0] =	vst v60  }
0x3d: {  	v9 =	vld [tilespmem:$0x310];
	vm10 =	vlt.s32 v55, $0xF3FFF;
	v8 =	vnsel vm9, $0xF3FFF, v53;
	[tilespmem:$0x4E0] =	vst v62  }
0x3e: {  	v11 =	vld [tilespmem:$0x120];
	vm11 =	vlt.s32 v57, $0xF3FFF;
	v10 =	vnsel vm10, $0xF3FFF, v55;
	[tilespmem:$0x6E0] =	vst v8  }
0x3f: {  	v13 =	vld [tilespmem:$0x320];
	vm12 =	vlt.s32 v59, $0xF3FFF;
	v12 =	vnsel vm11, $0xF3FFF, v57;
	[tilespmem:$0x4F0] =	vst v10  }
0x40: {  	v15 =	vld [tilespmem:$0x130];
	vm13 =	vlt.s32 v61, $0xF3FFF;
	v14 =	vnsel vm12, $0xF3FFF, v59;
	[tilespmem:$0x6F0] =	vst v12  }
0x41: {  	v17 =	vld [tilespmem:$0x330];
	vm14 =	vlt.s32 v63, $0xF3FFF;
	v16 =	vnsel vm13, $0xF3FFF, v61;
	[tilespmem:$0x500] =	vst v14  }
0x42: {  	v19 =	vld [tilespmem:$0x140];
	v18 =	vnsel vm14, $0xF3FFF, v63;
	[tilespmem:$0x700] =	vst v16;
	vm15 =	vlt.s32 v9, $0xF3FFF  }
0x43: {  	v21 =	vld [tilespmem:$0x340];
	[tilespmem:$0x510] =	vst v18;
	vm4 =	vlt.s32 v11, $0xF3FFF;
	v20 =	vnsel vm15, $0xF3FFF, v9  }
0x44: {  	v23 =	vld [tilespmem:$0x150];
	vm5 =	vlt.s32 v13, $0xF3FFF;
	v22 =	vnsel vm4, $0xF3FFF, v11;
	[tilespmem:$0x710] =	vst v20  }
0x45: {  	v25 =	vld [tilespmem:$0x350];
	vm6 =	vlt.s32 v15, $0xF3FFF;
	v24 =	vnsel vm5, $0xF3FFF, v13;
	[tilespmem:$0x520] =	vst v22  }
0x46: {  	v27 =	vld [tilespmem:$0x160];
	vm7 =	vlt.s32 v17, $0xF3FFF;
	v26 =	vnsel vm6, $0xF3FFF, v15;
	[tilespmem:$0x720] =	vst v24  }
0x47: {  	v29 =	vld [tilespmem:$0x360];
	vm8 =	vlt.s32 v19, $0xF3FFF;
	v28 =	vnsel vm7, $0xF3FFF, v17;
	[tilespmem:$0x530] =	vst v26  }
0x48: {  	v31 =	vld [tilespmem:$0x170];
	v30 =	vnsel vm8, $0xF3FFF, v19;
	vm9 =	vlt.s32 v21, $0xF3FFF;
	[tilespmem:$0x730] =	vst v28  }
0x49: {  	v33 =	vld [tilespmem:$0x370];
	vm10 =	vlt.s32 v23, $0xF3FFF;
	[tilespmem:$0x540] =	vst v30;
	v32 =	vnsel vm9, $0xF3FFF, v21  }
0x4a: {  	v35 =	vld [tilespmem:$0x180];
	vm11 =	vlt.s32 v25, $0xF3FFF;
	v34 =	vnsel vm10, $0xF3FFF, v23;
	[tilespmem:$0x740] =	vst v32  }
0x4b: {  	v37 =	vld [tilespmem:$0x380];
	vm12 =	vlt.s32 v27, $0xF3FFF;
	v36 =	vnsel vm11, $0xF3FFF, v25;
	[tilespmem:$0x550] =	vst v34  }
0x4c: {  	v39 =	vld [tilespmem:$0x190];
	vm13 =	vlt.s32 v29, $0xF3FFF;
	v38 =	vnsel vm12, $0xF3FFF, v27;
	[tilespmem:$0x750] =	vst v36  }
0x4d: {  	v41 =	vld [tilespmem:$0x390];
	vm14 =	vlt.s32 v31, $0xF3FFF;
	v40 =	vnsel vm13, $0xF3FFF, v29;
	[tilespmem:$0x560] =	vst v38  }
0x4e: {  	v43 =	vld [tilespmem:$0x1A0];
	vm15 =	vlt.s32 v33, $0xF3FFF;
	v42 =	vnsel vm14, $0xF3FFF, v31;
	[tilespmem:$0x760] =	vst v40  }
0x4f: {  	v45 =	vld [tilespmem:$0x3A0];
	vm4 =	vlt.s32 v35, $0xF3FFF;
	v44 =	vnsel vm15, $0xF3FFF, v33;
	[tilespmem:$0x570] =	vst v42  }
0x50: {  	v47 =	vld [tilespmem:$0x1B0];
	vm5 =	vlt.s32 v37, $0xF3FFF;
	v46 =	vnsel vm4, $0xF3FFF, v35;
	[tilespmem:$0x770] =	vst v44  }
0x51: {  	v49 =	vld [tilespmem:$0x3B0];
	vm6 =	vlt.s32 v39, $0xF3FFF;
	v48 =	vnsel vm5, $0xF3FFF, v37;
	[tilespmem:$0x580] =	vst v46  }
0x52: {  	v51 =	vld [tilespmem:$0x1C0];
	vm7 =	vlt.s32 v41, $0xF3FFF;
	v50 =	vnsel vm6, $0xF3FFF, v39;
	[tilespmem:$0x780] =	vst v48  }
0x53: {  	v53 =	vld [tilespmem:$0x3C0];
	vm8 =	vlt.s32 v43, $0xF3FFF;
	v52 =	vnsel vm7, $0xF3FFF, v41;
	[tilespmem:$0x590] =	vst v50  }
0x54: {  	v55 =	vld [tilespmem:$0x1D0];
	v54 =	vnsel vm8, $0xF3FFF, v43;
	vm9 =	vlt.s32 v45, $0xF3FFF;
	[tilespmem:$0x790] =	vst v52  }
0x55: {  	v57 =	vld [tilespmem:$0x3D0];
	vm10 =	vlt.s32 v47, $0xF3FFF;
	[tilespmem:$0x5A0] =	vst v54;
	v56 =	vnsel vm9, $0xF3FFF, v45  }
0x56: {  	v59 =	vld [tilespmem:$0x1E0];
	vm11 =	vlt.s32 v49, $0xF3FFF;
	v58 =	vnsel vm10, $0xF3FFF, v47;
	[tilespmem:$0x7A0] =	vst v56  }
0x57: {  	v61 =	vld [tilespmem:$0x3E0];
	vm12 =	vlt.s32 v51, $0xF3FFF;
	v60 =	vnsel vm11, $0xF3FFF, v49;
	[tilespmem:$0x5B0] =	vst v58  }
0x58: {  	v63 =	vld [tilespmem:$0x1F0];
	vm13 =	vlt.s32 v53, $0xF3FFF;
	v62 =	vnsel vm12, $0xF3FFF, v51;
	[tilespmem:$0x7B0] =	vst v60  }
0x59: {  	v8 =	vld [tilespmem:$0x3F0];
	vm14 =	vlt.s32 v55, $0xF3FFF;
	v7 =	vnsel vm13, $0xF3FFF, v53;
	[tilespmem:$0x5C0] =	vst v62  }
0x5a: {  	vm15 =	vlt.s32 v57, $0xF3FFF;
	v9 =	vnsel vm14, $0xF3FFF, v55;
	[tilespmem:$0x7C0] =	vst v7  }
0x5b: {  	vm4 =	vlt.s32 v59, $0xF3FFF;
	v10 =	vnsel vm15, $0xF3FFF, v57;
	[tilespmem:$0x5D0] =	vst v9  }
0x5c: {  	vm5 =	vlt.s32 v61, $0xF3FFF;
	v11 =	vnsel vm4, $0xF3FFF, v59;
	[tilespmem:$0x7D0] =	vst v10  }
0x5d: {  	vm6 =	vlt.s32 v63, $0xF3FFF;
	v12 =	vnsel vm5, $0xF3FFF, v61;
	[tilespmem:$0x5E0] =	vst v11  }
0x5e: {  	v13 =	vnsel vm6, $0xF3FFF, v63;
	vm7 =	vlt.s32 v8, $0xF3FFF;
	[tilespmem:$0x7E0] =	vst v12  }
0x5f: {  	[tilespmem:$0x5F0] =	vst v13;
	v14 =	vnsel vm7, $0xF3FFF, v8  }
0x60: {  	[tilespmem:$0x7F0] =	vst v14  }
0x61: {  	[tilespmem:s15], [sflag:$0x1] =	stream.indirect.gather [hbm4b:s0+s13], $0x1, s14, s13, $0xb8;
	[tilespmem:$0x1B00] =	vst v63  }
0x62: {  	_ = 	snop  }
0x63: {  	[tilespmem:s17], [sflag:$0x1] =	stream.indirect.gather [hbm4b:s1+s13], $0x1, s16, s13, $0xb8;
	[tilespmem:$0x1B00] =	vst v63  }
0x64: {  	_ = 	snop  }
0x65: {  	[tilespmem:s18], [sflag:$0x1] =	stream.indirect.gather [hbm4b:s2+s13], $0x1, s16, s13, $0xb8;
	[tilespmem:$0x1B00] =	vst v63  }
0x66: {  	_ = 	snop  }
0x67: {  	[tilespmem:s19], [sflag:$0x1] =	stream.indirect.gather [hbm4b:s4+s13], $0x1, s16, s13, $0xb8;
	[tilespmem:$0x1B00] =	vst v63  }
0x68: {  	_ = 	snop  }
0x69: {  	[tilespmem:s20], [sflag:$0x2] =	stream.linear.gather [hbm4b:s5+s7], $0x900, $0x38;
	[tilespmem:$0x1B00] =	vst v63  }
0x6a: {  	_ =	swait.ge [sflag:s12], $0x900  }
0x6b: {  	[sflag:s12] =	ssyncset.done $0x0  }
0x6c: {  	[sflag:s12] =	ssyncadd.s32 $0xFFFFF700  }
0x6d: {  	_ =	swait.ge [sflag:s21], $0x200  }
0x6e: {  	[sflag:s21] =	ssyncset.done $0x0  }
0x6f: {  	[sflag:s21] =	ssyncadd.s32 $0xFFFFFE00  }
0x70: {  	_ =	swait.ge [sflag:s21], $0x200  }
0x71: {  	[sflag:s21] =	ssyncset.done $0x0  }
0x72: {  	[sflag:s21] =	ssyncadd.s32 $0xFFFFFE00  }
0x73: {  	_ =	swait.ge [sflag:s21], $0x200  }
0x74: {  	[sflag:s21] =	ssyncset.done $0x0  }
0x75: {  	[sflag:s21] =	ssyncadd.s32 $0xFFFFFE00  }
0x76: {  	_ =	swait.ge [sflag:s21], $0x200  }
0x77: {  	[sflag:s21] =	ssyncset.done $0x0  }
0x78: {  	[sflag:s21] =	ssyncadd.s32 $0xFFFFFE00  }
0x79: {  	v15 =	vld [tilespmem:$0x0];
	_ =	sdelay $0x4  }
0x7a: {  	v16 =	vadd.s32 $0xFFF0C000, v15  }
0x7b: {  	vm8 =	vgt.s32 v16, $0x0  }
0x7c: {  	v1 =	vnsel vm8, $0x0, v16;
	_ =	sdelay $0x2  }
0x7d: {  	v17 =	vld [tilespmem:$0x200]  }
0x7e: {  	v18 =	vld [tilespmem:$0x800]  }
0x7f: {  	v1 =	vld.idx.msk [tilespmem:v1+s20+$0x0], $0xffff;
	_ =	sdelay $0x3  }
0x80: {  	vm9 =	vlt.s32 v15, $0xF4000  }
0x81: {  	v19 =	vadd.s32 $0xFFF0C000, v17;
	v1 =	vsel vm9, v18, v1  }
0x82: {  	vm10 =	vgt.s32 v19, $0x0;
	v1 =	vsub.f32 $0.0e+00, v1  }
0x83: {  	v0 =	vnsel vm10, $0x0, v19  }
0x84: {  	v20 =	vadd.s32 $0x240, v0;
	v1 =	vmul.f32 $1.442695020e+00, v1;
	_ =	sdelay $0x1  }
0x85: {  	(erf) = vpow2.f32 v1;
	_ =	sdelay $0x1  }
0x86: {  	v21 =	vld [tilespmem:$0xA00]  }
0x87: {  	v3 =	vld.idx.msk [tilespmem:v20+s20+$0x0], $0xffff;
	_ =	sdelay $0x3  }
0x88: {  	vm11 =	vlt.s32 v17, $0xF4000  }
0x89: {  	v1 =	vsel vm11, v21, v3  }
0x8a: {  	v1 =	vsub.f32 $0.0e+00, v1;
	v22 =	vpop (erf)  }
0x8b: {  	v2 =	vadd.f32 $1.000000000e+00, v22  }
0x8c: {  	v23 =	vadd.s32 $0x480, v0;
	v1 =	vmul.f32 $1.442695020e+00, v1  }
0x8d: {  	(erf) = vrcp.f32 v2  }
0x8e: {  	(erf) = vpow2.f32 v1;
	_ =	sdelay $0x1  }
0x8f: {  	v24 =	vld [tilespmem:$0xC00]  }
0x90: {  	v25 =	vld.idx.msk [tilespmem:v23+s20+$0x0], $0xffff;
	_ =	sdelay $0x4  }
0x91: {  	v1 =	vsel vm11, v24, v25;
	v26 =	vpop (erf)  }
0x92: {  	v1 =	vsub.f32 $0.0e+00, v1;
	v27 =	vpop (erf)  }
0x93: {  	v3 =	vadd.f32 $1.000000000e+00, v27  }
0x94: {  	v1 =	vmul.f32 $1.442695020e+00, v1  }
0x95: {  	(erf) = vrcp.f32 v3  }
0x96: {  	(erf) = vpow2.f32 v1;
	_ =	sdelay $0x5  }
0x97: {  	v0 =	vadd.s32 $0x6C0, v0;
	_ =	sdelay $0x1  }
0x98: {  	v28 =	vpop (erf)  }
0x99: {  	v29 =	vpop (erf)  }
0x9a: {  	v30 =	vld [tilespmem:$0xE00];
	v3 =	vadd.f32 $1.000000000e+00, v29  }
0x9b: {  	v0 =	vld.idx.msk [tilespmem:v0+s20+$0x0], $0xffff  }
0x9c: {  	(erf) = vrcp.f32 v3;
	_ =	sdelay $0x3  }
0x9d: {  	v0 =	vsel vm11, v30, v0  }
0x9e: {  	v0 =	vsub.f32 $0.0e+00, v0;
	_ =	sdelay $0x1  }
0x9f: {  	v0 =	vmul.f32 $1.442695020e+00, v0;
	_ =	sdelay $0x1  }
0xa0: {  	v2 =	vadd.f32 $-5.000000000e-01, v26;
	v3 =	vpop (erf);
	(erf) = vpow2.f32 v0  }
0xa1: {  	v31 =	vadd.f32 $-5.000000000e-01, v3  }
0xa2: {  	v2 =	vmul.f32 $8.000000000e+00, v2  }
0xa3: {  	v1 =	vmul.f32 $4.000000000e+00, v28;
	v0 =	vmul.f32 $8.000000000e+00, v31;
	_ =	sdelay $0x1  }
0xa4: {  	v1 =	vmul.f32 $1.702000020e+00, v1;
	v0 =	vsub.f32 v2, v0;
	_ =	sdelay $0x1  }
0xa5: {  	v0 =	vmul.f32 v0, v1;
	_ =	sdelay $0x1  }
0xa6: {  	v32 =	vpop (erf);
	v0 =	vsub.f32 $0.0e+00, v0  }
0xa7: {  	v1 =	vadd.f32 $1.000000000e+00, v32  }
0xa8: {  	v0 =	vmul.f32 $1.442695020e+00, v0  }
0xa9: {  	(erf) = vrcp.f32 v1  }
0xaa: {  	(erf) = vpow2.f32 v0;
	_ =	sdelay $0x7  }
0xab: {  	v33 =	vpop (erf)  }
0xac: {  	v34 =	vpop (erf)  }
0xad: {  	v1 =	vadd.f32 $1.000000000e+00, v34;
	_ =	sdelay $0x1  }
0xae: {  	(erf) = vrcp.f32 v1;
	_ =	sdelay $0x2  }
0xaf: {  	v35 =	vld [tilespmem:$0x10];
	_ =	sdelay $0x4  }
0xb0: {  	v37 =	vadd.s32 $0xFFF0C000, v35;
	v36 =	vsub.f32 $1.000000000e+00, v33  }
0xb1: {  	vm12 =	vgt.s32 v37, $0x0;
	v38 =	vpop (erf)  }
0xb2: {  	v3 =	vnsel vm12, $0x0, v37;
	v2 =	vmul.f32 v38, v36;
	_ =	sdelay $0x1  }
0xb3: {  	v0 =	vadd.f32 v2, v33  }
0xb4: {  	v39 =	vld [tilespmem:$0x210]  }
0xb5: {  	v40 =	vld [tilespmem:$0x810];
	[tilespmem:$0x1900] =	vst v0  }
0xb6: {  	v3 =	vld.idx.msk [tilespmem:v3+s20+$0x0], $0xffff;
	_ =	sdelay $0x3  }
0xb7: {  	vm13 =	vlt.s32 v35, $0xF4000  }
0xb8: {  	v41 =	vadd.s32 $0xFFF0C000, v39;
	v0 =	vsel vm13, v40, v3  }
0xb9: {  	vm14 =	vgt.s32 v41, $0x0;
	v0 =	vsub.f32 $0.0e+00, v0  }
0xba: {  	v1 =	vnsel vm14, $0x0, v41  }
0xbb: {  	v42 =	vadd.s32 $0x240, v1;
	v0 =	vmul.f32 $1.442695020e+00, v0;
	_ =	sdelay $0x1  }
0xbc: {  	(erf) = vpow2.f32 v0;
	_ =	sdelay $0x1  }
0xbd: {  	v43 =	vld [tilespmem:$0xA10]  }
0xbe: {  	v3 =	vld.idx.msk [tilespmem:v42+s20+$0x0], $0xffff;
	_ =	sdelay $0x3  }
0xbf: {  	vm15 =	vlt.s32 v39, $0xF4000  }
0xc0: {  	v0 =	vsel vm15, v43, v3  }
0xc1: {  	v0 =	vsub.f32 $0.0e+00, v0;
	v44 =	vpop (erf)  }
0xc2: {  	v2 =	vadd.f32 $1.000000000e+00, v44  }
0xc3: {  	v45 =	vadd.s32 $0x480, v1;
	v0 =	vmul.f32 $1.442695020e+00, v0  }
0xc4: {  	(erf) = vrcp.f32 v2  }
0xc5: {  	(erf) = vpow2.f32 v0;
	_ =	sdelay $0x1  }
0xc6: {  	v46 =	vld [tilespmem:$0xC10]  }
0xc7: {  	v47 =	vld.idx.msk [tilespmem:v45+s20+$0x0], $0xffff;
	_ =	sdelay $0x4  }
0xc8: {  	v0 =	vsel vm15, v46, v47;
	v48 =	vpop (erf)  }
0xc9: {  	v0 =	vsub.f32 $0.0e+00, v0;
	v49 =	vpop (erf)  }
0xca: {  	v3 =	vadd.f32 $1.000000000e+00, v49  }
0xcb: {  	v0 =	vmul.f32 $1.442695020e+00, v0  }
0xcc: {  	(erf) = vrcp.f32 v3  }
0xcd: {  	(erf) = vpow2.f32 v0;
	_ =	sdelay $0x5  }
0xce: {  	v50 =	vadd.s32 $0x6C0, v1;
	_ =	sdelay $0x1  }
0xcf: {  	v51 =	vpop (erf)  }
0xd0: {  	v52 =	vpop (erf)  }
0xd1: {  	v53 =	vld [tilespmem:$0xE10];
	v3 =	vadd.f32 $1.000000000e+00, v52  }
0xd2: {  	v0 =	vld.idx.msk [tilespmem:v50+s20+$0x0], $0xffff  }
0xd3: {  	(erf) = vrcp.f32 v3;
	_ =	sdelay $0x3  }
0xd4: {  	v0 =	vsel vm15, v53, v0  }
0xd5: {  	v0 =	vsub.f32 $0.0e+00, v0;
	_ =	sdelay $0x1  }
0xd6: {  	v0 =	vmul.f32 $1.442695020e+00, v0;
	_ =	sdelay $0x1  }
0xd7: {  	v2 =	vadd.f32 $-5.000000000e-01, v48;
	v3 =	vpop (erf);
	(erf) = vpow2.f32 v0  }
0xd8: {  	v54 =	vadd.f32 $-5.000000000e-01, v3  }
0xd9: {  	v2 =	vmul.f32 $8.000000000e+00, v2  }
0xda: {  	v1 =	vmul.f32 $4.000000000e+00, v51;
	v0 =	vmul.f32 $8.000000000e+00, v54;
	_ =	sdelay $0x1  }
0xdb: {  	v1 =	vmul.f32 $1.702000020e+00, v1;
	v0 =	vsub.f32 v2, v0;
	_ =	sdelay $0x1  }
0xdc: {  	v0 =	vmul.f32 v0, v1;
	_ =	sdelay $0x1  }
0xdd: {  	v55 =	vpop (erf);
	v0 =	vsub.f32 $0.0e+00, v0  }
0xde: {  	v1 =	vadd.f32 $1.000000000e+00, v55  }
0xdf: {  	v0 =	vmul.f32 $1.442695020e+00, v0  }
0xe0: {  	(erf) = vrcp.f32 v1  }
0xe1: {  	(erf) = vpow2.f32 v0;
	_ =	sdelay $0x7  }
0xe2: {  	v56 =	vpop (erf)  }
0xe3: {  	v57 =	vpop (erf)  }
0xe4: {  	v1 =	vadd.f32 $1.000000000e+00, v57;
	_ =	sdelay $0x1  }
0xe5: {  	(erf) = vrcp.f32 v1;
	_ =	sdelay $0x2  }
0xe6: {  	v58 =	vld [tilespmem:$0x20];
	_ =	sdelay $0x4  }
0xe7: {  	v60 =	vadd.s32 $0xFFF0C000, v58;
	v59 =	vsub.f32 $1.000000000e+00, v56  }
0xe8: {  	vm4 =	vgt.s32 v60, $0x0;
	v61 =	vpop (erf)  }
0xe9: {  	v3 =	vnsel vm4, $0x0, v60;
	v2 =	vmul.f32 v61, v59;
	_ =	sdelay $0x1  }
0xea: {  	v0 =	vadd.f32 v2, v56  }
0xeb: {  	v62 =	vld [tilespmem:$0x220]  }
0xec: {  	v63 =	vld [tilespmem:$0x820];
	[tilespmem:$0x1910] =	vst v0  }
0xed: {  	v3 =	vld.idx.msk [tilespmem:v3+s20+$0x0], $0xffff;
	_ =	sdelay $0x3  }
0xee: {  	vm5 =	vlt.s32 v58, $0xF4000  }
0xef: {  	v5 =	vadd.s32 $0xFFF0C000, v62;
	v0 =	vsel vm5, v63, v3  }
0xf0: {  	vm6 =	vgt.s32 v5, $0x0;
	v0 =	vsub.f32 $0.0e+00, v0  }
0xf1: {  	v1 =	vnsel vm6, $0x0, v5  }
0xf2: {  	v6 =	vadd.s32 $0x240, v1;
	v0 =	vmul.f32 $1.442695020e+00, v0;
	_ =	sdelay $0x1  }
0xf3: {  	(erf) = vpow2.f32 v0;
	_ =	sdelay $0x1  }
0xf4: {  	v7 =	vld [tilespmem:$0xA20]  }
0xf5: {  	v3 =	vld.idx.msk [tilespmem:v6+s20+$0x0], $0xffff;
	_ =	sdelay $0x3  }
0xf6: {  	vm7 =	vlt.s32 v62, $0xF4000  }
0xf7: {  	v0 =	vsel vm7, v7, v3  }
0xf8: {  	v0 =	vsub.f32 $0.0e+00, v0;
	v8 =	vpop (erf)  }
0xf9: {  	v2 =	vadd.f32 $1.000000000e+00, v8  }
0xfa: {  	v9 =	vadd.s32 $0x480, v1;
	v0 =	vmul.f32 $1.442695020e+00, v0  }
0xfb: {  	(erf) = vrcp.f32 v2  }
0xfc: {  	(erf) = vpow2.f32 v0;
	_ =	sdelay $0x1  }
0xfd: {  	v10 =	vld [tilespmem:$0xC20]  }
0xfe: {  	v11 =	vld.idx.msk [tilespmem:v9+s20+$0x0], $0xffff;
	_ =	sdelay $0x4  }
0xff: {  	v0 =	vsel vm7, v10, v11;
	v12 =	vpop (erf)  }
0x100: {  	v0 =	vsub.f32 $0.0e+00, v0;
	v13 =	vpop (erf)  }
0x101: {  	v3 =	vadd.f32 $1.000000000e+00, v13  }
0x102: {  	v0 =	vmul.f32 $1.442695020e+00, v0  }
0x103: {  	(erf) = vrcp.f32 v3  }
0x104: {  	(erf) = vpow2.f32 v0;
	_ =	sdelay $0x5  }
0x105: {  	v14 =	vadd.s32 $0x6C0, v1;
	_ =	sdelay $0x1  }
0x106: {  	v15 =	vpop (erf)  }
0x107: {  	v16 =	vpop (erf)  }
0x108: {  	v17 =	vld [tilespmem:$0xE20];
	v3 =	vadd.f32 $1.000000000e+00, v16  }
0x109: {  	v0 =	vld.idx.msk [tilespmem:v14+s20+$0x0], $0xffff  }
0x10a: {  	(erf) = vrcp.f32 v3;
	_ =	sdelay $0x3  }
0x10b: {  	v0 =	vsel vm7, v17, v0  }
0x10c: {  	v0 =	vsub.f32 $0.0e+00, v0;
	_ =	sdelay $0x1  }
0x10d: {  	v0 =	vmul.f32 $1.442695020e+00, v0;
	_ =	sdelay $0x1  }
0x10e: {  	v2 =	vadd.f32 $-5.000000000e-01, v12;
	v3 =	vpop (erf);
	(erf) = vpow2.f32 v0  }
0x10f: {  	v18 =	vadd.f32 $-5.000000000e-01, v3  }
0x110: {  	v2 =	vmul.f32 $8.000000000e+00, v2  }
0x111: {  	v1 =	vmul.f32 $4.000000000e+00, v15;
	v0 =	vmul.f32 $8.000000000e+00, v18;
	_ =	sdelay $0x1  }
0x112: {  	v1 =	vmul.f32 $1.702000020e+00, v1;
	v0 =	vsub.f32 v2, v0;
	_ =	sdelay $0x1  }
0x113: {  	v0 =	vmul.f32 v0, v1;
	_ =	sdelay $0x1  }
0x114: {  	v19 =	vpop (erf);
	v0 =	vsub.f32 $0.0e+00, v0  }
0x115: {  	v1 =	vadd.f32 $1.000000000e+00, v19  }
0x116: {  	v0 =	vmul.f32 $1.442695020e+00, v0  }
0x117: {  	(erf) = vrcp.f32 v1  }
0x118: {  	(erf) = vpow2.f32 v0;
	_ =	sdelay $0x7  }
0x119: {  	v20 =	vpop (erf)  }
0x11a: {  	v21 =	vpop (erf)  }
0x11b: {  	v1 =	vadd.f32 $1.000000000e+00, v21;
	_ =	sdelay $0x1  }
0x11c: {  	(erf) = vrcp.f32 v1;
	_ =	sdelay $0x2  }
0x11d: {  	v22 =	vld [tilespmem:$0x30];
	_ =	sdelay $0x4  }
0x11e: {  	v24 =	vadd.s32 $0xFFF0C000, v22;
	v23 =	vsub.f32 $1.000000000e+00, v20  }
0x11f: {  	vm8 =	vgt.s32 v24, $0x0;
	v25 =	vpop (erf)  }
0x120: {  	v3 =	vnsel vm8, $0x0, v24;
	v2 =	vmul.f32 v25, v23;
	_ =	sdelay $0x1  }
0x121: {  	v0 =	vadd.f32 v2, v20  }
0x122: {  	v26 =	vld [tilespmem:$0x230]  }
0x123: {  	v27 =	vld [tilespmem:$0x830];
	[tilespmem:$0x1920] =	vst v0  }
0x124: {  	v3 =	vld.idx.msk [tilespmem:v3+s20+$0x0], $0xffff;
	_ =	sdelay $0x3  }
0x125: {  	vm9 =	vlt.s32 v22, $0xF4000  }
0x126: {  	v28 =	vadd.s32 $0xFFF0C000, v26;
	v0 =	vsel vm9, v27, v3  }
0x127: {  	vm10 =	vgt.s32 v28, $0x0;
	v0 =	vsub.f32 $0.0e+00, v0  }
0x128: {  	v1 =	vnsel vm10, $0x0, v28  }
0x129: {  	v29 =	vadd.s32 $0x240, v1;
	v0 =	vmul.f32 $1.442695020e+00, v0;
	_ =	sdelay $0x1  }
0x12a: {  	(erf) = vpow2.f32 v0;
	_ =	sdelay $0x1  }
0x12b: {  	v30 =	vld [tilespmem:$0xA30]  }
0x12c: {  	v3 =	vld.idx.msk [tilespmem:v29+s20+$0x0], $0xffff;
	_ =	sdelay $0x3  }
0x12d: {  	vm11 =	vlt.s32 v26, $0xF4000  }
0x12e: {  	v0 =	vsel vm11, v30, v3  }
0x12f: {  	v0 =	vsub.f32 $0.0e+00, v0;
	v31 =	vpop (erf)  }
0x130: {  	v2 =	vadd.f32 $1.000000000e+00, v31  }
0x131: {  	v32 =	vadd.s32 $0x480, v1;
	v0 =	vmul.f32 $1.442695020e+00, v0  }
0x132: {  	(erf) = vrcp.f32 v2  }
0x133: {  	(erf) = vpow2.f32 v0;
	_ =	sdelay $0x1  }
0x134: {  	v33 =	vld [tilespmem:$0xC30]  }
0x135: {  	v34 =	vld.idx.msk [tilespmem:v32+s20+$0x0], $0xffff;
	_ =	sdelay $0x4  }
0x136: {  	v0 =	vsel vm11, v33, v34;
	v35 =	vpop (erf)  }
0x137: {  	v0 =	vsub.f32 $0.0e+00, v0;
	v36 =	vpop (erf)  }
0x138: {  	v3 =	vadd.f32 $1.000000000e+00, v36  }
0x139: {  	v0 =	vmul.f32 $1.442695020e+00, v0  }
0x13a: {  	(erf) = vrcp.f32 v3  }
0x13b: {  	(erf) = vpow2.f32 v0;
	_ =	sdelay $0x5  }
0x13c: {  	v37 =	vadd.s32 $0x6C0, v1;
	_ =	sdelay $0x1  }
0x13d: {  	v38 =	vpop (erf)  }
0x13e: {  	v39 =	vpop (erf)  }
0x13f: {  	v40 =	vld [tilespmem:$0xE30];
	v3 =	vadd.f32 $1.000000000e+00, v39  }
0x140: {  	v0 =	vld.idx.msk [tilespmem:v37+s20+$0x0], $0xffff  }
0x141: {  	(erf) = vrcp.f32 v3;
	_ =	sdelay $0x3  }
0x142: {  	v0 =	vsel vm11, v40, v0  }
0x143: {  	v0 =	vsub.f32 $0.0e+00, v0;
	_ =	sdelay $0x1  }
0x144: {  	v0 =	vmul.f32 $1.442695020e+00, v0;
	_ =	sdelay $0x1  }
0x145: {  	v2 =	vadd.f32 $-5.000000000e-01, v35;
	v3 =	vpop (erf);
	(erf) = vpow2.f32 v0  }
0x146: {  	v41 =	vadd.f32 $-5.000000000e-01, v3  }
0x147: {  	v2 =	vmul.f32 $8.000000000e+00, v2  }
0x148: {  	v1 =	vmul.f32 $4.000000000e+00, v38;
	v0 =	vmul.f32 $8.000000000e+00, v41;
	_ =	sdelay $0x1  }
0x149: {  	v1 =	vmul.f32 $1.702000020e+00, v1;
	v0 =	vsub.f32 v2, v0;
	_ =	sdelay $0x1  }
0x14a: {  	v0 =	vmul.f32 v0, v1;
	_ =	sdelay $0x1  }
0x14b: {  	v42 =	vpop (erf);
	v0 =	vsub.f32 $0.0e+00, v0  }
0x14c: {  	v1 =	vadd.f32 $1.000000000e+00, v42  }
0x14d: {  	v0 =	vmul.f32 $1.442695020e+00, v0  }
0x14e: {  	(erf) = vrcp.f32 v1  }
0x14f: {  	(erf) = vpow2.f32 v0;
	_ =	sdelay $0x7  }
0x150: {  	v43 =	vpop (erf)  }
0x151: {  	v44 =	vpop (erf)  }
0x152: {  	v1 =	vadd.f32 $1.000000000e+00, v44;
	_ =	sdelay $0x1  }
0x153: {  	(erf) = vrcp.f32 v1;
	_ =	sdelay $0x2  }
0x154: {  	v45 =	vld [tilespmem:$0x40];
	_ =	sdelay $0x4  }
0x155: {  	v47 =	vadd.s32 $0xFFF0C000, v45;
	v46 =	vsub.f32 $1.000000000e+00, v43  }
0x156: {  	vm12 =	vgt.s32 v47, $0x0;
	v48 =	vpop (erf)  }
0x157: {  	v3 =	vnsel vm12, $0x0, v47;
	v2 =	vmul.f32 v48, v46;
	_ =	sdelay $0x1  }
0x158: {  	v0 =	vadd.f32 v2, v43  }
0x159: {  	v49 =	vld [tilespmem:$0x240]  }
0x15a: {  	v50 =	vld [tilespmem:$0x840];
	[tilespmem:$0x1930] =	vst v0  }
0x15b: {  	v3 =	vld.idx.msk [tilespmem:v3+s20+$0x0], $0xffff;
	_ =	sdelay $0x3  }
0x15c: {  	vm13 =	vlt.s32 v45, $0xF4000  }
0x15d: {  	v51 =	vadd.s32 $0xFFF0C000, v49;
	v0 =	vsel vm13, v50, v3  }
0x15e: {  	vm14 =	vgt.s32 v51, $0x0;
	v0 =	vsub.f32 $0.0e+00, v0  }
0x15f: {  	v1 =	vnsel vm14, $0x0, v51  }
0x160: {  	v52 =	vadd.s32 $0x240, v1;
	v0 =	vmul.f32 $1.442695020e+00, v0;
	_ =	sdelay $0x1  }
0x161: {  	(erf) = vpow2.f32 v0;
	_ =	sdelay $0x1  }
0x162: {  	v53 =	vld [tilespmem:$0xA40]  }
0x163: {  	v3 =	vld.idx.msk [tilespmem:v52+s20+$0x0], $0xffff;
	_ =	sdelay $0x3  }
0x164: {  	vm15 =	vlt.s32 v49, $0xF4000  }
0x165: {  	v0 =	vsel vm15, v53, v3  }
0x166: {  	v0 =	vsub.f32 $0.0e+00, v0;
	v54 =	vpop (erf)  }
0x167: {  	v2 =	vadd.f32 $1.000000000e+00, v54  }
0x168: {  	v55 =	vadd.s32 $0x480, v1;
	v0 =	vmul.f32 $1.442695020e+00, v0  }
0x169: {  	(erf) = vrcp.f32 v2  }
0x16a: {  	(erf) = vpow2.f32 v0;
	_ =	sdelay $0x1  }
0x16b: {  	v56 =	vld [tilespmem:$0xC40]  }
0x16c: {  	v57 =	vld.idx.msk [tilespmem:v55+s20+$0x0], $0xffff;
	_ =	sdelay $0x4  }
0x16d: {  	v0 =	vsel vm15, v56, v57;
	v58 =	vpop (erf)  }
0x16e: {  	v0 =	vsub.f32 $0.0e+00, v0;
	v59 =	vpop (erf)  }
0x16f: {  	v3 =	vadd.f32 $1.000000000e+00, v59  }
0x170: {  	v0 =	vmul.f32 $1.442695020e+00, v0  }
0x171: {  	(erf) = vrcp.f32 v3  }
0x172: {  	(erf) = vpow2.f32 v0;
	_ =	sdelay $0x5  }
0x173: {  	v60 =	vadd.s32 $0x6C0, v1;
	_ =	sdelay $0x1  }
0x174: {  	v61 =	vpop (erf)  }
0x175: {  	v62 =	vpop (erf)  }
0x176: {  	v63 =	vld [tilespmem:$0xE40];
	v3 =	vadd.f32 $1.000000000e+00, v62  }
0x177: {  	v0 =	vld.idx.msk [tilespmem:v60+s20+$0x0], $0xffff  }
0x178: {  	(erf) = vrcp.f32 v3;
	_ =	sdelay $0x3  }
0x179: {  	v0 =	vsel vm15, v63, v0  }
0x17a: {  	v0 =	vsub.f32 $0.0e+00, v0;
	_ =	sdelay $0x1  }
0x17b: {  	v0 =	vmul.f32 $1.442695020e+00, v0;
	_ =	sdelay $0x1  }
0x17c: {  	v2 =	vadd.f32 $-5.000000000e-01, v58;
	v3 =	vpop (erf);
	(erf) = vpow2.f32 v0  }
0x17d: {  	v8 =	vadd.f32 $-5.000000000e-01, v3  }
0x17e: {  	v2 =	vmul.f32 $8.000000000e+00, v2  }
0x17f: {  	v1 =	vmul.f32 $4.000000000e+00, v61;
	v0 =	vmul.f32 $8.000000000e+00, v8;
	_ =	sdelay $0x1  }
0x180: {  	v1 =	vmul.f32 $1.702000020e+00, v1;
	v0 =	vsub.f32 v2, v0;
	_ =	sdelay $0x1  }
0x181: {  	v0 =	vmul.f32 v0, v1;
	_ =	sdelay $0x1  }
0x182: {  	v9 =	vpop (erf);
	v0 =	vsub.f32 $0.0e+00, v0  }
0x183: {  	v1 =	vadd.f32 $1.000000000e+00, v9  }
0x184: {  	v0 =	vmul.f32 $1.442695020e+00, v0  }
0x185: {  	(erf) = vrcp.f32 v1  }
0x186: {  	(erf) = vpow2.f32 v0;
	_ =	sdelay $0x7  }
0x187: {  	v10 =	vpop (erf)  }
0x188: {  	v11 =	vpop (erf)  }
0x189: {  	v1 =	vadd.f32 $1.000000000e+00, v11;
	_ =	sdelay $0x1  }
0x18a: {  	(erf) = vrcp.f32 v1;
	_ =	sdelay $0x2  }
0x18b: {  	v12 =	vld [tilespmem:$0x50];
	_ =	sdelay $0x4  }
0x18c: {  	v14 =	vadd.s32 $0xFFF0C000, v12;
	v13 =	vsub.f32 $1.000000000e+00, v10  }
0x18d: {  	vm4 =	vgt.s32 v14, $0x0;
	v15 =	vpop (erf)  }
0x18e: {  	v3 =	vnsel vm4, $0x0, v14;
	v2 =	vmul.f32 v15, v13;
	_ =	sdelay $0x1  }
0x18f: {  	v0 =	vadd.f32 v2, v10  }
0x190: {  	v17 =	vld [tilespmem:$0x850]  }
0x191: {  	v16 =	vld [tilespmem:$0x250];
	[tilespmem:$0x1940] =	vst v0  }
0x192: {  	v3 =	vld.idx.msk [tilespmem:v3+s20+$0x0], $0xffff;
	_ =	sdelay $0x3  }
0x193: {  	vm5 =	vlt.s32 v12, $0xF4000  }
0x194: {  	v18 =	vadd.s32 $0xFFF0C000, v16;
	v0 =	vsel vm5, v17, v3  }
0x195: {  	vm6 =	vgt.s32 v18, $0x0;
	v0 =	vsub.f32 $0.0e+00, v0  }
0x196: {  	v1 =	vnsel vm6, $0x0, v18  }
0x197: {  	v19 =	vadd.s32 $0x240, v1;
	v0 =	vmul.f32 $1.442695020e+00, v0;
	_ =	sdelay $0x1  }
0x198: {  	(erf) = vpow2.f32 v0;
	_ =	sdelay $0x1  }
0x199: {  	v20 =	vld [tilespmem:$0xA50]  }
0x19a: {  	v3 =	vld.idx.msk [tilespmem:v19+s20+$0x0], $0xffff;
	_ =	sdelay $0x3  }
0x19b: {  	vm7 =	vlt.s32 v16, $0xF4000  }
0x19c: {  	v0 =	vsel vm7, v20, v3  }
0x19d: {  	v0 =	vsub.f32 $0.0e+00, v0;
	v21 =	vpop (erf)  }
0x19e: {  	v2 =	vadd.f32 $1.000000000e+00, v21  }
0x19f: {  	v22 =	vadd.s32 $0x480, v1;
	v0 =	vmul.f32 $1.442695020e+00, v0  }
0x1a0: {  	(erf) = vrcp.f32 v2  }
0x1a1: {  	(erf) = vpow2.f32 v0;
	_ =	sdelay $0x1  }
0x1a2: {  	v23 =	vld [tilespmem:$0xC50]  }
0x1a3: {  	v24 =	vld.idx.msk [tilespmem:v22+s20+$0x0], $0xffff;
	_ =	sdelay $0x4  }
0x1a4: {  	v0 =	vsel vm7, v23, v24;
	v25 =	vpop (erf)  }
0x1a5: {  	v0 =	vsub.f32 $0.0e+00, v0;
	v26 =	vpop (erf)  }
0x1a6: {  	v3 =	vadd.f32 $1.000000000e+00, v26  }
0x1a7: {  	v0 =	vmul.f32 $1.442695020e+00, v0  }
0x1a8: {  	(erf) = vrcp.f32 v3  }
0x1a9: {  	(erf) = vpow2.f32 v0;
	_ =	sdelay $0x5  }
0x1aa: {  	v27 =	vadd.s32 $0x6C0, v1;
	_ =	sdelay $0x1  }
0x1ab: {  	v28 =	vpop (erf)  }
0x1ac: {  	v29 =	vpop (erf)  }
0x1ad: {  	v30 =	vld [tilespmem:$0xE50];
	v3 =	vadd.f32 $1.000000000e+00, v29  }
0x1ae: {  	v0 =	vld.idx.msk [tilespmem:v27+s20+$0x0], $0xffff  }
0x1af: {  	(erf) = vrcp.f32 v3;
	_ =	sdelay $0x3  }
0x1b0: {  	v0 =	vsel vm7, v30, v0  }
0x1b1: {  	v0 =	vsub.f32 $0.0e+00, v0;
	_ =	sdelay $0x1  }
0x1b2: {  	v0 =	vmul.f32 $1.442695020e+00, v0;
	_ =	sdelay $0x1  }
0x1b3: {  	v2 =	vadd.f32 $-5.000000000e-01, v25;
	v3 =	vpop (erf);
	(erf) = vpow2.f32 v0  }
0x1b4: {  	v31 =	vadd.f32 $-5.000000000e-01, v3  }
0x1b5: {  	v2 =	vmul.f32 $8.000000000e+00, v2  }
0x1b6: {  	v1 =	vmul.f32 $4.000000000e+00, v28;
	v0 =	vmul.f32 $8.000000000e+00, v31;
	_ =	sdelay $0x1  }
0x1b7: {  	v1 =	vmul.f32 $1.702000020e+00, v1;
	v0 =	vsub.f32 v2, v0;
	_ =	sdelay $0x1  }
0x1b8: {  	v0 =	vmul.f32 v0, v1;
	_ =	sdelay $0x1  }
0x1b9: {  	v32 =	vpop (erf);
	v0 =	vsub.f32 $0.0e+00, v0  }
0x1ba: {  	v1 =	vadd.f32 $1.000000000e+00, v32  }
0x1bb: {  	v0 =	vmul.f32 $1.442695020e+00, v0  }
0x1bc: {  	(erf) = vrcp.f32 v1  }
0x1bd: {  	(erf) = vpow2.f32 v0;
	_ =	sdelay $0x7  }
0x1be: {  	v33 =	vpop (erf)  }
0x1bf: {  	v34 =	vpop (erf)  }
0x1c0: {  	v1 =	vadd.f32 $1.000000000e+00, v34;
	_ =	sdelay $0x1  }
0x1c1: {  	(erf) = vrcp.f32 v1;
	_ =	sdelay $0x2  }
0x1c2: {  	v35 =	vld [tilespmem:$0x60];
	_ =	sdelay $0x4  }
0x1c3: {  	v37 =	vadd.s32 $0xFFF0C000, v35;
	v36 =	vsub.f32 $1.000000000e+00, v33  }
0x1c4: {  	vm8 =	vgt.s32 v37, $0x0;
	v38 =	vpop (erf)  }
0x1c5: {  	v3 =	vnsel vm8, $0x0, v37;
	v2 =	vmul.f32 v38, v36;
	_ =	sdelay $0x1  }
0x1c6: {  	v0 =	vadd.f32 v2, v33  }
0x1c7: {  	v40 =	vld [tilespmem:$0x860]  }
0x1c8: {  	v39 =	vld [tilespmem:$0x260];
	[tilespmem:$0x1950] =	vst v0  }
0x1c9: {  	v3 =	vld.idx.msk [tilespmem:v3+s20+$0x0], $0xffff;
	_ =	sdelay $0x3  }
0x1ca: {  	vm9 =	vlt.s32 v35, $0xF4000  }
0x1cb: {  	v41 =	vadd.s32 $0xFFF0C000, v39;
	v0 =	vsel vm9, v40, v3  }
0x1cc: {  	vm10 =	vgt.s32 v41, $0x0;
	v0 =	vsub.f32 $0.0e+00, v0  }
0x1cd: {  	v1 =	vnsel vm10, $0x0, v41  }
0x1ce: {  	v42 =	vadd.s32 $0x240, v1;
	v0 =	vmul.f32 $1.442695020e+00, v0;
	_ =	sdelay $0x1  }
0x1cf: {  	(erf) = vpow2.f32 v0;
	_ =	sdelay $0x1  }
0x1d0: {  	v43 =	vld [tilespmem:$0xA60]  }
0x1d1: {  	v3 =	vld.idx.msk [tilespmem:v42+s20+$0x0], $0xffff;
	_ =	sdelay $0x3  }
0x1d2: {  	vm11 =	vlt.s32 v39, $0xF4000  }
0x1d3: {  	v0 =	vsel vm11, v43, v3  }
0x1d4: {  	v0 =	vsub.f32 $0.0e+00, v0;
	v44 =	vpop (erf)  }
0x1d5: {  	v2 =	vadd.f32 $1.000000000e+00, v44  }
0x1d6: {  	v45 =	vadd.s32 $0x480, v1;
	v0 =	vmul.f32 $1.442695020e+00, v0  }
0x1d7: {  	(erf) = vrcp.f32 v2  }
0x1d8: {  	(erf) = vpow2.f32 v0;
	_ =	sdelay $0x1  }
0x1d9: {  	v46 =	vld [tilespmem:$0xC60]  }
0x1da: {  	v47 =	vld.idx.msk [tilespmem:v45+s20+$0x0], $0xffff;
	_ =	sdelay $0x4  }
0x1db: {  	v0 =	vsel vm11, v46, v47;
	v48 =	vpop (erf)  }
0x1dc: {  	v0 =	vsub.f32 $0.0e+00, v0;
	v49 =	vpop (erf)  }
0x1dd: {  	v3 =	vadd.f32 $1.000000000e+00, v49  }
0x1de: {  	v0 =	vmul.f32 $1.442695020e+00, v0  }
0x1df: {  	(erf) = vrcp.f32 v3  }
0x1e0: {  	(erf) = vpow2.f32 v0;
	_ =	sdelay $0x5  }
0x1e1: {  	v50 =	vadd.s32 $0x6C0, v1;
	_ =	sdelay $0x1  }
0x1e2: {  	v51 =	vpop (erf)  }
0x1e3: {  	v52 =	vpop (erf)  }
0x1e4: {  	v53 =	vld [tilespmem:$0xE60];
	v3 =	vadd.f32 $1.000000000e+00, v52  }
0x1e5: {  	v0 =	vld.idx.msk [tilespmem:v50+s20+$0x0], $0xffff  }
0x1e6: {  	(erf) = vrcp.f32 v3;
	_ =	sdelay $0x3  }
0x1e7: {  	v0 =	vsel vm11, v53, v0  }
0x1e8: {  	v0 =	vsub.f32 $0.0e+00, v0;
	_ =	sdelay $0x1  }
0x1e9: {  	v0 =	vmul.f32 $1.442695020e+00, v0;
	_ =	sdelay $0x1  }
0x1ea: {  	v2 =	vadd.f32 $-5.000000000e-01, v48;
	v3 =	vpop (erf);
	(erf) = vpow2.f32 v0  }
0x1eb: {  	v54 =	vadd.f32 $-5.000000000e-01, v3  }
0x1ec: {  	v2 =	vmul.f32 $8.000000000e+00, v2  }
0x1ed: {  	v1 =	vmul.f32 $4.000000000e+00, v51;
	v0 =	vmul.f32 $8.000000000e+00, v54;
	_ =	sdelay $0x1  }
0x1ee: {  	v1 =	vmul.f32 $1.702000020e+00, v1;
	v0 =	vsub.f32 v2, v0;
	_ =	sdelay $0x1  }
0x1ef: {  	v0 =	vmul.f32 v0, v1;
	_ =	sdelay $0x1  }
0x1f0: {  	v55 =	vpop (erf);
	v0 =	vsub.f32 $0.0e+00, v0  }
0x1f1: {  	v1 =	vadd.f32 $1.000000000e+00, v55  }
0x1f2: {  	v0 =	vmul.f32 $1.442695020e+00, v0  }
0x1f3: {  	(erf) = vrcp.f32 v1  }
0x1f4: {  	(erf) = vpow2.f32 v0;
	_ =	sdelay $0x7  }
0x1f5: {  	v56 =	vpop (erf)  }
0x1f6: {  	v57 =	vpop (erf)  }
0x1f7: {  	v1 =	vadd.f32 $1.000000000e+00, v57;
	_ =	sdelay $0x1  }
0x1f8: {  	(erf) = vrcp.f32 v1;
	_ =	sdelay $0x2  }
0x1f9: {  	v58 =	vld [tilespmem:$0x70];
	_ =	sdelay $0x4  }
0x1fa: {  	v60 =	vadd.s32 $0xFFF0C000, v58;
	v59 =	vsub.f32 $1.000000000e+00, v56  }
0x1fb: {  	vm12 =	vgt.s32 v60, $0x0;
	v61 =	vpop (erf)  }
0x1fc: {  	v3 =	vnsel vm12, $0x0, v60;
	v2 =	vmul.f32 v61, v59;
	_ =	sdelay $0x1  }
0x1fd: {  	v0 =	vadd.f32 v2, v56  }
0x1fe: {  	v63 =	vld [tilespmem:$0x870]  }
0x1ff: {  	v62 =	vld [tilespmem:$0x270];
	[tilespmem:$0x1960] =	vst v0  }
0x200: {  	v3 =	vld.idx.msk [tilespmem:v3+s20+$0x0], $0xffff;
	_ =	sdelay $0x3  }
0x201: {  	vm13 =	vlt.s32 v58, $0xF4000  }
0x202: {  	v6 =	vadd.s32 $0xFFF0C000, v62;
	v0 =	vsel vm13, v63, v3  }
0x203: {  	vm14 =	vgt.s32 v6, $0x0;
	v0 =	vsub.f32 $0.0e+00, v0  }
0x204: {  	v1 =	vnsel vm14, $0x0, v6  }
0x205: {  	v7 =	vadd.s32 $0x240, v1;
	v0 =	vmul.f32 $1.442695020e+00, v0;
	_ =	sdelay $0x1  }
0x206: {  	(erf) = vpow2.f32 v0;
	_ =	sdelay $0x1  }
0x207: {  	v8 =	vld [tilespmem:$0xA70]  }
0x208: {  	v3 =	vld.idx.msk [tilespmem:v7+s20+$0x0], $0xffff;
	_ =	sdelay $0x3  }
0x209: {  	vm15 =	vlt.s32 v62, $0xF4000  }
0x20a: {  	v0 =	vsel vm15, v8, v3  }
0x20b: {  	v0 =	vsub.f32 $0.0e+00, v0;
	v9 =	vpop (erf)  }
0x20c: {  	v2 =	vadd.f32 $1.000000000e+00, v9  }
0x20d: {  	v10 =	vadd.s32 $0x480, v1;
	v0 =	vmul.f32 $1.442695020e+00, v0  }
0x20e: {  	(erf) = vrcp.f32 v2  }
0x20f: {  	(erf) = vpow2.f32 v0;
	_ =	sdelay $0x1  }
0x210: {  	v11 =	vld [tilespmem:$0xC70]  }
0x211: {  	v12 =	vld.idx.msk [tilespmem:v10+s20+$0x0], $0xffff;
	_ =	sdelay $0x4  }
0x212: {  	v0 =	vsel vm15, v11, v12;
	v13 =	vpop (erf)  }
0x213: {  	v0 =	vsub.f32 $0.0e+00, v0;
	v14 =	vpop (erf)  }
0x214: {  	v3 =	vadd.f32 $1.000000000e+00, v14  }
0x215: {  	v0 =	vmul.f32 $1.442695020e+00, v0  }
0x216: {  	(erf) = vrcp.f32 v3  }
0x217: {  	(erf) = vpow2.f32 v0;
	_ =	sdelay $0x5  }
0x218: {  	v15 =	vadd.s32 $0x6C0, v1;
	_ =	sdelay $0x1  }
0x219: {  	v16 =	vpop (erf)  }
0x21a: {  	v17 =	vpop (erf)  }
0x21b: {  	v18 =	vld [tilespmem:$0xE70];
	v3 =	vadd.f32 $1.000000000e+00, v17  }
0x21c: {  	v0 =	vld.idx.msk [tilespmem:v15+s20+$0x0], $0xffff  }
0x21d: {  	(erf) = vrcp.f32 v3;
	_ =	sdelay $0x3  }
0x21e: {  	v0 =	vsel vm15, v18, v0  }
0x21f: {  	v0 =	vsub.f32 $0.0e+00, v0;
	_ =	sdelay $0x1  }
0x220: {  	v0 =	vmul.f32 $1.442695020e+00, v0;
	_ =	sdelay $0x1  }
0x221: {  	v2 =	vadd.f32 $-5.000000000e-01, v13;
	v3 =	vpop (erf);
	(erf) = vpow2.f32 v0  }
0x222: {  	v19 =	vadd.f32 $-5.000000000e-01, v3  }
0x223: {  	v2 =	vmul.f32 $8.000000000e+00, v2  }
0x224: {  	v1 =	vmul.f32 $4.000000000e+00, v16;
	v0 =	vmul.f32 $8.000000000e+00, v19;
	_ =	sdelay $0x1  }
0x225: {  	v1 =	vmul.f32 $1.702000020e+00, v1;
	v0 =	vsub.f32 v2, v0;
	_ =	sdelay $0x1  }
0x226: {  	v0 =	vmul.f32 v0, v1;
	_ =	sdelay $0x1  }
0x227: {  	v20 =	vpop (erf);
	v0 =	vsub.f32 $0.0e+00, v0  }
0x228: {  	v1 =	vadd.f32 $1.000000000e+00, v20  }
0x229: {  	v0 =	vmul.f32 $1.442695020e+00, v0  }
0x22a: {  	(erf) = vrcp.f32 v1  }
0x22b: {  	(erf) = vpow2.f32 v0;
	_ =	sdelay $0x7  }
0x22c: {  	v21 =	vpop (erf)  }
0x22d: {  	v22 =	vpop (erf)  }
0x22e: {  	v1 =	vadd.f32 $1.000000000e+00, v22;
	_ =	sdelay $0x1  }
0x22f: {  	(erf) = vrcp.f32 v1;
	_ =	sdelay $0x2  }
0x230: {  	v23 =	vld [tilespmem:$0x80];
	_ =	sdelay $0x4  }
0x231: {  	v25 =	vadd.s32 $0xFFF0C000, v23;
	v24 =	vsub.f32 $1.000000000e+00, v21  }
0x232: {  	vm4 =	vgt.s32 v25, $0x0;
	v26 =	vpop (erf)  }
0x233: {  	v3 =	vnsel vm4, $0x0, v25;
	v2 =	vmul.f32 v26, v24;
	_ =	sdelay $0x1  }
0x234: {  	v0 =	vadd.f32 v2, v21  }
0x235: {  	v27 =	vld [tilespmem:$0x280]  }
0x236: {  	v28 =	vld [tilespmem:$0x880];
	[tilespmem:$0x1970] =	vst v0  }
0x237: {  	v3 =	vld.idx.msk [tilespmem:v3+s20+$0x0], $0xffff;
	_ =	sdelay $0x3  }
0x238: {  	vm5 =	vlt.s32 v23, $0xF4000  }
0x239: {  	v29 =	vadd.s32 $0xFFF0C000, v27;
	v0 =	vsel vm5, v28, v3  }
0x23a: {  	vm6 =	vgt.s32 v29, $0x0;
	v0 =	vsub.f32 $0.0e+00, v0  }
0x23b: {  	v1 =	vnsel vm6, $0x0, v29  }
0x23c: {  	v30 =	vadd.s32 $0x240, v1;
	v0 =	vmul.f32 $1.442695020e+00, v0;
	_ =	sdelay $0x1  }
0x23d: {  	(erf) = vpow2.f32 v0;
	_ =	sdelay $0x1  }
0x23e: {  	v31 =	vld [tilespmem:$0xA80]  }
0x23f: {  	v3 =	vld.idx.msk [tilespmem:v30+s20+$0x0], $0xffff;
	_ =	sdelay $0x3  }
0x240: {  	vm7 =	vlt.s32 v27, $0xF4000  }
0x241: {  	v0 =	vsel vm7, v31, v3  }
0x242: {  	v0 =	vsub.f32 $0.0e+00, v0;
	v32 =	vpop (erf)  }
0x243: {  	v2 =	vadd.f32 $1.000000000e+00, v32  }
0x244: {  	v33 =	vadd.s32 $0x480, v1;
	v0 =	vmul.f32 $1.442695020e+00, v0  }
0x245: {  	(erf) = vrcp.f32 v2  }
0x246: {  	(erf) = vpow2.f32 v0;
	_ =	sdelay $0x1  }
0x247: {  	v34 =	vld [tilespmem:$0xC80]  }
0x248: {  	v35 =	vld.idx.msk [tilespmem:v33+s20+$0x0], $0xffff;
	_ =	sdelay $0x4  }
0x249: {  	v0 =	vsel vm7, v34, v35;
	v36 =	vpop (erf)  }
0x24a: {  	v0 =	vsub.f32 $0.0e+00, v0;
	v37 =	vpop (erf)  }
0x24b: {  	v3 =	vadd.f32 $1.000000000e+00, v37  }
0x24c: {  	v0 =	vmul.f32 $1.442695020e+00, v0  }
0x24d: {  	(erf) = vrcp.f32 v3  }
0x24e: {  	(erf) = vpow2.f32 v0;
	_ =	sdelay $0x5  }
0x24f: {  	v38 =	vadd.s32 $0x6C0, v1;
	_ =	sdelay $0x1  }
0x250: {  	v39 =	vpop (erf)  }
0x251: {  	v40 =	vpop (erf)  }
0x252: {  	v41 =	vld [tilespmem:$0xE80];
	v3 =	vadd.f32 $1.000000000e+00, v40  }
0x253: {  	v0 =	vld.idx.msk [tilespmem:v38+s20+$0x0], $0xffff  }
0x254: {  	(erf) = vrcp.f32 v3;
	_ =	sdelay $0x3  }
0x255: {  	v0 =	vsel vm7, v41, v0  }
0x256: {  	v0 =	vsub.f32 $0.0e+00, v0;
	_ =	sdelay $0x1  }
0x257: {  	v0 =	vmul.f32 $1.442695020e+00, v0;
	_ =	sdelay $0x1  }
0x258: {  	v2 =	vadd.f32 $-5.000000000e-01, v36;
	v3 =	vpop (erf);
	(erf) = vpow2.f32 v0  }
0x259: {  	v42 =	vadd.f32 $-5.000000000e-01, v3  }
0x25a: {  	v2 =	vmul.f32 $8.000000000e+00, v2  }
0x25b: {  	v1 =	vmul.f32 $4.000000000e+00, v39;
	v0 =	vmul.f32 $8.000000000e+00, v42;
	_ =	sdelay $0x1  }
0x25c: {  	v1 =	vmul.f32 $1.702000020e+00, v1;
	v0 =	vsub.f32 v2, v0;
	_ =	sdelay $0x1  }
0x25d: {  	v0 =	vmul.f32 v0, v1;
	_ =	sdelay $0x1  }
0x25e: {  	v43 =	vpop (erf);
	v0 =	vsub.f32 $0.0e+00, v0  }
0x25f: {  	v1 =	vadd.f32 $1.000000000e+00, v43  }
0x260: {  	v0 =	vmul.f32 $1.442695020e+00, v0  }
0x261: {  	(erf) = vrcp.f32 v1  }
0x262: {  	(erf) = vpow2.f32 v0;
	_ =	sdelay $0x7  }
0x263: {  	v44 =	vpop (erf)  }
0x264: {  	v45 =	vpop (erf)  }
0x265: {  	v1 =	vadd.f32 $1.000000000e+00, v45;
	_ =	sdelay $0x1  }
0x266: {  	(erf) = vrcp.f32 v1;
	_ =	sdelay $0x2  }
0x267: {  	v46 =	vld [tilespmem:$0x90];
	_ =	sdelay $0x4  }
0x268: {  	v48 =	vadd.s32 $0xFFF0C000, v46;
	v47 =	vsub.f32 $1.000000000e+00, v44  }
0x269: {  	vm8 =	vgt.s32 v48, $0x0;
	v49 =	vpop (erf)  }
0x26a: {  	v3 =	vnsel vm8, $0x0, v48;
	v2 =	vmul.f32 v49, v47;
	_ =	sdelay $0x1  }
0x26b: {  	v0 =	vadd.f32 v2, v44  }
0x26c: {  	v50 =	vld [tilespmem:$0x290]  }
0x26d: {  	v51 =	vld [tilespmem:$0x890];
	[tilespmem:$0x1980] =	vst v0  }
0x26e: {  	v3 =	vld.idx.msk [tilespmem:v3+s20+$0x0], $0xffff;
	_ =	sdelay $0x3  }
0x26f: {  	vm9 =	vlt.s32 v46, $0xF4000  }
0x270: {  	v52 =	vadd.s32 $0xFFF0C000, v50;
	v0 =	vsel vm9, v51, v3  }
0x271: {  	vm10 =	vgt.s32 v52, $0x0;
	v0 =	vsub.f32 $0.0e+00, v0  }
0x272: {  	v1 =	vnsel vm10, $0x0, v52  }
0x273: {  	v53 =	vadd.s32 $0x240, v1;
	v0 =	vmul.f32 $1.442695020e+00, v0;
	_ =	sdelay $0x1  }
0x274: {  	(erf) = vpow2.f32 v0;
	_ =	sdelay $0x1  }
0x275: {  	v54 =	vld [tilespmem:$0xA90]  }
0x276: {  	v3 =	vld.idx.msk [tilespmem:v53+s20+$0x0], $0xffff;
	_ =	sdelay $0x3  }
0x277: {  	vm11 =	vlt.s32 v50, $0xF4000  }
0x278: {  	v0 =	vsel vm11, v54, v3  }
0x279: {  	v0 =	vsub.f32 $0.0e+00, v0;
	v55 =	vpop (erf)  }
0x27a: {  	v2 =	vadd.f32 $1.000000000e+00, v55  }
0x27b: {  	v56 =	vadd.s32 $0x480, v1;
	v0 =	vmul.f32 $1.442695020e+00, v0  }
0x27c: {  	(erf) = vrcp.f32 v2  }
0x27d: {  	(erf) = vpow2.f32 v0;
	_ =	sdelay $0x1  }
0x27e: {  	v57 =	vld [tilespmem:$0xC90]  }
0x27f: {  	v58 =	vld.idx.msk [tilespmem:v56+s20+$0x0], $0xffff;
	_ =	sdelay $0x4  }
0x280: {  	v0 =	vsel vm11, v57, v58;
	v59 =	vpop (erf)  }
0x281: {  	v0 =	vsub.f32 $0.0e+00, v0;
	v60 =	vpop (erf)  }
0x282: {  	v3 =	vadd.f32 $1.000000000e+00, v60  }
0x283: {  	v0 =	vmul.f32 $1.442695020e+00, v0  }
0x284: {  	(erf) = vrcp.f32 v3  }
0x285: {  	(erf) = vpow2.f32 v0;
	_ =	sdelay $0x5  }
0x286: {  	v61 =	vadd.s32 $0x6C0, v1;
	_ =	sdelay $0x1  }
0x287: {  	v62 =	vpop (erf)  }
0x288: {  	v63 =	vpop (erf)  }
0x289: {  	v8 =	vld [tilespmem:$0xE90];
	v3 =	vadd.f32 $1.000000000e+00, v63  }
0x28a: {  	v0 =	vld.idx.msk [tilespmem:v61+s20+$0x0], $0xffff  }
0x28b: {  	(erf) = vrcp.f32 v3;
	_ =	sdelay $0x3  }
0x28c: {  	v0 =	vsel vm11, v8, v0  }
0x28d: {  	v0 =	vsub.f32 $0.0e+00, v0;
	_ =	sdelay $0x1  }
0x28e: {  	v0 =	vmul.f32 $1.442695020e+00, v0;
	_ =	sdelay $0x1  }
0x28f: {  	v2 =	vadd.f32 $-5.000000000e-01, v59;
	v3 =	vpop (erf);
	(erf) = vpow2.f32 v0  }
0x290: {  	v9 =	vadd.f32 $-5.000000000e-01, v3  }
0x291: {  	v2 =	vmul.f32 $8.000000000e+00, v2  }
0x292: {  	v1 =	vmul.f32 $4.000000000e+00, v62;
	v0 =	vmul.f32 $8.000000000e+00, v9;
	_ =	sdelay $0x1  }
0x293: {  	v1 =	vmul.f32 $1.702000020e+00, v1;
	v0 =	vsub.f32 v2, v0;
	_ =	sdelay $0x1  }
0x294: {  	v0 =	vmul.f32 v0, v1;
	_ =	sdelay $0x1  }
0x295: {  	v10 =	vpop (erf);
	v0 =	vsub.f32 $0.0e+00, v0  }
0x296: {  	v1 =	vadd.f32 $1.000000000e+00, v10  }
0x297: {  	v0 =	vmul.f32 $1.442695020e+00, v0  }
0x298: {  	(erf) = vrcp.f32 v1  }
0x299: {  	(erf) = vpow2.f32 v0;
	_ =	sdelay $0x7  }
0x29a: {  	v11 =	vpop (erf)  }
0x29b: {  	v12 =	vpop (erf)  }
0x29c: {  	v1 =	vadd.f32 $1.000000000e+00, v12;
	_ =	sdelay $0x1  }
0x29d: {  	(erf) = vrcp.f32 v1;
	_ =	sdelay $0x2  }
0x29e: {  	v13 =	vld [tilespmem:$0xA0];
	_ =	sdelay $0x4  }
0x29f: {  	v15 =	vadd.s32 $0xFFF0C000, v13;
	v14 =	vsub.f32 $1.000000000e+00, v11  }
0x2a0: {  	vm12 =	vgt.s32 v15, $0x0;
	v16 =	vpop (erf)  }
0x2a1: {  	v3 =	vnsel vm12, $0x0, v15;
	v2 =	vmul.f32 v16, v14;
	_ =	sdelay $0x1  }
0x2a2: {  	v0 =	vadd.f32 v2, v11  }
0x2a3: {  	v18 =	vld [tilespmem:$0x8A0]  }
0x2a4: {  	v17 =	vld [tilespmem:$0x2A0];
	[tilespmem:$0x1990] =	vst v0  }
0x2a5: {  	v3 =	vld.idx.msk [tilespmem:v3+s20+$0x0], $0xffff;
	_ =	sdelay $0x3  }
0x2a6: {  	vm13 =	vlt.s32 v13, $0xF4000  }
0x2a7: {  	v19 =	vadd.s32 $0xFFF0C000, v17;
	v0 =	vsel vm13, v18, v3  }
0x2a8: {  	vm14 =	vgt.s32 v19, $0x0;
	v0 =	vsub.f32 $0.0e+00, v0  }
0x2a9: {  	v1 =	vnsel vm14, $0x0, v19  }
0x2aa: {  	v20 =	vadd.s32 $0x240, v1;
	v0 =	vmul.f32 $1.442695020e+00, v0;
	_ =	sdelay $0x1  }
0x2ab: {  	(erf) = vpow2.f32 v0;
	_ =	sdelay $0x1  }
0x2ac: {  	v21 =	vld [tilespmem:$0xAA0]  }
0x2ad: {  	v3 =	vld.idx.msk [tilespmem:v20+s20+$0x0], $0xffff;
	_ =	sdelay $0x3  }
0x2ae: {  	vm15 =	vlt.s32 v17, $0xF4000  }
0x2af: {  	v0 =	vsel vm15, v21, v3  }
0x2b0: {  	v0 =	vsub.f32 $0.0e+00, v0;
	v22 =	vpop (erf)  }
0x2b1: {  	v2 =	vadd.f32 $1.000000000e+00, v22  }
0x2b2: {  	v23 =	vadd.s32 $0x480, v1;
	v0 =	vmul.f32 $1.442695020e+00, v0  }
0x2b3: {  	(erf) = vrcp.f32 v2  }
0x2b4: {  	(erf) = vpow2.f32 v0;
	_ =	sdelay $0x1  }
0x2b5: {  	v24 =	vld [tilespmem:$0xCA0]  }
0x2b6: {  	v25 =	vld.idx.msk [tilespmem:v23+s20+$0x0], $0xffff;
	_ =	sdelay $0x4  }
0x2b7: {  	v0 =	vsel vm15, v24, v25;
	v26 =	vpop (erf)  }
0x2b8: {  	v0 =	vsub.f32 $0.0e+00, v0;
	v27 =	vpop (erf)  }
0x2b9: {  	v3 =	vadd.f32 $1.000000000e+00, v27  }
0x2ba: {  	v0 =	vmul.f32 $1.442695020e+00, v0  }
0x2bb: {  	(erf) = vrcp.f32 v3  }
0x2bc: {  	(erf) = vpow2.f32 v0;
	_ =	sdelay $0x5  }
0x2bd: {  	v28 =	vadd.s32 $0x6C0, v1;
	_ =	sdelay $0x1  }
0x2be: {  	v29 =	vpop (erf)  }
0x2bf: {  	v30 =	vpop (erf)  }
0x2c0: {  	v31 =	vld [tilespmem:$0xEA0];
	v3 =	vadd.f32 $1.000000000e+00, v30  }
0x2c1: {  	v0 =	vld.idx.msk [tilespmem:v28+s20+$0x0], $0xffff  }
0x2c2: {  	(erf) = vrcp.f32 v3;
	_ =	sdelay $0x3  }
0x2c3: {  	v0 =	vsel vm15, v31, v0  }
0x2c4: {  	v0 =	vsub.f32 $0.0e+00, v0;
	_ =	sdelay $0x1  }
0x2c5: {  	v0 =	vmul.f32 $1.442695020e+00, v0;
	_ =	sdelay $0x1  }
0x2c6: {  	v2 =	vadd.f32 $-5.000000000e-01, v26;
	v3 =	vpop (erf);
	(erf) = vpow2.f32 v0  }
0x2c7: {  	v32 =	vadd.f32 $-5.000000000e-01, v3  }
0x2c8: {  	v2 =	vmul.f32 $8.000000000e+00, v2  }
0x2c9: {  	v1 =	vmul.f32 $4.000000000e+00, v29;
	v0 =	vmul.f32 $8.000000000e+00, v32;
	_ =	sdelay $0x1  }
0x2ca: {  	v1 =	vmul.f32 $1.702000020e+00, v1;
	v0 =	vsub.f32 v2, v0;
	_ =	sdelay $0x1  }
0x2cb: {  	v0 =	vmul.f32 v0, v1;
	_ =	sdelay $0x1  }
0x2cc: {  	v33 =	vpop (erf);
	v0 =	vsub.f32 $0.0e+00, v0  }
0x2cd: {  	v1 =	vadd.f32 $1.000000000e+00, v33  }
0x2ce: {  	v0 =	vmul.f32 $1.442695020e+00, v0  }
0x2cf: {  	(erf) = vrcp.f32 v1  }
0x2d0: {  	(erf) = vpow2.f32 v0;
	_ =	sdelay $0x7  }
0x2d1: {  	v34 =	vpop (erf)  }
0x2d2: {  	v35 =	vpop (erf)  }
0x2d3: {  	v1 =	vadd.f32 $1.000000000e+00, v35;
	_ =	sdelay $0x1  }
0x2d4: {  	(erf) = vrcp.f32 v1;
	_ =	sdelay $0x2  }
0x2d5: {  	v36 =	vld [tilespmem:$0xB0];
	_ =	sdelay $0x4  }
0x2d6: {  	v38 =	vadd.s32 $0xFFF0C000, v36;
	v37 =	vsub.f32 $1.000000000e+00, v34  }
0x2d7: {  	vm4 =	vgt.s32 v38, $0x0;
	v39 =	vpop (erf)  }
0x2d8: {  	v3 =	vnsel vm4, $0x0, v38;
	v2 =	vmul.f32 v39, v37;
	_ =	sdelay $0x1  }
0x2d9: {  	v0 =	vadd.f32 v2, v34  }
0x2da: {  	v41 =	vld [tilespmem:$0x8B0]  }
0x2db: {  	v40 =	vld [tilespmem:$0x2B0];
	[tilespmem:$0x19A0] =	vst v0  }
0x2dc: {  	v3 =	vld.idx.msk [tilespmem:v3+s20+$0x0], $0xffff;
	_ =	sdelay $0x3  }
0x2dd: {  	vm5 =	vlt.s32 v36, $0xF4000  }
0x2de: {  	v42 =	vadd.s32 $0xFFF0C000, v40;
	v0 =	vsel vm5, v41, v3  }
0x2df: {  	vm6 =	vgt.s32 v42, $0x0;
	v0 =	vsub.f32 $0.0e+00, v0  }
0x2e0: {  	v1 =	vnsel vm6, $0x0, v42  }
0x2e1: {  	v43 =	vadd.s32 $0x240, v1;
	v0 =	vmul.f32 $1.442695020e+00, v0;
	_ =	sdelay $0x1  }
0x2e2: {  	(erf) = vpow2.f32 v0;
	_ =	sdelay $0x1  }
0x2e3: {  	v44 =	vld [tilespmem:$0xAB0]  }
0x2e4: {  	v3 =	vld.idx.msk [tilespmem:v43+s20+$0x0], $0xffff;
	_ =	sdelay $0x3  }
0x2e5: {  	vm7 =	vlt.s32 v40, $0xF4000  }
0x2e6: {  	v0 =	vsel vm7, v44, v3  }
0x2e7: {  	v0 =	vsub.f32 $0.0e+00, v0;
	v45 =	vpop (erf)  }
0x2e8: {  	v2 =	vadd.f32 $1.000000000e+00, v45  }
0x2e9: {  	v46 =	vadd.s32 $0x480, v1;
	v0 =	vmul.f32 $1.442695020e+00, v0  }
0x2ea: {  	(erf) = vrcp.f32 v2  }
0x2eb: {  	(erf) = vpow2.f32 v0;
	_ =	sdelay $0x1  }
0x2ec: {  	v47 =	vld [tilespmem:$0xCB0]  }
0x2ed: {  	v48 =	vld.idx.msk [tilespmem:v46+s20+$0x0], $0xffff;
	_ =	sdelay $0x4  }
0x2ee: {  	v0 =	vsel vm7, v47, v48;
	v49 =	vpop (erf)  }
0x2ef: {  	v0 =	vsub.f32 $0.0e+00, v0;
	v50 =	vpop (erf)  }
0x2f0: {  	v3 =	vadd.f32 $1.000000000e+00, v50  }
0x2f1: {  	v0 =	vmul.f32 $1.442695020e+00, v0  }
0x2f2: {  	(erf) = vrcp.f32 v3  }
0x2f3: {  	(erf) = vpow2.f32 v0;
	_ =	sdelay $0x5  }
0x2f4: {  	v51 =	vadd.s32 $0x6C0, v1;
	_ =	sdelay $0x1  }
0x2f5: {  	v52 =	vpop (erf)  }
0x2f6: {  	v53 =	vpop (erf)  }
0x2f7: {  	v54 =	vld [tilespmem:$0xEB0];
	v3 =	vadd.f32 $1.000000000e+00, v53  }
0x2f8: {  	v0 =	vld.idx.msk [tilespmem:v51+s20+$0x0], $0xffff  }
0x2f9: {  	(erf) = vrcp.f32 v3;
	_ =	sdelay $0x3  }
0x2fa: {  	v0 =	vsel vm7, v54, v0  }
0x2fb: {  	v0 =	vsub.f32 $0.0e+00, v0;
	_ =	sdelay $0x1  }
0x2fc: {  	v0 =	vmul.f32 $1.442695020e+00, v0;
	_ =	sdelay $0x1  }
0x2fd: {  	v2 =	vadd.f32 $-5.000000000e-01, v49;
	v3 =	vpop (erf);
	(erf) = vpow2.f32 v0  }
0x2fe: {  	v55 =	vadd.f32 $-5.000000000e-01, v3  }
0x2ff: {  	v2 =	vmul.f32 $8.000000000e+00, v2  }
0x300: {  	v1 =	vmul.f32 $4.000000000e+00, v52;
	v0 =	vmul.f32 $8.000000000e+00, v55;
	_ =	sdelay $0x1  }
0x301: {  	v1 =	vmul.f32 $1.702000020e+00, v1;
	v0 =	vsub.f32 v2, v0;
	_ =	sdelay $0x1  }
0x302: {  	v0 =	vmul.f32 v0, v1;
	_ =	sdelay $0x1  }
0x303: {  	v56 =	vpop (erf);
	v0 =	vsub.f32 $0.0e+00, v0  }
0x304: {  	v1 =	vadd.f32 $1.000000000e+00, v56  }
0x305: {  	v0 =	vmul.f32 $1.442695020e+00, v0  }
0x306: {  	(erf) = vrcp.f32 v1  }
0x307: {  	(erf) = vpow2.f32 v0;
	_ =	sdelay $0x7  }
0x308: {  	v57 =	vpop (erf)  }
0x309: {  	v58 =	vpop (erf)  }
0x30a: {  	v1 =	vadd.f32 $1.000000000e+00, v58;
	_ =	sdelay $0x1  }
0x30b: {  	(erf) = vrcp.f32 v1;
	_ =	sdelay $0x2  }
0x30c: {  	v59 =	vld [tilespmem:$0xC0];
	_ =	sdelay $0x4  }
0x30d: {  	v61 =	vadd.s32 $0xFFF0C000, v59;
	v60 =	vsub.f32 $1.000000000e+00, v57  }
0x30e: {  	vm8 =	vgt.s32 v61, $0x0;
	v62 =	vpop (erf)  }
0x30f: {  	v3 =	vnsel vm8, $0x0, v61;
	v2 =	vmul.f32 v62, v60;
	_ =	sdelay $0x1  }
0x310: {  	v0 =	vadd.f32 v2, v57  }
0x311: {  	v6 =	vld [tilespmem:$0x8C0]  }
0x312: {  	v63 =	vld [tilespmem:$0x2C0];
	[tilespmem:$0x19B0] =	vst v0  }
0x313: {  	v3 =	vld.idx.msk [tilespmem:v3+s20+$0x0], $0xffff;
	_ =	sdelay $0x3  }
0x314: {  	vm9 =	vlt.s32 v59, $0xF4000  }
0x315: {  	v7 =	vadd.s32 $0xFFF0C000, v63;
	v0 =	vsel vm9, v6, v3  }
0x316: {  	vm10 =	vgt.s32 v7, $0x0;
	v0 =	vsub.f32 $0.0e+00, v0  }
0x317: {  	v1 =	vnsel vm10, $0x0, v7  }
0x318: {  	v8 =	vadd.s32 $0x240, v1;
	v0 =	vmul.f32 $1.442695020e+00, v0;
	_ =	sdelay $0x1  }
0x319: {  	(erf) = vpow2.f32 v0;
	_ =	sdelay $0x1  }
0x31a: {  	v9 =	vld [tilespmem:$0xAC0]  }
0x31b: {  	v3 =	vld.idx.msk [tilespmem:v8+s20+$0x0], $0xffff;
	_ =	sdelay $0x3  }
0x31c: {  	vm11 =	vlt.s32 v63, $0xF4000  }
0x31d: {  	v0 =	vsel vm11, v9, v3  }
0x31e: {  	v0 =	vsub.f32 $0.0e+00, v0;
	v10 =	vpop (erf)  }
0x31f: {  	v2 =	vadd.f32 $1.000000000e+00, v10  }
0x320: {  	v11 =	vadd.s32 $0x480, v1;
	v0 =	vmul.f32 $1.442695020e+00, v0  }
0x321: {  	(erf) = vrcp.f32 v2  }
0x322: {  	(erf) = vpow2.f32 v0;
	_ =	sdelay $0x1  }
0x323: {  	v12 =	vld [tilespmem:$0xCC0]  }
0x324: {  	v13 =	vld.idx.msk [tilespmem:v11+s20+$0x0], $0xffff;
	_ =	sdelay $0x4  }
0x325: {  	v0 =	vsel vm11, v12, v13;
	v14 =	vpop (erf)  }
0x326: {  	v0 =	vsub.f32 $0.0e+00, v0;
	v15 =	vpop (erf)  }
0x327: {  	v3 =	vadd.f32 $1.000000000e+00, v15  }
0x328: {  	v0 =	vmul.f32 $1.442695020e+00, v0  }
0x329: {  	(erf) = vrcp.f32 v3  }
0x32a: {  	(erf) = vpow2.f32 v0;
	_ =	sdelay $0x5  }
0x32b: {  	v16 =	vadd.s32 $0x6C0, v1;
	_ =	sdelay $0x1  }
0x32c: {  	v17 =	vpop (erf)  }
0x32d: {  	v18 =	vpop (erf)  }
0x32e: {  	v19 =	vld [tilespmem:$0xEC0];
	v3 =	vadd.f32 $1.000000000e+00, v18  }
0x32f: {  	v0 =	vld.idx.msk [tilespmem:v16+s20+$0x0], $0xffff  }
0x330: {  	(erf) = vrcp.f32 v3;
	_ =	sdelay $0x3  }
0x331: {  	v0 =	vsel vm11, v19, v0  }
0x332: {  	v0 =	vsub.f32 $0.0e+00, v0;
	_ =	sdelay $0x1  }
0x333: {  	v0 =	vmul.f32 $1.442695020e+00, v0;
	_ =	sdelay $0x1  }
0x334: {  	v2 =	vadd.f32 $-5.000000000e-01, v14;
	v3 =	vpop (erf);
	(erf) = vpow2.f32 v0  }
0x335: {  	v20 =	vadd.f32 $-5.000000000e-01, v3  }
0x336: {  	v2 =	vmul.f32 $8.000000000e+00, v2  }
0x337: {  	v1 =	vmul.f32 $4.000000000e+00, v17;
	v0 =	vmul.f32 $8.000000000e+00, v20;
	_ =	sdelay $0x1  }
0x338: {  	v1 =	vmul.f32 $1.702000020e+00, v1;
	v0 =	vsub.f32 v2, v0;
	_ =	sdelay $0x1  }
0x339: {  	v0 =	vmul.f32 v0, v1;
	_ =	sdelay $0x1  }
0x33a: {  	v21 =	vpop (erf);
	v0 =	vsub.f32 $0.0e+00, v0  }
0x33b: {  	v1 =	vadd.f32 $1.000000000e+00, v21  }
0x33c: {  	v0 =	vmul.f32 $1.442695020e+00, v0  }
0x33d: {  	(erf) = vrcp.f32 v1  }
0x33e: {  	(erf) = vpow2.f32 v0;
	_ =	sdelay $0x7  }
0x33f: {  	v22 =	vpop (erf)  }
0x340: {  	v23 =	vpop (erf)  }
0x341: {  	v1 =	vadd.f32 $1.000000000e+00, v23;
	_ =	sdelay $0x1  }
0x342: {  	(erf) = vrcp.f32 v1;
	_ =	sdelay $0x2  }
0x343: {  	v24 =	vld [tilespmem:$0xD0];
	_ =	sdelay $0x4  }
0x344: {  	v26 =	vadd.s32 $0xFFF0C000, v24;
	v25 =	vsub.f32 $1.000000000e+00, v22  }
0x345: {  	vm12 =	vgt.s32 v26, $0x0;
	v27 =	vpop (erf)  }
0x346: {  	v3 =	vnsel vm12, $0x0, v26;
	v2 =	vmul.f32 v27, v25;
	_ =	sdelay $0x1  }
0x347: {  	v0 =	vadd.f32 v2, v22  }
0x348: {  	v28 =	vld [tilespmem:$0x2D0]  }
0x349: {  	v29 =	vld [tilespmem:$0x8D0];
	[tilespmem:$0x19C0] =	vst v0  }
0x34a: {  	v3 =	vld.idx.msk [tilespmem:v3+s20+$0x0], $0xffff;
	_ =	sdelay $0x3  }
0x34b: {  	vm13 =	vlt.s32 v24, $0xF4000  }
0x34c: {  	v30 =	vadd.s32 $0xFFF0C000, v28;
	v0 =	vsel vm13, v29, v3  }
0x34d: {  	vm14 =	vgt.s32 v30, $0x0;
	v0 =	vsub.f32 $0.0e+00, v0  }
0x34e: {  	v1 =	vnsel vm14, $0x0, v30  }
0x34f: {  	v31 =	vadd.s32 $0x240, v1;
	v0 =	vmul.f32 $1.442695020e+00, v0;
	_ =	sdelay $0x1  }
0x350: {  	(erf) = vpow2.f32 v0;
	_ =	sdelay $0x1  }
0x351: {  	v32 =	vld [tilespmem:$0xAD0]  }
0x352: {  	v3 =	vld.idx.msk [tilespmem:v31+s20+$0x0], $0xffff;
	_ =	sdelay $0x3  }
0x353: {  	vm15 =	vlt.s32 v28, $0xF4000  }
0x354: {  	v0 =	vsel vm15, v32, v3  }
0x355: {  	v0 =	vsub.f32 $0.0e+00, v0;
	v33 =	vpop (erf)  }
0x356: {  	v2 =	vadd.f32 $1.000000000e+00, v33  }
0x357: {  	v34 =	vadd.s32 $0x480, v1;
	v0 =	vmul.f32 $1.442695020e+00, v0  }
0x358: {  	(erf) = vrcp.f32 v2  }
0x359: {  	(erf) = vpow2.f32 v0;
	_ =	sdelay $0x1  }
0x35a: {  	v35 =	vld [tilespmem:$0xCD0]  }
0x35b: {  	v36 =	vld.idx.msk [tilespmem:v34+s20+$0x0], $0xffff;
	_ =	sdelay $0x4  }
0x35c: {  	v0 =	vsel vm15, v35, v36;
	v37 =	vpop (erf)  }
0x35d: {  	v0 =	vsub.f32 $0.0e+00, v0;
	v38 =	vpop (erf)  }
0x35e: {  	v3 =	vadd.f32 $1.000000000e+00, v38  }
0x35f: {  	v0 =	vmul.f32 $1.442695020e+00, v0  }
0x360: {  	(erf) = vrcp.f32 v3  }
0x361: {  	(erf) = vpow2.f32 v0;
	_ =	sdelay $0x5  }
0x362: {  	v39 =	vadd.s32 $0x6C0, v1;
	_ =	sdelay $0x1  }
0x363: {  	v40 =	vpop (erf)  }
0x364: {  	v41 =	vpop (erf)  }
0x365: {  	v42 =	vld [tilespmem:$0xED0];
	v3 =	vadd.f32 $1.000000000e+00, v41  }
0x366: {  	v0 =	vld.idx.msk [tilespmem:v39+s20+$0x0], $0xffff  }
0x367: {  	(erf) = vrcp.f32 v3;
	_ =	sdelay $0x3  }
0x368: {  	v0 =	vsel vm15, v42, v0  }
0x369: {  	v0 =	vsub.f32 $0.0e+00, v0;
	_ =	sdelay $0x1  }
0x36a: {  	v0 =	vmul.f32 $1.442695020e+00, v0;
	_ =	sdelay $0x1  }
0x36b: {  	v2 =	vadd.f32 $-5.000000000e-01, v37;
	v3 =	vpop (erf);
	(erf) = vpow2.f32 v0  }
0x36c: {  	v43 =	vadd.f32 $-5.000000000e-01, v3  }
0x36d: {  	v2 =	vmul.f32 $8.000000000e+00, v2  }
0x36e: {  	v1 =	vmul.f32 $4.000000000e+00, v40;
	v0 =	vmul.f32 $8.000000000e+00, v43;
	_ =	sdelay $0x1  }
0x36f: {  	v1 =	vmul.f32 $1.702000020e+00, v1;
	v0 =	vsub.f32 v2, v0;
	_ =	sdelay $0x1  }
0x370: {  	v0 =	vmul.f32 v0, v1;
	_ =	sdelay $0x1  }
0x371: {  	v44 =	vpop (erf);
	v0 =	vsub.f32 $0.0e+00, v0  }
0x372: {  	v1 =	vadd.f32 $1.000000000e+00, v44  }
0x373: {  	v0 =	vmul.f32 $1.442695020e+00, v0  }
0x374: {  	(erf) = vrcp.f32 v1  }
0x375: {  	(erf) = vpow2.f32 v0;
	_ =	sdelay $0x7  }
0x376: {  	v45 =	vpop (erf)  }
0x377: {  	v46 =	vpop (erf)  }
0x378: {  	v1 =	vadd.f32 $1.000000000e+00, v46;
	_ =	sdelay $0x1  }
0x379: {  	(erf) = vrcp.f32 v1;
	_ =	sdelay $0x2  }
0x37a: {  	v47 =	vld [tilespmem:$0xE0];
	_ =	sdelay $0x4  }
0x37b: {  	v49 =	vadd.s32 $0xFFF0C000, v47;
	v48 =	vsub.f32 $1.000000000e+00, v45  }
0x37c: {  	vm4 =	vgt.s32 v49, $0x0;
	v50 =	vpop (erf)  }
0x37d: {  	v3 =	vnsel vm4, $0x0, v49;
	v2 =	vmul.f32 v50, v48;
	_ =	sdelay $0x1  }
0x37e: {  	v0 =	vadd.f32 v2, v45  }
0x37f: {  	v51 =	vld [tilespmem:$0x2E0]  }
0x380: {  	v52 =	vld [tilespmem:$0x8E0];
	[tilespmem:$0x19D0] =	vst v0  }
0x381: {  	v3 =	vld.idx.msk [tilespmem:v3+s20+$0x0], $0xffff;
	_ =	sdelay $0x3  }
0x382: {  	vm5 =	vlt.s32 v47, $0xF4000  }
0x383: {  	v53 =	vadd.s32 $0xFFF0C000, v51;
	v0 =	vsel vm5, v52, v3  }
0x384: {  	vm6 =	vgt.s32 v53, $0x0;
	v0 =	vsub.f32 $0.0e+00, v0  }
0x385: {  	v1 =	vnsel vm6, $0x0, v53  }
0x386: {  	v54 =	vadd.s32 $0x240, v1;
	v0 =	vmul.f32 $1.442695020e+00, v0;
	_ =	sdelay $0x1  }
0x387: {  	(erf) = vpow2.f32 v0;
	_ =	sdelay $0x1  }
0x388: {  	v55 =	vld [tilespmem:$0xAE0]  }
0x389: {  	v3 =	vld.idx.msk [tilespmem:v54+s20+$0x0], $0xffff;
	_ =	sdelay $0x3  }
0x38a: {  	vm7 =	vlt.s32 v51, $0xF4000  }
0x38b: {  	v0 =	vsel vm7, v55, v3  }
0x38c: {  	v0 =	vsub.f32 $0.0e+00, v0;
	v56 =	vpop (erf)  }
0x38d: {  	v2 =	vadd.f32 $1.000000000e+00, v56  }
0x38e: {  	v57 =	vadd.s32 $0x480, v1;
	v0 =	vmul.f32 $1.442695020e+00, v0  }
0x38f: {  	(erf) = vrcp.f32 v2  }
0x390: {  	(erf) = vpow2.f32 v0;
	_ =	sdelay $0x1  }
0x391: {  	v58 =	vld [tilespmem:$0xCE0]  }
0x392: {  	v59 =	vld.idx.msk [tilespmem:v57+s20+$0x0], $0xffff;
	_ =	sdelay $0x4  }
0x393: {  	v0 =	vsel vm7, v58, v59;
	v60 =	vpop (erf)  }
0x394: {  	v0 =	vsub.f32 $0.0e+00, v0;
	v61 =	vpop (erf)  }
0x395: {  	v3 =	vadd.f32 $1.000000000e+00, v61  }
0x396: {  	v0 =	vmul.f32 $1.442695020e+00, v0  }
0x397: {  	(erf) = vrcp.f32 v3  }
0x398: {  	(erf) = vpow2.f32 v0;
	_ =	sdelay $0x5  }
0x399: {  	v62 =	vadd.s32 $0x6C0, v1;
	_ =	sdelay $0x1  }
0x39a: {  	v63 =	vpop (erf)  }
0x39b: {  	v8 =	vpop (erf)  }
0x39c: {  	v9 =	vld [tilespmem:$0xEE0];
	v3 =	vadd.f32 $1.000000000e+00, v8  }
0x39d: {  	v0 =	vld.idx.msk [tilespmem:v62+s20+$0x0], $0xffff  }
0x39e: {  	(erf) = vrcp.f32 v3;
	_ =	sdelay $0x3  }
0x39f: {  	v0 =	vsel vm7, v9, v0  }
0x3a0: {  	v0 =	vsub.f32 $0.0e+00, v0;
	_ =	sdelay $0x1  }
0x3a1: {  	v0 =	vmul.f32 $1.442695020e+00, v0;
	_ =	sdelay $0x1  }
0x3a2: {  	v2 =	vadd.f32 $-5.000000000e-01, v60;
	v3 =	vpop (erf);
	(erf) = vpow2.f32 v0  }
0x3a3: {  	v10 =	vadd.f32 $-5.000000000e-01, v3  }
0x3a4: {  	v2 =	vmul.f32 $8.000000000e+00, v2  }
0x3a5: {  	v1 =	vmul.f32 $4.000000000e+00, v63;
	v0 =	vmul.f32 $8.000000000e+00, v10;
	_ =	sdelay $0x1  }
0x3a6: {  	v1 =	vmul.f32 $1.702000020e+00, v1;
	v0 =	vsub.f32 v2, v0;
	_ =	sdelay $0x1  }
0x3a7: {  	v0 =	vmul.f32 v0, v1;
	_ =	sdelay $0x1  }
0x3a8: {  	v11 =	vpop (erf);
	v0 =	vsub.f32 $0.0e+00, v0  }
0x3a9: {  	v1 =	vadd.f32 $1.000000000e+00, v11  }
0x3aa: {  	v0 =	vmul.f32 $1.442695020e+00, v0  }
0x3ab: {  	(erf) = vrcp.f32 v1  }
0x3ac: {  	(erf) = vpow2.f32 v0;
	_ =	sdelay $0x7  }
0x3ad: {  	v12 =	vpop (erf)  }
0x3ae: {  	v13 =	vpop (erf)  }
0x3af: {  	v1 =	vadd.f32 $1.000000000e+00, v13;
	_ =	sdelay $0x1  }
0x3b0: {  	(erf) = vrcp.f32 v1;
	_ =	sdelay $0x2  }
0x3b1: {  	v14 =	vld [tilespmem:$0xF0];
	_ =	sdelay $0x4  }
0x3b2: {  	v16 =	vadd.s32 $0xFFF0C000, v14;
	v15 =	vsub.f32 $1.000000000e+00, v12  }
0x3b3: {  	vm8 =	vgt.s32 v16, $0x0;
	v17 =	vpop (erf)  }
0x3b4: {  	v3 =	vnsel vm8, $0x0, v16;
	v2 =	vmul.f32 v17, v15;
	_ =	sdelay $0x1  }
0x3b5: {  	v0 =	vadd.f32 v2, v12  }
0x3b6: {  	v19 =	vld [tilespmem:$0x8F0]  }
0x3b7: {  	v18 =	vld [tilespmem:$0x2F0];
	[tilespmem:$0x19E0] =	vst v0  }
0x3b8: {  	v3 =	vld.idx.msk [tilespmem:v3+s20+$0x0], $0xffff;
	_ =	sdelay $0x3  }
0x3b9: {  	vm9 =	vlt.s32 v14, $0xF4000  }
0x3ba: {  	v20 =	vadd.s32 $0xFFF0C000, v18;
	v0 =	vsel vm9, v19, v3  }
0x3bb: {  	vm10 =	vgt.s32 v20, $0x0;
	v0 =	vsub.f32 $0.0e+00, v0  }
0x3bc: {  	v1 =	vnsel vm10, $0x0, v20  }
0x3bd: {  	v21 =	vadd.s32 $0x240, v1;
	v0 =	vmul.f32 $1.442695020e+00, v0;
	_ =	sdelay $0x1  }
0x3be: {  	(erf) = vpow2.f32 v0;
	_ =	sdelay $0x1  }
0x3bf: {  	v22 =	vld [tilespmem:$0xAF0]  }
0x3c0: {  	v3 =	vld.idx.msk [tilespmem:v21+s20+$0x0], $0xffff;
	_ =	sdelay $0x3  }
0x3c1: {  	vm11 =	vlt.s32 v18, $0xF4000  }
0x3c2: {  	v0 =	vsel vm11, v22, v3  }
0x3c3: {  	v0 =	vsub.f32 $0.0e+00, v0;
	v23 =	vpop (erf)  }
0x3c4: {  	v2 =	vadd.f32 $1.000000000e+00, v23  }
0x3c5: {  	v24 =	vadd.s32 $0x480, v1;
	v0 =	vmul.f32 $1.442695020e+00, v0  }
0x3c6: {  	(erf) = vrcp.f32 v2  }
0x3c7: {  	(erf) = vpow2.f32 v0;
	_ =	sdelay $0x1  }
0x3c8: {  	v25 =	vld [tilespmem:$0xCF0]  }
0x3c9: {  	v26 =	vld.idx.msk [tilespmem:v24+s20+$0x0], $0xffff;
	_ =	sdelay $0x4  }
0x3ca: {  	v0 =	vsel vm11, v25, v26;
	v27 =	vpop (erf)  }
0x3cb: {  	v0 =	vsub.f32 $0.0e+00, v0;
	v28 =	vpop (erf)  }
0x3cc: {  	v3 =	vadd.f32 $1.000000000e+00, v28  }
0x3cd: {  	v0 =	vmul.f32 $1.442695020e+00, v0  }
0x3ce: {  	(erf) = vrcp.f32 v3  }
0x3cf: {  	(erf) = vpow2.f32 v0;
	_ =	sdelay $0x5  }
0x3d0: {  	v29 =	vadd.s32 $0x6C0, v1;
	_ =	sdelay $0x1  }
0x3d1: {  	v30 =	vpop (erf)  }
0x3d2: {  	v31 =	vpop (erf)  }
0x3d3: {  	v32 =	vld [tilespmem:$0xEF0];
	v3 =	vadd.f32 $1.000000000e+00, v31  }
0x3d4: {  	v0 =	vld.idx.msk [tilespmem:v29+s20+$0x0], $0xffff  }
0x3d5: {  	(erf) = vrcp.f32 v3;
	_ =	sdelay $0x3  }
0x3d6: {  	v0 =	vsel vm11, v32, v0  }
0x3d7: {  	v0 =	vsub.f32 $0.0e+00, v0;
	_ =	sdelay $0x1  }
0x3d8: {  	v0 =	vmul.f32 $1.442695020e+00, v0;
	_ =	sdelay $0x1  }
0x3d9: {  	v2 =	vadd.f32 $-5.000000000e-01, v27;
	v3 =	vpop (erf);
	(erf) = vpow2.f32 v0  }
0x3da: {  	v33 =	vadd.f32 $-5.000000000e-01, v3  }
0x3db: {  	v2 =	vmul.f32 $8.000000000e+00, v2  }
0x3dc: {  	v1 =	vmul.f32 $4.000000000e+00, v30;
	v0 =	vmul.f32 $8.000000000e+00, v33;
	_ =	sdelay $0x1  }
0x3dd: {  	v1 =	vmul.f32 $1.702000020e+00, v1;
	v0 =	vsub.f32 v2, v0;
	_ =	sdelay $0x1  }
0x3de: {  	v0 =	vmul.f32 v0, v1;
	_ =	sdelay $0x1  }
0x3df: {  	v34 =	vpop (erf);
	v0 =	vsub.f32 $0.0e+00, v0  }
0x3e0: {  	v1 =	vadd.f32 $1.000000000e+00, v34  }
0x3e1: {  	v0 =	vmul.f32 $1.442695020e+00, v0  }
0x3e2: {  	(erf) = vrcp.f32 v1  }
0x3e3: {  	(erf) = vpow2.f32 v0;
	_ =	sdelay $0x7  }
0x3e4: {  	v35 =	vpop (erf)  }
0x3e5: {  	v36 =	vpop (erf)  }
0x3e6: {  	v1 =	vadd.f32 $1.000000000e+00, v36;
	_ =	sdelay $0x1  }
0x3e7: {  	(erf) = vrcp.f32 v1;
	_ =	sdelay $0x7  }
0x3e8: {  	v37 =	vsub.f32 $1.000000000e+00, v35  }
0x3e9: {  	v38 =	vpop (erf)  }
0x3ea: {  	v1 =	vmul.f32 v38, v37;
	_ =	sdelay $0x1  }
0x3eb: {  	v0 =	vadd.f32 v1, v35;
	_ =	sdelay $0x1  }
0x3ec: {  	[tilespmem:$0x19F0] =	vst v0  }
0x3ed: {  	v0 =	vld [tilespmem:$0x100];
	_ =	sdelay $0x4  }
0x3ee: {  	v39 =	vadd.s32 $0xFFF0C000, v0  }
0x3ef: {  	vm12 =	vgt.s32 v39, $0x0  }
0x3f0: {  	v1 =	vnsel vm12, $0x0, v39;
	_ =	sdelay $0x2  }
0x3f1: {  	v40 =	vld [tilespmem:$0x300]  }
0x3f2: {  	v41 =	vld [tilespmem:$0x900]  }
0x3f3: {  	v1 =	vld.idx.msk [tilespmem:v1+s20+$0x0], $0xffff;
	_ =	sdelay $0x3  }
0x3f4: {  	vm13 =	vlt.s32 v0, $0xF4000  }
0x3f5: {  	v42 =	vadd.s32 $0xFFF0C000, v40;
	v1 =	vsel vm13, v41, v1  }
0x3f6: {  	vm14 =	vgt.s32 v42, $0x0;
	v1 =	vsub.f32 $0.0e+00, v1  }
0x3f7: {  	v0 =	vnsel vm14, $0x0, v42  }
0x3f8: {  	v43 =	vadd.s32 $0x240, v0;
	v1 =	vmul.f32 $1.442695020e+00, v1;
	_ =	sdelay $0x1  }
0x3f9: {  	(erf) = vpow2.f32 v1;
	_ =	sdelay $0x1  }
0x3fa: {  	v44 =	vld [tilespmem:$0xB00]  }
0x3fb: {  	v3 =	vld.idx.msk [tilespmem:v43+s20+$0x0], $0xffff;
	_ =	sdelay $0x3  }
0x3fc: {  	vm15 =	vlt.s32 v40, $0xF4000  }
0x3fd: {  	v1 =	vsel vm15, v44, v3  }
0x3fe: {  	v1 =	vsub.f32 $0.0e+00, v1;
	v45 =	vpop (erf)  }
0x3ff: {  	v2 =	vadd.f32 $1.000000000e+00, v45  }
0x400: {  	v46 =	vadd.s32 $0x480, v0;
	v1 =	vmul.f32 $1.442695020e+00, v1  }
0x401: {  	(erf) = vrcp.f32 v2  }
0x402: {  	(erf) = vpow2.f32 v1;
	_ =	sdelay $0x1  }
0x403: {  	v47 =	vld [tilespmem:$0xD00]  }
0x404: {  	v48 =	vld.idx.msk [tilespmem:v46+s20+$0x0], $0xffff;
	_ =	sdelay $0x4  }
0x405: {  	v1 =	vsel vm15, v47, v48;
	v49 =	vpop (erf)  }
0x406: {  	v1 =	vsub.f32 $0.0e+00, v1;
	v50 =	vpop (erf)  }
0x407: {  	v3 =	vadd.f32 $1.000000000e+00, v50  }
0x408: {  	v1 =	vmul.f32 $1.442695020e+00, v1  }
0x409: {  	(erf) = vrcp.f32 v3  }
0x40a: {  	(erf) = vpow2.f32 v1;
	_ =	sdelay $0x5  }
0x40b: {  	v0 =	vadd.s32 $0x6C0, v0;
	_ =	sdelay $0x1  }
0x40c: {  	v51 =	vpop (erf)  }
0x40d: {  	v52 =	vpop (erf)  }
0x40e: {  	v53 =	vld [tilespmem:$0xF00];
	v3 =	vadd.f32 $1.000000000e+00, v52  }
0x40f: {  	v0 =	vld.idx.msk [tilespmem:v0+s20+$0x0], $0xffff  }
0x410: {  	(erf) = vrcp.f32 v3;
	_ =	sdelay $0x3  }
0x411: {  	v0 =	vsel vm15, v53, v0  }
0x412: {  	v0 =	vsub.f32 $0.0e+00, v0;
	_ =	sdelay $0x1  }
0x413: {  	v0 =	vmul.f32 $1.442695020e+00, v0;
	_ =	sdelay $0x1  }
0x414: {  	v2 =	vadd.f32 $-5.000000000e-01, v49;
	v3 =	vpop (erf);
	(erf) = vpow2.f32 v0  }
0x415: {  	v54 =	vadd.f32 $-5.000000000e-01, v3  }
0x416: {  	v2 =	vmul.f32 $8.000000000e+00, v2  }
0x417: {  	v1 =	vmul.f32 $4.000000000e+00, v51;
	v0 =	vmul.f32 $8.000000000e+00, v54;
	_ =	sdelay $0x1  }
0x418: {  	v1 =	vmul.f32 $1.702000020e+00, v1;
	v0 =	vsub.f32 v2, v0;
	_ =	sdelay $0x1  }
0x419: {  	v0 =	vmul.f32 v0, v1;
	_ =	sdelay $0x1  }
0x41a: {  	v55 =	vpop (erf);
	v0 =	vsub.f32 $0.0e+00, v0  }
0x41b: {  	v1 =	vadd.f32 $1.000000000e+00, v55  }
0x41c: {  	v0 =	vmul.f32 $1.442695020e+00, v0  }
0x41d: {  	(erf) = vrcp.f32 v1  }
0x41e: {  	(erf) = vpow2.f32 v0;
	_ =	sdelay $0x7  }
0x41f: {  	v56 =	vpop (erf)  }
0x420: {  	v57 =	vpop (erf)  }
0x421: {  	v1 =	vadd.f32 $1.000000000e+00, v57;
	_ =	sdelay $0x1  }
0x422: {  	(erf) = vrcp.f32 v1;
	_ =	sdelay $0x2  }
0x423: {  	v58 =	vld [tilespmem:$0x110];
	_ =	sdelay $0x4  }
0x424: {  	v60 =	vadd.s32 $0xFFF0C000, v58;
	v59 =	vsub.f32 $1.000000000e+00, v56  }
0x425: {  	vm4 =	vgt.s32 v60, $0x0;
	v61 =	vpop (erf)  }
0x426: {  	v3 =	vnsel vm4, $0x0, v60;
	v2 =	vmul.f32 v61, v59;
	_ =	sdelay $0x1  }
0x427: {  	v0 =	vadd.f32 v2, v56  }
0x428: {  	v62 =	vld [tilespmem:$0x310]  }
0x429: {  	v63 =	vld [tilespmem:$0x910];
	[tilespmem:$0x1A00] =	vst v0  }
0x42a: {  	v3 =	vld.idx.msk [tilespmem:v3+s20+$0x0], $0xffff;
	_ =	sdelay $0x3  }
0x42b: {  	vm5 =	vlt.s32 v58, $0xF4000  }
0x42c: {  	v6 =	vadd.s32 $0xFFF0C000, v62;
	v0 =	vsel vm5, v63, v3  }
0x42d: {  	vm6 =	vgt.s32 v6, $0x0;
	v0 =	vsub.f32 $0.0e+00, v0  }
0x42e: {  	v1 =	vnsel vm6, $0x0, v6  }
0x42f: {  	v7 =	vadd.s32 $0x240, v1;
	v0 =	vmul.f32 $1.442695020e+00, v0;
	_ =	sdelay $0x1  }
0x430: {  	(erf) = vpow2.f32 v0;
	_ =	sdelay $0x1  }
0x431: {  	v8 =	vld [tilespmem:$0xB10]  }
0x432: {  	v3 =	vld.idx.msk [tilespmem:v7+s20+$0x0], $0xffff;
	_ =	sdelay $0x3  }
0x433: {  	vm7 =	vlt.s32 v62, $0xF4000  }
0x434: {  	v0 =	vsel vm7, v8, v3  }
0x435: {  	v0 =	vsub.f32 $0.0e+00, v0;
	v9 =	vpop (erf)  }
0x436: {  	v2 =	vadd.f32 $1.000000000e+00, v9  }
0x437: {  	v10 =	vadd.s32 $0x480, v1;
	v0 =	vmul.f32 $1.442695020e+00, v0  }
0x438: {  	(erf) = vrcp.f32 v2  }
0x439: {  	(erf) = vpow2.f32 v0;
	_ =	sdelay $0x1  }
0x43a: {  	v11 =	vld [tilespmem:$0xD10]  }
0x43b: {  	v12 =	vld.idx.msk [tilespmem:v10+s20+$0x0], $0xffff;
	_ =	sdelay $0x4  }
0x43c: {  	v0 =	vsel vm7, v11, v12;
	v13 =	vpop (erf)  }
0x43d: {  	v0 =	vsub.f32 $0.0e+00, v0;
	v14 =	vpop (erf)  }
0x43e: {  	v3 =	vadd.f32 $1.000000000e+00, v14  }
0x43f: {  	v0 =	vmul.f32 $1.442695020e+00, v0  }
0x440: {  	(erf) = vrcp.f32 v3  }
0x441: {  	(erf) = vpow2.f32 v0;
	_ =	sdelay $0x5  }
0x442: {  	v15 =	vadd.s32 $0x6C0, v1;
	_ =	sdelay $0x1  }
0x443: {  	v16 =	vpop (erf)  }
0x444: {  	v17 =	vpop (erf)  }
0x445: {  	v18 =	vld [tilespmem:$0xF10];
	v3 =	vadd.f32 $1.000000000e+00, v17  }
0x446: {  	v0 =	vld.idx.msk [tilespmem:v15+s20+$0x0], $0xffff  }
0x447: {  	(erf) = vrcp.f32 v3;
	_ =	sdelay $0x3  }
0x448: {  	v0 =	vsel vm7, v18, v0  }
0x449: {  	v0 =	vsub.f32 $0.0e+00, v0;
	_ =	sdelay $0x1  }
0x44a: {  	v0 =	vmul.f32 $1.442695020e+00, v0;
	_ =	sdelay $0x1  }
0x44b: {  	v2 =	vadd.f32 $-5.000000000e-01, v13;
	v3 =	vpop (erf);
	(erf) = vpow2.f32 v0  }
0x44c: {  	v19 =	vadd.f32 $-5.000000000e-01, v3  }
0x44d: {  	v2 =	vmul.f32 $8.000000000e+00, v2  }
0x44e: {  	v1 =	vmul.f32 $4.000000000e+00, v16;
	v0 =	vmul.f32 $8.000000000e+00, v19;
	_ =	sdelay $0x1  }
0x44f: {  	v1 =	vmul.f32 $1.702000020e+00, v1;
	v0 =	vsub.f32 v2, v0;
	_ =	sdelay $0x1  }
0x450: {  	v0 =	vmul.f32 v0, v1;
	_ =	sdelay $0x1  }
0x451: {  	v20 =	vpop (erf);
	v0 =	vsub.f32 $0.0e+00, v0  }
0x452: {  	v1 =	vadd.f32 $1.000000000e+00, v20  }
0x453: {  	v0 =	vmul.f32 $1.442695020e+00, v0  }
0x454: {  	(erf) = vrcp.f32 v1  }
0x455: {  	(erf) = vpow2.f32 v0;
	_ =	sdelay $0x7  }
0x456: {  	v21 =	vpop (erf)  }
0x457: {  	v22 =	vpop (erf)  }
0x458: {  	v1 =	vadd.f32 $1.000000000e+00, v22;
	_ =	sdelay $0x1  }
0x459: {  	(erf) = vrcp.f32 v1;
	_ =	sdelay $0x2  }
0x45a: {  	v23 =	vld [tilespmem:$0x120];
	_ =	sdelay $0x4  }
0x45b: {  	v25 =	vadd.s32 $0xFFF0C000, v23;
	v24 =	vsub.f32 $1.000000000e+00, v21  }
0x45c: {  	vm8 =	vgt.s32 v25, $0x0;
	v26 =	vpop (erf)  }
0x45d: {  	v3 =	vnsel vm8, $0x0, v25;
	v2 =	vmul.f32 v26, v24;
	_ =	sdelay $0x1  }
0x45e: {  	v0 =	vadd.f32 v2, v21  }
0x45f: {  	v27 =	vld [tilespmem:$0x320]  }
0x460: {  	v28 =	vld [tilespmem:$0x920];
	[tilespmem:$0x1A10] =	vst v0  }
0x461: {  	v3 =	vld.idx.msk [tilespmem:v3+s20+$0x0], $0xffff;
	_ =	sdelay $0x3  }
0x462: {  	vm9 =	vlt.s32 v23, $0xF4000  }
0x463: {  	v29 =	vadd.s32 $0xFFF0C000, v27;
	v0 =	vsel vm9, v28, v3  }
0x464: {  	vm10 =	vgt.s32 v29, $0x0;
	v0 =	vsub.f32 $0.0e+00, v0  }
0x465: {  	v1 =	vnsel vm10, $0x0, v29  }
0x466: {  	v30 =	vadd.s32 $0x240, v1;
	v0 =	vmul.f32 $1.442695020e+00, v0;
	_ =	sdelay $0x1  }
0x467: {  	(erf) = vpow2.f32 v0;
	_ =	sdelay $0x1  }
0x468: {  	v31 =	vld [tilespmem:$0xB20]  }
0x469: {  	v3 =	vld.idx.msk [tilespmem:v30+s20+$0x0], $0xffff;
	_ =	sdelay $0x3  }
0x46a: {  	vm11 =	vlt.s32 v27, $0xF4000  }
0x46b: {  	v0 =	vsel vm11, v31, v3  }
0x46c: {  	v0 =	vsub.f32 $0.0e+00, v0;
	v32 =	vpop (erf)  }
0x46d: {  	v2 =	vadd.f32 $1.000000000e+00, v32  }
0x46e: {  	v33 =	vadd.s32 $0x480, v1;
	v0 =	vmul.f32 $1.442695020e+00, v0  }
0x46f: {  	(erf) = vrcp.f32 v2  }
0x470: {  	(erf) = vpow2.f32 v0;
	_ =	sdelay $0x1  }
0x471: {  	v34 =	vld [tilespmem:$0xD20]  }
0x472: {  	v35 =	vld.idx.msk [tilespmem:v33+s20+$0x0], $0xffff;
	_ =	sdelay $0x4  }
0x473: {  	v0 =	vsel vm11, v34, v35;
	v36 =	vpop (erf)  }
0x474: {  	v0 =	vsub.f32 $0.0e+00, v0;
	v37 =	vpop (erf)  }
0x475: {  	v3 =	vadd.f32 $1.000000000e+00, v37  }
0x476: {  	v0 =	vmul.f32 $1.442695020e+00, v0  }
0x477: {  	(erf) = vrcp.f32 v3  }
0x478: {  	(erf) = vpow2.f32 v0;
	_ =	sdelay $0x5  }
0x479: {  	v38 =	vadd.s32 $0x6C0, v1;
	_ =	sdelay $0x1  }
0x47a: {  	v39 =	vpop (erf)  }
0x47b: {  	v40 =	vpop (erf)  }
0x47c: {  	v41 =	vld [tilespmem:$0xF20];
	v3 =	vadd.f32 $1.000000000e+00, v40  }
0x47d: {  	v0 =	vld.idx.msk [tilespmem:v38+s20+$0x0], $0xffff  }
0x47e: {  	(erf) = vrcp.f32 v3;
	_ =	sdelay $0x3  }
0x47f: {  	v0 =	vsel vm11, v41, v0  }
0x480: {  	v0 =	vsub.f32 $0.0e+00, v0;
	_ =	sdelay $0x1  }
0x481: {  	v0 =	vmul.f32 $1.442695020e+00, v0;
	_ =	sdelay $0x1  }
0x482: {  	v2 =	vadd.f32 $-5.000000000e-01, v36;
	v3 =	vpop (erf);
	(erf) = vpow2.f32 v0  }
0x483: {  	v42 =	vadd.f32 $-5.000000000e-01, v3  }
0x484: {  	v2 =	vmul.f32 $8.000000000e+00, v2  }
0x485: {  	v1 =	vmul.f32 $4.000000000e+00, v39;
	v0 =	vmul.f32 $8.000000000e+00, v42;
	_ =	sdelay $0x1  }
0x486: {  	v1 =	vmul.f32 $1.702000020e+00, v1;
	v0 =	vsub.f32 v2, v0;
	_ =	sdelay $0x1  }
0x487: {  	v0 =	vmul.f32 v0, v1;
	_ =	sdelay $0x1  }
0x488: {  	v43 =	vpop (erf);
	v0 =	vsub.f32 $0.0e+00, v0  }
0x489: {  	v1 =	vadd.f32 $1.000000000e+00, v43  }
0x48a: {  	v0 =	vmul.f32 $1.442695020e+00, v0  }
0x48b: {  	(erf) = vrcp.f32 v1  }
0x48c: {  	(erf) = vpow2.f32 v0;
	_ =	sdelay $0x7  }
0x48d: {  	v44 =	vpop (erf)  }
0x48e: {  	v45 =	vpop (erf)  }
0x48f: {  	v1 =	vadd.f32 $1.000000000e+00, v45;
	_ =	sdelay $0x1  }
0x490: {  	(erf) = vrcp.f32 v1;
	_ =	sdelay $0x2  }
0x491: {  	v46 =	vld [tilespmem:$0x130];
	_ =	sdelay $0x4  }
0x492: {  	v48 =	vadd.s32 $0xFFF0C000, v46;
	v47 =	vsub.f32 $1.000000000e+00, v44  }
0x493: {  	vm12 =	vgt.s32 v48, $0x0;
	v49 =	vpop (erf)  }
0x494: {  	v3 =	vnsel vm12, $0x0, v48;
	v2 =	vmul.f32 v49, v47;
	_ =	sdelay $0x1  }
0x495: {  	v0 =	vadd.f32 v2, v44  }
0x496: {  	v50 =	vld [tilespmem:$0x330]  }
0x497: {  	v51 =	vld [tilespmem:$0x930];
	[tilespmem:$0x1A20] =	vst v0  }
0x498: {  	v3 =	vld.idx.msk [tilespmem:v3+s20+$0x0], $0xffff;
	_ =	sdelay $0x3  }
0x499: {  	vm13 =	vlt.s32 v46, $0xF4000  }
0x49a: {  	v52 =	vadd.s32 $0xFFF0C000, v50;
	v0 =	vsel vm13, v51, v3  }
0x49b: {  	vm14 =	vgt.s32 v52, $0x0;
	v0 =	vsub.f32 $0.0e+00, v0  }
0x49c: {  	v1 =	vnsel vm14, $0x0, v52  }
0x49d: {  	v53 =	vadd.s32 $0x240, v1;
	v0 =	vmul.f32 $1.442695020e+00, v0;
	_ =	sdelay $0x1  }
0x49e: {  	(erf) = vpow2.f32 v0;
	_ =	sdelay $0x1  }
0x49f: {  	v54 =	vld [tilespmem:$0xB30]  }
0x4a0: {  	v3 =	vld.idx.msk [tilespmem:v53+s20+$0x0], $0xffff;
	_ =	sdelay $0x3  }
0x4a1: {  	vm15 =	vlt.s32 v50, $0xF4000  }
0x4a2: {  	v0 =	vsel vm15, v54, v3  }
0x4a3: {  	v0 =	vsub.f32 $0.0e+00, v0;
	v55 =	vpop (erf)  }
0x4a4: {  	v2 =	vadd.f32 $1.000000000e+00, v55  }
0x4a5: {  	v56 =	vadd.s32 $0x480, v1;
	v0 =	vmul.f32 $1.442695020e+00, v0  }
0x4a6: {  	(erf) = vrcp.f32 v2  }
0x4a7: {  	(erf) = vpow2.f32 v0;
	_ =	sdelay $0x1  }
0x4a8: {  	v57 =	vld [tilespmem:$0xD30]  }
0x4a9: {  	v58 =	vld.idx.msk [tilespmem:v56+s20+$0x0], $0xffff;
	_ =	sdelay $0x4  }
0x4aa: {  	v0 =	vsel vm15, v57, v58;
	v59 =	vpop (erf)  }
0x4ab: {  	v0 =	vsub.f32 $0.0e+00, v0;
	v60 =	vpop (erf)  }
0x4ac: {  	v3 =	vadd.f32 $1.000000000e+00, v60  }
0x4ad: {  	v0 =	vmul.f32 $1.442695020e+00, v0  }
0x4ae: {  	(erf) = vrcp.f32 v3  }
0x4af: {  	(erf) = vpow2.f32 v0;
	_ =	sdelay $0x5  }
0x4b0: {  	v61 =	vadd.s32 $0x6C0, v1;
	_ =	sdelay $0x1  }
0x4b1: {  	v62 =	vpop (erf)  }
0x4b2: {  	v63 =	vpop (erf)  }
0x4b3: {  	v8 =	vld [tilespmem:$0xF30];
	v3 =	vadd.f32 $1.000000000e+00, v63  }
0x4b4: {  	v0 =	vld.idx.msk [tilespmem:v61+s20+$0x0], $0xffff  }
0x4b5: {  	(erf) = vrcp.f32 v3;
	_ =	sdelay $0x3  }
0x4b6: {  	v0 =	vsel vm15, v8, v0  }
0x4b7: {  	v0 =	vsub.f32 $0.0e+00, v0;
	_ =	sdelay $0x1  }
0x4b8: {  	v0 =	vmul.f32 $1.442695020e+00, v0;
	_ =	sdelay $0x1  }
0x4b9: {  	v2 =	vadd.f32 $-5.000000000e-01, v59;
	v3 =	vpop (erf);
	(erf) = vpow2.f32 v0  }
0x4ba: {  	v9 =	vadd.f32 $-5.000000000e-01, v3  }
0x4bb: {  	v2 =	vmul.f32 $8.000000000e+00, v2  }
0x4bc: {  	v1 =	vmul.f32 $4.000000000e+00, v62;
	v0 =	vmul.f32 $8.000000000e+00, v9;
	_ =	sdelay $0x1  }
0x4bd: {  	v1 =	vmul.f32 $1.702000020e+00, v1;
	v0 =	vsub.f32 v2, v0;
	_ =	sdelay $0x1  }
0x4be: {  	v0 =	vmul.f32 v0, v1;
	_ =	sdelay $0x1  }
0x4bf: {  	v10 =	vpop (erf);
	v0 =	vsub.f32 $0.0e+00, v0  }
0x4c0: {  	v1 =	vadd.f32 $1.000000000e+00, v10  }
0x4c1: {  	v0 =	vmul.f32 $1.442695020e+00, v0  }
0x4c2: {  	(erf) = vrcp.f32 v1  }
0x4c3: {  	(erf) = vpow2.f32 v0;
	_ =	sdelay $0x7  }
0x4c4: {  	v11 =	vpop (erf)  }
0x4c5: {  	v12 =	vpop (erf)  }
0x4c6: {  	v1 =	vadd.f32 $1.000000000e+00, v12;
	_ =	sdelay $0x1  }
0x4c7: {  	(erf) = vrcp.f32 v1;
	_ =	sdelay $0x2  }
0x4c8: {  	v13 =	vld [tilespmem:$0x140];
	_ =	sdelay $0x4  }
0x4c9: {  	v15 =	vadd.s32 $0xFFF0C000, v13;
	v14 =	vsub.f32 $1.000000000e+00, v11  }
0x4ca: {  	vm4 =	vgt.s32 v15, $0x0;
	v16 =	vpop (erf)  }
0x4cb: {  	v3 =	vnsel vm4, $0x0, v15;
	v2 =	vmul.f32 v16, v14;
	_ =	sdelay $0x1  }
0x4cc: {  	v0 =	vadd.f32 v2, v11  }
0x4cd: {  	v18 =	vld [tilespmem:$0x940]  }
0x4ce: {  	v17 =	vld [tilespmem:$0x340];
	[tilespmem:$0x1A30] =	vst v0  }
0x4cf: {  	v3 =	vld.idx.msk [tilespmem:v3+s20+$0x0], $0xffff;
	_ =	sdelay $0x3  }
0x4d0: {  	vm5 =	vlt.s32 v13, $0xF4000  }
0x4d1: {  	v19 =	vadd.s32 $0xFFF0C000, v17;
	v0 =	vsel vm5, v18, v3  }
0x4d2: {  	vm6 =	vgt.s32 v19, $0x0;
	v0 =	vsub.f32 $0.0e+00, v0  }
0x4d3: {  	v1 =	vnsel vm6, $0x0, v19  }
0x4d4: {  	v20 =	vadd.s32 $0x240, v1;
	v0 =	vmul.f32 $1.442695020e+00, v0;
	_ =	sdelay $0x1  }
0x4d5: {  	(erf) = vpow2.f32 v0;
	_ =	sdelay $0x1  }
0x4d6: {  	v21 =	vld [tilespmem:$0xB40]  }
0x4d7: {  	v3 =	vld.idx.msk [tilespmem:v20+s20+$0x0], $0xffff;
	_ =	sdelay $0x3  }
0x4d8: {  	vm7 =	vlt.s32 v17, $0xF4000  }
0x4d9: {  	v0 =	vsel vm7, v21, v3  }
0x4da: {  	v0 =	vsub.f32 $0.0e+00, v0;
	v22 =	vpop (erf)  }
0x4db: {  	v2 =	vadd.f32 $1.000000000e+00, v22  }
0x4dc: {  	v23 =	vadd.s32 $0x480, v1;
	v0 =	vmul.f32 $1.442695020e+00, v0  }
0x4dd: {  	(erf) = vrcp.f32 v2  }
0x4de: {  	(erf) = vpow2.f32 v0;
	_ =	sdelay $0x1  }
0x4df: {  	v24 =	vld [tilespmem:$0xD40]  }
0x4e0: {  	v25 =	vld.idx.msk [tilespmem:v23+s20+$0x0], $0xffff;
	_ =	sdelay $0x4  }
0x4e1: {  	v0 =	vsel vm7, v24, v25;
	v26 =	vpop (erf)  }
0x4e2: {  	v0 =	vsub.f32 $0.0e+00, v0;
	v27 =	vpop (erf)  }
0x4e3: {  	v3 =	vadd.f32 $1.000000000e+00, v27  }
0x4e4: {  	v0 =	vmul.f32 $1.442695020e+00, v0  }
0x4e5: {  	(erf) = vrcp.f32 v3  }
0x4e6: {  	(erf) = vpow2.f32 v0;
	_ =	sdelay $0x5  }
0x4e7: {  	v28 =	vadd.s32 $0x6C0, v1;
	_ =	sdelay $0x1  }
0x4e8: {  	v29 =	vpop (erf)  }
0x4e9: {  	v30 =	vpop (erf)  }
0x4ea: {  	v31 =	vld [tilespmem:$0xF40];
	v3 =	vadd.f32 $1.000000000e+00, v30  }
0x4eb: {  	v0 =	vld.idx.msk [tilespmem:v28+s20+$0x0], $0xffff  }
0x4ec: {  	(erf) = vrcp.f32 v3;
	_ =	sdelay $0x3  }
0x4ed: {  	v0 =	vsel vm7, v31, v0  }
0x4ee: {  	v0 =	vsub.f32 $0.0e+00, v0;
	_ =	sdelay $0x1  }
0x4ef: {  	v0 =	vmul.f32 $1.442695020e+00, v0;
	_ =	sdelay $0x1  }
0x4f0: {  	v2 =	vadd.f32 $-5.000000000e-01, v26;
	v3 =	vpop (erf);
	(erf) = vpow2.f32 v0  }
0x4f1: {  	v32 =	vadd.f32 $-5.000000000e-01, v3  }
0x4f2: {  	v2 =	vmul.f32 $8.000000000e+00, v2  }
0x4f3: {  	v1 =	vmul.f32 $4.000000000e+00, v29;
	v0 =	vmul.f32 $8.000000000e+00, v32;
	_ =	sdelay $0x1  }
0x4f4: {  	v1 =	vmul.f32 $1.702000020e+00, v1;
	v0 =	vsub.f32 v2, v0;
	_ =	sdelay $0x1  }
0x4f5: {  	v0 =	vmul.f32 v0, v1;
	_ =	sdelay $0x1  }
0x4f6: {  	v33 =	vpop (erf);
	v0 =	vsub.f32 $0.0e+00, v0  }
0x4f7: {  	v1 =	vadd.f32 $1.000000000e+00, v33  }
0x4f8: {  	v0 =	vmul.f32 $1.442695020e+00, v0  }
0x4f9: {  	(erf) = vrcp.f32 v1  }
0x4fa: {  	(erf) = vpow2.f32 v0;
	_ =	sdelay $0x7  }
0x4fb: {  	v34 =	vpop (erf)  }
0x4fc: {  	v35 =	vpop (erf)  }
0x4fd: {  	v1 =	vadd.f32 $1.000000000e+00, v35;
	_ =	sdelay $0x1  }
0x4fe: {  	(erf) = vrcp.f32 v1;
	_ =	sdelay $0x2  }
0x4ff: {  	v36 =	vld [tilespmem:$0x150];
	_ =	sdelay $0x4  }
0x500: {  	v38 =	vadd.s32 $0xFFF0C000, v36;
	v37 =	vsub.f32 $1.000000000e+00, v34  }
0x501: {  	vm8 =	vgt.s32 v38, $0x0;
	v39 =	vpop (erf)  }
0x502: {  	v3 =	vnsel vm8, $0x0, v38;
	v2 =	vmul.f32 v39, v37;
	_ =	sdelay $0x1  }
0x503: {  	v0 =	vadd.f32 v2, v34  }
0x504: {  	v41 =	vld [tilespmem:$0x950]  }
0x505: {  	v40 =	vld [tilespmem:$0x350];
	[tilespmem:$0x1A40] =	vst v0  }
0x506: {  	v3 =	vld.idx.msk [tilespmem:v3+s20+$0x0], $0xffff;
	_ =	sdelay $0x3  }
0x507: {  	vm9 =	vlt.s32 v36, $0xF4000  }
0x508: {  	v42 =	vadd.s32 $0xFFF0C000, v40;
	v0 =	vsel vm9, v41, v3  }
0x509: {  	vm10 =	vgt.s32 v42, $0x0;
	v0 =	vsub.f32 $0.0e+00, v0  }
0x50a: {  	v1 =	vnsel vm10, $0x0, v42  }
0x50b: {  	v43 =	vadd.s32 $0x240, v1;
	v0 =	vmul.f32 $1.442695020e+00, v0;
	_ =	sdelay $0x1  }
0x50c: {  	(erf) = vpow2.f32 v0;
	_ =	sdelay $0x1  }
0x50d: {  	v44 =	vld [tilespmem:$0xB50]  }
0x50e: {  	v3 =	vld.idx.msk [tilespmem:v43+s20+$0x0], $0xffff;
	_ =	sdelay $0x3  }
0x50f: {  	vm11 =	vlt.s32 v40, $0xF4000  }
0x510: {  	v0 =	vsel vm11, v44, v3  }
0x511: {  	v0 =	vsub.f32 $0.0e+00, v0;
	v45 =	vpop (erf)  }
0x512: {  	v2 =	vadd.f32 $1.000000000e+00, v45  }
0x513: {  	v46 =	vadd.s32 $0x480, v1;
	v0 =	vmul.f32 $1.442695020e+00, v0  }
0x514: {  	(erf) = vrcp.f32 v2  }
0x515: {  	(erf) = vpow2.f32 v0;
	_ =	sdelay $0x1  }
0x516: {  	v47 =	vld [tilespmem:$0xD50]  }
0x517: {  	v48 =	vld.idx.msk [tilespmem:v46+s20+$0x0], $0xffff;
	_ =	sdelay $0x4  }
0x518: {  	v0 =	vsel vm11, v47, v48;
	v49 =	vpop (erf)  }
0x519: {  	v0 =	vsub.f32 $0.0e+00, v0;
	v50 =	vpop (erf)  }
0x51a: {  	v3 =	vadd.f32 $1.000000000e+00, v50  }
0x51b: {  	v0 =	vmul.f32 $1.442695020e+00, v0  }
0x51c: {  	(erf) = vrcp.f32 v3  }
0x51d: {  	(erf) = vpow2.f32 v0;
	_ =	sdelay $0x5  }
0x51e: {  	v51 =	vadd.s32 $0x6C0, v1;
	_ =	sdelay $0x1  }
0x51f: {  	v52 =	vpop (erf)  }
0x520: {  	v53 =	vpop (erf)  }
0x521: {  	v54 =	vld [tilespmem:$0xF50];
	v3 =	vadd.f32 $1.000000000e+00, v53  }
0x522: {  	v0 =	vld.idx.msk [tilespmem:v51+s20+$0x0], $0xffff  }
0x523: {  	(erf) = vrcp.f32 v3;
	_ =	sdelay $0x3  }
0x524: {  	v0 =	vsel vm11, v54, v0  }
0x525: {  	v0 =	vsub.f32 $0.0e+00, v0;
	_ =	sdelay $0x1  }
0x526: {  	v0 =	vmul.f32 $1.442695020e+00, v0;
	_ =	sdelay $0x1  }
0x527: {  	v2 =	vadd.f32 $-5.000000000e-01, v49;
	v3 =	vpop (erf);
	(erf) = vpow2.f32 v0  }
0x528: {  	v55 =	vadd.f32 $-5.000000000e-01, v3  }
0x529: {  	v2 =	vmul.f32 $8.000000000e+00, v2  }
0x52a: {  	v1 =	vmul.f32 $4.000000000e+00, v52;
	v0 =	vmul.f32 $8.000000000e+00, v55;
	_ =	sdelay $0x1  }
0x52b: {  	v1 =	vmul.f32 $1.702000020e+00, v1;
	v0 =	vsub.f32 v2, v0;
	_ =	sdelay $0x1  }
0x52c: {  	v0 =	vmul.f32 v0, v1;
	_ =	sdelay $0x1  }
0x52d: {  	v56 =	vpop (erf);
	v0 =	vsub.f32 $0.0e+00, v0  }
0x52e: {  	v1 =	vadd.f32 $1.000000000e+00, v56  }
0x52f: {  	v0 =	vmul.f32 $1.442695020e+00, v0  }
0x530: {  	(erf) = vrcp.f32 v1  }
0x531: {  	(erf) = vpow2.f32 v0;
	_ =	sdelay $0x7  }
0x532: {  	v57 =	vpop (erf)  }
0x533: {  	v58 =	vpop (erf)  }
0x534: {  	v1 =	vadd.f32 $1.000000000e+00, v58;
	_ =	sdelay $0x1  }
0x535: {  	(erf) = vrcp.f32 v1;
	_ =	sdelay $0x2  }
0x536: {  	v59 =	vld [tilespmem:$0x160];
	_ =	sdelay $0x4  }
0x537: {  	v61 =	vadd.s32 $0xFFF0C000, v59;
	v60 =	vsub.f32 $1.000000000e+00, v57  }
0x538: {  	vm12 =	vgt.s32 v61, $0x0;
	v62 =	vpop (erf)  }
0x539: {  	v3 =	vnsel vm12, $0x0, v61;
	v2 =	vmul.f32 v62, v60;
	_ =	sdelay $0x1  }
0x53a: {  	v0 =	vadd.f32 v2, v57  }
0x53b: {  	v6 =	vld [tilespmem:$0x960]  }
0x53c: {  	v63 =	vld [tilespmem:$0x360];
	[tilespmem:$0x1A50] =	vst v0  }
0x53d: {  	v3 =	vld.idx.msk [tilespmem:v3+s20+$0x0], $0xffff;
	_ =	sdelay $0x3  }
0x53e: {  	vm13 =	vlt.s32 v59, $0xF4000  }
0x53f: {  	v7 =	vadd.s32 $0xFFF0C000, v63;
	v0 =	vsel vm13, v6, v3  }
0x540: {  	vm14 =	vgt.s32 v7, $0x0;
	v0 =	vsub.f32 $0.0e+00, v0  }
0x541: {  	v1 =	vnsel vm14, $0x0, v7  }
0x542: {  	v8 =	vadd.s32 $0x240, v1;
	v0 =	vmul.f32 $1.442695020e+00, v0;
	_ =	sdelay $0x1  }
0x543: {  	(erf) = vpow2.f32 v0;
	_ =	sdelay $0x1  }
0x544: {  	v9 =	vld [tilespmem:$0xB60]  }
0x545: {  	v3 =	vld.idx.msk [tilespmem:v8+s20+$0x0], $0xffff;
	_ =	sdelay $0x3  }
0x546: {  	vm15 =	vlt.s32 v63, $0xF4000  }
0x547: {  	v0 =	vsel vm15, v9, v3  }
0x548: {  	v0 =	vsub.f32 $0.0e+00, v0;
	v10 =	vpop (erf)  }
0x549: {  	v2 =	vadd.f32 $1.000000000e+00, v10  }
0x54a: {  	v11 =	vadd.s32 $0x480, v1;
	v0 =	vmul.f32 $1.442695020e+00, v0  }
0x54b: {  	(erf) = vrcp.f32 v2  }
0x54c: {  	(erf) = vpow2.f32 v0;
	_ =	sdelay $0x1  }
0x54d: {  	v12 =	vld [tilespmem:$0xD60]  }
0x54e: {  	v13 =	vld.idx.msk [tilespmem:v11+s20+$0x0], $0xffff;
	_ =	sdelay $0x4  }
0x54f: {  	v0 =	vsel vm15, v12, v13;
	v14 =	vpop (erf)  }
0x550: {  	v0 =	vsub.f32 $0.0e+00, v0;
	v15 =	vpop (erf)  }
0x551: {  	v3 =	vadd.f32 $1.000000000e+00, v15  }
0x552: {  	v0 =	vmul.f32 $1.442695020e+00, v0  }
0x553: {  	(erf) = vrcp.f32 v3  }
0x554: {  	(erf) = vpow2.f32 v0;
	_ =	sdelay $0x5  }
0x555: {  	v16 =	vadd.s32 $0x6C0, v1;
	_ =	sdelay $0x1  }
0x556: {  	v17 =	vpop (erf)  }
0x557: {  	v18 =	vpop (erf)  }
0x558: {  	v19 =	vld [tilespmem:$0xF60];
	v3 =	vadd.f32 $1.000000000e+00, v18  }
0x559: {  	v0 =	vld.idx.msk [tilespmem:v16+s20+$0x0], $0xffff  }
0x55a: {  	(erf) = vrcp.f32 v3;
	_ =	sdelay $0x3  }
0x55b: {  	v0 =	vsel vm15, v19, v0  }
0x55c: {  	v0 =	vsub.f32 $0.0e+00, v0;
	_ =	sdelay $0x1  }
0x55d: {  	v0 =	vmul.f32 $1.442695020e+00, v0;
	_ =	sdelay $0x1  }
0x55e: {  	v2 =	vadd.f32 $-5.000000000e-01, v14;
	v3 =	vpop (erf);
	(erf) = vpow2.f32 v0  }
0x55f: {  	v20 =	vadd.f32 $-5.000000000e-01, v3  }
0x560: {  	v2 =	vmul.f32 $8.000000000e+00, v2  }
0x561: {  	v1 =	vmul.f32 $4.000000000e+00, v17;
	v0 =	vmul.f32 $8.000000000e+00, v20;
	_ =	sdelay $0x1  }
0x562: {  	v1 =	vmul.f32 $1.702000020e+00, v1;
	v0 =	vsub.f32 v2, v0;
	_ =	sdelay $0x1  }
0x563: {  	v0 =	vmul.f32 v0, v1;
	_ =	sdelay $0x1  }
0x564: {  	v21 =	vpop (erf);
	v0 =	vsub.f32 $0.0e+00, v0  }
0x565: {  	v1 =	vadd.f32 $1.000000000e+00, v21  }
0x566: {  	v0 =	vmul.f32 $1.442695020e+00, v0  }
0x567: {  	(erf) = vrcp.f32 v1  }
0x568: {  	(erf) = vpow2.f32 v0;
	_ =	sdelay $0x7  }
0x569: {  	v22 =	vpop (erf)  }
0x56a: {  	v23 =	vpop (erf)  }
0x56b: {  	v1 =	vadd.f32 $1.000000000e+00, v23;
	_ =	sdelay $0x1  }
0x56c: {  	(erf) = vrcp.f32 v1;
	_ =	sdelay $0x2  }
0x56d: {  	v24 =	vld [tilespmem:$0x170];
	_ =	sdelay $0x4  }
0x56e: {  	v26 =	vadd.s32 $0xFFF0C000, v24;
	v25 =	vsub.f32 $1.000000000e+00, v22  }
0x56f: {  	vm4 =	vgt.s32 v26, $0x0;
	v27 =	vpop (erf)  }
0x570: {  	v3 =	vnsel vm4, $0x0, v26;
	v2 =	vmul.f32 v27, v25;
	_ =	sdelay $0x1  }
0x571: {  	v0 =	vadd.f32 v2, v22  }
0x572: {  	v28 =	vld [tilespmem:$0x370]  }
0x573: {  	v29 =	vld [tilespmem:$0x970];
	[tilespmem:$0x1A60] =	vst v0  }
0x574: {  	v3 =	vld.idx.msk [tilespmem:v3+s20+$0x0], $0xffff;
	_ =	sdelay $0x3  }
0x575: {  	vm5 =	vlt.s32 v24, $0xF4000  }
0x576: {  	v30 =	vadd.s32 $0xFFF0C000, v28;
	v0 =	vsel vm5, v29, v3  }
0x577: {  	vm6 =	vgt.s32 v30, $0x0;
	v0 =	vsub.f32 $0.0e+00, v0  }
0x578: {  	v1 =	vnsel vm6, $0x0, v30  }
0x579: {  	v31 =	vadd.s32 $0x240, v1;
	v0 =	vmul.f32 $1.442695020e+00, v0;
	_ =	sdelay $0x1  }
0x57a: {  	(erf) = vpow2.f32 v0;
	_ =	sdelay $0x1  }
0x57b: {  	v32 =	vld [tilespmem:$0xB70]  }
0x57c: {  	v3 =	vld.idx.msk [tilespmem:v31+s20+$0x0], $0xffff;
	_ =	sdelay $0x3  }
0x57d: {  	vm7 =	vlt.s32 v28, $0xF4000  }
0x57e: {  	v0 =	vsel vm7, v32, v3  }
0x57f: {  	v0 =	vsub.f32 $0.0e+00, v0;
	v33 =	vpop (erf)  }
0x580: {  	v2 =	vadd.f32 $1.000000000e+00, v33  }
0x581: {  	v34 =	vadd.s32 $0x480, v1;
	v0 =	vmul.f32 $1.442695020e+00, v0  }
0x582: {  	(erf) = vrcp.f32 v2  }
0x583: {  	(erf) = vpow2.f32 v0;
	_ =	sdelay $0x1  }
0x584: {  	v35 =	vld [tilespmem:$0xD70]  }
0x585: {  	v36 =	vld.idx.msk [tilespmem:v34+s20+$0x0], $0xffff;
	_ =	sdelay $0x4  }
0x586: {  	v0 =	vsel vm7, v35, v36;
	v37 =	vpop (erf)  }
0x587: {  	v0 =	vsub.f32 $0.0e+00, v0;
	v38 =	vpop (erf)  }
0x588: {  	v3 =	vadd.f32 $1.000000000e+00, v38  }
0x589: {  	v0 =	vmul.f32 $1.442695020e+00, v0  }
0x58a: {  	(erf) = vrcp.f32 v3  }
0x58b: {  	(erf) = vpow2.f32 v0;
	_ =	sdelay $0x5  }
0x58c: {  	v39 =	vadd.s32 $0x6C0, v1;
	_ =	sdelay $0x1  }
0x58d: {  	v40 =	vpop (erf)  }
0x58e: {  	v41 =	vpop (erf)  }
0x58f: {  	v42 =	vld [tilespmem:$0xF70];
	v3 =	vadd.f32 $1.000000000e+00, v41  }
0x590: {  	v0 =	vld.idx.msk [tilespmem:v39+s20+$0x0], $0xffff  }
0x591: {  	(erf) = vrcp.f32 v3;
	_ =	sdelay $0x3  }
0x592: {  	v0 =	vsel vm7, v42, v0  }
0x593: {  	v0 =	vsub.f32 $0.0e+00, v0;
	_ =	sdelay $0x1  }
0x594: {  	v0 =	vmul.f32 $1.442695020e+00, v0;
	_ =	sdelay $0x1  }
0x595: {  	v2 =	vadd.f32 $-5.000000000e-01, v37;
	v3 =	vpop (erf);
	(erf) = vpow2.f32 v0  }
0x596: {  	v43 =	vadd.f32 $-5.000000000e-01, v3  }
0x597: {  	v2 =	vmul.f32 $8.000000000e+00, v2  }
0x598: {  	v1 =	vmul.f32 $4.000000000e+00, v40;
	v0 =	vmul.f32 $8.000000000e+00, v43;
	_ =	sdelay $0x1  }
0x599: {  	v1 =	vmul.f32 $1.702000020e+00, v1;
	v0 =	vsub.f32 v2, v0;
	_ =	sdelay $0x1  }
0x59a: {  	v0 =	vmul.f32 v0, v1;
	_ =	sdelay $0x1  }
0x59b: {  	v44 =	vpop (erf);
	v0 =	vsub.f32 $0.0e+00, v0  }
0x59c: {  	v1 =	vadd.f32 $1.000000000e+00, v44  }
0x59d: {  	v0 =	vmul.f32 $1.442695020e+00, v0  }
0x59e: {  	(erf) = vrcp.f32 v1  }
0x59f: {  	(erf) = vpow2.f32 v0;
	_ =	sdelay $0x7  }
0x5a0: {  	v45 =	vpop (erf)  }
0x5a1: {  	v46 =	vpop (erf)  }
0x5a2: {  	v1 =	vadd.f32 $1.000000000e+00, v46;
	_ =	sdelay $0x1  }
0x5a3: {  	(erf) = vrcp.f32 v1;
	_ =	sdelay $0x2  }
0x5a4: {  	v47 =	vld [tilespmem:$0x180];
	_ =	sdelay $0x4  }
0x5a5: {  	v49 =	vadd.s32 $0xFFF0C000, v47;
	v48 =	vsub.f32 $1.000000000e+00, v45  }
0x5a6: {  	vm8 =	vgt.s32 v49, $0x0;
	v50 =	vpop (erf)  }
0x5a7: {  	v3 =	vnsel vm8, $0x0, v49;
	v2 =	vmul.f32 v50, v48;
	_ =	sdelay $0x1  }
0x5a8: {  	v0 =	vadd.f32 v2, v45  }
0x5a9: {  	v51 =	vld [tilespmem:$0x380]  }
0x5aa: {  	v52 =	vld [tilespmem:$0x980];
	[tilespmem:$0x1A70] =	vst v0  }
0x5ab: {  	v3 =	vld.idx.msk [tilespmem:v3+s20+$0x0], $0xffff;
	_ =	sdelay $0x3  }
0x5ac: {  	vm9 =	vlt.s32 v47, $0xF4000  }
0x5ad: {  	v53 =	vadd.s32 $0xFFF0C000, v51;
	v0 =	vsel vm9, v52, v3  }
0x5ae: {  	vm10 =	vgt.s32 v53, $0x0;
	v0 =	vsub.f32 $0.0e+00, v0  }
0x5af: {  	v1 =	vnsel vm10, $0x0, v53  }
0x5b0: {  	v54 =	vadd.s32 $0x240, v1;
	v0 =	vmul.f32 $1.442695020e+00, v0;
	_ =	sdelay $0x1  }
0x5b1: {  	(erf) = vpow2.f32 v0;
	_ =	sdelay $0x1  }
0x5b2: {  	v55 =	vld [tilespmem:$0xB80]  }
0x5b3: {  	v3 =	vld.idx.msk [tilespmem:v54+s20+$0x0], $0xffff;
	_ =	sdelay $0x3  }
0x5b4: {  	vm11 =	vlt.s32 v51, $0xF4000  }
0x5b5: {  	v0 =	vsel vm11, v55, v3  }
0x5b6: {  	v0 =	vsub.f32 $0.0e+00, v0;
	v56 =	vpop (erf)  }
0x5b7: {  	v2 =	vadd.f32 $1.000000000e+00, v56  }
0x5b8: {  	v57 =	vadd.s32 $0x480, v1;
	v0 =	vmul.f32 $1.442695020e+00, v0  }
0x5b9: {  	(erf) = vrcp.f32 v2  }
0x5ba: {  	(erf) = vpow2.f32 v0;
	_ =	sdelay $0x1  }
0x5bb: {  	v58 =	vld [tilespmem:$0xD80]  }
0x5bc: {  	v59 =	vld.idx.msk [tilespmem:v57+s20+$0x0], $0xffff;
	_ =	sdelay $0x4  }
0x5bd: {  	v0 =	vsel vm11, v58, v59;
	v60 =	vpop (erf)  }
0x5be: {  	v0 =	vsub.f32 $0.0e+00, v0;
	v61 =	vpop (erf)  }
0x5bf: {  	v3 =	vadd.f32 $1.000000000e+00, v61  }
0x5c0: {  	v0 =	vmul.f32 $1.442695020e+00, v0  }
0x5c1: {  	(erf) = vrcp.f32 v3  }
0x5c2: {  	(erf) = vpow2.f32 v0;
	_ =	sdelay $0x5  }
0x5c3: {  	v62 =	vadd.s32 $0x6C0, v1;
	_ =	sdelay $0x1  }
0x5c4: {  	v63 =	vpop (erf)  }
0x5c5: {  	v8 =	vpop (erf)  }
0x5c6: {  	v9 =	vld [tilespmem:$0xF80];
	v3 =	vadd.f32 $1.000000000e+00, v8  }
0x5c7: {  	v0 =	vld.idx.msk [tilespmem:v62+s20+$0x0], $0xffff  }
0x5c8: {  	(erf) = vrcp.f32 v3;
	_ =	sdelay $0x3  }
0x5c9: {  	v0 =	vsel vm11, v9, v0  }
0x5ca: {  	v0 =	vsub.f32 $0.0e+00, v0;
	_ =	sdelay $0x1  }
0x5cb: {  	v0 =	vmul.f32 $1.442695020e+00, v0;
	_ =	sdelay $0x1  }
0x5cc: {  	v2 =	vadd.f32 $-5.000000000e-01, v60;
	v3 =	vpop (erf);
	(erf) = vpow2.f32 v0  }
0x5cd: {  	v10 =	vadd.f32 $-5.000000000e-01, v3  }
0x5ce: {  	v2 =	vmul.f32 $8.000000000e+00, v2  }
0x5cf: {  	v1 =	vmul.f32 $4.000000000e+00, v63;
	v0 =	vmul.f32 $8.000000000e+00, v10;
	_ =	sdelay $0x1  }
0x5d0: {  	v1 =	vmul.f32 $1.702000020e+00, v1;
	v0 =	vsub.f32 v2, v0;
	_ =	sdelay $0x1  }
0x5d1: {  	v0 =	vmul.f32 v0, v1;
	_ =	sdelay $0x1  }
0x5d2: {  	v11 =	vpop (erf);
	v0 =	vsub.f32 $0.0e+00, v0  }
0x5d3: {  	v1 =	vadd.f32 $1.000000000e+00, v11  }
0x5d4: {  	v0 =	vmul.f32 $1.442695020e+00, v0  }
0x5d5: {  	(erf) = vrcp.f32 v1  }
0x5d6: {  	(erf) = vpow2.f32 v0;
	_ =	sdelay $0x7  }
0x5d7: {  	v12 =	vpop (erf)  }
0x5d8: {  	v13 =	vpop (erf)  }
0x5d9: {  	v1 =	vadd.f32 $1.000000000e+00, v13;
	_ =	sdelay $0x1  }
0x5da: {  	(erf) = vrcp.f32 v1;
	_ =	sdelay $0x2  }
0x5db: {  	v14 =	vld [tilespmem:$0x190];
	_ =	sdelay $0x4  }
0x5dc: {  	v16 =	vadd.s32 $0xFFF0C000, v14;
	v15 =	vsub.f32 $1.000000000e+00, v12  }
0x5dd: {  	vm12 =	vgt.s32 v16, $0x0;
	v17 =	vpop (erf)  }
0x5de: {  	v3 =	vnsel vm12, $0x0, v16;
	v2 =	vmul.f32 v17, v15;
	_ =	sdelay $0x1  }
0x5df: {  	v0 =	vadd.f32 v2, v12  }
0x5e0: {  	v19 =	vld [tilespmem:$0x990]  }
0x5e1: {  	v18 =	vld [tilespmem:$0x390];
	[tilespmem:$0x1A80] =	vst v0  }
0x5e2: {  	v3 =	vld.idx.msk [tilespmem:v3+s20+$0x0], $0xffff;
	_ =	sdelay $0x3  }
0x5e3: {  	vm13 =	vlt.s32 v14, $0xF4000  }
0x5e4: {  	v20 =	vadd.s32 $0xFFF0C000, v18;
	v0 =	vsel vm13, v19, v3  }
0x5e5: {  	vm14 =	vgt.s32 v20, $0x0;
	v0 =	vsub.f32 $0.0e+00, v0  }
0x5e6: {  	v1 =	vnsel vm14, $0x0, v20  }
0x5e7: {  	v21 =	vadd.s32 $0x240, v1;
	v0 =	vmul.f32 $1.442695020e+00, v0;
	_ =	sdelay $0x1  }
0x5e8: {  	(erf) = vpow2.f32 v0;
	_ =	sdelay $0x1  }
0x5e9: {  	v22 =	vld [tilespmem:$0xB90]  }
0x5ea: {  	v3 =	vld.idx.msk [tilespmem:v21+s20+$0x0], $0xffff;
	_ =	sdelay $0x3  }
0x5eb: {  	vm15 =	vlt.s32 v18, $0xF4000  }
0x5ec: {  	v0 =	vsel vm15, v22, v3  }
0x5ed: {  	v0 =	vsub.f32 $0.0e+00, v0;
	v23 =	vpop (erf)  }
0x5ee: {  	v2 =	vadd.f32 $1.000000000e+00, v23  }
0x5ef: {  	v24 =	vadd.s32 $0x480, v1;
	v0 =	vmul.f32 $1.442695020e+00, v0  }
0x5f0: {  	(erf) = vrcp.f32 v2  }
0x5f1: {  	(erf) = vpow2.f32 v0;
	_ =	sdelay $0x1  }
0x5f2: {  	v25 =	vld [tilespmem:$0xD90]  }
0x5f3: {  	v26 =	vld.idx.msk [tilespmem:v24+s20+$0x0], $0xffff;
	_ =	sdelay $0x4  }
0x5f4: {  	v0 =	vsel vm15, v25, v26;
	v27 =	vpop (erf)  }
0x5f5: {  	v0 =	vsub.f32 $0.0e+00, v0;
	v28 =	vpop (erf)  }
0x5f6: {  	v3 =	vadd.f32 $1.000000000e+00, v28  }
0x5f7: {  	v0 =	vmul.f32 $1.442695020e+00, v0  }
0x5f8: {  	(erf) = vrcp.f32 v3  }
0x5f9: {  	(erf) = vpow2.f32 v0;
	_ =	sdelay $0x5  }
0x5fa: {  	v29 =	vadd.s32 $0x6C0, v1;
	_ =	sdelay $0x1  }
0x5fb: {  	v30 =	vpop (erf)  }
0x5fc: {  	v31 =	vpop (erf)  }
0x5fd: {  	v32 =	vld [tilespmem:$0xF90];
	v3 =	vadd.f32 $1.000000000e+00, v31  }
0x5fe: {  	v0 =	vld.idx.msk [tilespmem:v29+s20+$0x0], $0xffff  }
0x5ff: {  	(erf) = vrcp.f32 v3;
	_ =	sdelay $0x3  }
0x600: {  	v0 =	vsel vm15, v32, v0  }
0x601: {  	v0 =	vsub.f32 $0.0e+00, v0;
	_ =	sdelay $0x1  }
0x602: {  	v0 =	vmul.f32 $1.442695020e+00, v0;
	_ =	sdelay $0x1  }
0x603: {  	v2 =	vadd.f32 $-5.000000000e-01, v27;
	v3 =	vpop (erf);
	(erf) = vpow2.f32 v0  }
0x604: {  	v33 =	vadd.f32 $-5.000000000e-01, v3  }
0x605: {  	v2 =	vmul.f32 $8.000000000e+00, v2  }
0x606: {  	v1 =	vmul.f32 $4.000000000e+00, v30;
	v0 =	vmul.f32 $8.000000000e+00, v33;
	_ =	sdelay $0x1  }
0x607: {  	v1 =	vmul.f32 $1.702000020e+00, v1;
	v0 =	vsub.f32 v2, v0;
	_ =	sdelay $0x1  }
0x608: {  	v0 =	vmul.f32 v0, v1;
	_ =	sdelay $0x1  }
0x609: {  	v34 =	vpop (erf);
	v0 =	vsub.f32 $0.0e+00, v0  }
0x60a: {  	v1 =	vadd.f32 $1.000000000e+00, v34  }
0x60b: {  	v0 =	vmul.f32 $1.442695020e+00, v0  }
0x60c: {  	(erf) = vrcp.f32 v1  }
0x60d: {  	(erf) = vpow2.f32 v0;
	_ =	sdelay $0x7  }
0x60e: {  	v35 =	vpop (erf)  }
0x60f: {  	v36 =	vpop (erf)  }
0x610: {  	v1 =	vadd.f32 $1.000000000e+00, v36;
	_ =	sdelay $0x1  }
0x611: {  	(erf) = vrcp.f32 v1;
	_ =	sdelay $0x2  }
0x612: {  	v37 =	vld [tilespmem:$0x1A0];
	_ =	sdelay $0x4  }
0x613: {  	v39 =	vadd.s32 $0xFFF0C000, v37;
	v38 =	vsub.f32 $1.000000000e+00, v35  }
0x614: {  	vm4 =	vgt.s32 v39, $0x0;
	v40 =	vpop (erf)  }
0x615: {  	v3 =	vnsel vm4, $0x0, v39;
	v2 =	vmul.f32 v40, v38;
	_ =	sdelay $0x1  }
0x616: {  	v0 =	vadd.f32 v2, v35  }
0x617: {  	v42 =	vld [tilespmem:$0x9A0]  }
0x618: {  	v41 =	vld [tilespmem:$0x3A0];
	[tilespmem:$0x1A90] =	vst v0  }
0x619: {  	v3 =	vld.idx.msk [tilespmem:v3+s20+$0x0], $0xffff;
	_ =	sdelay $0x3  }
0x61a: {  	vm5 =	vlt.s32 v37, $0xF4000  }
0x61b: {  	v43 =	vadd.s32 $0xFFF0C000, v41;
	v0 =	vsel vm5, v42, v3  }
0x61c: {  	vm6 =	vgt.s32 v43, $0x0;
	v0 =	vsub.f32 $0.0e+00, v0  }
0x61d: {  	v1 =	vnsel vm6, $0x0, v43  }
0x61e: {  	v44 =	vadd.s32 $0x240, v1;
	v0 =	vmul.f32 $1.442695020e+00, v0;
	_ =	sdelay $0x1  }
0x61f: {  	(erf) = vpow2.f32 v0;
	_ =	sdelay $0x1  }
0x620: {  	v45 =	vld [tilespmem:$0xBA0]  }
0x621: {  	v3 =	vld.idx.msk [tilespmem:v44+s20+$0x0], $0xffff;
	_ =	sdelay $0x3  }
0x622: {  	vm7 =	vlt.s32 v41, $0xF4000  }
0x623: {  	v0 =	vsel vm7, v45, v3  }
0x624: {  	v0 =	vsub.f32 $0.0e+00, v0;
	v46 =	vpop (erf)  }
0x625: {  	v2 =	vadd.f32 $1.000000000e+00, v46  }
0x626: {  	v47 =	vadd.s32 $0x480, v1;
	v0 =	vmul.f32 $1.442695020e+00, v0  }
0x627: {  	(erf) = vrcp.f32 v2  }
0x628: {  	(erf) = vpow2.f32 v0;
	_ =	sdelay $0x1  }
0x629: {  	v48 =	vld [tilespmem:$0xDA0]  }
0x62a: {  	v49 =	vld.idx.msk [tilespmem:v47+s20+$0x0], $0xffff;
	_ =	sdelay $0x4  }
0x62b: {  	v0 =	vsel vm7, v48, v49;
	v50 =	vpop (erf)  }
0x62c: {  	v0 =	vsub.f32 $0.0e+00, v0;
	v51 =	vpop (erf)  }
0x62d: {  	v3 =	vadd.f32 $1.000000000e+00, v51  }
0x62e: {  	v0 =	vmul.f32 $1.442695020e+00, v0  }
0x62f: {  	(erf) = vrcp.f32 v3  }
0x630: {  	(erf) = vpow2.f32 v0;
	_ =	sdelay $0x5  }
0x631: {  	v52 =	vadd.s32 $0x6C0, v1;
	_ =	sdelay $0x1  }
0x632: {  	v53 =	vpop (erf)  }
0x633: {  	v54 =	vpop (erf)  }
0x634: {  	v55 =	vld [tilespmem:$0xFA0];
	v3 =	vadd.f32 $1.000000000e+00, v54  }
0x635: {  	v0 =	vld.idx.msk [tilespmem:v52+s20+$0x0], $0xffff  }
0x636: {  	(erf) = vrcp.f32 v3;
	_ =	sdelay $0x3  }
0x637: {  	v0 =	vsel vm7, v55, v0  }
0x638: {  	v0 =	vsub.f32 $0.0e+00, v0;
	_ =	sdelay $0x1  }
0x639: {  	v0 =	vmul.f32 $1.442695020e+00, v0;
	_ =	sdelay $0x1  }
0x63a: {  	v2 =	vadd.f32 $-5.000000000e-01, v50;
	v3 =	vpop (erf);
	(erf) = vpow2.f32 v0  }
0x63b: {  	v56 =	vadd.f32 $-5.000000000e-01, v3  }
0x63c: {  	v2 =	vmul.f32 $8.000000000e+00, v2  }
0x63d: {  	v1 =	vmul.f32 $4.000000000e+00, v53;
	v0 =	vmul.f32 $8.000000000e+00, v56;
	_ =	sdelay $0x1  }
0x63e: {  	v1 =	vmul.f32 $1.702000020e+00, v1;
	v0 =	vsub.f32 v2, v0;
	_ =	sdelay $0x1  }
0x63f: {  	v0 =	vmul.f32 v0, v1;
	_ =	sdelay $0x1  }
0x640: {  	v57 =	vpop (erf);
	v0 =	vsub.f32 $0.0e+00, v0  }
0x641: {  	v1 =	vadd.f32 $1.000000000e+00, v57  }
0x642: {  	v0 =	vmul.f32 $1.442695020e+00, v0  }
0x643: {  	(erf) = vrcp.f32 v1  }
0x644: {  	(erf) = vpow2.f32 v0;
	_ =	sdelay $0x7  }
0x645: {  	v58 =	vpop (erf)  }
0x646: {  	v59 =	vpop (erf)  }
0x647: {  	v1 =	vadd.f32 $1.000000000e+00, v59;
	_ =	sdelay $0x1  }
0x648: {  	(erf) = vrcp.f32 v1;
	_ =	sdelay $0x2  }
0x649: {  	v60 =	vld [tilespmem:$0x1B0];
	_ =	sdelay $0x4  }
0x64a: {  	v62 =	vadd.s32 $0xFFF0C000, v60;
	v61 =	vsub.f32 $1.000000000e+00, v58  }
0x64b: {  	vm8 =	vgt.s32 v62, $0x0;
	v63 =	vpop (erf)  }
0x64c: {  	v3 =	vnsel vm8, $0x0, v62;
	v2 =	vmul.f32 v63, v61;
	_ =	sdelay $0x1  }
0x64d: {  	v0 =	vadd.f32 v2, v58  }
0x64e: {  	v9 =	vld [tilespmem:$0x9B0]  }
0x64f: {  	v8 =	vld [tilespmem:$0x3B0];
	[tilespmem:$0x1AA0] =	vst v0  }
0x650: {  	v3 =	vld.idx.msk [tilespmem:v3+s20+$0x0], $0xffff;
	_ =	sdelay $0x3  }
0x651: {  	vm9 =	vlt.s32 v60, $0xF4000  }
0x652: {  	v10 =	vadd.s32 $0xFFF0C000, v8;
	v0 =	vsel vm9, v9, v3  }
0x653: {  	vm10 =	vgt.s32 v10, $0x0;
	v0 =	vsub.f32 $0.0e+00, v0  }
0x654: {  	v1 =	vnsel vm10, $0x0, v10  }
0x655: {  	v11 =	vadd.s32 $0x240, v1;
	v0 =	vmul.f32 $1.442695020e+00, v0;
	_ =	sdelay $0x1  }
0x656: {  	(erf) = vpow2.f32 v0;
	_ =	sdelay $0x1  }
0x657: {  	v12 =	vld [tilespmem:$0xBB0]  }
0x658: {  	v3 =	vld.idx.msk [tilespmem:v11+s20+$0x0], $0xffff;
	_ =	sdelay $0x3  }
0x659: {  	vm11 =	vlt.s32 v8, $0xF4000  }
0x65a: {  	v0 =	vsel vm11, v12, v3  }
0x65b: {  	v0 =	vsub.f32 $0.0e+00, v0;
	v13 =	vpop (erf)  }
0x65c: {  	v2 =	vadd.f32 $1.000000000e+00, v13  }
0x65d: {  	v14 =	vadd.s32 $0x480, v1;
	v0 =	vmul.f32 $1.442695020e+00, v0  }
0x65e: {  	(erf) = vrcp.f32 v2  }
0x65f: {  	(erf) = vpow2.f32 v0;
	_ =	sdelay $0x1  }
0x660: {  	v15 =	vld [tilespmem:$0xDB0]  }
0x661: {  	v16 =	vld.idx.msk [tilespmem:v14+s20+$0x0], $0xffff;
	_ =	sdelay $0x4  }
0x662: {  	v0 =	vsel vm11, v15, v16;
	v17 =	vpop (erf)  }
0x663: {  	v0 =	vsub.f32 $0.0e+00, v0;
	v18 =	vpop (erf)  }
0x664: {  	v3 =	vadd.f32 $1.000000000e+00, v18  }
0x665: {  	v0 =	vmul.f32 $1.442695020e+00, v0  }
0x666: {  	(erf) = vrcp.f32 v3  }
0x667: {  	(erf) = vpow2.f32 v0;
	_ =	sdelay $0x5  }
0x668: {  	v19 =	vadd.s32 $0x6C0, v1;
	_ =	sdelay $0x1  }
0x669: {  	v20 =	vpop (erf)  }
0x66a: {  	v21 =	vpop (erf)  }
0x66b: {  	v22 =	vld [tilespmem:$0xFB0];
	v3 =	vadd.f32 $1.000000000e+00, v21  }
0x66c: {  	v0 =	vld.idx.msk [tilespmem:v19+s20+$0x0], $0xffff  }
0x66d: {  	(erf) = vrcp.f32 v3;
	_ =	sdelay $0x3  }
0x66e: {  	v0 =	vsel vm11, v22, v0  }
0x66f: {  	v0 =	vsub.f32 $0.0e+00, v0;
	_ =	sdelay $0x1  }
0x670: {  	v0 =	vmul.f32 $1.442695020e+00, v0;
	_ =	sdelay $0x1  }
0x671: {  	v2 =	vadd.f32 $-5.000000000e-01, v17;
	v3 =	vpop (erf);
	(erf) = vpow2.f32 v0  }
0x672: {  	v23 =	vadd.f32 $-5.000000000e-01, v3  }
0x673: {  	v2 =	vmul.f32 $8.000000000e+00, v2  }
0x674: {  	v1 =	vmul.f32 $4.000000000e+00, v20;
	v0 =	vmul.f32 $8.000000000e+00, v23;
	_ =	sdelay $0x1  }
0x675: {  	v1 =	vmul.f32 $1.702000020e+00, v1;
	v0 =	vsub.f32 v2, v0;
	_ =	sdelay $0x1  }
0x676: {  	v0 =	vmul.f32 v0, v1;
	_ =	sdelay $0x1  }
0x677: {  	v24 =	vpop (erf);
	v0 =	vsub.f32 $0.0e+00, v0  }
0x678: {  	v1 =	vadd.f32 $1.000000000e+00, v24  }
0x679: {  	v0 =	vmul.f32 $1.442695020e+00, v0  }
0x67a: {  	(erf) = vrcp.f32 v1  }
0x67b: {  	(erf) = vpow2.f32 v0;
	_ =	sdelay $0x7  }
0x67c: {  	v25 =	vpop (erf)  }
0x67d: {  	v26 =	vpop (erf)  }
0x67e: {  	v1 =	vadd.f32 $1.000000000e+00, v26;
	_ =	sdelay $0x1  }
0x67f: {  	(erf) = vrcp.f32 v1;
	_ =	sdelay $0x2  }
0x680: {  	v27 =	vld [tilespmem:$0x1C0];
	_ =	sdelay $0x4  }
0x681: {  	v29 =	vadd.s32 $0xFFF0C000, v27;
	v28 =	vsub.f32 $1.000000000e+00, v25  }
0x682: {  	vm12 =	vgt.s32 v29, $0x0;
	v30 =	vpop (erf)  }
0x683: {  	v3 =	vnsel vm12, $0x0, v29;
	v2 =	vmul.f32 v30, v28;
	_ =	sdelay $0x1  }
0x684: {  	v0 =	vadd.f32 v2, v25  }
0x685: {  	v32 =	vld [tilespmem:$0x9C0]  }
0x686: {  	v31 =	vld [tilespmem:$0x3C0];
	[tilespmem:$0x1AB0] =	vst v0  }
0x687: {  	v3 =	vld.idx.msk [tilespmem:v3+s20+$0x0], $0xffff;
	_ =	sdelay $0x3  }
0x688: {  	vm13 =	vlt.s32 v27, $0xF4000  }
0x689: {  	v33 =	vadd.s32 $0xFFF0C000, v31;
	v0 =	vsel vm13, v32, v3  }
0x68a: {  	vm14 =	vgt.s32 v33, $0x0;
	v0 =	vsub.f32 $0.0e+00, v0  }
0x68b: {  	v1 =	vnsel vm14, $0x0, v33  }
0x68c: {  	v34 =	vadd.s32 $0x240, v1;
	v0 =	vmul.f32 $1.442695020e+00, v0;
	_ =	sdelay $0x1  }
0x68d: {  	(erf) = vpow2.f32 v0;
	_ =	sdelay $0x1  }
0x68e: {  	v35 =	vld [tilespmem:$0xBC0]  }
0x68f: {  	v3 =	vld.idx.msk [tilespmem:v34+s20+$0x0], $0xffff;
	_ =	sdelay $0x3  }
0x690: {  	vm15 =	vlt.s32 v31, $0xF4000  }
0x691: {  	v0 =	vsel vm15, v35, v3  }
0x692: {  	v0 =	vsub.f32 $0.0e+00, v0;
	v36 =	vpop (erf)  }
0x693: {  	v2 =	vadd.f32 $1.000000000e+00, v36  }
0x694: {  	v37 =	vadd.s32 $0x480, v1;
	v0 =	vmul.f32 $1.442695020e+00, v0  }
0x695: {  	(erf) = vrcp.f32 v2  }
0x696: {  	(erf) = vpow2.f32 v0;
	_ =	sdelay $0x1  }
0x697: {  	v38 =	vld [tilespmem:$0xDC0]  }
0x698: {  	v39 =	vld.idx.msk [tilespmem:v37+s20+$0x0], $0xffff;
	_ =	sdelay $0x4  }
0x699: {  	v0 =	vsel vm15, v38, v39;
	v40 =	vpop (erf)  }
0x69a: {  	v0 =	vsub.f32 $0.0e+00, v0;
	v41 =	vpop (erf)  }
0x69b: {  	v3 =	vadd.f32 $1.000000000e+00, v41  }
0x69c: {  	v0 =	vmul.f32 $1.442695020e+00, v0  }
0x69d: {  	(erf) = vrcp.f32 v3  }
0x69e: {  	(erf) = vpow2.f32 v0;
	_ =	sdelay $0x5  }
0x69f: {  	v42 =	vadd.s32 $0x6C0, v1;
	_ =	sdelay $0x1  }
0x6a0: {  	v43 =	vpop (erf)  }
0x6a1: {  	v44 =	vpop (erf)  }
0x6a2: {  	v45 =	vld [tilespmem:$0xFC0];
	v3 =	vadd.f32 $1.000000000e+00, v44  }
0x6a3: {  	v0 =	vld.idx.msk [tilespmem:v42+s20+$0x0], $0xffff  }
0x6a4: {  	(erf) = vrcp.f32 v3;
	_ =	sdelay $0x3  }
0x6a5: {  	v0 =	vsel vm15, v45, v0  }
0x6a6: {  	v0 =	vsub.f32 $0.0e+00, v0;
	_ =	sdelay $0x1  }
0x6a7: {  	v0 =	vmul.f32 $1.442695020e+00, v0;
	_ =	sdelay $0x1  }
0x6a8: {  	v2 =	vadd.f32 $-5.000000000e-01, v40;
	v3 =	vpop (erf);
	(erf) = vpow2.f32 v0  }
0x6a9: {  	v46 =	vadd.f32 $-5.000000000e-01, v3  }
0x6aa: {  	v2 =	vmul.f32 $8.000000000e+00, v2  }
0x6ab: {  	v1 =	vmul.f32 $4.000000000e+00, v43;
	v0 =	vmul.f32 $8.000000000e+00, v46;
	_ =	sdelay $0x1  }
0x6ac: {  	v1 =	vmul.f32 $1.702000020e+00, v1;
	v0 =	vsub.f32 v2, v0;
	_ =	sdelay $0x1  }
0x6ad: {  	v0 =	vmul.f32 v0, v1;
	_ =	sdelay $0x1  }
0x6ae: {  	v47 =	vpop (erf);
	v0 =	vsub.f32 $0.0e+00, v0  }
0x6af: {  	v1 =	vadd.f32 $1.000000000e+00, v47  }
0x6b0: {  	v0 =	vmul.f32 $1.442695020e+00, v0  }
0x6b1: {  	(erf) = vrcp.f32 v1  }
0x6b2: {  	(erf) = vpow2.f32 v0;
	_ =	sdelay $0x7  }
0x6b3: {  	v48 =	vpop (erf)  }
0x6b4: {  	v49 =	vpop (erf)  }
0x6b5: {  	v1 =	vadd.f32 $1.000000000e+00, v49;
	_ =	sdelay $0x1  }
0x6b6: {  	(erf) = vrcp.f32 v1;
	_ =	sdelay $0x2  }
0x6b7: {  	v50 =	vld [tilespmem:$0x1D0];
	_ =	sdelay $0x4  }
0x6b8: {  	v52 =	vadd.s32 $0xFFF0C000, v50;
	v51 =	vsub.f32 $1.000000000e+00, v48  }
0x6b9: {  	vm4 =	vgt.s32 v52, $0x0;
	v53 =	vpop (erf)  }
0x6ba: {  	v3 =	vnsel vm4, $0x0, v52;
	v2 =	vmul.f32 v53, v51;
	_ =	sdelay $0x1  }
0x6bb: {  	v0 =	vadd.f32 v2, v48  }
0x6bc: {  	v55 =	vld [tilespmem:$0x9D0]  }
0x6bd: {  	v54 =	vld [tilespmem:$0x3D0];
	[tilespmem:$0x1AC0] =	vst v0  }
0x6be: {  	v3 =	vld.idx.msk [tilespmem:v3+s20+$0x0], $0xffff;
	_ =	sdelay $0x3  }
0x6bf: {  	vm5 =	vlt.s32 v50, $0xF4000  }
0x6c0: {  	v56 =	vadd.s32 $0xFFF0C000, v54;
	v0 =	vsel vm5, v55, v3  }
0x6c1: {  	vm6 =	vgt.s32 v56, $0x0;
	v0 =	vsub.f32 $0.0e+00, v0  }
0x6c2: {  	v1 =	vnsel vm6, $0x0, v56  }
0x6c3: {  	v57 =	vadd.s32 $0x240, v1;
	v0 =	vmul.f32 $1.442695020e+00, v0;
	_ =	sdelay $0x1  }
0x6c4: {  	(erf) = vpow2.f32 v0;
	_ =	sdelay $0x1  }
0x6c5: {  	v58 =	vld [tilespmem:$0xBD0]  }
0x6c6: {  	v3 =	vld.idx.msk [tilespmem:v57+s20+$0x0], $0xffff;
	_ =	sdelay $0x3  }
0x6c7: {  	vm7 =	vlt.s32 v54, $0xF4000  }
0x6c8: {  	v0 =	vsel vm7, v58, v3  }
0x6c9: {  	v0 =	vsub.f32 $0.0e+00, v0;
	v59 =	vpop (erf)  }
0x6ca: {  	v2 =	vadd.f32 $1.000000000e+00, v59  }
0x6cb: {  	v60 =	vadd.s32 $0x480, v1;
	v0 =	vmul.f32 $1.442695020e+00, v0  }
0x6cc: {  	(erf) = vrcp.f32 v2  }
0x6cd: {  	(erf) = vpow2.f32 v0;
	_ =	sdelay $0x1  }
0x6ce: {  	v61 =	vld [tilespmem:$0xDD0]  }
0x6cf: {  	v62 =	vld.idx.msk [tilespmem:v60+s20+$0x0], $0xffff;
	_ =	sdelay $0x4  }
0x6d0: {  	v0 =	vsel vm7, v61, v62;
	v63 =	vpop (erf)  }
0x6d1: {  	v0 =	vsub.f32 $0.0e+00, v0;
	v7 =	vpop (erf)  }
0x6d2: {  	v3 =	vadd.f32 $1.000000000e+00, v7  }
0x6d3: {  	v0 =	vmul.f32 $1.442695020e+00, v0  }
0x6d4: {  	(erf) = vrcp.f32 v3  }
0x6d5: {  	(erf) = vpow2.f32 v0;
	_ =	sdelay $0x5  }
0x6d6: {  	v8 =	vadd.s32 $0x6C0, v1;
	_ =	sdelay $0x1  }
0x6d7: {  	v9 =	vpop (erf)  }
0x6d8: {  	v10 =	vpop (erf)  }
0x6d9: {  	v11 =	vld [tilespmem:$0xFD0];
	v3 =	vadd.f32 $1.000000000e+00, v10  }
0x6da: {  	v0 =	vld.idx.msk [tilespmem:v8+s20+$0x0], $0xffff  }
0x6db: {  	(erf) = vrcp.f32 v3;
	_ =	sdelay $0x3  }
0x6dc: {  	v0 =	vsel vm7, v11, v0  }
0x6dd: {  	v0 =	vsub.f32 $0.0e+00, v0;
	_ =	sdelay $0x1  }
0x6de: {  	v0 =	vmul.f32 $1.442695020e+00, v0;
	_ =	sdelay $0x1  }
0x6df: {  	v2 =	vadd.f32 $-5.000000000e-01, v63;
	v3 =	vpop (erf);
	(erf) = vpow2.f32 v0  }
0x6e0: {  	v12 =	vadd.f32 $-5.000000000e-01, v3  }
0x6e1: {  	v2 =	vmul.f32 $8.000000000e+00, v2  }
0x6e2: {  	v1 =	vmul.f32 $4.000000000e+00, v9;
	v0 =	vmul.f32 $8.000000000e+00, v12;
	_ =	sdelay $0x1  }
0x6e3: {  	v1 =	vmul.f32 $1.702000020e+00, v1;
	v0 =	vsub.f32 v2, v0;
	_ =	sdelay $0x1  }
0x6e4: {  	v0 =	vmul.f32 v0, v1;
	_ =	sdelay $0x1  }
0x6e5: {  	v13 =	vpop (erf);
	v0 =	vsub.f32 $0.0e+00, v0  }
0x6e6: {  	v1 =	vadd.f32 $1.000000000e+00, v13  }
0x6e7: {  	v0 =	vmul.f32 $1.442695020e+00, v0  }
0x6e8: {  	(erf) = vrcp.f32 v1  }
0x6e9: {  	(erf) = vpow2.f32 v0;
	_ =	sdelay $0x7  }
0x6ea: {  	v14 =	vpop (erf)  }
0x6eb: {  	v15 =	vpop (erf)  }
0x6ec: {  	v1 =	vadd.f32 $1.000000000e+00, v15;
	_ =	sdelay $0x1  }
0x6ed: {  	(erf) = vrcp.f32 v1;
	_ =	sdelay $0x2  }
0x6ee: {  	v16 =	vld [tilespmem:$0x1E0];
	_ =	sdelay $0x4  }
0x6ef: {  	v18 =	vadd.s32 $0xFFF0C000, v16;
	v17 =	vsub.f32 $1.000000000e+00, v14  }
0x6f0: {  	vm8 =	vgt.s32 v18, $0x0;
	v19 =	vpop (erf)  }
0x6f1: {  	v3 =	vnsel vm8, $0x0, v18;
	v2 =	vmul.f32 v19, v17;
	_ =	sdelay $0x1  }
0x6f2: {  	v0 =	vadd.f32 v2, v14  }
0x6f3: {  	v20 =	vld [tilespmem:$0x3E0]  }
0x6f4: {  	v21 =	vld [tilespmem:$0x9E0];
	[tilespmem:$0x1AD0] =	vst v0  }
0x6f5: {  	v3 =	vld.idx.msk [tilespmem:v3+s20+$0x0], $0xffff;
	_ =	sdelay $0x3  }
0x6f6: {  	vm9 =	vlt.s32 v16, $0xF4000  }
0x6f7: {  	v22 =	vadd.s32 $0xFFF0C000, v20;
	v0 =	vsel vm9, v21, v3  }
0x6f8: {  	vm10 =	vgt.s32 v22, $0x0;
	v0 =	vsub.f32 $0.0e+00, v0  }
0x6f9: {  	v1 =	vnsel vm10, $0x0, v22  }
0x6fa: {  	v23 =	vadd.s32 $0x240, v1;
	v0 =	vmul.f32 $1.442695020e+00, v0;
	_ =	sdelay $0x1  }
0x6fb: {  	(erf) = vpow2.f32 v0;
	_ =	sdelay $0x1  }
0x6fc: {  	v24 =	vld [tilespmem:$0xBE0]  }
0x6fd: {  	v3 =	vld.idx.msk [tilespmem:v23+s20+$0x0], $0xffff;
	_ =	sdelay $0x3  }
0x6fe: {  	vm11 =	vlt.s32 v20, $0xF4000  }
0x6ff: {  	v0 =	vsel vm11, v24, v3  }
0x700: {  	v0 =	vsub.f32 $0.0e+00, v0;
	v25 =	vpop (erf)  }
0x701: {  	v2 =	vadd.f32 $1.000000000e+00, v25  }
0x702: {  	v26 =	vadd.s32 $0x480, v1;
	v0 =	vmul.f32 $1.442695020e+00, v0  }
0x703: {  	(erf) = vrcp.f32 v2  }
0x704: {  	(erf) = vpow2.f32 v0;
	_ =	sdelay $0x1  }
0x705: {  	v27 =	vld [tilespmem:$0xDE0]  }
0x706: {  	v28 =	vld.idx.msk [tilespmem:v26+s20+$0x0], $0xffff;
	_ =	sdelay $0x4  }
0x707: {  	v0 =	vsel vm11, v27, v28;
	v29 =	vpop (erf)  }
0x708: {  	v0 =	vsub.f32 $0.0e+00, v0;
	v30 =	vpop (erf)  }
0x709: {  	v3 =	vadd.f32 $1.000000000e+00, v30  }
0x70a: {  	v0 =	vmul.f32 $1.442695020e+00, v0  }
0x70b: {  	(erf) = vrcp.f32 v3  }
0x70c: {  	(erf) = vpow2.f32 v0;
	_ =	sdelay $0x5  }
0x70d: {  	v31 =	vadd.s32 $0x6C0, v1;
	_ =	sdelay $0x1  }
0x70e: {  	v32 =	vpop (erf)  }
0x70f: {  	v33 =	vpop (erf)  }
0x710: {  	v34 =	vld [tilespmem:$0xFE0];
	v3 =	vadd.f32 $1.000000000e+00, v33  }
0x711: {  	v0 =	vld.idx.msk [tilespmem:v31+s20+$0x0], $0xffff  }
0x712: {  	(erf) = vrcp.f32 v3;
	_ =	sdelay $0x3  }
0x713: {  	v0 =	vsel vm11, v34, v0  }
0x714: {  	v0 =	vsub.f32 $0.0e+00, v0;
	_ =	sdelay $0x1  }
0x715: {  	v0 =	vmul.f32 $1.442695020e+00, v0;
	_ =	sdelay $0x1  }
0x716: {  	v2 =	vadd.f32 $-5.000000000e-01, v29;
	v3 =	vpop (erf);
	(erf) = vpow2.f32 v0  }
0x717: {  	v35 =	vadd.f32 $-5.000000000e-01, v3  }
0x718: {  	v2 =	vmul.f32 $8.000000000e+00, v2  }
0x719: {  	v1 =	vmul.f32 $4.000000000e+00, v32;
	v0 =	vmul.f32 $8.000000000e+00, v35;
	_ =	sdelay $0x1  }
0x71a: {  	v1 =	vmul.f32 $1.702000020e+00, v1;
	v0 =	vsub.f32 v2, v0;
	_ =	sdelay $0x1  }
0x71b: {  	v0 =	vmul.f32 v0, v1;
	_ =	sdelay $0x1  }
0x71c: {  	v36 =	vpop (erf);
	v0 =	vsub.f32 $0.0e+00, v0  }
0x71d: {  	v1 =	vadd.f32 $1.000000000e+00, v36  }
0x71e: {  	v0 =	vmul.f32 $1.442695020e+00, v0  }
0x71f: {  	(erf) = vrcp.f32 v1  }
0x720: {  	(erf) = vpow2.f32 v0;
	_ =	sdelay $0x7  }
0x721: {  	v37 =	vpop (erf)  }
0x722: {  	v38 =	vpop (erf)  }
0x723: {  	v1 =	vadd.f32 $1.000000000e+00, v38;
	_ =	sdelay $0x1  }
0x724: {  	(erf) = vrcp.f32 v1;
	_ =	sdelay $0x2  }
0x725: {  	v39 =	vld [tilespmem:$0x1F0];
	_ =	sdelay $0x4  }
0x726: {  	v41 =	vadd.s32 $0xFFF0C000, v39;
	v40 =	vsub.f32 $1.000000000e+00, v37  }
0x727: {  	vm12 =	vgt.s32 v41, $0x0;
	v42 =	vpop (erf)  }
0x728: {  	v3 =	vnsel vm12, $0x0, v41;
	v2 =	vmul.f32 v42, v40;
	_ =	sdelay $0x1  }
0x729: {  	v0 =	vadd.f32 v2, v37  }
0x72a: {  	v43 =	vld [tilespmem:$0x3F0]  }
0x72b: {  	v44 =	vld [tilespmem:$0x9F0];
	[tilespmem:$0x1AE0] =	vst v0  }
0x72c: {  	v3 =	vld.idx.msk [tilespmem:v3+s20+$0x0], $0xffff;
	_ =	sdelay $0x3  }
0x72d: {  	vm13 =	vlt.s32 v39, $0xF4000  }
0x72e: {  	v45 =	vadd.s32 $0xFFF0C000, v43;
	v0 =	vsel vm13, v44, v3  }
0x72f: {  	vm14 =	vgt.s32 v45, $0x0;
	v0 =	vsub.f32 $0.0e+00, v0  }
0x730: {  	v1 =	vnsel vm14, $0x0, v45  }
0x731: {  	v46 =	vadd.s32 $0x240, v1;
	v0 =	vmul.f32 $1.442695020e+00, v0;
	_ =	sdelay $0x1  }
0x732: {  	(erf) = vpow2.f32 v0;
	_ =	sdelay $0x1  }
0x733: {  	v47 =	vld [tilespmem:$0xBF0]  }
0x734: {  	v3 =	vld.idx.msk [tilespmem:v46+s20+$0x0], $0xffff;
	_ =	sdelay $0x3  }
0x735: {  	vm15 =	vlt.s32 v43, $0xF4000  }
0x736: {  	v0 =	vsel vm15, v47, v3  }
0x737: {  	v0 =	vsub.f32 $0.0e+00, v0;
	v48 =	vpop (erf)  }
0x738: {  	v2 =	vadd.f32 $1.000000000e+00, v48  }
0x739: {  	v49 =	vadd.s32 $0x480, v1;
	v0 =	vmul.f32 $1.442695020e+00, v0  }
0x73a: {  	(erf) = vrcp.f32 v2  }
0x73b: {  	(erf) = vpow2.f32 v0;
	_ =	sdelay $0x1  }
0x73c: {  	v50 =	vld [tilespmem:$0xDF0]  }
0x73d: {  	v51 =	vld.idx.msk [tilespmem:v49+s20+$0x0], $0xffff;
	_ =	sdelay $0x4  }
0x73e: {  	v0 =	vsel vm15, v50, v51;
	v52 =	vpop (erf)  }
0x73f: {  	v0 =	vsub.f32 $0.0e+00, v0;
	v53 =	vpop (erf)  }
0x740: {  	v3 =	vadd.f32 $1.000000000e+00, v53  }
0x741: {  	v0 =	vmul.f32 $1.442695020e+00, v0  }
0x742: {  	(erf) = vrcp.f32 v3  }
0x743: {  	(erf) = vpow2.f32 v0;
	_ =	sdelay $0x5  }
0x744: {  	v54 =	vadd.s32 $0x6C0, v1;
	_ =	sdelay $0x1  }
0x745: {  	v55 =	vpop (erf)  }
0x746: {  	v56 =	vpop (erf)  }
0x747: {  	v57 =	vld [tilespmem:$0xFF0];
	v3 =	vadd.f32 $1.000000000e+00, v56  }
0x748: {  	v0 =	vld.idx.msk [tilespmem:v54+s20+$0x0], $0xffff  }
0x749: {  	(erf) = vrcp.f32 v3;
	_ =	sdelay $0x3  }
0x74a: {  	v0 =	vsel vm15, v57, v0  }
0x74b: {  	v0 =	vsub.f32 $0.0e+00, v0;
	_ =	sdelay $0x1  }
0x74c: {  	v0 =	vmul.f32 $1.442695020e+00, v0;
	_ =	sdelay $0x1  }
0x74d: {  	v2 =	vadd.f32 $-5.000000000e-01, v52;
	v3 =	vpop (erf);
	(erf) = vpow2.f32 v0  }
0x74e: {  	v58 =	vadd.f32 $-5.000000000e-01, v3  }
0x74f: {  	v2 =	vmul.f32 $8.000000000e+00, v2  }
0x750: {  	v1 =	vmul.f32 $4.000000000e+00, v55;
	v0 =	vmul.f32 $8.000000000e+00, v58;
	_ =	sdelay $0x1  }
0x751: {  	v1 =	vmul.f32 $1.702000020e+00, v1;
	v0 =	vsub.f32 v2, v0;
	_ =	sdelay $0x1  }
0x752: {  	v0 =	vmul.f32 v0, v1;
	_ =	sdelay $0x1  }
0x753: {  	v59 =	vpop (erf);
	v0 =	vsub.f32 $0.0e+00, v0  }
0x754: {  	v1 =	vadd.f32 $1.000000000e+00, v59  }
0x755: {  	v0 =	vmul.f32 $1.442695020e+00, v0  }
0x756: {  	(erf) = vrcp.f32 v1  }
0x757: {  	(erf) = vpow2.f32 v0;
	_ =	sdelay $0x7  }
0x758: {  	v60 =	vpop (erf)  }
0x759: {  	v61 =	vpop (erf)  }
0x75a: {  	v1 =	vadd.f32 $1.000000000e+00, v61;
	_ =	sdelay $0x1  }
0x75b: {  	(erf) = vrcp.f32 v1;
	_ =	sdelay $0x7  }
0x75c: {  	v62 =	vsub.f32 $1.000000000e+00, v60  }
0x75d: {  	v63 =	vpop (erf)  }
0x75e: {  	v1 =	vmul.f32 v63, v62;
	_ =	sdelay $0x1  }
0x75f: {  	v0 =	vadd.f32 v1, v60  }
0x760: {  	p0 =	sne.s32 s11, $0x1  }
.Ltmp0:
0x761: {  	[tilespmem:$0x1AF0] =	vst v0;
	(pc) =	sbr.rel @p0 .LBB2_1-.Ltmp0, $4  }
0x762: {  	[hbm4b:s10+s7] =	stream.linear.scatter [tilespmem:s22], [sflag:$0x2], $0x200, $0x38;
	[tilespmem:$0x1B00] =	vst v63  }
0x763: {  	_ =	swait.ge [sflag:s12], $0x200  }
0x764: {  	[sflag:s12] =	ssyncset.done $0x0  }
0x765: {  	s11 =	sadd.s32 $0xFFFFFFFF, s11;
	[sflag:s12] =	ssyncadd.s32 $0xFFFFFE00  }
0x766: {  	_ =	sfence.sel $0x180000  }
0x767: {  	[bflag:$0x0] =	sbarrier.arrive $0xFFFF  }
0x768: {  	p0 =	sne.s32 s6, $0x0;
	_ =	strace $0x90000047  }
0x769: {  	s0 =	sadd.s32 @!p0 $0x100000, s3;
	[bflag:$0x2] =	sbarrier.arrive $0xFFFF  }
0x76a: {  	[sflag:s0] =	ssyncadd.tile.s32 @!p0 $0x1;
	_ =	shalt  }
.Lfunc_end2:
_tile_overlayer_lowered:
.L_overlay_start_2:
0x76b: {  	(tag) =	ssettag $0x2  }
0x76c: {  	s0 =	rddreg [dreg:$0x0];
	s2 =	stileid.u32  }
0x76d: {  	s1 =	rddreg [dreg:$0x1];
	p0 =	sne.s32 s2, $0x0  }
0x76e: {  	s3 =	rddreg [dreg:$0x2];
	[bflag:$0x3] =	sbarrier.arrive $0xFFFF;
	s2 =	simm.s32 @!p0 $0x1C02  }
0x76f: {  	[timem:s3], [sflag:s2] =	dma.local @!p0 [hbm:s0], s1  }
0x770: {  	s0 =	simm.s32 @!p0 $0x2  }
0x771: {  	_ =	swait.ge @!p0 [sflag:s0], s1  }
0x772: {  	s1 =	ssub.s32 @!p0 $0x0, s1;
	[sflag:s0] =	ssyncset.done @!p0 $0x0  }
0x773: {  	[sflag:s0] =	ssyncadd.s32 @!p0 s1  }
0x774: {  	[bflag:$0x3] =	sbarrier.arrive $0xFFFF  }
0x775: {  	_ =	shalt  }

</sc_bundles>
